<compile_context>
chip_gen: v7x
topology: tpu7x:2x2x1
jax: 0.10.2.dev20260603
libtpu: 0.0.44.dev20260713+nightly
codegen_flags: <defaults>
</compile_context>

<pallas_src>
import functools

import jax
import jax.numpy as jnp
from jax import lax
from jax.experimental import pallas as pl
from jax.experimental.pallas import tpu as pltpu
from jax.experimental.pallas import tpu_sc as plsc

VOCAB = 1000000
EMB_DIM = 32
BATCH = 4096
SEQ = 50

_info = plsc.get_sparse_core_info()
NC, NS = _info.num_cores, _info.num_subcores
NW = NC * NS

FAT = 128 // EMB_DIM
N_FAT = VOCAB // FAT
B_PER_W = BATCH // NW
S_CHUNK = 10
N_S_CHUNKS = SEQ // S_CHUNK


def _iota16():
    return lax.broadcasted_iota(jnp.int32, (16,), 0)


def _lookup_kernel(idx_t, fat_hbm, out_hbm,
                   idx_v, c0, c1, fat0, fat1, fidx0, fidx1, gsem, wsem):
    wid = lax.axis_index("s") * NC + lax.axis_index("c")
    b0 = wid * B_PER_W
    cbuf = [c0, c1]
    fat_v = [fat0, fat1]
    fidx = [fidx0, fidx1]
    iota = _iota16()

    pltpu.sync_copy(idx_t.at[:, pl.ds(b0, B_PER_W)], idx_v)

    def prep_and_fire(si, b):
        for c in range(8):
            v = idx_v[si, pl.ds(16 * c, 16)]
            fidx[b][pl.ds(16 * c, 16)] = lax.shift_right_logical(v, 2)
        pltpu.async_copy(fat_hbm.at[fidx[b]], fat_v[b], gsem)

    def extract(si, si_local, b, p):
        for blk in range(8):
            ids = idx_v[si, pl.ds(16 * blk, 16)]
            colb = lax.shift_left(lax.bitwise_and(ids, 3), 5)
            rows = 16 * blk + iota

            def d_body(d, _):
                x = plsc.load_gather(fat_v[b], [rows, colb + d])
                cbuf[p][si_local, d, pl.ds(16 * blk, 16)] = x
                return ()

            lax.fori_loop(0, EMB_DIM, d_body, ())

    prep_and_fire(0, 0)
    for ch in range(N_S_CHUNKS):
        p = ch % 2
        if ch >= 2:
            pltpu.make_async_copy(
                cbuf[p], out_hbm.at[pl.ds(0, S_CHUNK), :, pl.ds(0, B_PER_W)],
                wsem).wait()

        def si_pair(kp, _):
            for b in range(2):
                k = 2 * kp + b
                si = ch * S_CHUNK + k

                @pl.when(si + 1 < SEQ)
                def _():
                    prep_and_fire(si + 1, 1 - b)

                pltpu.make_async_copy(
                    fat_hbm.at[pl.ds(0, B_PER_W)], fat_v[b], gsem).wait()
                extract(si, k, b, p)
            return ()

        lax.fori_loop(0, S_CHUNK // 2, si_pair, ())
        pltpu.async_copy(
            cbuf[p],
            out_hbm.at[pl.ds(ch * S_CHUNK, S_CHUNK), :, pl.ds(b0, B_PER_W)],
            wsem)

    for p in range(2):
        pltpu.make_async_copy(
            cbuf[p], out_hbm.at[pl.ds(0, S_CHUNK), :, pl.ds(0, B_PER_W)],
            wsem).wait()


@jax.jit
def _emb(word_ids, table):
    mesh = plsc.VectorSubcoreMesh(core_axis_name="c", subcore_axis_name="s")
    lookup = functools.partial(
        pl.kernel,
        mesh=mesh,
        out_type=jax.ShapeDtypeStruct((SEQ, EMB_DIM, BATCH), jnp.float32),
        scratch_types=[
            pltpu.VMEM((SEQ, B_PER_W), jnp.int32),
            pltpu.VMEM((S_CHUNK, EMB_DIM, B_PER_W), jnp.float32),
            pltpu.VMEM((S_CHUNK, EMB_DIM, B_PER_W), jnp.float32),
            pltpu.VMEM((B_PER_W, 128), jnp.float32),
            pltpu.VMEM((B_PER_W, 128), jnp.float32),
            pltpu.VMEM((B_PER_W,), jnp.int32),
            pltpu.VMEM((B_PER_W,), jnp.int32),
            pltpu.SemaphoreType.DMA,
            pltpu.SemaphoreType.DMA,
        ],
        compiler_params=pltpu.CompilerParams(needs_layout_passes=False),
    )(_lookup_kernel)

    fat = table.reshape(N_FAT, 128)
    out_phys = lookup(word_ids.T, fat)
    return out_phys.transpose(2, 0, 1)


def kernel(word_ids, table):
    return _emb(word_ids, table)

# --- scband reference (transcript-rebuilt; emitter-appended) ---
"""Pipeline reference for scband-word-embedding-9337258902472 (READ-ONLY COPY).

The authoritative reference and input builder live on the scoring server;
editing this copy changes nothing except your own understanding.
"""

import jax, jax.numpy as jnp
import numpy as np

VOCAB = 1000000
EMB_DIM = 32
BATCH = 4096
SEQ = 50

def setup_inputs(seed: int = 0) -> dict:
    key = jax.random.key(seed)
    k_idx, k_tab = jax.random.split(key)
    word_ids = jax.random.randint(k_idx, (BATCH, SEQ), 0, VOCAB, dtype=jnp.int64 if jax.config.jax_enable_x64 else jnp.int32)
    table = jax.random.normal(k_tab, (VOCAB, EMB_DIM), dtype=jnp.float32) * 0.02
    return {"word_ids": word_ids, "table": table}

def reference(word_ids, table):
    # nn.Embedding lookup: (B, L) -> (B, L, D)
    word_emb = jnp.take(table, word_ids, axis=0)
    return word_emb

if __name__ == "__main__":
    import jax
    _d = setup_inputs()
    print(jax.jit(kernel)(*tuple(_d.values())))

</pallas_src>

<mosaic_0001>
#map = affine_map<(d0, d1) -> (0, 0)>
#map1 = affine_map<(d0, d1) -> (0, 0, 0)>
module attributes {stable_mosaic.version = 14 : i64} {
  func.func @_lookup_kernel(%arg0: i32, %arg1: i32, %arg2: memref<50x4096xi32, #tpu.memory_space<hbm>>, %arg3: memref<250000x128xf32, #tpu.memory_space<hbm>>, %arg4: memref<50x32x4096xf32, #tpu.memory_space<hbm>>, %arg5: memref<50x128xi32, #tpu.memory_space<vmem>>, %arg6: memref<10x32x128xf32, #tpu.memory_space<vmem>>, %arg7: memref<10x32x128xf32, #tpu.memory_space<vmem>>, %arg8: memref<128x128xf32, #tpu.memory_space<vmem>>, %arg9: memref<128x128xf32, #tpu.memory_space<vmem>>, %arg10: memref<128xi32, #tpu.memory_space<vmem>>, %arg11: memref<128xi32, #tpu.memory_space<vmem>>, %arg12: memref<!tpu.dma_semaphore, #tpu.memory_space<semaphore_mem>>, %arg13: memref<!tpu.dma_semaphore, #tpu.memory_space<semaphore_mem>>) attributes {dimension_semantics = [#tpu.dimension_semantics<core_parallel>, #tpu.dimension_semantics<subcore_parallel>], iteration_bounds = array<i64: 2, 16>, scalar_prefetch = 0 : i64, scratch_operands = 9 : i64, tpu.core_type = #tpu.core_type<sc_vector_subcore>, window_params = [{transform_indices = #map}, {transform_indices = #map}, {transform_indices = #map1}]} {
    %mul3A = arith.constant 2 : i32
    %mul3A_0 = arith.muli %arg1, %mul3A : i32
    %add3A = arith.addi %mul3A_0, %arg0 : i32
    %mul3A_1 = arith.constant 128 : i32
    %mul3A_2 = arith.muli %add3A, %mul3A_1 : i32
    %iota3A = tpu.iota {dimensions = array<i32: 0>} : vector<16xi32>
    "tpu.region"() ({
      %run_scoped3A = tpu.sem_alloc : memref<!tpu.dma_semaphore, #tpu.memory_space<semaphore_mem>>
      %dma_start3A_167 = arith.constant 0 : i32
      %dma_start3A_168 = tpu.memref_slice %arg2[%dma_start3A_167, %mul3A_2] : memref<50x4096xi32, #tpu.memory_space<hbm>> -> memref<50x128xi32, #tpu.memory_space<hbm>>
      %dma_start3A_169 = arith.constant 0 : i32
      %dma_start3A_170 = tpu.memref_slice %arg2[%dma_start3A_169, %mul3A_2] : memref<50x4096xi32, #tpu.memory_space<hbm>> -> memref<50x128xi32, #tpu.memory_space<hbm>>
      tpu.enqueue_dma source(%dma_start3A_170 : memref<50x128xi32, #tpu.memory_space<hbm>>) target(%arg5 : memref<50x128xi32, #tpu.memory_space<vmem>>) target_semaphore(%run_scoped3A : memref<!tpu.dma_semaphore, #tpu.memory_space<semaphore_mem>>)
      %dma_wait3A_171 = arith.constant 0 : i32
      %dma_wait3A_172 = tpu.memref_slice %arg2[%dma_wait3A_171, %mul3A_2] : memref<50x4096xi32, #tpu.memory_space<hbm>> -> memref<50x128xi32, #tpu.memory_space<hbm>>
      %dma_wait3A_173 = arith.constant 0 : i32
      %dma_wait3A_174 = tpu.memref_slice %arg2[%dma_wait3A_173, %mul3A_2] : memref<50x4096xi32, #tpu.memory_space<hbm>> -> memref<50x128xi32, #tpu.memory_space<hbm>>
      tpu.wait_dma2 semaphore(%run_scoped3A : memref<!tpu.dma_semaphore, #tpu.memory_space<semaphore_mem>>) src(%dma_wait3A_174 : memref<50x128xi32, #tpu.memory_space<hbm>>) dst(%arg5 : memref<50x128xi32, #tpu.memory_space<vmem>>)
      tpu.yield
    }) : () -> ()
    %get3A = arith.constant 0 : i32
    %get3A_3 = arith.index_cast %get3A : i32 to index
    %get3A_4 = arith.constant 0 : index
    %get3A_5 = tpu.vector_load %arg5[%get3A_3, %get3A_4] {strides = array<i32>} : memref<50x128xi32, #tpu.memory_space<vmem>>, vector<16xi32>,
    %shift_right_logical3A = arith.constant 2 : i32
    %shift_right_logical3A_6 = vector.broadcast %shift_right_logical3A : i32 to vector<16xi32>
    %shift_right_logical3A_7 = arith.shrui %get3A_5, %shift_right_logical3A_6 : vector<16xi32>
    %swap3A = arith.constant 0 : index
    %swap3A_8 = tpu.vector_load %arg10[%swap3A] {strides = array<i32>} : memref<128xi32, #tpu.memory_space<vmem>>, vector<16xi32>,
    tpu.vector_store %arg10[%swap3A], %shift_right_logical3A_7 {strides = array<i32>} : memref<128xi32, #tpu.memory_space<vmem>>, vector<16xi32>,
    %get3A_9 = arith.constant 0 : i32
    %get3A_10 = arith.index_cast %get3A_9 : i32 to index
    %get3A_11 = arith.constant 16 : index
    %get3A_12 = tpu.vector_load %arg5[%get3A_10, %get3A_11] {strides = array<i32>} : memref<50x128xi32, #tpu.memory_space<vmem>>, vector<16xi32>,
    %shift_right_logical3A_13 = arith.constant 2 : i32
    %shift_right_logical3A_14 = vector.broadcast %shift_right_logical3A_13 : i32 to vector<16xi32>
    %shift_right_logical3A_15 = arith.shrui %get3A_12, %shift_right_logical3A_14 : vector<16xi32>
    %swap3A_16 = arith.constant 16 : index
    %swap3A_17 = tpu.vector_load %arg10[%swap3A_16] {strides = array<i32>} : memref<128xi32, #tpu.memory_space<vmem>>, vector<16xi32>,
    tpu.vector_store %arg10[%swap3A_16], %shift_right_logical3A_15 {strides = array<i32>} : memref<128xi32, #tpu.memory_space<vmem>>, vector<16xi32>,
    %get3A_18 = arith.constant 0 : i32
    %get3A_19 = arith.index_cast %get3A_18 : i32 to index
    %get3A_20 = arith.constant 32 : index
    %get3A_21 = tpu.vector_load %arg5[%get3A_19, %get3A_20] {strides = array<i32>} : memref<50x128xi32, #tpu.memory_space<vmem>>, vector<16xi32>,
    %shift_right_logical3A_22 = arith.constant 2 : i32
    %shift_right_logical3A_23 = vector.broadcast %shift_right_logical3A_22 : i32 to vector<16xi32>
    %shift_right_logical3A_24 = arith.shrui %get3A_21, %shift_right_logical3A_23 : vector<16xi32>
    %swap3A_25 = arith.constant 32 : index
    %swap3A_26 = tpu.vector_load %arg10[%swap3A_25] {strides = array<i32>} : memref<128xi32, #tpu.memory_space<vmem>>, vector<16xi32>,
    tpu.vector_store %arg10[%swap3A_25], %shift_right_logical3A_24 {strides = array<i32>} : memref<128xi32, #tpu.memory_space<vmem>>, vector<16xi32>,
    %get3A_27 = arith.constant 0 : i32
    %get3A_28 = arith.index_cast %get3A_27 : i32 to index
    %get3A_29 = arith.constant 48 : index
    %get3A_30 = tpu.vector_load %arg5[%get3A_28, %get3A_29] {strides = array<i32>} : memref<50x128xi32, #tpu.memory_space<vmem>>, vector<16xi32>,
    %shift_right_logical3A_31 = arith.constant 2 : i32
    %shift_right_logical3A_32 = vector.broadcast %shift_right_logical3A_31 : i32 to vector<16xi32>
    %shift_right_logical3A_33 = arith.shrui %get3A_30, %shift_right_logical3A_32 : vector<16xi32>
    %swap3A_34 = arith.constant 48 : index
    %swap3A_35 = tpu.vector_load %arg10[%swap3A_34] {strides = array<i32>} : memref<128xi32, #tpu.memory_space<vmem>>, vector<16xi32>,
    tpu.vector_store %arg10[%swap3A_34], %shift_right_logical3A_33 {strides = array<i32>} : memref<128xi32, #tpu.memory_space<vmem>>, vector<16xi32>,
    %get3A_36 = arith.constant 0 : i32
    %get3A_37 = arith.index_cast %get3A_36 : i32 to index
    %get3A_38 = arith.constant 64 : index
    %get3A_39 = tpu.vector_load %arg5[%get3A_37, %get3A_38] {strides = array<i32>} : memref<50x128xi32, #tpu.memory_space<vmem>>, vector<16xi32>,
    %shift_right_logical3A_40 = arith.constant 2 : i32
    %shift_right_logical3A_41 = vector.broadcast %shift_right_logical3A_40 : i32 to vector<16xi32>
    %shift_right_logical3A_42 = arith.shrui %get3A_39, %shift_right_logical3A_41 : vector<16xi32>
    %swap3A_43 = arith.constant 64 : index
    %swap3A_44 = tpu.vector_load %arg10[%swap3A_43] {strides = array<i32>} : memref<128xi32, #tpu.memory_space<vmem>>, vector<16xi32>,
    tpu.vector_store %arg10[%swap3A_43], %shift_right_logical3A_42 {strides = array<i32>} : memref<128xi32, #tpu.memory_space<vmem>>, vector<16xi32>,
    %get3A_45 = arith.constant 0 : i32
    %get3A_46 = arith.index_cast %get3A_45 : i32 to index
    %get3A_47 = arith.constant 80 : index
    %get3A_48 = tpu.vector_load %arg5[%get3A_46, %get3A_47] {strides = array<i32>} : memref<50x128xi32, #tpu.memory_space<vmem>>, vector<16xi32>,
    %shift_right_logical3A_49 = arith.constant 2 : i32
    %shift_right_logical3A_50 = vector.broadcast %shift_right_logical3A_49 : i32 to vector<16xi32>
    %shift_right_logical3A_51 = arith.shrui %get3A_48, %shift_right_logical3A_50 : vector<16xi32>
    %swap3A_52 = arith.constant 80 : index
    %swap3A_53 = tpu.vector_load %arg10[%swap3A_52] {strides = array<i32>} : memref<128xi32, #tpu.memory_space<vmem>>, vector<16xi32>,
    tpu.vector_store %arg10[%swap3A_52], %shift_right_logical3A_51 {strides = array<i32>} : memref<128xi32, #tpu.memory_space<vmem>>, vector<16xi32>,
    %get3A_54 = arith.constant 0 : i32
    %get3A_55 = arith.index_cast %get3A_54 : i32 to index
    %get3A_56 = arith.constant 96 : index
    %get3A_57 = tpu.vector_load %arg5[%get3A_55, %get3A_56] {strides = array<i32>} : memref<50x128xi32, #tpu.memory_space<vmem>>, vector<16xi32>,
    %shift_right_logical3A_58 = arith.constant 2 : i32
    %shift_right_logical3A_59 = vector.broadcast %shift_right_logical3A_58 : i32 to vector<16xi32>
    %shift_right_logical3A_60 = arith.shrui %get3A_57, %shift_right_logical3A_59 : vector<16xi32>
    %swap3A_61 = arith.constant 96 : index
    %swap3A_62 = tpu.vector_load %arg10[%swap3A_61] {strides = array<i32>} : memref<128xi32, #tpu.memory_space<vmem>>, vector<16xi32>,
    tpu.vector_store %arg10[%swap3A_61], %shift_right_logical3A_60 {strides = array<i32>} : memref<128xi32, #tpu.memory_space<vmem>>, vector<16xi32>,
    %get3A_63 = arith.constant 0 : i32
    %get3A_64 = arith.index_cast %get3A_63 : i32 to index
    %get3A_65 = arith.constant 112 : index
    %get3A_66 = tpu.vector_load %arg5[%get3A_64, %get3A_65] {strides = array<i32>} : memref<50x128xi32, #tpu.memory_space<vmem>>, vector<16xi32>,
    %shift_right_logical3A_67 = arith.constant 2 : i32
    %shift_right_logical3A_68 = vector.broadcast %shift_right_logical3A_67 : i32 to vector<16xi32>
    %shift_right_logical3A_69 = arith.shrui %get3A_66, %shift_right_logical3A_68 : vector<16xi32>
    %swap3A_70 = arith.constant 112 : index
    %swap3A_71 = tpu.vector_load %arg10[%swap3A_70] {strides = array<i32>} : memref<128xi32, #tpu.memory_space<vmem>>, vector<16xi32>,
    tpu.vector_store %arg10[%swap3A_70], %shift_right_logical3A_69 {strides = array<i32>} : memref<128xi32, #tpu.memory_space<vmem>>, vector<16xi32>,
    %dma_start3A = arith.constant 0 : i32
    %dma_start3A_72 = arith.constant 0 : i32
    %dma_start3A_73 = tpu.memref_slice %arg3[%dma_start3A, %dma_start3A_72] : memref<250000x128xf32, #tpu.memory_space<hbm>> -> memref<250000x128xf32, #tpu.memory_space<hbm>>
    tpu.enqueue_indirect_dma source(%dma_start3A_73 : memref<250000x128xf32, #tpu.memory_space<hbm>>) target(%arg8 : memref<128x128xf32, #tpu.memory_space<vmem>>) offsets(%arg10 : memref<128xi32, #tpu.memory_space<vmem>>) semaphore(%arg12 : memref<!tpu.dma_semaphore, #tpu.memory_space<semaphore_mem>>)
    %scan3A = arith.constant 0 : i32
    %scan3A_74 = arith.constant 5 : i32
    %scan3A_75 = arith.addi %scan3A, %scan3A_74 : i32
    %scan3A_76 = arith.constant 1 : i32
    scf.for %scan3A_167 = %scan3A to %scan3A_75 step %scan3A_76  : i32 {
      %mul3A_168 = arith.constant 2 : i32
      %mul3A_169 = arith.muli %mul3A_168, %scan3A_167 : i32
      %add3A_170 = arith.constant 0 : i32
      %add3A_171 = arith.addi %mul3A_169, %add3A_170 : i32
      %add3A_172 = arith.constant 0 : i32
      %add3A_173 = arith.addi %add3A_172, %add3A_171 : i32
      %add3A_174 = arith.constant 1 : i32
      %add3A_175 = arith.addi %add3A_173, %add3A_174 : i32
      %lt3A = arith.constant 50 : i32
      %lt3A_176 = arith.cmpi slt, %add3A_175, %lt3A : i32
      %convert_element_type3A = arith.extui %lt3A_176 : i1 to i32
      %cond3A = arith.constant 0 : i32
      %cond3A_177 = arith.cmpi ne, %convert_element_type3A, %cond3A : i32
      scf.if %cond3A_177 {
        %add3A_473 = arith.constant 1 : i32
        %add3A_474 = arith.addi %add3A_173, %add3A_473 : i32
        %get3A_475 = arith.index_cast %add3A_474 : i32 to index
        %get3A_476 = arith.constant 0 : index
        %get3A_477 = tpu.vector_load %arg5[%get3A_475, %get3A_476] {strides = array<i32>} : memref<50x128xi32, #tpu.memory_space<vmem>>, vector<16xi32>,
        %shift_right_logical3A_478 = arith.constant 2 : i32
        %shift_right_logical3A_479 = vector.broadcast %shift_right_logical3A_478 : i32 to vector<16xi32>
        %shift_right_logical3A_480 = arith.shrui %get3A_477, %shift_right_logical3A_479 : vector<16xi32>
        %swap3A_481 = arith.constant 0 : index
        %swap3A_482 = tpu.vector_load %arg11[%swap3A_481] {strides = array<i32>} : memref<128xi32, #tpu.memory_space<vmem>>, vector<16xi32>,
        tpu.vector_store %arg11[%swap3A_481], %shift_right_logical3A_480 {strides = array<i32>} : memref<128xi32, #tpu.memory_space<vmem>>, vector<16xi32>,
        %get3A_483 = arith.index_cast %add3A_474 : i32 to index
        %get3A_484 = arith.constant 16 : index
        %get3A_485 = tpu.vector_load %arg5[%get3A_483, %get3A_484] {strides = array<i32>} : memref<50x128xi32, #tpu.memory_space<vmem>>, vector<16xi32>,
        %shift_right_logical3A_486 = arith.constant 2 : i32
        %shift_right_logical3A_487 = vector.broadcast %shift_right_logical3A_486 : i32 to vector<16xi32>
        %shift_right_logical3A_488 = arith.shrui %get3A_485, %shift_right_logical3A_487 : vector<16xi32>
        %swap3A_489 = arith.constant 16 : index
        %swap3A_490 = tpu.vector_load %arg11[%swap3A_489] {strides = array<i32>} : memref<128xi32, #tpu.memory_space<vmem>>, vector<16xi32>,
        tpu.vector_store %arg11[%swap3A_489], %shift_right_logical3A_488 {strides = array<i32>} : memref<128xi32, #tpu.memory_space<vmem>>, vector<16xi32>,
        %get3A_491 = arith.index_cast %add3A_474 : i32 to index
        %get3A_492 = arith.constant 32 : index
        %get3A_493 = tpu.vector_load %arg5[%get3A_491, %get3A_492] {strides = array<i32>} : memref<50x128xi32, #tpu.memory_space<vmem>>, vector<16xi32>,
        %shift_right_logical3A_494 = arith.constant 2 : i32
        %shift_right_logical3A_495 = vector.broadcast %shift_right_logical3A_494 : i32 to vector<16xi32>
        %shift_right_logical3A_496 = arith.shrui %get3A_493, %shift_right_logical3A_495 : vector<16xi32>
        %swap3A_497 = arith.constant 32 : index
        %swap3A_498 = tpu.vector_load %arg11[%swap3A_497] {strides = array<i32>} : memref<128xi32, #tpu.memory_space<vmem>>, vector<16xi32>,
        tpu.vector_store %arg11[%swap3A_497], %shift_right_logical3A_496 {strides = array<i32>} : memref<128xi32, #tpu.memory_space<vmem>>, vector<16xi32>,
        %get3A_499 = arith.index_cast %add3A_474 : i32 to index
        %get3A_500 = arith.constant 48 : index
        %get3A_501 = tpu.vector_load %arg5[%get3A_499, %get3A_500] {strides = array<i32>} : memref<50x128xi32, #tpu.memory_space<vmem>>, vector<16xi32>,
        %shift_right_logical3A_502 = arith.constant 2 : i32
        %shift_right_logical3A_503 = vector.broadcast %shift_right_logical3A_502 : i32 to vector<16xi32>
        %shift_right_logical3A_504 = arith.shrui %get3A_501, %shift_right_logical3A_503 : vector<16xi32>
        %swap3A_505 = arith.constant 48 : index
        %swap3A_506 = tpu.vector_load %arg11[%swap3A_505] {strides = array<i32>} : memref<128xi32, #tpu.memory_space<vmem>>, vector<16xi32>,
        tpu.vector_store %arg11[%swap3A_505], %shift_right_logical3A_504 {strides = array<i32>} : memref<128xi32, #tpu.memory_space<vmem>>, vector<16xi32>,
        %get3A_507 = arith.index_cast %add3A_474 : i32 to index
        %get3A_508 = arith.constant 64 : index
        %get3A_509 = tpu.vector_load %arg5[%get3A_507, %get3A_508] {strides = array<i32>} : memref<50x128xi32, #tpu.memory_space<vmem>>, vector<16xi32>,
        %shift_right_logical3A_510 = arith.constant 2 : i32
        %shift_right_logical3A_511 = vector.broadcast %shift_right_logical3A_510 : i32 to vector<16xi32>
        %shift_right_logical3A_512 = arith.shrui %get3A_509, %shift_right_logical3A_511 : vector<16xi32>
        %swap3A_513 = arith.constant 64 : index
        %swap3A_514 = tpu.vector_load %arg11[%swap3A_513] {strides = array<i32>} : memref<128xi32, #tpu.memory_space<vmem>>, vector<16xi32>,
        tpu.vector_store %arg11[%swap3A_513], %shift_right_logical3A_512 {strides = array<i32>} : memref<128xi32, #tpu.memory_space<vmem>>, vector<16xi32>,
        %get3A_515 = arith.index_cast %add3A_474 : i32 to index
        %get3A_516 = arith.constant 80 : index
        %get3A_517 = tpu.vector_load %arg5[%get3A_515, %get3A_516] {strides = array<i32>} : memref<50x128xi32, #tpu.memory_space<vmem>>, vector<16xi32>,
        %shift_right_logical3A_518 = arith.constant 2 : i32
        %shift_right_logical3A_519 = vector.broadcast %shift_right_logical3A_518 : i32 to vector<16xi32>
        %shift_right_logical3A_520 = arith.shrui %get3A_517, %shift_right_logical3A_519 : vector<16xi32>
        %swap3A_521 = arith.constant 80 : index
        %swap3A_522 = tpu.vector_load %arg11[%swap3A_521] {strides = array<i32>} : memref<128xi32, #tpu.memory_space<vmem>>, vector<16xi32>,
        tpu.vector_store %arg11[%swap3A_521], %shift_right_logical3A_520 {strides = array<i32>} : memref<128xi32, #tpu.memory_space<vmem>>, vector<16xi32>,
        %get3A_523 = arith.index_cast %add3A_474 : i32 to index
        %get3A_524 = arith.constant 96 : index
        %get3A_525 = tpu.vector_load %arg5[%get3A_523, %get3A_524] {strides = array<i32>} : memref<50x128xi32, #tpu.memory_space<vmem>>, vector<16xi32>,
        %shift_right_logical3A_526 = arith.constant 2 : i32
        %shift_right_logical3A_527 = vector.broadcast %shift_right_logical3A_526 : i32 to vector<16xi32>
        %shift_right_logical3A_528 = arith.shrui %get3A_525, %shift_right_logical3A_527 : vector<16xi32>
        %swap3A_529 = arith.constant 96 : index
        %swap3A_530 = tpu.vector_load %arg11[%swap3A_529] {strides = array<i32>} : memref<128xi32, #tpu.memory_space<vmem>>, vector<16xi32>,
        tpu.vector_store %arg11[%swap3A_529], %shift_right_logical3A_528 {strides = array<i32>} : memref<128xi32, #tpu.memory_space<vmem>>, vector<16xi32>,
        %get3A_531 = arith.index_cast %add3A_474 : i32 to index
        %get3A_532 = arith.constant 112 : index
        %get3A_533 = tpu.vector_load %arg5[%get3A_531, %get3A_532] {strides = array<i32>} : memref<50x128xi32, #tpu.memory_space<vmem>>, vector<16xi32>,
        %shift_right_logical3A_534 = arith.constant 2 : i32
        %shift_right_logical3A_535 = vector.broadcast %shift_right_logical3A_534 : i32 to vector<16xi32>
        %shift_right_logical3A_536 = arith.shrui %get3A_533, %shift_right_logical3A_535 : vector<16xi32>
        %swap3A_537 = arith.constant 112 : index
        %swap3A_538 = tpu.vector_load %arg11[%swap3A_537] {strides = array<i32>} : memref<128xi32, #tpu.memory_space<vmem>>, vector<16xi32>,
        tpu.vector_store %arg11[%swap3A_537], %shift_right_logical3A_536 {strides = array<i32>} : memref<128xi32, #tpu.memory_space<vmem>>, vector<16xi32>,
        %dma_start3A_539 = arith.constant 0 : i32
        %dma_start3A_540 = arith.constant 0 : i32
        %dma_start3A_541 = tpu.memref_slice %arg3[%dma_start3A_539, %dma_start3A_540] : memref<250000x128xf32, #tpu.memory_space<hbm>> -> memref<250000x128xf32, #tpu.memory_space<hbm>>
        tpu.enqueue_indirect_dma source(%dma_start3A_541 : memref<250000x128xf32, #tpu.memory_space<hbm>>) target(%arg9 : memref<128x128xf32, #tpu.memory_space<vmem>>) offsets(%arg11 : memref<128xi32, #tpu.memory_space<vmem>>) semaphore(%arg12 : memref<!tpu.dma_semaphore, #tpu.memory_space<semaphore_mem>>)
      } else {
      }
      %dma_wait3A_178 = arith.constant 0 : i32
      %dma_wait3A_179 = arith.constant 0 : i32
      %dma_wait3A_180 = tpu.memref_slice %arg3[%dma_wait3A_178, %dma_wait3A_179] : memref<250000x128xf32, #tpu.memory_space<hbm>> -> memref<128x128xf32, #tpu.memory_space<hbm>>
      %dma_wait3A_181 = arith.constant 0 : i32
      %dma_wait3A_182 = arith.constant 0 : i32
      %dma_wait3A_183 = tpu.memref_slice %arg3[%dma_wait3A_181, %dma_wait3A_182] : memref<250000x128xf32, #tpu.memory_space<hbm>> -> memref<128x128xf32, #tpu.memory_space<hbm>>
      tpu.wait_dma2 semaphore(%arg12 : memref<!tpu.dma_semaphore, #tpu.memory_space<semaphore_mem>>) src(%dma_wait3A_183 : memref<128x128xf32, #tpu.memory_space<hbm>>) dst(%arg8 : memref<128x128xf32, #tpu.memory_space<vmem>>)
      %get3A_184 = arith.index_cast %add3A_173 : i32 to index
      %get3A_185 = arith.constant 0 : index
      %get3A_186 = tpu.vector_load %arg5[%get3A_184, %get3A_185] {strides = array<i32>} : memref<50x128xi32, #tpu.memory_space<vmem>>, vector<16xi32>,
      %and3A = arith.constant 3 : i32
      %and3A_187 = vector.broadcast %and3A : i32 to vector<16xi32>
      %and3A_188 = arith.andi %get3A_186, %and3A_187 : vector<16xi32>
      %shift_left3A = arith.constant 5 : i32
      %shift_left3A_189 = vector.broadcast %shift_left3A : i32 to vector<16xi32>
      %shift_left3A_190 = arith.shli %and3A_188, %shift_left3A_189 : vector<16xi32>
      %add3A_191 = arith.constant 0 : i32
      %add3A_192 = vector.broadcast %add3A_191 : i32 to vector<16xi32>
      %add3A_193 = arith.addi %add3A_192, %iota3A : vector<16xi32>
      %scan3A_194 = arith.constant 0 : i32
      %scan3A_195 = arith.constant 32 : i32
      %scan3A_196 = arith.addi %scan3A_194, %scan3A_195 : i32
      %scan3A_197 = arith.constant 1 : i32
      scf.for %scan3A_473 = %scan3A_194 to %scan3A_196 step %scan3A_197  : i32 {
        %add3A_474 = vector.broadcast %scan3A_473 : i32 to vector<16xi32>
        %add3A_475 = arith.addi %shift_left3A_190, %add3A_474 : vector<16xi32>
        %gather3A = tpu.vector_load_idx %arg8[%add3A_193, %add3A_475] : memref<128x128xf32, #tpu.memory_space<vmem>>[vector<16xi32>, vector<16xi32>], vector<16xf32>,
        %swap3A_476 = arith.index_cast %add3A_171 : i32 to index
        %swap3A_477 = arith.index_cast %scan3A_473 : i32 to index
        %swap3A_478 = arith.constant 0 : index
        %swap3A_479 = tpu.vector_load %arg6[%swap3A_476, %swap3A_477, %swap3A_478] {strides = array<i32>} : memref<10x32x128xf32, #tpu.memory_space<vmem>>, vector<16xf32>,
        tpu.vector_store %arg6[%swap3A_476, %swap3A_477, %swap3A_478], %gather3A {strides = array<i32>} : memref<10x32x128xf32, #tpu.memory_space<vmem>>, vector<16xf32>,
      }
      %scan3A_198 = arith.constant 32 : i32
      %get3A_199 = arith.index_cast %add3A_173 : i32 to index
      %get3A_200 = arith.constant 16 : index
      %get3A_201 = tpu.vector_load %arg5[%get3A_199, %get3A_200] {strides = array<i32>} : memref<50x128xi32, #tpu.memory_space<vmem>>, vector<16xi32>,
      %and3A_202 = arith.constant 3 : i32
      %and3A_203 = vector.broadcast %and3A_202 : i32 to vector<16xi32>
      %and3A_204 = arith.andi %get3A_201, %and3A_203 : vector<16xi32>
      %shift_left3A_205 = arith.constant 5 : i32
      %shift_left3A_206 = vector.broadcast %shift_left3A_205 : i32 to vector<16xi32>
      %shift_left3A_207 = arith.shli %and3A_204, %shift_left3A_206 : vector<16xi32>
      %add3A_208 = arith.constant 16 : i32
      %add3A_209 = vector.broadcast %add3A_208 : i32 to vector<16xi32>
      %add3A_210 = arith.addi %add3A_209, %iota3A : vector<16xi32>
      %scan3A_211 = arith.constant 0 : i32
      %scan3A_212 = arith.constant 32 : i32
      %scan3A_213 = arith.addi %scan3A_211, %scan3A_212 : i32
      %scan3A_214 = arith.constant 1 : i32
      scf.for %scan3A_473 = %scan3A_211 to %scan3A_213 step %scan3A_214  : i32 {
        %add3A_474 = vector.broadcast %scan3A_473 : i32 to vector<16xi32>
        %add3A_475 = arith.addi %shift_left3A_207, %add3A_474 : vector<16xi32>
        %gather3A = tpu.vector_load_idx %arg8[%add3A_210, %add3A_475] : memref<128x128xf32, #tpu.memory_space<vmem>>[vector<16xi32>, vector<16xi32>], vector<16xf32>,
        %swap3A_476 = arith.index_cast %add3A_171 : i32 to index
        %swap3A_477 = arith.index_cast %scan3A_473 : i32 to index
        %swap3A_478 = arith.constant 16 : index
        %swap3A_479 = tpu.vector_load %arg6[%swap3A_476, %swap3A_477, %swap3A_478] {strides = array<i32>} : memref<10x32x128xf32, #tpu.memory_space<vmem>>, vector<16xf32>,
        tpu.vector_store %arg6[%swap3A_476, %swap3A_477, %swap3A_478], %gather3A {strides = array<i32>} : memref<10x32x128xf32, #tpu.memory_space<vmem>>, vector<16xf32>,
      }
      %scan3A_215 = arith.constant 32 : i32
      %get3A_216 = arith.index_cast %add3A_173 : i32 to index
      %get3A_217 = arith.constant 32 : index
      %get3A_218 = tpu.vector_load %arg5[%get3A_216, %get3A_217] {strides = array<i32>} : memref<50x128xi32, #tpu.memory_space<vmem>>, vector<16xi32>,
      %and3A_219 = arith.constant 3 : i32
      %and3A_220 = vector.broadcast %and3A_219 : i32 to vector<16xi32>
      %and3A_221 = arith.andi %get3A_218, %and3A_220 : vector<16xi32>
      %shift_left3A_222 = arith.constant 5 : i32
      %shift_left3A_223 = vector.broadcast %shift_left3A_222 : i32 to vector<16xi32>
      %shift_left3A_224 = arith.shli %and3A_221, %shift_left3A_223 : vector<16xi32>
      %add3A_225 = arith.constant 32 : i32
      %add3A_226 = vector.broadcast %add3A_225 : i32 to vector<16xi32>
      %add3A_227 = arith.addi %add3A_226, %iota3A : vector<16xi32>
      %scan3A_228 = arith.constant 0 : i32
      %scan3A_229 = arith.constant 32 : i32
      %scan3A_230 = arith.addi %scan3A_228, %scan3A_229 : i32
      %scan3A_231 = arith.constant 1 : i32
      scf.for %scan3A_473 = %scan3A_228 to %scan3A_230 step %scan3A_231  : i32 {
        %add3A_474 = vector.broadcast %scan3A_473 : i32 to vector<16xi32>
        %add3A_475 = arith.addi %shift_left3A_224, %add3A_474 : vector<16xi32>
        %gather3A = tpu.vector_load_idx %arg8[%add3A_227, %add3A_475] : memref<128x128xf32, #tpu.memory_space<vmem>>[vector<16xi32>, vector<16xi32>], vector<16xf32>,
        %swap3A_476 = arith.index_cast %add3A_171 : i32 to index
        %swap3A_477 = arith.index_cast %scan3A_473 : i32 to index
        %swap3A_478 = arith.constant 32 : index
        %swap3A_479 = tpu.vector_load %arg6[%swap3A_476, %swap3A_477, %swap3A_478] {strides = array<i32>} : memref<10x32x128xf32, #tpu.memory_space<vmem>>, vector<16xf32>,
        tpu.vector_store %arg6[%swap3A_476, %swap3A_477, %swap3A_478], %gather3A {strides = array<i32>} : memref<10x32x128xf32, #tpu.memory_space<vmem>>, vector<16xf32>,
      }
      %scan3A_232 = arith.constant 32 : i32
      %get3A_233 = arith.index_cast %add3A_173 : i32 to index
      %get3A_234 = arith.constant 48 : index
      %get3A_235 = tpu.vector_load %arg5[%get3A_233, %get3A_234] {strides = array<i32>} : memref<50x128xi32, #tpu.memory_space<vmem>>, vector<16xi32>,
      %and3A_236 = arith.constant 3 : i32
      %and3A_237 = vector.broadcast %and3A_236 : i32 to vector<16xi32>
      %and3A_238 = arith.andi %get3A_235, %and3A_237 : vector<16xi32>
      %shift_left3A_239 = arith.constant 5 : i32
      %shift_left3A_240 = vector.broadcast %shift_left3A_239 : i32 to vector<16xi32>
      %shift_left3A_241 = arith.shli %and3A_238, %shift_left3A_240 : vector<16xi32>
      %add3A_242 = arith.constant 48 : i32
      %add3A_243 = vector.broadcast %add3A_242 : i32 to vector<16xi32>
      %add3A_244 = arith.addi %add3A_243, %iota3A : vector<16xi32>
      %scan3A_245 = arith.constant 0 : i32
      %scan3A_246 = arith.constant 32 : i32
      %scan3A_247 = arith.addi %scan3A_245, %scan3A_246 : i32
      %scan3A_248 = arith.constant 1 : i32
      scf.for %scan3A_473 = %scan3A_245 to %scan3A_247 step %scan3A_248  : i32 {
        %add3A_474 = vector.broadcast %scan3A_473 : i32 to vector<16xi32>
        %add3A_475 = arith.addi %shift_left3A_241, %add3A_474 : vector<16xi32>
        %gather3A = tpu.vector_load_idx %arg8[%add3A_244, %add3A_475] : memref<128x128xf32, #tpu.memory_space<vmem>>[vector<16xi32>, vector<16xi32>], vector<16xf32>,
        %swap3A_476 = arith.index_cast %add3A_171 : i32 to index
        %swap3A_477 = arith.index_cast %scan3A_473 : i32 to index
        %swap3A_478 = arith.constant 48 : index
        %swap3A_479 = tpu.vector_load %arg6[%swap3A_476, %swap3A_477, %swap3A_478] {strides = array<i32>} : memref<10x32x128xf32, #tpu.memory_space<vmem>>, vector<16xf32>,
        tpu.vector_store %arg6[%swap3A_476, %swap3A_477, %swap3A_478], %gather3A {strides = array<i32>} : memref<10x32x128xf32, #tpu.memory_space<vmem>>, vector<16xf32>,
      }
      %scan3A_249 = arith.constant 32 : i32
      %get3A_250 = arith.index_cast %add3A_173 : i32 to index
      %get3A_251 = arith.constant 64 : index
      %get3A_252 = tpu.vector_load %arg5[%get3A_250, %get3A_251] {strides = array<i32>} : memref<50x128xi32, #tpu.memory_space<vmem>>, vector<16xi32>,
      %and3A_253 = arith.constant 3 : i32
      %and3A_254 = vector.broadcast %and3A_253 : i32 to vector<16xi32>
      %and3A_255 = arith.andi %get3A_252, %and3A_254 : vector<16xi32>
      %shift_left3A_256 = arith.constant 5 : i32
      %shift_left3A_257 = vector.broadcast %shift_left3A_256 : i32 to vector<16xi32>
      %shift_left3A_258 = arith.shli %and3A_255, %shift_left3A_257 : vector<16xi32>
      %add3A_259 = arith.constant 64 : i32
      %add3A_260 = vector.broadcast %add3A_259 : i32 to vector<16xi32>
      %add3A_261 = arith.addi %add3A_260, %iota3A : vector<16xi32>
      %scan3A_262 = arith.constant 0 : i32
      %scan3A_263 = arith.constant 32 : i32
      %scan3A_264 = arith.addi %scan3A_262, %scan3A_263 : i32
      %scan3A_265 = arith.constant 1 : i32
      scf.for %scan3A_473 = %scan3A_262 to %scan3A_264 step %scan3A_265  : i32 {
        %add3A_474 = vector.broadcast %scan3A_473 : i32 to vector<16xi32>
        %add3A_475 = arith.addi %shift_left3A_258, %add3A_474 : vector<16xi32>
        %gather3A = tpu.vector_load_idx %arg8[%add3A_261, %add3A_475] : memref<128x128xf32, #tpu.memory_space<vmem>>[vector<16xi32>, vector<16xi32>], vector<16xf32>,
        %swap3A_476 = arith.index_cast %add3A_171 : i32 to index
        %swap3A_477 = arith.index_cast %scan3A_473 : i32 to index
        %swap3A_478 = arith.constant 64 : index
        %swap3A_479 = tpu.vector_load %arg6[%swap3A_476, %swap3A_477, %swap3A_478] {strides = array<i32>} : memref<10x32x128xf32, #tpu.memory_space<vmem>>, vector<16xf32>,
        tpu.vector_store %arg6[%swap3A_476, %swap3A_477, %swap3A_478], %gather3A {strides = array<i32>} : memref<10x32x128xf32, #tpu.memory_space<vmem>>, vector<16xf32>,
      }
      %scan3A_266 = arith.constant 32 : i32
      %get3A_267 = arith.index_cast %add3A_173 : i32 to index
      %get3A_268 = arith.constant 80 : index
      %get3A_269 = tpu.vector_load %arg5[%get3A_267, %get3A_268] {strides = array<i32>} : memref<50x128xi32, #tpu.memory_space<vmem>>, vector<16xi32>,
      %and3A_270 = arith.constant 3 : i32
      %and3A_271 = vector.broadcast %and3A_270 : i32 to vector<16xi32>
      %and3A_272 = arith.andi %get3A_269, %and3A_271 : vector<16xi32>
      %shift_left3A_273 = arith.constant 5 : i32
      %shift_left3A_274 = vector.broadcast %shift_left3A_273 : i32 to vector<16xi32>
      %shift_left3A_275 = arith.shli %and3A_272, %shift_left3A_274 : vector<16xi32>
      %add3A_276 = arith.constant 80 : i32
      %add3A_277 = vector.broadcast %add3A_276 : i32 to vector<16xi32>
      %add3A_278 = arith.addi %add3A_277, %iota3A : vector<16xi32>
      %scan3A_279 = arith.constant 0 : i32
      %scan3A_280 = arith.constant 32 : i32
      %scan3A_281 = arith.addi %scan3A_279, %scan3A_280 : i32
      %scan3A_282 = arith.constant 1 : i32
      scf.for %scan3A_473 = %scan3A_279 to %scan3A_281 step %scan3A_282  : i32 {
        %add3A_474 = vector.broadcast %scan3A_473 : i32 to vector<16xi32>
        %add3A_475 = arith.addi %shift_left3A_275, %add3A_474 : vector<16xi32>
        %gather3A = tpu.vector_load_idx %arg8[%add3A_278, %add3A_475] : memref<128x128xf32, #tpu.memory_space<vmem>>[vector<16xi32>, vector<16xi32>], vector<16xf32>,
        %swap3A_476 = arith.index_cast %add3A_171 : i32 to index
        %swap3A_477 = arith.index_cast %scan3A_473 : i32 to index
        %swap3A_478 = arith.constant 80 : index
        %swap3A_479 = tpu.vector_load %arg6[%swap3A_476, %swap3A_477, %swap3A_478] {strides = array<i32>} : memref<10x32x128xf32, #tpu.memory_space<vmem>>, vector<16xf32>,
        tpu.vector_store %arg6[%swap3A_476, %swap3A_477, %swap3A_478], %gather3A {strides = array<i32>} : memref<10x32x128xf32, #tpu.memory_space<vmem>>, vector<16xf32>,
      }
      %scan3A_283 = arith.constant 32 : i32
      %get3A_284 = arith.index_cast %add3A_173 : i32 to index
      %get3A_285 = arith.constant 96 : index
      %get3A_286 = tpu.vector_load %arg5[%get3A_284, %get3A_285] {strides = array<i32>} : memref<50x128xi32, #tpu.memory_space<vmem>>, vector<16xi32>,
      %and3A_287 = arith.constant 3 : i32
      %and3A_288 = vector.broadcast %and3A_287 : i32 to vector<16xi32>
      %and3A_289 = arith.andi %get3A_286, %and3A_288 : vector<16xi32>
      %shift_left3A_290 = arith.constant 5 : i32
      %shift_left3A_291 = vector.broadcast %shift_left3A_290 : i32 to vector<16xi32>
      %shift_left3A_292 = arith.shli %and3A_289, %shift_left3A_291 : vector<16xi32>
      %add3A_293 = arith.constant 96 : i32
      %add3A_294 = vector.broadcast %add3A_293 : i32 to vector<16xi32>
      %add3A_295 = arith.addi %add3A_294, %iota3A : vector<16xi32>
      %scan3A_296 = arith.constant 0 : i32
      %scan3A_297 = arith.constant 32 : i32
      %scan3A_298 = arith.addi %scan3A_296, %scan3A_297 : i32
      %scan3A_299 = arith.constant 1 : i32
      scf.for %scan3A_473 = %scan3A_296 to %scan3A_298 step %scan3A_299  : i32 {
        %add3A_474 = vector.broadcast %scan3A_473 : i32 to vector<16xi32>
        %add3A_475 = arith.addi %shift_left3A_292, %add3A_474 : vector<16xi32>
        %gather3A = tpu.vector_load_idx %arg8[%add3A_295, %add3A_475] : memref<128x128xf32, #tpu.memory_space<vmem>>[vector<16xi32>, vector<16xi32>], vector<16xf32>,
        %swap3A_476 = arith.index_cast %add3A_171 : i32 to index
        %swap3A_477 = arith.index_cast %scan3A_473 : i32 to index
        %swap3A_478 = arith.constant 96 : index
        %swap3A_479 = tpu.vector_load %arg6[%swap3A_476, %swap3A_477, %swap3A_478] {strides = array<i32>} : memref<10x32x128xf32, #tpu.memory_space<vmem>>, vector<16xf32>,
        tpu.vector_store %arg6[%swap3A_476, %swap3A_477, %swap3A_478], %gather3A {strides = array<i32>} : memref<10x32x128xf32, #tpu.memory_space<vmem>>, vector<16xf32>,
      }
      %scan3A_300 = arith.constant 32 : i32
      %get3A_301 = arith.index_cast %add3A_173 : i32 to index
      %get3A_302 = arith.constant 112 : index
      %get3A_303 = tpu.vector_load %arg5[%get3A_301, %get3A_302] {strides = array<i32>} : memref<50x128xi32, #tpu.memory_space<vmem>>, vector<16xi32>,
      %and3A_304 = arith.constant 3 : i32
      %and3A_305 = vector.broadcast %and3A_304 : i32 to vector<16xi32>
      %and3A_306 = arith.andi %get3A_303, %and3A_305 : vector<16xi32>
      %shift_left3A_307 = arith.constant 5 : i32
      %shift_left3A_308 = vector.broadcast %shift_left3A_307 : i32 to vector<16xi32>
      %shift_left3A_309 = arith.shli %and3A_306, %shift_left3A_308 : vector<16xi32>
      %add3A_310 = arith.constant 112 : i32
      %add3A_311 = vector.broadcast %add3A_310 : i32 to vector<16xi32>
      %add3A_312 = arith.addi %add3A_311, %iota3A : vector<16xi32>
      %scan3A_313 = arith.constant 0 : i32
      %scan3A_314 = arith.constant 32 : i32
      %scan3A_315 = arith.addi %scan3A_313, %scan3A_314 : i32
      %scan3A_316 = arith.constant 1 : i32
      scf.for %scan3A_473 = %scan3A_313 to %scan3A_315 step %scan3A_316  : i32 {
        %add3A_474 = vector.broadcast %scan3A_473 : i32 to vector<16xi32>
        %add3A_475 = arith.addi %shift_left3A_309, %add3A_474 : vector<16xi32>
        %gather3A = tpu.vector_load_idx %arg8[%add3A_312, %add3A_475] : memref<128x128xf32, #tpu.memory_space<vmem>>[vector<16xi32>, vector<16xi32>], vector<16xf32>,
        %swap3A_476 = arith.index_cast %add3A_171 : i32 to index
        %swap3A_477 = arith.index_cast %scan3A_473 : i32 to index
        %swap3A_478 = arith.constant 112 : index
        %swap3A_479 = tpu.vector_load %arg6[%swap3A_476, %swap3A_477, %swap3A_478] {strides = array<i32>} : memref<10x32x128xf32, #tpu.memory_space<vmem>>, vector<16xf32>,
        tpu.vector_store %arg6[%swap3A_476, %swap3A_477, %swap3A_478], %gather3A {strides = array<i32>} : memref<10x32x128xf32, #tpu.memory_space<vmem>>, vector<16xf32>,
      }
      %scan3A_317 = arith.constant 32 : i32
      %mul3A_318 = arith.constant 2 : i32
      %mul3A_319 = arith.muli %mul3A_318, %scan3A_167 : i32
      %add3A_320 = arith.constant 1 : i32
      %add3A_321 = arith.addi %mul3A_319, %add3A_320 : i32
      %add3A_322 = arith.constant 0 : i32
      %add3A_323 = arith.addi %add3A_322, %add3A_321 : i32
      %add3A_324 = arith.constant 1 : i32
      %add3A_325 = arith.addi %add3A_323, %add3A_324 : i32
      %lt3A_326 = arith.constant 50 : i32
      %lt3A_327 = arith.cmpi slt, %add3A_325, %lt3A_326 : i32
      %convert_element_type3A_328 = arith.extui %lt3A_327 : i1 to i32
      %cond3A_329 = arith.constant 0 : i32
      %cond3A_330 = arith.cmpi ne, %convert_element_type3A_328, %cond3A_329 : i32
      scf.if %cond3A_330 {
        %add3A_473 = arith.constant 1 : i32
        %add3A_474 = arith.addi %add3A_323, %add3A_473 : i32
        %get3A_475 = arith.index_cast %add3A_474 : i32 to index
        %get3A_476 = arith.constant 0 : index
        %get3A_477 = tpu.vector_load %arg5[%get3A_475, %get3A_476] {strides = array<i32>} : memref<50x128xi32, #tpu.memory_space<vmem>>, vector<16xi32>,
        %shift_right_logical3A_478 = arith.constant 2 : i32
        %shift_right_logical3A_479 = vector.broadcast %shift_right_logical3A_478 : i32 to vector<16xi32>
        %shift_right_logical3A_480 = arith.shrui %get3A_477, %shift_right_logical3A_479 : vector<16xi32>
        %swap3A_481 = arith.constant 0 : index
        %swap3A_482 = tpu.vector_load %arg10[%swap3A_481] {strides = array<i32>} : memref<128xi32, #tpu.memory_space<vmem>>, vector<16xi32>,
        tpu.vector_store %arg10[%swap3A_481], %shift_right_logical3A_480 {strides = array<i32>} : memref<128xi32, #tpu.memory_space<vmem>>, vector<16xi32>,
        %get3A_483 = arith.index_cast %add3A_474 : i32 to index
        %get3A_484 = arith.constant 16 : index
        %get3A_485 = tpu.vector_load %arg5[%get3A_483, %get3A_484] {strides = array<i32>} : memref<50x128xi32, #tpu.memory_space<vmem>>, vector<16xi32>,
        %shift_right_logical3A_486 = arith.constant 2 : i32
        %shift_right_logical3A_487 = vector.broadcast %shift_right_logical3A_486 : i32 to vector<16xi32>
        %shift_right_logical3A_488 = arith.shrui %get3A_485, %shift_right_logical3A_487 : vector<16xi32>
        %swap3A_489 = arith.constant 16 : index
        %swap3A_490 = tpu.vector_load %arg10[%swap3A_489] {strides = array<i32>} : memref<128xi32, #tpu.memory_space<vmem>>, vector<16xi32>,
        tpu.vector_store %arg10[%swap3A_489], %shift_right_logical3A_488 {strides = array<i32>} : memref<128xi32, #tpu.memory_space<vmem>>, vector<16xi32>,
        %get3A_491 = arith.index_cast %add3A_474 : i32 to index
        %get3A_492 = arith.constant 32 : index
        %get3A_493 = tpu.vector_load %arg5[%get3A_491, %get3A_492] {strides = array<i32>} : memref<50x128xi32, #tpu.memory_space<vmem>>, vector<16xi32>,
        %shift_right_logical3A_494 = arith.constant 2 : i32
        %shift_right_logical3A_495 = vector.broadcast %shift_right_logical3A_494 : i32 to vector<16xi32>
        %shift_right_logical3A_496 = arith.shrui %get3A_493, %shift_right_logical3A_495 : vector<16xi32>
        %swap3A_497 = arith.constant 32 : index
        %swap3A_498 = tpu.vector_load %arg10[%swap3A_497] {strides = array<i32>} : memref<128xi32, #tpu.memory_space<vmem>>, vector<16xi32>,
        tpu.vector_store %arg10[%swap3A_497], %shift_right_logical3A_496 {strides = array<i32>} : memref<128xi32, #tpu.memory_space<vmem>>, vector<16xi32>,
        %get3A_499 = arith.index_cast %add3A_474 : i32 to index
        %get3A_500 = arith.constant 48 : index
        %get3A_501 = tpu.vector_load %arg5[%get3A_499, %get3A_500] {strides = array<i32>} : memref<50x128xi32, #tpu.memory_space<vmem>>, vector<16xi32>,
        %shift_right_logical3A_502 = arith.constant 2 : i32
        %shift_right_logical3A_503 = vector.broadcast %shift_right_logical3A_502 : i32 to vector<16xi32>
        %shift_right_logical3A_504 = arith.shrui %get3A_501, %shift_right_logical3A_503 : vector<16xi32>
        %swap3A_505 = arith.constant 48 : index
        %swap3A_506 = tpu.vector_load %arg10[%swap3A_505] {strides = array<i32>} : memref<128xi32, #tpu.memory_space<vmem>>, vector<16xi32>,
        tpu.vector_store %arg10[%swap3A_505], %shift_right_logical3A_504 {strides = array<i32>} : memref<128xi32, #tpu.memory_space<vmem>>, vector<16xi32>,
        %get3A_507 = arith.index_cast %add3A_474 : i32 to index
        %get3A_508 = arith.constant 64 : index
        %get3A_509 = tpu.vector_load %arg5[%get3A_507, %get3A_508] {strides = array<i32>} : memref<50x128xi32, #tpu.memory_space<vmem>>, vector<16xi32>,
        %shift_right_logical3A_510 = arith.constant 2 : i32
        %shift_right_logical3A_511 = vector.broadcast %shift_right_logical3A_510 : i32 to vector<16xi32>
        %shift_right_logical3A_512 = arith.shrui %get3A_509, %shift_right_logical3A_511 : vector<16xi32>
        %swap3A_513 = arith.constant 64 : index
        %swap3A_514 = tpu.vector_load %arg10[%swap3A_513] {strides = array<i32>} : memref<128xi32, #tpu.memory_space<vmem>>, vector<16xi32>,
        tpu.vector_store %arg10[%swap3A_513], %shift_right_logical3A_512 {strides = array<i32>} : memref<128xi32, #tpu.memory_space<vmem>>, vector<16xi32>,
        %get3A_515 = arith.index_cast %add3A_474 : i32 to index
        %get3A_516 = arith.constant 80 : index
        %get3A_517 = tpu.vector_load %arg5[%get3A_515, %get3A_516] {strides = array<i32>} : memref<50x128xi32, #tpu.memory_space<vmem>>, vector<16xi32>,
        %shift_right_logical3A_518 = arith.constant 2 : i32
        %shift_right_logical3A_519 = vector.broadcast %shift_right_logical3A_518 : i32 to vector<16xi32>
        %shift_right_logical3A_520 = arith.shrui %get3A_517, %shift_right_logical3A_519 : vector<16xi32>
        %swap3A_521 = arith.constant 80 : index
        %swap3A_522 = tpu.vector_load %arg10[%swap3A_521] {strides = array<i32>} : memref<128xi32, #tpu.memory_space<vmem>>, vector<16xi32>,
        tpu.vector_store %arg10[%swap3A_521], %shift_right_logical3A_520 {strides = array<i32>} : memref<128xi32, #tpu.memory_space<vmem>>, vector<16xi32>,
        %get3A_523 = arith.index_cast %add3A_474 : i32 to index
        %get3A_524 = arith.constant 96 : index
        %get3A_525 = tpu.vector_load %arg5[%get3A_523, %get3A_524] {strides = array<i32>} : memref<50x128xi32, #tpu.memory_space<vmem>>, vector<16xi32>,
        %shift_right_logical3A_526 = arith.constant 2 : i32
        %shift_right_logical3A_527 = vector.broadcast %shift_right_logical3A_526 : i32 to vector<16xi32>
        %shift_right_logical3A_528 = arith.shrui %get3A_525, %shift_right_logical3A_527 : vector<16xi32>
        %swap3A_529 = arith.constant 96 : index
        %swap3A_530 = tpu.vector_load %arg10[%swap3A_529] {strides = array<i32>} : memref<128xi32, #tpu.memory_space<vmem>>, vector<16xi32>,
        tpu.vector_store %arg10[%swap3A_529], %shift_right_logical3A_528 {strides = array<i32>} : memref<128xi32, #tpu.memory_space<vmem>>, vector<16xi32>,
        %get3A_531 = arith.index_cast %add3A_474 : i32 to index
        %get3A_532 = arith.constant 112 : index
        %get3A_533 = tpu.vector_load %arg5[%get3A_531, %get3A_532] {strides = array<i32>} : memref<50x128xi32, #tpu.memory_space<vmem>>, vector<16xi32>,
        %shift_right_logical3A_534 = arith.constant 2 : i32
        %shift_right_logical3A_535 = vector.broadcast %shift_right_logical3A_534 : i32 to vector<16xi32>
        %shift_right_logical3A_536 = arith.shrui %get3A_533, %shift_right_logical3A_535 : vector<16xi32>
        %swap3A_537 = arith.constant 112 : index
        %swap3A_538 = tpu.vector_load %arg10[%swap3A_537] {strides = array<i32>} : memref<128xi32, #tpu.memory_space<vmem>>, vector<16xi32>,
        tpu.vector_store %arg10[%swap3A_537], %shift_right_logical3A_536 {strides = array<i32>} : memref<128xi32, #tpu.memory_space<vmem>>, vector<16xi32>,
        %dma_start3A_539 = arith.constant 0 : i32
        %dma_start3A_540 = arith.constant 0 : i32
        %dma_start3A_541 = tpu.memref_slice %arg3[%dma_start3A_539, %dma_start3A_540] : memref<250000x128xf32, #tpu.memory_space<hbm>> -> memref<250000x128xf32, #tpu.memory_space<hbm>>
        tpu.enqueue_indirect_dma source(%dma_start3A_541 : memref<250000x128xf32, #tpu.memory_space<hbm>>) target(%arg8 : memref<128x128xf32, #tpu.memory_space<vmem>>) offsets(%arg10 : memref<128xi32, #tpu.memory_space<vmem>>) semaphore(%arg12 : memref<!tpu.dma_semaphore, #tpu.memory_space<semaphore_mem>>)
      } else {
      }
      %dma_wait3A_331 = arith.constant 0 : i32
      %dma_wait3A_332 = arith.constant 0 : i32
      %dma_wait3A_333 = tpu.memref_slice %arg3[%dma_wait3A_331, %dma_wait3A_332] : memref<250000x128xf32, #tpu.memory_space<hbm>> -> memref<128x128xf32, #tpu.memory_space<hbm>>
      %dma_wait3A_334 = arith.constant 0 : i32
      %dma_wait3A_335 = arith.constant 0 : i32
      %dma_wait3A_336 = tpu.memref_slice %arg3[%dma_wait3A_334, %dma_wait3A_335] : memref<250000x128xf32, #tpu.memory_space<hbm>> -> memref<128x128xf32, #tpu.memory_space<hbm>>
      tpu.wait_dma2 semaphore(%arg12 : memref<!tpu.dma_semaphore, #tpu.memory_space<semaphore_mem>>) src(%dma_wait3A_336 : memref<128x128xf32, #tpu.memory_space<hbm>>) dst(%arg9 : memref<128x128xf32, #tpu.memory_space<vmem>>)
      %get3A_337 = arith.index_cast %add3A_323 : i32 to index
      %get3A_338 = arith.constant 0 : index
      %get3A_339 = tpu.vector_load %arg5[%get3A_337, %get3A_338] {strides = array<i32>} : memref<50x128xi32, #tpu.memory_space<vmem>>, vector<16xi32>,
      %and3A_340 = arith.constant 3 : i32
      %and3A_341 = vector.broadcast %and3A_340 : i32 to vector<16xi32>
      %and3A_342 = arith.andi %get3A_339, %and3A_341 : vector<16xi32>
      %shift_left3A_343 = arith.constant 5 : i32
      %shift_left3A_344 = vector.broadcast %shift_left3A_343 : i32 to vector<16xi32>
      %shift_left3A_345 = arith.shli %and3A_342, %shift_left3A_344 : vector<16xi32>
      %add3A_346 = arith.constant 0 : i32
      %add3A_347 = vector.broadcast %add3A_346 : i32 to vector<16xi32>
      %add3A_348 = arith.addi %add3A_347, %iota3A : vector<16xi32>
      %scan3A_349 = arith.constant 0 : i32
      %scan3A_350 = arith.constant 32 : i32
      %scan3A_351 = arith.addi %scan3A_349, %scan3A_350 : i32
      %scan3A_352 = arith.constant 1 : i32
      scf.for %scan3A_473 = %scan3A_349 to %scan3A_351 step %scan3A_352  : i32 {
        %add3A_474 = vector.broadcast %scan3A_473 : i32 to vector<16xi32>
        %add3A_475 = arith.addi %shift_left3A_345, %add3A_474 : vector<16xi32>
        %gather3A = tpu.vector_load_idx %arg9[%add3A_348, %add3A_475] : memref<128x128xf32, #tpu.memory_space<vmem>>[vector<16xi32>, vector<16xi32>], vector<16xf32>,
        %swap3A_476 = arith.index_cast %add3A_321 : i32 to index
        %swap3A_477 = arith.index_cast %scan3A_473 : i32 to index
        %swap3A_478 = arith.constant 0 : index
        %swap3A_479 = tpu.vector_load %arg6[%swap3A_476, %swap3A_477, %swap3A_478] {strides = array<i32>} : memref<10x32x128xf32, #tpu.memory_space<vmem>>, vector<16xf32>,
        tpu.vector_store %arg6[%swap3A_476, %swap3A_477, %swap3A_478], %gather3A {strides = array<i32>} : memref<10x32x128xf32, #tpu.memory_space<vmem>>, vector<16xf32>,
      }
      %scan3A_353 = arith.constant 32 : i32
      %get3A_354 = arith.index_cast %add3A_323 : i32 to index
      %get3A_355 = arith.constant 16 : index
      %get3A_356 = tpu.vector_load %arg5[%get3A_354, %get3A_355] {strides = array<i32>} : memref<50x128xi32, #tpu.memory_space<vmem>>, vector<16xi32>,
      %and3A_357 = arith.constant 3 : i32
      %and3A_358 = vector.broadcast %and3A_357 : i32 to vector<16xi32>
      %and3A_359 = arith.andi %get3A_356, %and3A_358 : vector<16xi32>
      %shift_left3A_360 = arith.constant 5 : i32
      %shift_left3A_361 = vector.broadcast %shift_left3A_360 : i32 to vector<16xi32>
      %shift_left3A_362 = arith.shli %and3A_359, %shift_left3A_361 : vector<16xi32>
      %add3A_363 = arith.constant 16 : i32
      %add3A_364 = vector.broadcast %add3A_363 : i32 to vector<16xi32>
      %add3A_365 = arith.addi %add3A_364, %iota3A : vector<16xi32>
      %scan3A_366 = arith.constant 0 : i32
      %scan3A_367 = arith.constant 32 : i32
      %scan3A_368 = arith.addi %scan3A_366, %scan3A_367 : i32
      %scan3A_369 = arith.constant 1 : i32
      scf.for %scan3A_473 = %scan3A_366 to %scan3A_368 step %scan3A_369  : i32 {
        %add3A_474 = vector.broadcast %scan3A_473 : i32 to vector<16xi32>
        %add3A_475 = arith.addi %shift_left3A_362, %add3A_474 : vector<16xi32>
        %gather3A = tpu.vector_load_idx %arg9[%add3A_365, %add3A_475] : memref<128x128xf32, #tpu.memory_space<vmem>>[vector<16xi32>, vector<16xi32>], vector<16xf32>,
        %swap3A_476 = arith.index_cast %add3A_321 : i32 to index
        %swap3A_477 = arith.index_cast %scan3A_473 : i32 to index
        %swap3A_478 = arith.constant 16 : index
        %swap3A_479 = tpu.vector_load %arg6[%swap3A_476, %swap3A_477, %swap3A_478] {strides = array<i32>} : memref<10x32x128xf32, #tpu.memory_space<vmem>>, vector<16xf32>,
        tpu.vector_store %arg6[%swap3A_476, %swap3A_477, %swap3A_478], %gather3A {strides = array<i32>} : memref<10x32x128xf32, #tpu.memory_space<vmem>>, vector<16xf32>,
      }
      %scan3A_370 = arith.constant 32 : i32
      %get3A_371 = arith.index_cast %add3A_323 : i32 to index
      %get3A_372 = arith.constant 32 : index
      %get3A_373 = tpu.vector_load %arg5[%get3A_371, %get3A_372] {strides = array<i32>} : memref<50x128xi32, #tpu.memory_space<vmem>>, vector<16xi32>,
      %and3A_374 = arith.constant 3 : i32
      %and3A_375 = vector.broadcast %and3A_374 : i32 to vector<16xi32>
      %and3A_376 = arith.andi %get3A_373, %and3A_375 : vector<16xi32>
      %shift_left3A_377 = arith.constant 5 : i32
      %shift_left3A_378 = vector.broadcast %shift_left3A_377 : i32 to vector<16xi32>
      %shift_left3A_379 = arith.shli %and3A_376, %shift_left3A_378 : vector<16xi32>
      %add3A_380 = arith.constant 32 : i32
      %add3A_381 = vector.broadcast %add3A_380 : i32 to vector<16xi32>
      %add3A_382 = arith.addi %add3A_381, %iota3A : vector<16xi32>
      %scan3A_383 = arith.constant 0 : i32
      %scan3A_384 = arith.constant 32 : i32
      %scan3A_385 = arith.addi %scan3A_383, %scan3A_384 : i32
      %scan3A_386 = arith.constant 1 : i32
      scf.for %scan3A_473 = %scan3A_383 to %scan3A_385 step %scan3A_386  : i32 {
        %add3A_474 = vector.broadcast %scan3A_473 : i32 to vector<16xi32>
        %add3A_475 = arith.addi %shift_left3A_379, %add3A_474 : vector<16xi32>
        %gather3A = tpu.vector_load_idx %arg9[%add3A_382, %add3A_475] : memref<128x128xf32, #tpu.memory_space<vmem>>[vector<16xi32>, vector<16xi32>], vector<16xf32>,
        %swap3A_476 = arith.index_cast %add3A_321 : i32 to index
        %swap3A_477 = arith.index_cast %scan3A_473 : i32 to index
        %swap3A_478 = arith.constant 32 : index
        %swap3A_479 = tpu.vector_load %arg6[%swap3A_476, %swap3A_477, %swap3A_478] {strides = array<i32>} : memref<10x32x128xf32, #tpu.memory_space<vmem>>, vector<16xf32>,
        tpu.vector_store %arg6[%swap3A_476, %swap3A_477, %swap3A_478], %gather3A {strides = array<i32>} : memref<10x32x128xf32, #tpu.memory_space<vmem>>, vector<16xf32>,
      }
      %scan3A_387 = arith.constant 32 : i32
      %get3A_388 = arith.index_cast %add3A_323 : i32 to index
      %get3A_389 = arith.constant 48 : index
      %get3A_390 = tpu.vector_load %arg5[%get3A_388, %get3A_389] {strides = array<i32>} : memref<50x128xi32, #tpu.memory_space<vmem>>, vector<16xi32>,
      %and3A_391 = arith.constant 3 : i32
      %and3A_392 = vector.broadcast %and3A_391 : i32 to vector<16xi32>
      %and3A_393 = arith.andi %get3A_390, %and3A_392 : vector<16xi32>
      %shift_left3A_394 = arith.constant 5 : i32
      %shift_left3A_395 = vector.broadcast %shift_left3A_394 : i32 to vector<16xi32>
      %shift_left3A_396 = arith.shli %and3A_393, %shift_left3A_395 : vector<16xi32>
      %add3A_397 = arith.constant 48 : i32
      %add3A_398 = vector.broadcast %add3A_397 : i32 to vector<16xi32>
      %add3A_399 = arith.addi %add3A_398, %iota3A : vector<16xi32>
      %scan3A_400 = arith.constant 0 : i32
      %scan3A_401 = arith.constant 32 : i32
      %scan3A_402 = arith.addi %scan3A_400, %scan3A_401 : i32
      %scan3A_403 = arith.constant 1 : i32
      scf.for %scan3A_473 = %scan3A_400 to %scan3A_402 step %scan3A_403  : i32 {
        %add3A_474 = vector.broadcast %scan3A_473 : i32 to vector<16xi32>
        %add3A_475 = arith.addi %shift_left3A_396, %add3A_474 : vector<16xi32>
        %gather3A = tpu.vector_load_idx %arg9[%add3A_399, %add3A_475] : memref<128x128xf32, #tpu.memory_space<vmem>>[vector<16xi32>, vector<16xi32>], vector<16xf32>,
        %swap3A_476 = arith.index_cast %add3A_321 : i32 to index
        %swap3A_477 = arith.index_cast %scan3A_473 : i32 to index
        %swap3A_478 = arith.constant 48 : index
        %swap3A_479 = tpu.vector_load %arg6[%swap3A_476, %swap3A_477, %swap3A_478] {strides = array<i32>} : memref<10x32x128xf32, #tpu.memory_space<vmem>>, vector<16xf32>,
        tpu.vector_store %arg6[%swap3A_476, %swap3A_477, %swap3A_478], %gather3A {strides = array<i32>} : memref<10x32x128xf32, #tpu.memory_space<vmem>>, vector<16xf32>,
      }
      %scan3A_404 = arith.constant 32 : i32
      %get3A_405 = arith.index_cast %add3A_323 : i32 to index
      %get3A_406 = arith.constant 64 : index
      %get3A_407 = tpu.vector_load %arg5[%get3A_405, %get3A_406] {strides = array<i32>} : memref<50x128xi32, #tpu.memory_space<vmem>>, vector<16xi32>,
      %and3A_408 = arith.constant 3 : i32
      %and3A_409 = vector.broadcast %and3A_408 : i32 to vector<16xi32>
      %and3A_410 = arith.andi %get3A_407, %and3A_409 : vector<16xi32>
      %shift_left3A_411 = arith.constant 5 : i32
      %shift_left3A_412 = vector.broadcast %shift_left3A_411 : i32 to vector<16xi32>
      %shift_left3A_413 = arith.shli %and3A_410, %shift_left3A_412 : vector<16xi32>
      %add3A_414 = arith.constant 64 : i32
      %add3A_415 = vector.broadcast %add3A_414 : i32 to vector<16xi32>
      %add3A_416 = arith.addi %add3A_415, %iota3A : vector<16xi32>
      %scan3A_417 = arith.constant 0 : i32
      %scan3A_418 = arith.constant 32 : i32
      %scan3A_419 = arith.addi %scan3A_417, %scan3A_418 : i32
      %scan3A_420 = arith.constant 1 : i32
      scf.for %scan3A_473 = %scan3A_417 to %scan3A_419 step %scan3A_420  : i32 {
        %add3A_474 = vector.broadcast %scan3A_473 : i32 to vector<16xi32>
        %add3A_475 = arith.addi %shift_left3A_413, %add3A_474 : vector<16xi32>
        %gather3A = tpu.vector_load_idx %arg9[%add3A_416, %add3A_475] : memref<128x128xf32, #tpu.memory_space<vmem>>[vector<16xi32>, vector<16xi32>], vector<16xf32>,
        %swap3A_476 = arith.index_cast %add3A_321 : i32 to index
        %swap3A_477 = arith.index_cast %scan3A_473 : i32 to index
        %swap3A_478 = arith.constant 64 : index
        %swap3A_479 = tpu.vector_load %arg6[%swap3A_476, %swap3A_477, %swap3A_478] {strides = array<i32>} : memref<10x32x128xf32, #tpu.memory_space<vmem>>, vector<16xf32>,
        tpu.vector_store %arg6[%swap3A_476, %swap3A_477, %swap3A_478], %gather3A {strides = array<i32>} : memref<10x32x128xf32, #tpu.memory_space<vmem>>, vector<16xf32>,
      }
      %scan3A_421 = arith.constant 32 : i32
      %get3A_422 = arith.index_cast %add3A_323 : i32 to index
      %get3A_423 = arith.constant 80 : index
      %get3A_424 = tpu.vector_load %arg5[%get3A_422, %get3A_423] {strides = array<i32>} : memref<50x128xi32, #tpu.memory_space<vmem>>, vector<16xi32>,
      %and3A_425 = arith.constant 3 : i32
      %and3A_426 = vector.broadcast %and3A_425 : i32 to vector<16xi32>
      %and3A_427 = arith.andi %get3A_424, %and3A_426 : vector<16xi32>
      %shift_left3A_428 = arith.constant 5 : i32
      %shift_left3A_429 = vector.broadcast %shift_left3A_428 : i32 to vector<16xi32>
      %shift_left3A_430 = arith.shli %and3A_427, %shift_left3A_429 : vector<16xi32>
      %add3A_431 = arith.constant 80 : i32
      %add3A_432 = vector.broadcast %add3A_431 : i32 to vector<16xi32>
      %add3A_433 = arith.addi %add3A_432, %iota3A : vector<16xi32>
      %scan3A_434 = arith.constant 0 : i32
      %scan3A_435 = arith.constant 32 : i32
      %scan3A_436 = arith.addi %scan3A_434, %scan3A_435 : i32
      %scan3A_437 = arith.constant 1 : i32
      scf.for %scan3A_473 = %scan3A_434 to %scan3A_436 step %scan3A_437  : i32 {
        %add3A_474 = vector.broadcast %scan3A_473 : i32 to vector<16xi32>
        %add3A_475 = arith.addi %shift_left3A_430, %add3A_474 : vector<16xi32>
        %gather3A = tpu.vector_load_idx %arg9[%add3A_433, %add3A_475] : memref<128x128xf32, #tpu.memory_space<vmem>>[vector<16xi32>, vector<16xi32>], vector<16xf32>,
        %swap3A_476 = arith.index_cast %add3A_321 : i32 to index
        %swap3A_477 = arith.index_cast %scan3A_473 : i32 to index
        %swap3A_478 = arith.constant 80 : index
        %swap3A_479 = tpu.vector_load %arg6[%swap3A_476, %swap3A_477, %swap3A_478] {strides = array<i32>} : memref<10x32x128xf32, #tpu.memory_space<vmem>>, vector<16xf32>,
        tpu.vector_store %arg6[%swap3A_476, %swap3A_477, %swap3A_478], %gather3A {strides = array<i32>} : memref<10x32x128xf32, #tpu.memory_space<vmem>>, vector<16xf32>,
      }
      %scan3A_438 = arith.constant 32 : i32
      %get3A_439 = arith.index_cast %add3A_323 : i32 to index
      %get3A_440 = arith.constant 96 : index
      %get3A_441 = tpu.vector_load %arg5[%get3A_439, %get3A_440] {strides = array<i32>} : memref<50x128xi32, #tpu.memory_space<vmem>>, vector<16xi32>,
      %and3A_442 = arith.constant 3 : i32
      %and3A_443 = vector.broadcast %and3A_442 : i32 to vector<16xi32>
      %and3A_444 = arith.andi %get3A_441, %and3A_443 : vector<16xi32>
      %shift_left3A_445 = arith.constant 5 : i32
      %shift_left3A_446 = vector.broadcast %shift_left3A_445 : i32 to vector<16xi32>
      %shift_left3A_447 = arith.shli %and3A_444, %shift_left3A_446 : vector<16xi32>
      %add3A_448 = arith.constant 96 : i32
      %add3A_449 = vector.broadcast %add3A_448 : i32 to vector<16xi32>
      %add3A_450 = arith.addi %add3A_449, %iota3A : vector<16xi32>
      %scan3A_451 = arith.constant 0 : i32
      %scan3A_452 = arith.constant 32 : i32
      %scan3A_453 = arith.addi %scan3A_451, %scan3A_452 : i32
      %scan3A_454 = arith.constant 1 : i32
      scf.for %scan3A_473 = %scan3A_451 to %scan3A_453 step %scan3A_454  : i32 {
        %add3A_474 = vector.broadcast %scan3A_473 : i32 to vector<16xi32>
        %add3A_475 = arith.addi %shift_left3A_447, %add3A_474 : vector<16xi32>
        %gather3A = tpu.vector_load_idx %arg9[%add3A_450, %add3A_475] : memref<128x128xf32, #tpu.memory_space<vmem>>[vector<16xi32>, vector<16xi32>], vector<16xf32>,
        %swap3A_476 = arith.index_cast %add3A_321 : i32 to index
        %swap3A_477 = arith.index_cast %scan3A_473 : i32 to index
        %swap3A_478 = arith.constant 96 : index
        %swap3A_479 = tpu.vector_load %arg6[%swap3A_476, %swap3A_477, %swap3A_478] {strides = array<i32>} : memref<10x32x128xf32, #tpu.memory_space<vmem>>, vector<16xf32>,
        tpu.vector_store %arg6[%swap3A_476, %swap3A_477, %swap3A_478], %gather3A {strides = array<i32>} : memref<10x32x128xf32, #tpu.memory_space<vmem>>, vector<16xf32>,
      }
      %scan3A_455 = arith.constant 32 : i32
      %get3A_456 = arith.index_cast %add3A_323 : i32 to index
      %get3A_457 = arith.constant 112 : index
      %get3A_458 = tpu.vector_load %arg5[%get3A_456, %get3A_457] {strides = array<i32>} : memref<50x128xi32, #tpu.memory_space<vmem>>, vector<16xi32>,
      %and3A_459 = arith.constant 3 : i32
      %and3A_460 = vector.broadcast %and3A_459 : i32 to vector<16xi32>
      %and3A_461 = arith.andi %get3A_458, %and3A_460 : vector<16xi32>
      %shift_left3A_462 = arith.constant 5 : i32
      %shift_left3A_463 = vector.broadcast %shift_left3A_462 : i32 to vector<16xi32>
      %shift_left3A_464 = arith.shli %and3A_461, %shift_left3A_463 : vector<16xi32>
      %add3A_465 = arith.constant 112 : i32
      %add3A_466 = vector.broadcast %add3A_465 : i32 to vector<16xi32>
      %add3A_467 = arith.addi %add3A_466, %iota3A : vector<16xi32>
      %scan3A_468 = arith.constant 0 : i32
      %scan3A_469 = arith.constant 32 : i32
      %scan3A_470 = arith.addi %scan3A_468, %scan3A_469 : i32
      %scan3A_471 = arith.constant 1 : i32
      scf.for %scan3A_473 = %scan3A_468 to %scan3A_470 step %scan3A_471  : i32 {
        %add3A_474 = vector.broadcast %scan3A_473 : i32 to vector<16xi32>
        %add3A_475 = arith.addi %shift_left3A_464, %add3A_474 : vector<16xi32>
        %gather3A = tpu.vector_load_idx %arg9[%add3A_467, %add3A_475] : memref<128x128xf32, #tpu.memory_space<vmem>>[vector<16xi32>, vector<16xi32>], vector<16xf32>,
        %swap3A_476 = arith.index_cast %add3A_321 : i32 to index
        %swap3A_477 = arith.index_cast %scan3A_473 : i32 to index
        %swap3A_478 = arith.constant 112 : index
        %swap3A_479 = tpu.vector_load %arg6[%swap3A_476, %swap3A_477, %swap3A_478] {strides = array<i32>} : memref<10x32x128xf32, #tpu.memory_space<vmem>>, vector<16xf32>,
        tpu.vector_store %arg6[%swap3A_476, %swap3A_477, %swap3A_478], %gather3A {strides = array<i32>} : memref<10x32x128xf32, #tpu.memory_space<vmem>>, vector<16xf32>,
      }
      %scan3A_472 = arith.constant 32 : i32
    }
    %scan3A_77 = arith.constant 5 : i32
    %dma_start3A_78 = arith.constant 0 : i32
    %dma_start3A_79 = arith.constant 0 : i32
    %dma_start3A_80 = tpu.memref_slice %arg4[%dma_start3A_78, %dma_start3A_79, %mul3A_2] : memref<50x32x4096xf32, #tpu.memory_space<hbm>> -> memref<10x32x128xf32, #tpu.memory_space<hbm>>
    %dma_start3A_81 = arith.constant 0 : i32
    %dma_start3A_82 = arith.constant 0 : i32
    %dma_start3A_83 = tpu.memref_slice %arg4[%dma_start3A_81, %dma_start3A_82, %mul3A_2] : memref<50x32x4096xf32, #tpu.memory_space<hbm>> -> memref<10x32x128xf32, #tpu.memory_space<hbm>>
    tpu.enqueue_dma source(%arg6 : memref<10x32x128xf32, #tpu.memory_space<vmem>>) target(%dma_start3A_83 : memref<10x32x128xf32, #tpu.memory_space<hbm>>) target_semaphore(%arg13 : memref<!tpu.dma_semaphore, #tpu.memory_space<semaphore_mem>>)
    %scan3A_84 = arith.constant 0 : i32
    %scan3A_85 = arith.constant 5 : i32
    %scan3A_86 = arith.addi %scan3A_84, %scan3A_85 : i32
    %scan3A_87 = arith.constant 1 : i32
    scf.for %scan3A_167 = %scan3A_84 to %scan3A_86 step %scan3A_87  : i32 {
      %mul3A_168 = arith.constant 2 : i32
      %mul3A_169 = arith.muli %mul3A_168, %scan3A_167 : i32
      %add3A_170 = arith.constant 0 : i32
      %add3A_171 = arith.addi %mul3A_169, %add3A_170 : i32
      %add3A_172 = arith.constant 10 : i32
      %add3A_173 = arith.addi %add3A_172, %add3A_171 : i32
      %add3A_174 = arith.constant 1 : i32
      %add3A_175 = arith.addi %add3A_173, %add3A_174 : i32
      %lt3A = arith.constant 50 : i32
      %lt3A_176 = arith.cmpi slt, %add3A_175, %lt3A : i32
      %convert_element_type3A = arith.extui %lt3A_176 : i1 to i32
      %cond3A = arith.constant 0 : i32
      %cond3A_177 = arith.cmpi ne, %convert_element_type3A, %cond3A : i32
      scf.if %cond3A_177 {
        %add3A_473 = arith.constant 1 : i32
        %add3A_474 = arith.addi %add3A_173, %add3A_473 : i32
        %get3A_475 = arith.index_cast %add3A_474 : i32 to index
        %get3A_476 = arith.constant 0 : index
        %get3A_477 = tpu.vector_load %arg5[%get3A_475, %get3A_476] {strides = array<i32>} : memref<50x128xi32, #tpu.memory_space<vmem>>, vector<16xi32>,
        %shift_right_logical3A_478 = arith.constant 2 : i32
        %shift_right_logical3A_479 = vector.broadcast %shift_right_logical3A_478 : i32 to vector<16xi32>
        %shift_right_logical3A_480 = arith.shrui %get3A_477, %shift_right_logical3A_479 : vector<16xi32>
        %swap3A_481 = arith.constant 0 : index
        %swap3A_482 = tpu.vector_load %arg11[%swap3A_481] {strides = array<i32>} : memref<128xi32, #tpu.memory_space<vmem>>, vector<16xi32>,
        tpu.vector_store %arg11[%swap3A_481], %shift_right_logical3A_480 {strides = array<i32>} : memref<128xi32, #tpu.memory_space<vmem>>, vector<16xi32>,
        %get3A_483 = arith.index_cast %add3A_474 : i32 to index
        %get3A_484 = arith.constant 16 : index
        %get3A_485 = tpu.vector_load %arg5[%get3A_483, %get3A_484] {strides = array<i32>} : memref<50x128xi32, #tpu.memory_space<vmem>>, vector<16xi32>,
        %shift_right_logical3A_486 = arith.constant 2 : i32
        %shift_right_logical3A_487 = vector.broadcast %shift_right_logical3A_486 : i32 to vector<16xi32>
        %shift_right_logical3A_488 = arith.shrui %get3A_485, %shift_right_logical3A_487 : vector<16xi32>
        %swap3A_489 = arith.constant 16 : index
        %swap3A_490 = tpu.vector_load %arg11[%swap3A_489] {strides = array<i32>} : memref<128xi32, #tpu.memory_space<vmem>>, vector<16xi32>,
        tpu.vector_store %arg11[%swap3A_489], %shift_right_logical3A_488 {strides = array<i32>} : memref<128xi32, #tpu.memory_space<vmem>>, vector<16xi32>,
        %get3A_491 = arith.index_cast %add3A_474 : i32 to index
        %get3A_492 = arith.constant 32 : index
        %get3A_493 = tpu.vector_load %arg5[%get3A_491, %get3A_492] {strides = array<i32>} : memref<50x128xi32, #tpu.memory_space<vmem>>, vector<16xi32>,
        %shift_right_logical3A_494 = arith.constant 2 : i32
        %shift_right_logical3A_495 = vector.broadcast %shift_right_logical3A_494 : i32 to vector<16xi32>
        %shift_right_logical3A_496 = arith.shrui %get3A_493, %shift_right_logical3A_495 : vector<16xi32>
        %swap3A_497 = arith.constant 32 : index
        %swap3A_498 = tpu.vector_load %arg11[%swap3A_497] {strides = array<i32>} : memref<128xi32, #tpu.memory_space<vmem>>, vector<16xi32>,
        tpu.vector_store %arg11[%swap3A_497], %shift_right_logical3A_496 {strides = array<i32>} : memref<128xi32, #tpu.memory_space<vmem>>, vector<16xi32>,
        %get3A_499 = arith.index_cast %add3A_474 : i32 to index
        %get3A_500 = arith.constant 48 : index
        %get3A_501 = tpu.vector_load %arg5[%get3A_499, %get3A_500] {strides = array<i32>} : memref<50x128xi32, #tpu.memory_space<vmem>>, vector<16xi32>,
        %shift_right_logical3A_502 = arith.constant 2 : i32
        %shift_right_logical3A_503 = vector.broadcast %shift_right_logical3A_502 : i32 to vector<16xi32>
        %shift_right_logical3A_504 = arith.shrui %get3A_501, %shift_right_logical3A_503 : vector<16xi32>
        %swap3A_505 = arith.constant 48 : index
        %swap3A_506 = tpu.vector_load %arg11[%swap3A_505] {strides = array<i32>} : memref<128xi32, #tpu.memory_space<vmem>>, vector<16xi32>,
        tpu.vector_store %arg11[%swap3A_505], %shift_right_logical3A_504 {strides = array<i32>} : memref<128xi32, #tpu.memory_space<vmem>>, vector<16xi32>,
        %get3A_507 = arith.index_cast %add3A_474 : i32 to index
        %get3A_508 = arith.constant 64 : index
        %get3A_509 = tpu.vector_load %arg5[%get3A_507, %get3A_508] {strides = array<i32>} : memref<50x128xi32, #tpu.memory_space<vmem>>, vector<16xi32>,
        %shift_right_logical3A_510 = arith.constant 2 : i32
        %shift_right_logical3A_511 = vector.broadcast %shift_right_logical3A_510 : i32 to vector<16xi32>
        %shift_right_logical3A_512 = arith.shrui %get3A_509, %shift_right_logical3A_511 : vector<16xi32>
        %swap3A_513 = arith.constant 64 : index
        %swap3A_514 = tpu.vector_load %arg11[%swap3A_513] {strides = array<i32>} : memref<128xi32, #tpu.memory_space<vmem>>, vector<16xi32>,
        tpu.vector_store %arg11[%swap3A_513], %shift_right_logical3A_512 {strides = array<i32>} : memref<128xi32, #tpu.memory_space<vmem>>, vector<16xi32>,
        %get3A_515 = arith.index_cast %add3A_474 : i32 to index
        %get3A_516 = arith.constant 80 : index
        %get3A_517 = tpu.vector_load %arg5[%get3A_515, %get3A_516] {strides = array<i32>} : memref<50x128xi32, #tpu.memory_space<vmem>>, vector<16xi32>,
        %shift_right_logical3A_518 = arith.constant 2 : i32
        %shift_right_logical3A_519 = vector.broadcast %shift_right_logical3A_518 : i32 to vector<16xi32>
        %shift_right_logical3A_520 = arith.shrui %get3A_517, %shift_right_logical3A_519 : vector<16xi32>
        %swap3A_521 = arith.constant 80 : index
        %swap3A_522 = tpu.vector_load %arg11[%swap3A_521] {strides = array<i32>} : memref<128xi32, #tpu.memory_space<vmem>>, vector<16xi32>,
        tpu.vector_store %arg11[%swap3A_521], %shift_right_logical3A_520 {strides = array<i32>} : memref<128xi32, #tpu.memory_space<vmem>>, vector<16xi32>,
        %get3A_523 = arith.index_cast %add3A_474 : i32 to index
        %get3A_524 = arith.constant 96 : index
        %get3A_525 = tpu.vector_load %arg5[%get3A_523, %get3A_524] {strides = array<i32>} : memref<50x128xi32, #tpu.memory_space<vmem>>, vector<16xi32>,
        %shift_right_logical3A_526 = arith.constant 2 : i32
        %shift_right_logical3A_527 = vector.broadcast %shift_right_logical3A_526 : i32 to vector<16xi32>
        %shift_right_logical3A_528 = arith.shrui %get3A_525, %shift_right_logical3A_527 : vector<16xi32>
        %swap3A_529 = arith.constant 96 : index
        %swap3A_530 = tpu.vector_load %arg11[%swap3A_529] {strides = array<i32>} : memref<128xi32, #tpu.memory_space<vmem>>, vector<16xi32>,
        tpu.vector_store %arg11[%swap3A_529], %shift_right_logical3A_528 {strides = array<i32>} : memref<128xi32, #tpu.memory_space<vmem>>, vector<16xi32>,
        %get3A_531 = arith.index_cast %add3A_474 : i32 to index
        %get3A_532 = arith.constant 112 : index
        %get3A_533 = tpu.vector_load %arg5[%get3A_531, %get3A_532] {strides = array<i32>} : memref<50x128xi32, #tpu.memory_space<vmem>>, vector<16xi32>,
        %shift_right_logical3A_534 = arith.constant 2 : i32
        %shift_right_logical3A_535 = vector.broadcast %shift_right_logical3A_534 : i32 to vector<16xi32>
        %shift_right_logical3A_536 = arith.shrui %get3A_533, %shift_right_logical3A_535 : vector<16xi32>
        %swap3A_537 = arith.constant 112 : index
        %swap3A_538 = tpu.vector_load %arg11[%swap3A_537] {strides = array<i32>} : memref<128xi32, #tpu.memory_space<vmem>>, vector<16xi32>,
        tpu.vector_store %arg11[%swap3A_537], %shift_right_logical3A_536 {strides = array<i32>} : memref<128xi32, #tpu.memory_space<vmem>>, vector<16xi32>,
        %dma_start3A_539 = arith.constant 0 : i32
        %dma_start3A_540 = arith.constant 0 : i32
        %dma_start3A_541 = tpu.memref_slice %arg3[%dma_start3A_539, %dma_start3A_540] : memref<250000x128xf32, #tpu.memory_space<hbm>> -> memref<250000x128xf32, #tpu.memory_space<hbm>>
        tpu.enqueue_indirect_dma source(%dma_start3A_541 : memref<250000x128xf32, #tpu.memory_space<hbm>>) target(%arg9 : memref<128x128xf32, #tpu.memory_space<vmem>>) offsets(%arg11 : memref<128xi32, #tpu.memory_space<vmem>>) semaphore(%arg12 : memref<!tpu.dma_semaphore, #tpu.memory_space<semaphore_mem>>)
      } else {
      }
      %dma_wait3A_178 = arith.constant 0 : i32
      %dma_wait3A_179 = arith.constant 0 : i32
      %dma_wait3A_180 = tpu.memref_slice %arg3[%dma_wait3A_178, %dma_wait3A_179] : memref<250000x128xf32, #tpu.memory_space<hbm>> -> memref<128x128xf32, #tpu.memory_space<hbm>>
      %dma_wait3A_181 = arith.constant 0 : i32
      %dma_wait3A_182 = arith.constant 0 : i32
      %dma_wait3A_183 = tpu.memref_slice %arg3[%dma_wait3A_181, %dma_wait3A_182] : memref<250000x128xf32, #tpu.memory_space<hbm>> -> memref<128x128xf32, #tpu.memory_space<hbm>>
      tpu.wait_dma2 semaphore(%arg12 : memref<!tpu.dma_semaphore, #tpu.memory_space<semaphore_mem>>) src(%dma_wait3A_183 : memref<128x128xf32, #tpu.memory_space<hbm>>) dst(%arg8 : memref<128x128xf32, #tpu.memory_space<vmem>>)
      %get3A_184 = arith.index_cast %add3A_173 : i32 to index
      %get3A_185 = arith.constant 0 : index
      %get3A_186 = tpu.vector_load %arg5[%get3A_184, %get3A_185] {strides = array<i32>} : memref<50x128xi32, #tpu.memory_space<vmem>>, vector<16xi32>,
      %and3A = arith.constant 3 : i32
      %and3A_187 = vector.broadcast %and3A : i32 to vector<16xi32>
      %and3A_188 = arith.andi %get3A_186, %and3A_187 : vector<16xi32>
      %shift_left3A = arith.constant 5 : i32
      %shift_left3A_189 = vector.broadcast %shift_left3A : i32 to vector<16xi32>
      %shift_left3A_190 = arith.shli %and3A_188, %shift_left3A_189 : vector<16xi32>
      %add3A_191 = arith.constant 0 : i32
      %add3A_192 = vector.broadcast %add3A_191 : i32 to vector<16xi32>
      %add3A_193 = arith.addi %add3A_192, %iota3A : vector<16xi32>
      %scan3A_194 = arith.constant 0 : i32
      %scan3A_195 = arith.constant 32 : i32
      %scan3A_196 = arith.addi %scan3A_194, %scan3A_195 : i32
      %scan3A_197 = arith.constant 1 : i32
      scf.for %scan3A_473 = %scan3A_194 to %scan3A_196 step %scan3A_197  : i32 {
        %add3A_474 = vector.broadcast %scan3A_473 : i32 to vector<16xi32>
        %add3A_475 = arith.addi %shift_left3A_190, %add3A_474 : vector<16xi32>
        %gather3A = tpu.vector_load_idx %arg8[%add3A_193, %add3A_475] : memref<128x128xf32, #tpu.memory_space<vmem>>[vector<16xi32>, vector<16xi32>], vector<16xf32>,
        %swap3A_476 = arith.index_cast %add3A_171 : i32 to index
        %swap3A_477 = arith.index_cast %scan3A_473 : i32 to index
        %swap3A_478 = arith.constant 0 : index
        %swap3A_479 = tpu.vector_load %arg7[%swap3A_476, %swap3A_477, %swap3A_478] {strides = array<i32>} : memref<10x32x128xf32, #tpu.memory_space<vmem>>, vector<16xf32>,
        tpu.vector_store %arg7[%swap3A_476, %swap3A_477, %swap3A_478], %gather3A {strides = array<i32>} : memref<10x32x128xf32, #tpu.memory_space<vmem>>, vector<16xf32>,
      }
      %scan3A_198 = arith.constant 32 : i32
      %get3A_199 = arith.index_cast %add3A_173 : i32 to index
      %get3A_200 = arith.constant 16 : index
      %get3A_201 = tpu.vector_load %arg5[%get3A_199, %get3A_200] {strides = array<i32>} : memref<50x128xi32, #tpu.memory_space<vmem>>, vector<16xi32>,
      %and3A_202 = arith.constant 3 : i32
      %and3A_203 = vector.broadcast %and3A_202 : i32 to vector<16xi32>
      %and3A_204 = arith.andi %get3A_201, %and3A_203 : vector<16xi32>
      %shift_left3A_205 = arith.constant 5 : i32
      %shift_left3A_206 = vector.broadcast %shift_left3A_205 : i32 to vector<16xi32>
      %shift_left3A_207 = arith.shli %and3A_204, %shift_left3A_206 : vector<16xi32>
      %add3A_208 = arith.constant 16 : i32
      %add3A_209 = vector.broadcast %add3A_208 : i32 to vector<16xi32>
      %add3A_210 = arith.addi %add3A_209, %iota3A : vector<16xi32>
      %scan3A_211 = arith.constant 0 : i32
      %scan3A_212 = arith.constant 32 : i32
      %scan3A_213 = arith.addi %scan3A_211, %scan3A_212 : i32
      %scan3A_214 = arith.constant 1 : i32
      scf.for %scan3A_473 = %scan3A_211 to %scan3A_213 step %scan3A_214  : i32 {
        %add3A_474 = vector.broadcast %scan3A_473 : i32 to vector<16xi32>
        %add3A_475 = arith.addi %shift_left3A_207, %add3A_474 : vector<16xi32>
        %gather3A = tpu.vector_load_idx %arg8[%add3A_210, %add3A_475] : memref<128x128xf32, #tpu.memory_space<vmem>>[vector<16xi32>, vector<16xi32>], vector<16xf32>,
        %swap3A_476 = arith.index_cast %add3A_171 : i32 to index
        %swap3A_477 = arith.index_cast %scan3A_473 : i32 to index
        %swap3A_478 = arith.constant 16 : index
        %swap3A_479 = tpu.vector_load %arg7[%swap3A_476, %swap3A_477, %swap3A_478] {strides = array<i32>} : memref<10x32x128xf32, #tpu.memory_space<vmem>>, vector<16xf32>,
        tpu.vector_store %arg7[%swap3A_476, %swap3A_477, %swap3A_478], %gather3A {strides = array<i32>} : memref<10x32x128xf32, #tpu.memory_space<vmem>>, vector<16xf32>,
      }
      %scan3A_215 = arith.constant 32 : i32
      %get3A_216 = arith.index_cast %add3A_173 : i32 to index
      %get3A_217 = arith.constant 32 : index
      %get3A_218 = tpu.vector_load %arg5[%get3A_216, %get3A_217] {strides = array<i32>} : memref<50x128xi32, #tpu.memory_space<vmem>>, vector<16xi32>,
      %and3A_219 = arith.constant 3 : i32
      %and3A_220 = vector.broadcast %and3A_219 : i32 to vector<16xi32>
      %and3A_221 = arith.andi %get3A_218, %and3A_220 : vector<16xi32>
      %shift_left3A_222 = arith.constant 5 : i32
      %shift_left3A_223 = vector.broadcast %shift_left3A_222 : i32 to vector<16xi32>
      %shift_left3A_224 = arith.shli %and3A_221, %shift_left3A_223 : vector<16xi32>
      %add3A_225 = arith.constant 32 : i32
      %add3A_226 = vector.broadcast %add3A_225 : i32 to vector<16xi32>
      %add3A_227 = arith.addi %add3A_226, %iota3A : vector<16xi32>
      %scan3A_228 = arith.constant 0 : i32
      %scan3A_229 = arith.constant 32 : i32
      %scan3A_230 = arith.addi %scan3A_228, %scan3A_229 : i32
      %scan3A_231 = arith.constant 1 : i32
      scf.for %scan3A_473 = %scan3A_228 to %scan3A_230 step %scan3A_231  : i32 {
        %add3A_474 = vector.broadcast %scan3A_473 : i32 to vector<16xi32>
        %add3A_475 = arith.addi %shift_left3A_224, %add3A_474 : vector<16xi32>
        %gather3A = tpu.vector_load_idx %arg8[%add3A_227, %add3A_475] : memref<128x128xf32, #tpu.memory_space<vmem>>[vector<16xi32>, vector<16xi32>], vector<16xf32>,
        %swap3A_476 = arith.index_cast %add3A_171 : i32 to index
        %swap3A_477 = arith.index_cast %scan3A_473 : i32 to index
        %swap3A_478 = arith.constant 32 : index
        %swap3A_479 = tpu.vector_load %arg7[%swap3A_476, %swap3A_477, %swap3A_478] {strides = array<i32>} : memref<10x32x128xf32, #tpu.memory_space<vmem>>, vector<16xf32>,
        tpu.vector_store %arg7[%swap3A_476, %swap3A_477, %swap3A_478], %gather3A {strides = array<i32>} : memref<10x32x128xf32, #tpu.memory_space<vmem>>, vector<16xf32>,
      }
      %scan3A_232 = arith.constant 32 : i32
      %get3A_233 = arith.index_cast %add3A_173 : i32 to index
      %get3A_234 = arith.constant 48 : index
      %get3A_235 = tpu.vector_load %arg5[%get3A_233, %get3A_234] {strides = array<i32>} : memref<50x128xi32, #tpu.memory_space<vmem>>, vector<16xi32>,
      %and3A_236 = arith.constant 3 : i32
      %and3A_237 = vector.broadcast %and3A_236 : i32 to vector<16xi32>
      %and3A_238 = arith.andi %get3A_235, %and3A_237 : vector<16xi32>
      %shift_left3A_239 = arith.constant 5 : i32
      %shift_left3A_240 = vector.broadcast %shift_left3A_239 : i32 to vector<16xi32>
      %shift_left3A_241 = arith.shli %and3A_238, %shift_left3A_240 : vector<16xi32>
      %add3A_242 = arith.constant 48 : i32
      %add3A_243 = vector.broadcast %add3A_242 : i32 to vector<16xi32>
      %add3A_244 = arith.addi %add3A_243, %iota3A : vector<16xi32>
      %scan3A_245 = arith.constant 0 : i32
      %scan3A_246 = arith.constant 32 : i32
      %scan3A_247 = arith.addi %scan3A_245, %scan3A_246 : i32
      %scan3A_248 = arith.constant 1 : i32
      scf.for %scan3A_473 = %scan3A_245 to %scan3A_247 step %scan3A_248  : i32 {
        %add3A_474 = vector.broadcast %scan3A_473 : i32 to vector<16xi32>
        %add3A_475 = arith.addi %shift_left3A_241, %add3A_474 : vector<16xi32>
        %gather3A = tpu.vector_load_idx %arg8[%add3A_244, %add3A_475] : memref<128x128xf32, #tpu.memory_space<vmem>>[vector<16xi32>, vector<16xi32>], vector<16xf32>,
        %swap3A_476 = arith.index_cast %add3A_171 : i32 to index
        %swap3A_477 = arith.index_cast %scan3A_473 : i32 to index
        %swap3A_478 = arith.constant 48 : index
        %swap3A_479 = tpu.vector_load %arg7[%swap3A_476, %swap3A_477, %swap3A_478] {strides = array<i32>} : memref<10x32x128xf32, #tpu.memory_space<vmem>>, vector<16xf32>,
        tpu.vector_store %arg7[%swap3A_476, %swap3A_477, %swap3A_478], %gather3A {strides = array<i32>} : memref<10x32x128xf32, #tpu.memory_space<vmem>>, vector<16xf32>,
      }
      %scan3A_249 = arith.constant 32 : i32
      %get3A_250 = arith.index_cast %add3A_173 : i32 to index
      %get3A_251 = arith.constant 64 : index
      %get3A_252 = tpu.vector_load %arg5[%get3A_250, %get3A_251] {strides = array<i32>} : memref<50x128xi32, #tpu.memory_space<vmem>>, vector<16xi32>,
      %and3A_253 = arith.constant 3 : i32
      %and3A_254 = vector.broadcast %and3A_253 : i32 to vector<16xi32>
      %and3A_255 = arith.andi %get3A_252, %and3A_254 : vector<16xi32>
      %shift_left3A_256 = arith.constant 5 : i32
      %shift_left3A_257 = vector.broadcast %shift_left3A_256 : i32 to vector<16xi32>
      %shift_left3A_258 = arith.shli %and3A_255, %shift_left3A_257 : vector<16xi32>
      %add3A_259 = arith.constant 64 : i32
      %add3A_260 = vector.broadcast %add3A_259 : i32 to vector<16xi32>
      %add3A_261 = arith.addi %add3A_260, %iota3A : vector<16xi32>
      %scan3A_262 = arith.constant 0 : i32
      %scan3A_263 = arith.constant 32 : i32
      %scan3A_264 = arith.addi %scan3A_262, %scan3A_263 : i32
      %scan3A_265 = arith.constant 1 : i32
      scf.for %scan3A_473 = %scan3A_262 to %scan3A_264 step %scan3A_265  : i32 {
        %add3A_474 = vector.broadcast %scan3A_473 : i32 to vector<16xi32>
        %add3A_475 = arith.addi %shift_left3A_258, %add3A_474 : vector<16xi32>
        %gather3A = tpu.vector_load_idx %arg8[%add3A_261, %add3A_475] : memref<128x128xf32, #tpu.memory_space<vmem>>[vector<16xi32>, vector<16xi32>], vector<16xf32>,
        %swap3A_476 = arith.index_cast %add3A_171 : i32 to index
        %swap3A_477 = arith.index_cast %scan3A_473 : i32 to index
        %swap3A_478 = arith.constant 64 : index
        %swap3A_479 = tpu.vector_load %arg7[%swap3A_476, %swap3A_477, %swap3A_478] {strides = array<i32>} : memref<10x32x128xf32, #tpu.memory_space<vmem>>, vector<16xf32>,
        tpu.vector_store %arg7[%swap3A_476, %swap3A_477, %swap3A_478], %gather3A {strides = array<i32>} : memref<10x32x128xf32, #tpu.memory_space<vmem>>, vector<16xf32>,
      }
      %scan3A_266 = arith.constant 32 : i32
      %get3A_267 = arith.index_cast %add3A_173 : i32 to index
      %get3A_268 = arith.constant 80 : index
      %get3A_269 = tpu.vector_load %arg5[%get3A_267, %get3A_268] {strides = array<i32>} : memref<50x128xi32, #tpu.memory_space<vmem>>, vector<16xi32>,
      %and3A_270 = arith.constant 3 : i32
      %and3A_271 = vector.broadcast %and3A_270 : i32 to vector<16xi32>
      %and3A_272 = arith.andi %get3A_269, %and3A_271 : vector<16xi32>
      %shift_left3A_273 = arith.constant 5 : i32
      %shift_left3A_274 = vector.broadcast %shift_left3A_273 : i32 to vector<16xi32>
      %shift_left3A_275 = arith.shli %and3A_272, %shift_left3A_274 : vector<16xi32>
      %add3A_276 = arith.constant 80 : i32
      %add3A_277 = vector.broadcast %add3A_276 : i32 to vector<16xi32>
      %add3A_278 = arith.addi %add3A_277, %iota3A : vector<16xi32>
      %scan3A_279 = arith.constant 0 : i32
      %scan3A_280 = arith.constant 32 : i32
      %scan3A_281 = arith.addi %scan3A_279, %scan3A_280 : i32
      %scan3A_282 = arith.constant 1 : i32
      scf.for %scan3A_473 = %scan3A_279 to %scan3A_281 step %scan3A_282  : i32 {
        %add3A_474 = vector.broadcast %scan3A_473 : i32 to vector<16xi32>
        %add3A_475 = arith.addi %shift_left3A_275, %add3A_474 : vector<16xi32>
        %gather3A = tpu.vector_load_idx %arg8[%add3A_278, %add3A_475] : memref<128x128xf32, #tpu.memory_space<vmem>>[vector<16xi32>, vector<16xi32>], vector<16xf32>,
        %swap3A_476 = arith.index_cast %add3A_171 : i32 to index
        %swap3A_477 = arith.index_cast %scan3A_473 : i32 to index
        %swap3A_478 = arith.constant 80 : index
        %swap3A_479 = tpu.vector_load %arg7[%swap3A_476, %swap3A_477, %swap3A_478] {strides = array<i32>} : memref<10x32x128xf32, #tpu.memory_space<vmem>>, vector<16xf32>,
        tpu.vector_store %arg7[%swap3A_476, %swap3A_477, %swap3A_478], %gather3A {strides = array<i32>} : memref<10x32x128xf32, #tpu.memory_space<vmem>>, vector<16xf32>,
      }
      %scan3A_283 = arith.constant 32 : i32
      %get3A_284 = arith.index_cast %add3A_173 : i32 to index
      %get3A_285 = arith.constant 96 : index
      %get3A_286 = tpu.vector_load %arg5[%get3A_284, %get3A_285] {strides = array<i32>} : memref<50x128xi32, #tpu.memory_space<vmem>>, vector<16xi32>,
      %and3A_287 = arith.constant 3 : i32
      %and3A_288 = vector.broadcast %and3A_287 : i32 to vector<16xi32>
      %and3A_289 = arith.andi %get3A_286, %and3A_288 : vector<16xi32>
      %shift_left3A_290 = arith.constant 5 : i32
      %shift_left3A_291 = vector.broadcast %shift_left3A_290 : i32 to vector<16xi32>
      %shift_left3A_292 = arith.shli %and3A_289, %shift_left3A_291 : vector<16xi32>
      %add3A_293 = arith.constant 96 : i32
      %add3A_294 = vector.broadcast %add3A_293 : i32 to vector<16xi32>
      %add3A_295 = arith.addi %add3A_294, %iota3A : vector<16xi32>
      %scan3A_296 = arith.constant 0 : i32
      %scan3A_297 = arith.constant 32 : i32
      %scan3A_298 = arith.addi %scan3A_296, %scan3A_297 : i32
      %scan3A_299 = arith.constant 1 : i32
      scf.for %scan3A_473 = %scan3A_296 to %scan3A_298 step %scan3A_299  : i32 {
        %add3A_474 = vector.broadcast %scan3A_473 : i32 to vector<16xi32>
        %add3A_475 = arith.addi %shift_left3A_292, %add3A_474 : vector<16xi32>
        %gather3A = tpu.vector_load_idx %arg8[%add3A_295, %add3A_475] : memref<128x128xf32, #tpu.memory_space<vmem>>[vector<16xi32>, vector<16xi32>], vector<16xf32>,
        %swap3A_476 = arith.index_cast %add3A_171 : i32 to index
        %swap3A_477 = arith.index_cast %scan3A_473 : i32 to index
        %swap3A_478 = arith.constant 96 : index
        %swap3A_479 = tpu.vector_load %arg7[%swap3A_476, %swap3A_477, %swap3A_478] {strides = array<i32>} : memref<10x32x128xf32, #tpu.memory_space<vmem>>, vector<16xf32>,
        tpu.vector_store %arg7[%swap3A_476, %swap3A_477, %swap3A_478], %gather3A {strides = array<i32>} : memref<10x32x128xf32, #tpu.memory_space<vmem>>, vector<16xf32>,
      }
      %scan3A_300 = arith.constant 32 : i32
      %get3A_301 = arith.index_cast %add3A_173 : i32 to index
      %get3A_302 = arith.constant 112 : index
      %get3A_303 = tpu.vector_load %arg5[%get3A_301, %get3A_302] {strides = array<i32>} : memref<50x128xi32, #tpu.memory_space<vmem>>, vector<16xi32>,
      %and3A_304 = arith.constant 3 : i32
      %and3A_305 = vector.broadcast %and3A_304 : i32 to vector<16xi32>
      %and3A_306 = arith.andi %get3A_303, %and3A_305 : vector<16xi32>
      %shift_left3A_307 = arith.constant 5 : i32
      %shift_left3A_308 = vector.broadcast %shift_left3A_307 : i32 to vector<16xi32>
      %shift_left3A_309 = arith.shli %and3A_306, %shift_left3A_308 : vector<16xi32>
      %add3A_310 = arith.constant 112 : i32
      %add3A_311 = vector.broadcast %add3A_310 : i32 to vector<16xi32>
      %add3A_312 = arith.addi %add3A_311, %iota3A : vector<16xi32>
      %scan3A_313 = arith.constant 0 : i32
      %scan3A_314 = arith.constant 32 : i32
      %scan3A_315 = arith.addi %scan3A_313, %scan3A_314 : i32
      %scan3A_316 = arith.constant 1 : i32
      scf.for %scan3A_473 = %scan3A_313 to %scan3A_315 step %scan3A_316  : i32 {
        %add3A_474 = vector.broadcast %scan3A_473 : i32 to vector<16xi32>
        %add3A_475 = arith.addi %shift_left3A_309, %add3A_474 : vector<16xi32>
        %gather3A = tpu.vector_load_idx %arg8[%add3A_312, %add3A_475] : memref<128x128xf32, #tpu.memory_space<vmem>>[vector<16xi32>, vector<16xi32>], vector<16xf32>,
        %swap3A_476 = arith.index_cast %add3A_171 : i32 to index
        %swap3A_477 = arith.index_cast %scan3A_473 : i32 to index
        %swap3A_478 = arith.constant 112 : index
        %swap3A_479 = tpu.vector_load %arg7[%swap3A_476, %swap3A_477, %swap3A_478] {strides = array<i32>} : memref<10x32x128xf32, #tpu.memory_space<vmem>>, vector<16xf32>,
        tpu.vector_store %arg7[%swap3A_476, %swap3A_477, %swap3A_478], %gather3A {strides = array<i32>} : memref<10x32x128xf32, #tpu.memory_space<vmem>>, vector<16xf32>,
      }
      %scan3A_317 = arith.constant 32 : i32
      %mul3A_318 = arith.constant 2 : i32
      %mul3A_319 = arith.muli %mul3A_318, %scan3A_167 : i32
      %add3A_320 = arith.constant 1 : i32
      %add3A_321 = arith.addi %mul3A_319, %add3A_320 : i32
      %add3A_322 = arith.constant 10 : i32
      %add3A_323 = arith.addi %add3A_322, %add3A_321 : i32
      %add3A_324 = arith.constant 1 : i32
      %add3A_325 = arith.addi %add3A_323, %add3A_324 : i32
      %lt3A_326 = arith.constant 50 : i32
      %lt3A_327 = arith.cmpi slt, %add3A_325, %lt3A_326 : i32
      %convert_element_type3A_328 = arith.extui %lt3A_327 : i1 to i32
      %cond3A_329 = arith.constant 0 : i32
      %cond3A_330 = arith.cmpi ne, %convert_element_type3A_328, %cond3A_329 : i32
      scf.if %cond3A_330 {
        %add3A_473 = arith.constant 1 : i32
        %add3A_474 = arith.addi %add3A_323, %add3A_473 : i32
        %get3A_475 = arith.index_cast %add3A_474 : i32 to index
        %get3A_476 = arith.constant 0 : index
        %get3A_477 = tpu.vector_load %arg5[%get3A_475, %get3A_476] {strides = array<i32>} : memref<50x128xi32, #tpu.memory_space<vmem>>, vector<16xi32>,
        %shift_right_logical3A_478 = arith.constant 2 : i32
        %shift_right_logical3A_479 = vector.broadcast %shift_right_logical3A_478 : i32 to vector<16xi32>
        %shift_right_logical3A_480 = arith.shrui %get3A_477, %shift_right_logical3A_479 : vector<16xi32>
        %swap3A_481 = arith.constant 0 : index
        %swap3A_482 = tpu.vector_load %arg10[%swap3A_481] {strides = array<i32>} : memref<128xi32, #tpu.memory_space<vmem>>, vector<16xi32>,
        tpu.vector_store %arg10[%swap3A_481], %shift_right_logical3A_480 {strides = array<i32>} : memref<128xi32, #tpu.memory_space<vmem>>, vector<16xi32>,
        %get3A_483 = arith.index_cast %add3A_474 : i32 to index
        %get3A_484 = arith.constant 16 : index
        %get3A_485 = tpu.vector_load %arg5[%get3A_483, %get3A_484] {strides = array<i32>} : memref<50x128xi32, #tpu.memory_space<vmem>>, vector<16xi32>,
        %shift_right_logical3A_486 = arith.constant 2 : i32
        %shift_right_logical3A_487 = vector.broadcast %shift_right_logical3A_486 : i32 to vector<16xi32>
        %shift_right_logical3A_488 = arith.shrui %get3A_485, %shift_right_logical3A_487 : vector<16xi32>
        %swap3A_489 = arith.constant 16 : index
        %swap3A_490 = tpu.vector_load %arg10[%swap3A_489] {strides = array<i32>} : memref<128xi32, #tpu.memory_space<vmem>>, vector<16xi32>,
        tpu.vector_store %arg10[%swap3A_489], %shift_right_logical3A_488 {strides = array<i32>} : memref<128xi32, #tpu.memory_space<vmem>>, vector<16xi32>,
        %get3A_491 = arith.index_cast %add3A_474 : i32 to index
        %get3A_492 = arith.constant 32 : index
        %get3A_493 = tpu.vector_load %arg5[%get3A_491, %get3A_492] {strides = array<i32>} : memref<50x128xi32, #tpu.memory_space<vmem>>, vector<16xi32>,
        %shift_right_logical3A_494 = arith.constant 2 : i32
        %shift_right_logical3A_495 = vector.broadcast %shift_right_logical3A_494 : i32 to vector<16xi32>
        %shift_right_logical3A_496 = arith.shrui %get3A_493, %shift_right_logical3A_495 : vector<16xi32>
        %swap3A_497 = arith.constant 32 : index
        %swap3A_498 = tpu.vector_load %arg10[%swap3A_497] {strides = array<i32>} : memref<128xi32, #tpu.memory_space<vmem>>, vector<16xi32>,
        tpu.vector_store %arg10[%swap3A_497], %shift_right_logical3A_496 {strides = array<i32>} : memref<128xi32, #tpu.memory_space<vmem>>, vector<16xi32>,
        %get3A_499 = arith.index_cast %add3A_474 : i32 to index
        %get3A_500 = arith.constant 48 : index
        %get3A_501 = tpu.vector_load %arg5[%get3A_499, %get3A_500] {strides = array<i32>} : memref<50x128xi32, #tpu.memory_space<vmem>>, vector<16xi32>,
        %shift_right_logical3A_502 = arith.constant 2 : i32
        %shift_right_logical3A_503 = vector.broadcast %shift_right_logical3A_502 : i32 to vector<16xi32>
        %shift_right_logical3A_504 = arith.shrui %get3A_501, %shift_right_logical3A_503 : vector<16xi32>
        %swap3A_505 = arith.constant 48 : index
        %swap3A_506 = tpu.vector_load %arg10[%swap3A_505] {strides = array<i32>} : memref<128xi32, #tpu.memory_space<vmem>>, vector<16xi32>,
        tpu.vector_store %arg10[%swap3A_505], %shift_right_logical3A_504 {strides = array<i32>} : memref<128xi32, #tpu.memory_space<vmem>>, vector<16xi32>,
        %get3A_507 = arith.index_cast %add3A_474 : i32 to index
        %get3A_508 = arith.constant 64 : index
        %get3A_509 = tpu.vector_load %arg5[%get3A_507, %get3A_508] {strides = array<i32>} : memref<50x128xi32, #tpu.memory_space<vmem>>, vector<16xi32>,
        %shift_right_logical3A_510 = arith.constant 2 : i32
        %shift_right_logical3A_511 = vector.broadcast %shift_right_logical3A_510 : i32 to vector<16xi32>
        %shift_right_logical3A_512 = arith.shrui %get3A_509, %shift_right_logical3A_511 : vector<16xi32>
        %swap3A_513 = arith.constant 64 : index
        %swap3A_514 = tpu.vector_load %arg10[%swap3A_513] {strides = array<i32>} : memref<128xi32, #tpu.memory_space<vmem>>, vector<16xi32>,
        tpu.vector_store %arg10[%swap3A_513], %shift_right_logical3A_512 {strides = array<i32>} : memref<128xi32, #tpu.memory_space<vmem>>, vector<16xi32>,
        %get3A_515 = arith.index_cast %add3A_474 : i32 to index
        %get3A_516 = arith.constant 80 : index
        %get3A_517 = tpu.vector_load %arg5[%get3A_515, %get3A_516] {strides = array<i32>} : memref<50x128xi32, #tpu.memory_space<vmem>>, vector<16xi32>,
        %shift_right_logical3A_518 = arith.constant 2 : i32
        %shift_right_logical3A_519 = vector.broadcast %shift_right_logical3A_518 : i32 to vector<16xi32>
        %shift_right_logical3A_520 = arith.shrui %get3A_517, %shift_right_logical3A_519 : vector<16xi32>
        %swap3A_521 = arith.constant 80 : index
        %swap3A_522 = tpu.vector_load %arg10[%swap3A_521] {strides = array<i32>} : memref<128xi32, #tpu.memory_space<vmem>>, vector<16xi32>,
        tpu.vector_store %arg10[%swap3A_521], %shift_right_logical3A_520 {strides = array<i32>} : memref<128xi32, #tpu.memory_space<vmem>>, vector<16xi32>,
        %get3A_523 = arith.index_cast %add3A_474 : i32 to index
        %get3A_524 = arith.constant 96 : index
        %get3A_525 = tpu.vector_load %arg5[%get3A_523, %get3A_524] {strides = array<i32>} : memref<50x128xi32, #tpu.memory_space<vmem>>, vector<16xi32>,
        %shift_right_logical3A_526 = arith.constant 2 : i32
        %shift_right_logical3A_527 = vector.broadcast %shift_right_logical3A_526 : i32 to vector<16xi32>
        %shift_right_logical3A_528 = arith.shrui %get3A_525, %shift_right_logical3A_527 : vector<16xi32>
        %swap3A_529 = arith.constant 96 : index
        %swap3A_530 = tpu.vector_load %arg10[%swap3A_529] {strides = array<i32>} : memref<128xi32, #tpu.memory_space<vmem>>, vector<16xi32>,
        tpu.vector_store %arg10[%swap3A_529], %shift_right_logical3A_528 {strides = array<i32>} : memref<128xi32, #tpu.memory_space<vmem>>, vector<16xi32>,
        %get3A_531 = arith.index_cast %add3A_474 : i32 to index
        %get3A_532 = arith.constant 112 : index
        %get3A_533 = tpu.vector_load %arg5[%get3A_531, %get3A_532] {strides = array<i32>} : memref<50x128xi32, #tpu.memory_space<vmem>>, vector<16xi32>,
        %shift_right_logical3A_534 = arith.constant 2 : i32
        %shift_right_logical3A_535 = vector.broadcast %shift_right_logical3A_534 : i32 to vector<16xi32>
        %shift_right_logical3A_536 = arith.shrui %get3A_533, %shift_right_logical3A_535 : vector<16xi32>
        %swap3A_537 = arith.constant 112 : index
        %swap3A_538 = tpu.vector_load %arg10[%swap3A_537] {strides = array<i32>} : memref<128xi32, #tpu.memory_space<vmem>>, vector<16xi32>,
        tpu.vector_store %arg10[%swap3A_537], %shift_right_logical3A_536 {strides = array<i32>} : memref<128xi32, #tpu.memory_space<vmem>>, vector<16xi32>,
        %dma_start3A_539 = arith.constant 0 : i32
        %dma_start3A_540 = arith.constant 0 : i32
        %dma_start3A_541 = tpu.memref_slice %arg3[%dma_start3A_539, %dma_start3A_540] : memref<250000x128xf32, #tpu.memory_space<hbm>> -> memref<250000x128xf32, #tpu.memory_space<hbm>>
        tpu.enqueue_indirect_dma source(%dma_start3A_541 : memref<250000x128xf32, #tpu.memory_space<hbm>>) target(%arg8 : memref<128x128xf32, #tpu.memory_space<vmem>>) offsets(%arg10 : memref<128xi32, #tpu.memory_space<vmem>>) semaphore(%arg12 : memref<!tpu.dma_semaphore, #tpu.memory_space<semaphore_mem>>)
      } else {
      }
      %dma_wait3A_331 = arith.constant 0 : i32
      %dma_wait3A_332 = arith.constant 0 : i32
      %dma_wait3A_333 = tpu.memref_slice %arg3[%dma_wait3A_331, %dma_wait3A_332] : memref<250000x128xf32, #tpu.memory_space<hbm>> -> memref<128x128xf32, #tpu.memory_space<hbm>>
      %dma_wait3A_334 = arith.constant 0 : i32
      %dma_wait3A_335 = arith.constant 0 : i32
      %dma_wait3A_336 = tpu.memref_slice %arg3[%dma_wait3A_334, %dma_wait3A_335] : memref<250000x128xf32, #tpu.memory_space<hbm>> -> memref<128x128xf32, #tpu.memory_space<hbm>>
      tpu.wait_dma2 semaphore(%arg12 : memref<!tpu.dma_semaphore, #tpu.memory_space<semaphore_mem>>) src(%dma_wait3A_336 : memref<128x128xf32, #tpu.memory_space<hbm>>) dst(%arg9 : memref<128x128xf32, #tpu.memory_space<vmem>>)
      %get3A_337 = arith.index_cast %add3A_323 : i32 to index
      %get3A_338 = arith.constant 0 : index
      %get3A_339 = tpu.vector_load %arg5[%get3A_337, %get3A_338] {strides = array<i32>} : memref<50x128xi32, #tpu.memory_space<vmem>>, vector<16xi32>,
      %and3A_340 = arith.constant 3 : i32
      %and3A_341 = vector.broadcast %and3A_340 : i32 to vector<16xi32>
      %and3A_342 = arith.andi %get3A_339, %and3A_341 : vector<16xi32>
      %shift_left3A_343 = arith.constant 5 : i32
      %shift_left3A_344 = vector.broadcast %shift_left3A_343 : i32 to vector<16xi32>
      %shift_left3A_345 = arith.shli %and3A_342, %shift_left3A_344 : vector<16xi32>
      %add3A_346 = arith.constant 0 : i32
      %add3A_347 = vector.broadcast %add3A_346 : i32 to vector<16xi32>
      %add3A_348 = arith.addi %add3A_347, %iota3A : vector<16xi32>
      %scan3A_349 = arith.constant 0 : i32
      %scan3A_350 = arith.constant 32 : i32
      %scan3A_351 = arith.addi %scan3A_349, %scan3A_350 : i32
      %scan3A_352 = arith.constant 1 : i32
      scf.for %scan3A_473 = %scan3A_349 to %scan3A_351 step %scan3A_352  : i32 {
        %add3A_474 = vector.broadcast %scan3A_473 : i32 to vector<16xi32>
        %add3A_475 = arith.addi %shift_left3A_345, %add3A_474 : vector<16xi32>
        %gather3A = tpu.vector_load_idx %arg9[%add3A_348, %add3A_475] : memref<128x128xf32, #tpu.memory_space<vmem>>[vector<16xi32>, vector<16xi32>], vector<16xf32>,
        %swap3A_476 = arith.index_cast %add3A_321 : i32 to index
        %swap3A_477 = arith.index_cast %scan3A_473 : i32 to index
        %swap3A_478 = arith.constant 0 : index
        %swap3A_479 = tpu.vector_load %arg7[%swap3A_476, %swap3A_477, %swap3A_478] {strides = array<i32>} : memref<10x32x128xf32, #tpu.memory_space<vmem>>, vector<16xf32>,
        tpu.vector_store %arg7[%swap3A_476, %swap3A_477, %swap3A_478], %gather3A {strides = array<i32>} : memref<10x32x128xf32, #tpu.memory_space<vmem>>, vector<16xf32>,
      }
      %scan3A_353 = arith.constant 32 : i32
      %get3A_354 = arith.index_cast %add3A_323 : i32 to index
      %get3A_355 = arith.constant 16 : index
      %get3A_356 = tpu.vector_load %arg5[%get3A_354, %get3A_355] {strides = array<i32>} : memref<50x128xi32, #tpu.memory_space<vmem>>, vector<16xi32>,
      %and3A_357 = arith.constant 3 : i32
      %and3A_358 = vector.broadcast %and3A_357 : i32 to vector<16xi32>
      %and3A_359 = arith.andi %get3A_356, %and3A_358 : vector<16xi32>
      %shift_left3A_360 = arith.constant 5 : i32
      %shift_left3A_361 = vector.broadcast %shift_left3A_360 : i32 to vector<16xi32>
      %shift_left3A_362 = arith.shli %and3A_359, %shift_left3A_361 : vector<16xi32>
      %add3A_363 = arith.constant 16 : i32
      %add3A_364 = vector.broadcast %add3A_363 : i32 to vector<16xi32>
      %add3A_365 = arith.addi %add3A_364, %iota3A : vector<16xi32>
      %scan3A_366 = arith.constant 0 : i32
      %scan3A_367 = arith.constant 32 : i32
      %scan3A_368 = arith.addi %scan3A_366, %scan3A_367 : i32
      %scan3A_369 = arith.constant 1 : i32
      scf.for %scan3A_473 = %scan3A_366 to %scan3A_368 step %scan3A_369  : i32 {
        %add3A_474 = vector.broadcast %scan3A_473 : i32 to vector<16xi32>
        %add3A_475 = arith.addi %shift_left3A_362, %add3A_474 : vector<16xi32>
        %gather3A = tpu.vector_load_idx %arg9[%add3A_365, %add3A_475] : memref<128x128xf32, #tpu.memory_space<vmem>>[vector<16xi32>, vector<16xi32>], vector<16xf32>,
        %swap3A_476 = arith.index_cast %add3A_321 : i32 to index
        %swap3A_477 = arith.index_cast %scan3A_473 : i32 to index
        %swap3A_478 = arith.constant 16 : index
        %swap3A_479 = tpu.vector_load %arg7[%swap3A_476, %swap3A_477, %swap3A_478] {strides = array<i32>} : memref<10x32x128xf32, #tpu.memory_space<vmem>>, vector<16xf32>,
        tpu.vector_store %arg7[%swap3A_476, %swap3A_477, %swap3A_478], %gather3A {strides = array<i32>} : memref<10x32x128xf32, #tpu.memory_space<vmem>>, vector<16xf32>,
      }
      %scan3A_370 = arith.constant 32 : i32
      %get3A_371 = arith.index_cast %add3A_323 : i32 to index
      %get3A_372 = arith.constant 32 : index
      %get3A_373 = tpu.vector_load %arg5[%get3A_371, %get3A_372] {strides = array<i32>} : memref<50x128xi32, #tpu.memory_space<vmem>>, vector<16xi32>,
      %and3A_374 = arith.constant 3 : i32
      %and3A_375 = vector.broadcast %and3A_374 : i32 to vector<16xi32>
      %and3A_376 = arith.andi %get3A_373, %and3A_375 : vector<16xi32>
      %shift_left3A_377 = arith.constant 5 : i32
      %shift_left3A_378 = vector.broadcast %shift_left3A_377 : i32 to vector<16xi32>
      %shift_left3A_379 = arith.shli %and3A_376, %shift_left3A_378 : vector<16xi32>
      %add3A_380 = arith.constant 32 : i32
      %add3A_381 = vector.broadcast %add3A_380 : i32 to vector<16xi32>
      %add3A_382 = arith.addi %add3A_381, %iota3A : vector<16xi32>
      %scan3A_383 = arith.constant 0 : i32
      %scan3A_384 = arith.constant 32 : i32
      %scan3A_385 = arith.addi %scan3A_383, %scan3A_384 : i32
      %scan3A_386 = arith.constant 1 : i32
      scf.for %scan3A_473 = %scan3A_383 to %scan3A_385 step %scan3A_386  : i32 {
        %add3A_474 = vector.broadcast %scan3A_473 : i32 to vector<16xi32>
        %add3A_475 = arith.addi %shift_left3A_379, %add3A_474 : vector<16xi32>
        %gather3A = tpu.vector_load_idx %arg9[%add3A_382, %add3A_475] : memref<128x128xf32, #tpu.memory_space<vmem>>[vector<16xi32>, vector<16xi32>], vector<16xf32>,
        %swap3A_476 = arith.index_cast %add3A_321 : i32 to index
        %swap3A_477 = arith.index_cast %scan3A_473 : i32 to index
        %swap3A_478 = arith.constant 32 : index
        %swap3A_479 = tpu.vector_load %arg7[%swap3A_476, %swap3A_477, %swap3A_478] {strides = array<i32>} : memref<10x32x128xf32, #tpu.memory_space<vmem>>, vector<16xf32>,
        tpu.vector_store %arg7[%swap3A_476, %swap3A_477, %swap3A_478], %gather3A {strides = array<i32>} : memref<10x32x128xf32, #tpu.memory_space<vmem>>, vector<16xf32>,
      }
      %scan3A_387 = arith.constant 32 : i32
      %get3A_388 = arith.index_cast %add3A_323 : i32 to index
      %get3A_389 = arith.constant 48 : index
      %get3A_390 = tpu.vector_load %arg5[%get3A_388, %get3A_389] {strides = array<i32>} : memref<50x128xi32, #tpu.memory_space<vmem>>, vector<16xi32>,
      %and3A_391 = arith.constant 3 : i32
      %and3A_392 = vector.broadcast %and3A_391 : i32 to vector<16xi32>
      %and3A_393 = arith.andi %get3A_390, %and3A_392 : vector<16xi32>
      %shift_left3A_394 = arith.constant 5 : i32
      %shift_left3A_395 = vector.broadcast %shift_left3A_394 : i32 to vector<16xi32>
      %shift_left3A_396 = arith.shli %and3A_393, %shift_left3A_395 : vector<16xi32>
      %add3A_397 = arith.constant 48 : i32
      %add3A_398 = vector.broadcast %add3A_397 : i32 to vector<16xi32>
      %add3A_399 = arith.addi %add3A_398, %iota3A : vector<16xi32>
      %scan3A_400 = arith.constant 0 : i32
      %scan3A_401 = arith.constant 32 : i32
      %scan3A_402 = arith.addi %scan3A_400, %scan3A_401 : i32
      %scan3A_403 = arith.constant 1 : i32
      scf.for %scan3A_473 = %scan3A_400 to %scan3A_402 step %scan3A_403  : i32 {
        %add3A_474 = vector.broadcast %scan3A_473 : i32 to vector<16xi32>
        %add3A_475 = arith.addi %shift_left3A_396, %add3A_474 : vector<16xi32>
        %gather3A = tpu.vector_load_idx %arg9[%add3A_399, %add3A_475] : memref<128x128xf32, #tpu.memory_space<vmem>>[vector<16xi32>, vector<16xi32>], vector<16xf32>,
        %swap3A_476 = arith.index_cast %add3A_321 : i32 to index
        %swap3A_477 = arith.index_cast %scan3A_473 : i32 to index
        %swap3A_478 = arith.constant 48 : index
        %swap3A_479 = tpu.vector_load %arg7[%swap3A_476, %swap3A_477, %swap3A_478] {strides = array<i32>} : memref<10x32x128xf32, #tpu.memory_space<vmem>>, vector<16xf32>,
        tpu.vector_store %arg7[%swap3A_476, %swap3A_477, %swap3A_478], %gather3A {strides = array<i32>} : memref<10x32x128xf32, #tpu.memory_space<vmem>>, vector<16xf32>,
      }
      %scan3A_404 = arith.constant 32 : i32
      %get3A_405 = arith.index_cast %add3A_323 : i32 to index
      %get3A_406 = arith.constant 64 : index
      %get3A_407 = tpu.vector_load %arg5[%get3A_405, %get3A_406] {strides = array<i32>} : memref<50x128xi32, #tpu.memory_space<vmem>>, vector<16xi32>,
      %and3A_408 = arith.constant 3 : i32
      %and3A_409 = vector.broadcast %and3A_408 : i32 to vector<16xi32>
      %and3A_410 = arith.andi %get3A_407, %and3A_409 : vector<16xi32>
      %shift_left3A_411 = arith.constant 5 : i32
      %shift_left3A_412 = vector.broadcast %shift_left3A_411 : i32 to vector<16xi32>
      %shift_left3A_413 = arith.shli %and3A_410, %shift_left3A_412 : vector<16xi32>
      %add3A_414 = arith.constant 64 : i32
      %add3A_415 = vector.broadcast %add3A_414 : i32 to vector<16xi32>
      %add3A_416 = arith.addi %add3A_415, %iota3A : vector<16xi32>
      %scan3A_417 = arith.constant 0 : i32
      %scan3A_418 = arith.constant 32 : i32
      %scan3A_419 = arith.addi %scan3A_417, %scan3A_418 : i32
      %scan3A_420 = arith.constant 1 : i32
      scf.for %scan3A_473 = %scan3A_417 to %scan3A_419 step %scan3A_420  : i32 {
        %add3A_474 = vector.broadcast %scan3A_473 : i32 to vector<16xi32>
        %add3A_475 = arith.addi %shift_left3A_413, %add3A_474 : vector<16xi32>
        %gather3A = tpu.vector_load_idx %arg9[%add3A_416, %add3A_475] : memref<128x128xf32, #tpu.memory_space<vmem>>[vector<16xi32>, vector<16xi32>], vector<16xf32>,
        %swap3A_476 = arith.index_cast %add3A_321 : i32 to index
        %swap3A_477 = arith.index_cast %scan3A_473 : i32 to index
        %swap3A_478 = arith.constant 64 : index
        %swap3A_479 = tpu.vector_load %arg7[%swap3A_476, %swap3A_477, %swap3A_478] {strides = array<i32>} : memref<10x32x128xf32, #tpu.memory_space<vmem>>, vector<16xf32>,
        tpu.vector_store %arg7[%swap3A_476, %swap3A_477, %swap3A_478], %gather3A {strides = array<i32>} : memref<10x32x128xf32, #tpu.memory_space<vmem>>, vector<16xf32>,
      }
      %scan3A_421 = arith.constant 32 : i32
      %get3A_422 = arith.index_cast %add3A_323 : i32 to index
      %get3A_423 = arith.constant 80 : index
      %get3A_424 = tpu.vector_load %arg5[%get3A_422, %get3A_423] {strides = array<i32>} : memref<50x128xi32, #tpu.memory_space<vmem>>, vector<16xi32>,
      %and3A_425 = arith.constant 3 : i32
      %and3A_426 = vector.broadcast %and3A_425 : i32 to vector<16xi32>
      %and3A_427 = arith.andi %get3A_424, %and3A_426 : vector<16xi32>
      %shift_left3A_428 = arith.constant 5 : i32
      %shift_left3A_429 = vector.broadcast %shift_left3A_428 : i32 to vector<16xi32>
      %shift_left3A_430 = arith.shli %and3A_427, %shift_left3A_429 : vector<16xi32>
      %add3A_431 = arith.constant 80 : i32
      %add3A_432 = vector.broadcast %add3A_431 : i32 to vector<16xi32>
      %add3A_433 = arith.addi %add3A_432, %iota3A : vector<16xi32>
      %scan3A_434 = arith.constant 0 : i32
      %scan3A_435 = arith.constant 32 : i32
      %scan3A_436 = arith.addi %scan3A_434, %scan3A_435 : i32
      %scan3A_437 = arith.constant 1 : i32
      scf.for %scan3A_473 = %scan3A_434 to %scan3A_436 step %scan3A_437  : i32 {
        %add3A_474 = vector.broadcast %scan3A_473 : i32 to vector<16xi32>
        %add3A_475 = arith.addi %shift_left3A_430, %add3A_474 : vector<16xi32>
        %gather3A = tpu.vector_load_idx %arg9[%add3A_433, %add3A_475] : memref<128x128xf32, #tpu.memory_space<vmem>>[vector<16xi32>, vector<16xi32>], vector<16xf32>,
        %swap3A_476 = arith.index_cast %add3A_321 : i32 to index
        %swap3A_477 = arith.index_cast %scan3A_473 : i32 to index
        %swap3A_478 = arith.constant 80 : index
        %swap3A_479 = tpu.vector_load %arg7[%swap3A_476, %swap3A_477, %swap3A_478] {strides = array<i32>} : memref<10x32x128xf32, #tpu.memory_space<vmem>>, vector<16xf32>,
        tpu.vector_store %arg7[%swap3A_476, %swap3A_477, %swap3A_478], %gather3A {strides = array<i32>} : memref<10x32x128xf32, #tpu.memory_space<vmem>>, vector<16xf32>,
      }
      %scan3A_438 = arith.constant 32 : i32
      %get3A_439 = arith.index_cast %add3A_323 : i32 to index
      %get3A_440 = arith.constant 96 : index
      %get3A_441 = tpu.vector_load %arg5[%get3A_439, %get3A_440] {strides = array<i32>} : memref<50x128xi32, #tpu.memory_space<vmem>>, vector<16xi32>,
      %and3A_442 = arith.constant 3 : i32
      %and3A_443 = vector.broadcast %and3A_442 : i32 to vector<16xi32>
      %and3A_444 = arith.andi %get3A_441, %and3A_443 : vector<16xi32>
      %shift_left3A_445 = arith.constant 5 : i32
      %shift_left3A_446 = vector.broadcast %shift_left3A_445 : i32 to vector<16xi32>
      %shift_left3A_447 = arith.shli %and3A_444, %shift_left3A_446 : vector<16xi32>
      %add3A_448 = arith.constant 96 : i32
      %add3A_449 = vector.broadcast %add3A_448 : i32 to vector<16xi32>
      %add3A_450 = arith.addi %add3A_449, %iota3A : vector<16xi32>
      %scan3A_451 = arith.constant 0 : i32
      %scan3A_452 = arith.constant 32 : i32
      %scan3A_453 = arith.addi %scan3A_451, %scan3A_452 : i32
      %scan3A_454 = arith.constant 1 : i32
      scf.for %scan3A_473 = %scan3A_451 to %scan3A_453 step %scan3A_454  : i32 {
        %add3A_474 = vector.broadcast %scan3A_473 : i32 to vector<16xi32>
        %add3A_475 = arith.addi %shift_left3A_447, %add3A_474 : vector<16xi32>
        %gather3A = tpu.vector_load_idx %arg9[%add3A_450, %add3A_475] : memref<128x128xf32, #tpu.memory_space<vmem>>[vector<16xi32>, vector<16xi32>], vector<16xf32>,
        %swap3A_476 = arith.index_cast %add3A_321 : i32 to index
        %swap3A_477 = arith.index_cast %scan3A_473 : i32 to index
        %swap3A_478 = arith.constant 96 : index
        %swap3A_479 = tpu.vector_load %arg7[%swap3A_476, %swap3A_477, %swap3A_478] {strides = array<i32>} : memref<10x32x128xf32, #tpu.memory_space<vmem>>, vector<16xf32>,
        tpu.vector_store %arg7[%swap3A_476, %swap3A_477, %swap3A_478], %gather3A {strides = array<i32>} : memref<10x32x128xf32, #tpu.memory_space<vmem>>, vector<16xf32>,
      }
      %scan3A_455 = arith.constant 32 : i32
      %get3A_456 = arith.index_cast %add3A_323 : i32 to index
      %get3A_457 = arith.constant 112 : index
      %get3A_458 = tpu.vector_load %arg5[%get3A_456, %get3A_457] {strides = array<i32>} : memref<50x128xi32, #tpu.memory_space<vmem>>, vector<16xi32>,
      %and3A_459 = arith.constant 3 : i32
      %and3A_460 = vector.broadcast %and3A_459 : i32 to vector<16xi32>
      %and3A_461 = arith.andi %get3A_458, %and3A_460 : vector<16xi32>
      %shift_left3A_462 = arith.constant 5 : i32
      %shift_left3A_463 = vector.broadcast %shift_left3A_462 : i32 to vector<16xi32>
      %shift_left3A_464 = arith.shli %and3A_461, %shift_left3A_463 : vector<16xi32>
      %add3A_465 = arith.constant 112 : i32
      %add3A_466 = vector.broadcast %add3A_465 : i32 to vector<16xi32>
      %add3A_467 = arith.addi %add3A_466, %iota3A : vector<16xi32>
      %scan3A_468 = arith.constant 0 : i32
      %scan3A_469 = arith.constant 32 : i32
      %scan3A_470 = arith.addi %scan3A_468, %scan3A_469 : i32
      %scan3A_471 = arith.constant 1 : i32
      scf.for %scan3A_473 = %scan3A_468 to %scan3A_470 step %scan3A_471  : i32 {
        %add3A_474 = vector.broadcast %scan3A_473 : i32 to vector<16xi32>
        %add3A_475 = arith.addi %shift_left3A_464, %add3A_474 : vector<16xi32>
        %gather3A = tpu.vector_load_idx %arg9[%add3A_467, %add3A_475] : memref<128x128xf32, #tpu.memory_space<vmem>>[vector<16xi32>, vector<16xi32>], vector<16xf32>,
        %swap3A_476 = arith.index_cast %add3A_321 : i32 to index
        %swap3A_477 = arith.index_cast %scan3A_473 : i32 to index
        %swap3A_478 = arith.constant 112 : index
        %swap3A_479 = tpu.vector_load %arg7[%swap3A_476, %swap3A_477, %swap3A_478] {strides = array<i32>} : memref<10x32x128xf32, #tpu.memory_space<vmem>>, vector<16xf32>,
        tpu.vector_store %arg7[%swap3A_476, %swap3A_477, %swap3A_478], %gather3A {strides = array<i32>} : memref<10x32x128xf32, #tpu.memory_space<vmem>>, vector<16xf32>,
      }
      %scan3A_472 = arith.constant 32 : i32
    }
    %scan3A_88 = arith.constant 5 : i32
    %dma_start3A_89 = arith.constant 10 : i32
    %dma_start3A_90 = arith.constant 0 : i32
    %dma_start3A_91 = tpu.memref_slice %arg4[%dma_start3A_89, %dma_start3A_90, %mul3A_2] : memref<50x32x4096xf32, #tpu.memory_space<hbm>> -> memref<10x32x128xf32, #tpu.memory_space<hbm>>
    %dma_start3A_92 = arith.constant 10 : i32
    %dma_start3A_93 = arith.constant 0 : i32
    %dma_start3A_94 = tpu.memref_slice %arg4[%dma_start3A_92, %dma_start3A_93, %mul3A_2] : memref<50x32x4096xf32, #tpu.memory_space<hbm>> -> memref<10x32x128xf32, #tpu.memory_space<hbm>>
    tpu.enqueue_dma source(%arg7 : memref<10x32x128xf32, #tpu.memory_space<vmem>>) target(%dma_start3A_94 : memref<10x32x128xf32, #tpu.memory_space<hbm>>) target_semaphore(%arg13 : memref<!tpu.dma_semaphore, #tpu.memory_space<semaphore_mem>>)
    %dma_wait3A = arith.constant 0 : i32
    %dma_wait3A_95 = arith.constant 0 : i32
    %dma_wait3A_96 = arith.constant 0 : i32
    %dma_wait3A_97 = tpu.memref_slice %arg4[%dma_wait3A, %dma_wait3A_95, %dma_wait3A_96] : memref<50x32x4096xf32, #tpu.memory_space<hbm>> -> memref<10x32x128xf32, #tpu.memory_space<hbm>>
    %dma_wait3A_98 = arith.constant 0 : i32
    %dma_wait3A_99 = arith.constant 0 : i32
    %dma_wait3A_100 = arith.constant 0 : i32
    %dma_wait3A_101 = tpu.memref_slice %arg4[%dma_wait3A_98, %dma_wait3A_99, %dma_wait3A_100] : memref<50x32x4096xf32, #tpu.memory_space<hbm>> -> memref<10x32x128xf32, #tpu.memory_space<hbm>>
    tpu.wait_dma2 semaphore(%arg13 : memref<!tpu.dma_semaphore, #tpu.memory_space<semaphore_mem>>) src(%arg6 : memref<10x32x128xf32, #tpu.memory_space<vmem>>) dst(%dma_wait3A_101 : memref<10x32x128xf32, #tpu.memory_space<hbm>>)
    %scan3A_102 = arith.constant 0 : i32
    %scan3A_103 = arith.constant 5 : i32
    %scan3A_104 = arith.addi %scan3A_102, %scan3A_103 : i32
    %scan3A_105 = arith.constant 1 : i32
    scf.for %scan3A_167 = %scan3A_102 to %scan3A_104 step %scan3A_105  : i32 {
      %mul3A_168 = arith.constant 2 : i32
      %mul3A_169 = arith.muli %mul3A_168, %scan3A_167 : i32
      %add3A_170 = arith.constant 0 : i32
      %add3A_171 = arith.addi %mul3A_169, %add3A_170 : i32
      %add3A_172 = arith.constant 20 : i32
      %add3A_173 = arith.addi %add3A_172, %add3A_171 : i32
      %add3A_174 = arith.constant 1 : i32
      %add3A_175 = arith.addi %add3A_173, %add3A_174 : i32
      %lt3A = arith.constant 50 : i32
      %lt3A_176 = arith.cmpi slt, %add3A_175, %lt3A : i32
      %convert_element_type3A = arith.extui %lt3A_176 : i1 to i32
      %cond3A = arith.constant 0 : i32
      %cond3A_177 = arith.cmpi ne, %convert_element_type3A, %cond3A : i32
      scf.if %cond3A_177 {
        %add3A_473 = arith.constant 1 : i32
        %add3A_474 = arith.addi %add3A_173, %add3A_473 : i32
        %get3A_475 = arith.index_cast %add3A_474 : i32 to index
        %get3A_476 = arith.constant 0 : index
        %get3A_477 = tpu.vector_load %arg5[%get3A_475, %get3A_476] {strides = array<i32>} : memref<50x128xi32, #tpu.memory_space<vmem>>, vector<16xi32>,
        %shift_right_logical3A_478 = arith.constant 2 : i32
        %shift_right_logical3A_479 = vector.broadcast %shift_right_logical3A_478 : i32 to vector<16xi32>
        %shift_right_logical3A_480 = arith.shrui %get3A_477, %shift_right_logical3A_479 : vector<16xi32>
        %swap3A_481 = arith.constant 0 : index
        %swap3A_482 = tpu.vector_load %arg11[%swap3A_481] {strides = array<i32>} : memref<128xi32, #tpu.memory_space<vmem>>, vector<16xi32>,
        tpu.vector_store %arg11[%swap3A_481], %shift_right_logical3A_480 {strides = array<i32>} : memref<128xi32, #tpu.memory_space<vmem>>, vector<16xi32>,
        %get3A_483 = arith.index_cast %add3A_474 : i32 to index
        %get3A_484 = arith.constant 16 : index
        %get3A_485 = tpu.vector_load %arg5[%get3A_483, %get3A_484] {strides = array<i32>} : memref<50x128xi32, #tpu.memory_space<vmem>>, vector<16xi32>,
        %shift_right_logical3A_486 = arith.constant 2 : i32
        %shift_right_logical3A_487 = vector.broadcast %shift_right_logical3A_486 : i32 to vector<16xi32>
        %shift_right_logical3A_488 = arith.shrui %get3A_485, %shift_right_logical3A_487 : vector<16xi32>
        %swap3A_489 = arith.constant 16 : index
        %swap3A_490 = tpu.vector_load %arg11[%swap3A_489] {strides = array<i32>} : memref<128xi32, #tpu.memory_space<vmem>>, vector<16xi32>,
        tpu.vector_store %arg11[%swap3A_489], %shift_right_logical3A_488 {strides = array<i32>} : memref<128xi32, #tpu.memory_space<vmem>>, vector<16xi32>,
        %get3A_491 = arith.index_cast %add3A_474 : i32 to index
        %get3A_492 = arith.constant 32 : index
        %get3A_493 = tpu.vector_load %arg5[%get3A_491, %get3A_492] {strides = array<i32>} : memref<50x128xi32, #tpu.memory_space<vmem>>, vector<16xi32>,
        %shift_right_logical3A_494 = arith.constant 2 : i32
        %shift_right_logical3A_495 = vector.broadcast %shift_right_logical3A_494 : i32 to vector<16xi32>
        %shift_right_logical3A_496 = arith.shrui %get3A_493, %shift_right_logical3A_495 : vector<16xi32>
        %swap3A_497 = arith.constant 32 : index
        %swap3A_498 = tpu.vector_load %arg11[%swap3A_497] {strides = array<i32>} : memref<128xi32, #tpu.memory_space<vmem>>, vector<16xi32>,
        tpu.vector_store %arg11[%swap3A_497], %shift_right_logical3A_496 {strides = array<i32>} : memref<128xi32, #tpu.memory_space<vmem>>, vector<16xi32>,
        %get3A_499 = arith.index_cast %add3A_474 : i32 to index
        %get3A_500 = arith.constant 48 : index
        %get3A_501 = tpu.vector_load %arg5[%get3A_499, %get3A_500] {strides = array<i32>} : memref<50x128xi32, #tpu.memory_space<vmem>>, vector<16xi32>,
        %shift_right_logical3A_502 = arith.constant 2 : i32
        %shift_right_logical3A_503 = vector.broadcast %shift_right_logical3A_502 : i32 to vector<16xi32>
        %shift_right_logical3A_504 = arith.shrui %get3A_501, %shift_right_logical3A_503 : vector<16xi32>
        %swap3A_505 = arith.constant 48 : index
        %swap3A_506 = tpu.vector_load %arg11[%swap3A_505] {strides = array<i32>} : memref<128xi32, #tpu.memory_space<vmem>>, vector<16xi32>,
        tpu.vector_store %arg11[%swap3A_505], %shift_right_logical3A_504 {strides = array<i32>} : memref<128xi32, #tpu.memory_space<vmem>>, vector<16xi32>,
        %get3A_507 = arith.index_cast %add3A_474 : i32 to index
        %get3A_508 = arith.constant 64 : index
        %get3A_509 = tpu.vector_load %arg5[%get3A_507, %get3A_508] {strides = array<i32>} : memref<50x128xi32, #tpu.memory_space<vmem>>, vector<16xi32>,
        %shift_right_logical3A_510 = arith.constant 2 : i32
        %shift_right_logical3A_511 = vector.broadcast %shift_right_logical3A_510 : i32 to vector<16xi32>
        %shift_right_logical3A_512 = arith.shrui %get3A_509, %shift_right_logical3A_511 : vector<16xi32>
        %swap3A_513 = arith.constant 64 : index
        %swap3A_514 = tpu.vector_load %arg11[%swap3A_513] {strides = array<i32>} : memref<128xi32, #tpu.memory_space<vmem>>, vector<16xi32>,
        tpu.vector_store %arg11[%swap3A_513], %shift_right_logical3A_512 {strides = array<i32>} : memref<128xi32, #tpu.memory_space<vmem>>, vector<16xi32>,
        %get3A_515 = arith.index_cast %add3A_474 : i32 to index
        %get3A_516 = arith.constant 80 : index
        %get3A_517 = tpu.vector_load %arg5[%get3A_515, %get3A_516] {strides = array<i32>} : memref<50x128xi32, #tpu.memory_space<vmem>>, vector<16xi32>,
        %shift_right_logical3A_518 = arith.constant 2 : i32
        %shift_right_logical3A_519 = vector.broadcast %shift_right_logical3A_518 : i32 to vector<16xi32>
        %shift_right_logical3A_520 = arith.shrui %get3A_517, %shift_right_logical3A_519 : vector<16xi32>
        %swap3A_521 = arith.constant 80 : index
        %swap3A_522 = tpu.vector_load %arg11[%swap3A_521] {strides = array<i32>} : memref<128xi32, #tpu.memory_space<vmem>>, vector<16xi32>,
        tpu.vector_store %arg11[%swap3A_521], %shift_right_logical3A_520 {strides = array<i32>} : memref<128xi32, #tpu.memory_space<vmem>>, vector<16xi32>,
        %get3A_523 = arith.index_cast %add3A_474 : i32 to index
        %get3A_524 = arith.constant 96 : index
        %get3A_525 = tpu.vector_load %arg5[%get3A_523, %get3A_524] {strides = array<i32>} : memref<50x128xi32, #tpu.memory_space<vmem>>, vector<16xi32>,
        %shift_right_logical3A_526 = arith.constant 2 : i32
        %shift_right_logical3A_527 = vector.broadcast %shift_right_logical3A_526 : i32 to vector<16xi32>
        %shift_right_logical3A_528 = arith.shrui %get3A_525, %shift_right_logical3A_527 : vector<16xi32>
        %swap3A_529 = arith.constant 96 : index
        %swap3A_530 = tpu.vector_load %arg11[%swap3A_529] {strides = array<i32>} : memref<128xi32, #tpu.memory_space<vmem>>, vector<16xi32>,
        tpu.vector_store %arg11[%swap3A_529], %shift_right_logical3A_528 {strides = array<i32>} : memref<128xi32, #tpu.memory_space<vmem>>, vector<16xi32>,
        %get3A_531 = arith.index_cast %add3A_474 : i32 to index
        %get3A_532 = arith.constant 112 : index
        %get3A_533 = tpu.vector_load %arg5[%get3A_531, %get3A_532] {strides = array<i32>} : memref<50x128xi32, #tpu.memory_space<vmem>>, vector<16xi32>,
        %shift_right_logical3A_534 = arith.constant 2 : i32
        %shift_right_logical3A_535 = vector.broadcast %shift_right_logical3A_534 : i32 to vector<16xi32>
        %shift_right_logical3A_536 = arith.shrui %get3A_533, %shift_right_logical3A_535 : vector<16xi32>
        %swap3A_537 = arith.constant 112 : index
        %swap3A_538 = tpu.vector_load %arg11[%swap3A_537] {strides = array<i32>} : memref<128xi32, #tpu.memory_space<vmem>>, vector<16xi32>,
        tpu.vector_store %arg11[%swap3A_537], %shift_right_logical3A_536 {strides = array<i32>} : memref<128xi32, #tpu.memory_space<vmem>>, vector<16xi32>,
        %dma_start3A_539 = arith.constant 0 : i32
        %dma_start3A_540 = arith.constant 0 : i32
        %dma_start3A_541 = tpu.memref_slice %arg3[%dma_start3A_539, %dma_start3A_540] : memref<250000x128xf32, #tpu.memory_space<hbm>> -> memref<250000x128xf32, #tpu.memory_space<hbm>>
        tpu.enqueue_indirect_dma source(%dma_start3A_541 : memref<250000x128xf32, #tpu.memory_space<hbm>>) target(%arg9 : memref<128x128xf32, #tpu.memory_space<vmem>>) offsets(%arg11 : memref<128xi32, #tpu.memory_space<vmem>>) semaphore(%arg12 : memref<!tpu.dma_semaphore, #tpu.memory_space<semaphore_mem>>)
      } else {
      }
      %dma_wait3A_178 = arith.constant 0 : i32
      %dma_wait3A_179 = arith.constant 0 : i32
      %dma_wait3A_180 = tpu.memref_slice %arg3[%dma_wait3A_178, %dma_wait3A_179] : memref<250000x128xf32, #tpu.memory_space<hbm>> -> memref<128x128xf32, #tpu.memory_space<hbm>>
      %dma_wait3A_181 = arith.constant 0 : i32
      %dma_wait3A_182 = arith.constant 0 : i32
      %dma_wait3A_183 = tpu.memref_slice %arg3[%dma_wait3A_181, %dma_wait3A_182] : memref<250000x128xf32, #tpu.memory_space<hbm>> -> memref<128x128xf32, #tpu.memory_space<hbm>>
      tpu.wait_dma2 semaphore(%arg12 : memref<!tpu.dma_semaphore, #tpu.memory_space<semaphore_mem>>) src(%dma_wait3A_183 : memref<128x128xf32, #tpu.memory_space<hbm>>) dst(%arg8 : memref<128x128xf32, #tpu.memory_space<vmem>>)
      %get3A_184 = arith.index_cast %add3A_173 : i32 to index
      %get3A_185 = arith.constant 0 : index
      %get3A_186 = tpu.vector_load %arg5[%get3A_184, %get3A_185] {strides = array<i32>} : memref<50x128xi32, #tpu.memory_space<vmem>>, vector<16xi32>,
      %and3A = arith.constant 3 : i32
      %and3A_187 = vector.broadcast %and3A : i32 to vector<16xi32>
      %and3A_188 = arith.andi %get3A_186, %and3A_187 : vector<16xi32>
      %shift_left3A = arith.constant 5 : i32
      %shift_left3A_189 = vector.broadcast %shift_left3A : i32 to vector<16xi32>
      %shift_left3A_190 = arith.shli %and3A_188, %shift_left3A_189 : vector<16xi32>
      %add3A_191 = arith.constant 0 : i32
      %add3A_192 = vector.broadcast %add3A_191 : i32 to vector<16xi32>
      %add3A_193 = arith.addi %add3A_192, %iota3A : vector<16xi32>
      %scan3A_194 = arith.constant 0 : i32
      %scan3A_195 = arith.constant 32 : i32
      %scan3A_196 = arith.addi %scan3A_194, %scan3A_195 : i32
      %scan3A_197 = arith.constant 1 : i32
      scf.for %scan3A_473 = %scan3A_194 to %scan3A_196 step %scan3A_197  : i32 {
        %add3A_474 = vector.broadcast %scan3A_473 : i32 to vector<16xi32>
        %add3A_475 = arith.addi %shift_left3A_190, %add3A_474 : vector<16xi32>
        %gather3A = tpu.vector_load_idx %arg8[%add3A_193, %add3A_475] : memref<128x128xf32, #tpu.memory_space<vmem>>[vector<16xi32>, vector<16xi32>], vector<16xf32>,
        %swap3A_476 = arith.index_cast %add3A_171 : i32 to index
        %swap3A_477 = arith.index_cast %scan3A_473 : i32 to index
        %swap3A_478 = arith.constant 0 : index
        %swap3A_479 = tpu.vector_load %arg6[%swap3A_476, %swap3A_477, %swap3A_478] {strides = array<i32>} : memref<10x32x128xf32, #tpu.memory_space<vmem>>, vector<16xf32>,
        tpu.vector_store %arg6[%swap3A_476, %swap3A_477, %swap3A_478], %gather3A {strides = array<i32>} : memref<10x32x128xf32, #tpu.memory_space<vmem>>, vector<16xf32>,
      }
      %scan3A_198 = arith.constant 32 : i32
      %get3A_199 = arith.index_cast %add3A_173 : i32 to index
      %get3A_200 = arith.constant 16 : index
      %get3A_201 = tpu.vector_load %arg5[%get3A_199, %get3A_200] {strides = array<i32>} : memref<50x128xi32, #tpu.memory_space<vmem>>, vector<16xi32>,
      %and3A_202 = arith.constant 3 : i32
      %and3A_203 = vector.broadcast %and3A_202 : i32 to vector<16xi32>
      %and3A_204 = arith.andi %get3A_201, %and3A_203 : vector<16xi32>
      %shift_left3A_205 = arith.constant 5 : i32
      %shift_left3A_206 = vector.broadcast %shift_left3A_205 : i32 to vector<16xi32>
      %shift_left3A_207 = arith.shli %and3A_204, %shift_left3A_206 : vector<16xi32>
      %add3A_208 = arith.constant 16 : i32
      %add3A_209 = vector.broadcast %add3A_208 : i32 to vector<16xi32>
      %add3A_210 = arith.addi %add3A_209, %iota3A : vector<16xi32>
      %scan3A_211 = arith.constant 0 : i32
      %scan3A_212 = arith.constant 32 : i32
      %scan3A_213 = arith.addi %scan3A_211, %scan3A_212 : i32
      %scan3A_214 = arith.constant 1 : i32
      scf.for %scan3A_473 = %scan3A_211 to %scan3A_213 step %scan3A_214  : i32 {
        %add3A_474 = vector.broadcast %scan3A_473 : i32 to vector<16xi32>
        %add3A_475 = arith.addi %shift_left3A_207, %add3A_474 : vector<16xi32>
        %gather3A = tpu.vector_load_idx %arg8[%add3A_210, %add3A_475] : memref<128x128xf32, #tpu.memory_space<vmem>>[vector<16xi32>, vector<16xi32>], vector<16xf32>,
        %swap3A_476 = arith.index_cast %add3A_171 : i32 to index
        %swap3A_477 = arith.index_cast %scan3A_473 : i32 to index
        %swap3A_478 = arith.constant 16 : index
        %swap3A_479 = tpu.vector_load %arg6[%swap3A_476, %swap3A_477, %swap3A_478] {strides = array<i32>} : memref<10x32x128xf32, #tpu.memory_space<vmem>>, vector<16xf32>,
        tpu.vector_store %arg6[%swap3A_476, %swap3A_477, %swap3A_478], %gather3A {strides = array<i32>} : memref<10x32x128xf32, #tpu.memory_space<vmem>>, vector<16xf32>,
      }
      %scan3A_215 = arith.constant 32 : i32
      %get3A_216 = arith.index_cast %add3A_173 : i32 to index
      %get3A_217 = arith.constant 32 : index
      %get3A_218 = tpu.vector_load %arg5[%get3A_216, %get3A_217] {strides = array<i32>} : memref<50x128xi32, #tpu.memory_space<vmem>>, vector<16xi32>,
      %and3A_219 = arith.constant 3 : i32
      %and3A_220 = vector.broadcast %and3A_219 : i32 to vector<16xi32>
      %and3A_221 = arith.andi %get3A_218, %and3A_220 : vector<16xi32>
      %shift_left3A_222 = arith.constant 5 : i32
      %shift_left3A_223 = vector.broadcast %shift_left3A_222 : i32 to vector<16xi32>
      %shift_left3A_224 = arith.shli %and3A_221, %shift_left3A_223 : vector<16xi32>
      %add3A_225 = arith.constant 32 : i32
      %add3A_226 = vector.broadcast %add3A_225 : i32 to vector<16xi32>
      %add3A_227 = arith.addi %add3A_226, %iota3A : vector<16xi32>
      %scan3A_228 = arith.constant 0 : i32
      %scan3A_229 = arith.constant 32 : i32
      %scan3A_230 = arith.addi %scan3A_228, %scan3A_229 : i32
      %scan3A_231 = arith.constant 1 : i32
      scf.for %scan3A_473 = %scan3A_228 to %scan3A_230 step %scan3A_231  : i32 {
        %add3A_474 = vector.broadcast %scan3A_473 : i32 to vector<16xi32>
        %add3A_475 = arith.addi %shift_left3A_224, %add3A_474 : vector<16xi32>
        %gather3A = tpu.vector_load_idx %arg8[%add3A_227, %add3A_475] : memref<128x128xf32, #tpu.memory_space<vmem>>[vector<16xi32>, vector<16xi32>], vector<16xf32>,
        %swap3A_476 = arith.index_cast %add3A_171 : i32 to index
        %swap3A_477 = arith.index_cast %scan3A_473 : i32 to index
        %swap3A_478 = arith.constant 32 : index
        %swap3A_479 = tpu.vector_load %arg6[%swap3A_476, %swap3A_477, %swap3A_478] {strides = array<i32>} : memref<10x32x128xf32, #tpu.memory_space<vmem>>, vector<16xf32>,
        tpu.vector_store %arg6[%swap3A_476, %swap3A_477, %swap3A_478], %gather3A {strides = array<i32>} : memref<10x32x128xf32, #tpu.memory_space<vmem>>, vector<16xf32>,
      }
      %scan3A_232 = arith.constant 32 : i32
      %get3A_233 = arith.index_cast %add3A_173 : i32 to index
      %get3A_234 = arith.constant 48 : index
      %get3A_235 = tpu.vector_load %arg5[%get3A_233, %get3A_234] {strides = array<i32>} : memref<50x128xi32, #tpu.memory_space<vmem>>, vector<16xi32>,
      %and3A_236 = arith.constant 3 : i32
      %and3A_237 = vector.broadcast %and3A_236 : i32 to vector<16xi32>
      %and3A_238 = arith.andi %get3A_235, %and3A_237 : vector<16xi32>
      %shift_left3A_239 = arith.constant 5 : i32
      %shift_left3A_240 = vector.broadcast %shift_left3A_239 : i32 to vector<16xi32>
      %shift_left3A_241 = arith.shli %and3A_238, %shift_left3A_240 : vector<16xi32>
      %add3A_242 = arith.constant 48 : i32
      %add3A_243 = vector.broadcast %add3A_242 : i32 to vector<16xi32>
      %add3A_244 = arith.addi %add3A_243, %iota3A : vector<16xi32>
      %scan3A_245 = arith.constant 0 : i32
      %scan3A_246 = arith.constant 32 : i32
      %scan3A_247 = arith.addi %scan3A_245, %scan3A_246 : i32
      %scan3A_248 = arith.constant 1 : i32
      scf.for %scan3A_473 = %scan3A_245 to %scan3A_247 step %scan3A_248  : i32 {
        %add3A_474 = vector.broadcast %scan3A_473 : i32 to vector<16xi32>
        %add3A_475 = arith.addi %shift_left3A_241, %add3A_474 : vector<16xi32>
        %gather3A = tpu.vector_load_idx %arg8[%add3A_244, %add3A_475] : memref<128x128xf32, #tpu.memory_space<vmem>>[vector<16xi32>, vector<16xi32>], vector<16xf32>,
        %swap3A_476 = arith.index_cast %add3A_171 : i32 to index
        %swap3A_477 = arith.index_cast %scan3A_473 : i32 to index
        %swap3A_478 = arith.constant 48 : index
        %swap3A_479 = tpu.vector_load %arg6[%swap3A_476, %swap3A_477, %swap3A_478] {strides = array<i32>} : memref<10x32x128xf32, #tpu.memory_space<vmem>>, vector<16xf32>,
        tpu.vector_store %arg6[%swap3A_476, %swap3A_477, %swap3A_478], %gather3A {strides = array<i32>} : memref<10x32x128xf32, #tpu.memory_space<vmem>>, vector<16xf32>,
      }
      %scan3A_249 = arith.constant 32 : i32
      %get3A_250 = arith.index_cast %add3A_173 : i32 to index
      %get3A_251 = arith.constant 64 : index
      %get3A_252 = tpu.vector_load %arg5[%get3A_250, %get3A_251] {strides = array<i32>} : memref<50x128xi32, #tpu.memory_space<vmem>>, vector<16xi32>,
      %and3A_253 = arith.constant 3 : i32
      %and3A_254 = vector.broadcast %and3A_253 : i32 to vector<16xi32>
      %and3A_255 = arith.andi %get3A_252, %and3A_254 : vector<16xi32>
      %shift_left3A_256 = arith.constant 5 : i32
      %shift_left3A_257 = vector.broadcast %shift_left3A_256 : i32 to vector<16xi32>
      %shift_left3A_258 = arith.shli %and3A_255, %shift_left3A_257 : vector<16xi32>
      %add3A_259 = arith.constant 64 : i32
      %add3A_260 = vector.broadcast %add3A_259 : i32 to vector<16xi32>
      %add3A_261 = arith.addi %add3A_260, %iota3A : vector<16xi32>
      %scan3A_262 = arith.constant 0 : i32
      %scan3A_263 = arith.constant 32 : i32
      %scan3A_264 = arith.addi %scan3A_262, %scan3A_263 : i32
      %scan3A_265 = arith.constant 1 : i32
      scf.for %scan3A_473 = %scan3A_262 to %scan3A_264 step %scan3A_265  : i32 {
        %add3A_474 = vector.broadcast %scan3A_473 : i32 to vector<16xi32>
        %add3A_475 = arith.addi %shift_left3A_258, %add3A_474 : vector<16xi32>
        %gather3A = tpu.vector_load_idx %arg8[%add3A_261, %add3A_475] : memref<128x128xf32, #tpu.memory_space<vmem>>[vector<16xi32>, vector<16xi32>], vector<16xf32>,
        %swap3A_476 = arith.index_cast %add3A_171 : i32 to index
        %swap3A_477 = arith.index_cast %scan3A_473 : i32 to index
        %swap3A_478 = arith.constant 64 : index
        %swap3A_479 = tpu.vector_load %arg6[%swap3A_476, %swap3A_477, %swap3A_478] {strides = array<i32>} : memref<10x32x128xf32, #tpu.memory_space<vmem>>, vector<16xf32>,
        tpu.vector_store %arg6[%swap3A_476, %swap3A_477, %swap3A_478], %gather3A {strides = array<i32>} : memref<10x32x128xf32, #tpu.memory_space<vmem>>, vector<16xf32>,
      }
      %scan3A_266 = arith.constant 32 : i32
      %get3A_267 = arith.index_cast %add3A_173 : i32 to index
      %get3A_268 = arith.constant 80 : index
      %get3A_269 = tpu.vector_load %arg5[%get3A_267, %get3A_268] {strides = array<i32>} : memref<50x128xi32, #tpu.memory_space<vmem>>, vector<16xi32>,
      %and3A_270 = arith.constant 3 : i32
      %and3A_271 = vector.broadcast %and3A_270 : i32 to vector<16xi32>
      %and3A_272 = arith.andi %get3A_269, %and3A_271 : vector<16xi32>
      %shift_left3A_273 = arith.constant 5 : i32
      %shift_left3A_274 = vector.broadcast %shift_left3A_273 : i32 to vector<16xi32>
      %shift_left3A_275 = arith.shli %and3A_272, %shift_left3A_274 : vector<16xi32>
      %add3A_276 = arith.constant 80 : i32
      %add3A_277 = vector.broadcast %add3A_276 : i32 to vector<16xi32>
      %add3A_278 = arith.addi %add3A_277, %iota3A : vector<16xi32>
      %scan3A_279 = arith.constant 0 : i32
      %scan3A_280 = arith.constant 32 : i32
      %scan3A_281 = arith.addi %scan3A_279, %scan3A_280 : i32
      %scan3A_282 = arith.constant 1 : i32
      scf.for %scan3A_473 = %scan3A_279 to %scan3A_281 step %scan3A_282  : i32 {
        %add3A_474 = vector.broadcast %scan3A_473 : i32 to vector<16xi32>
        %add3A_475 = arith.addi %shift_left3A_275, %add3A_474 : vector<16xi32>
        %gather3A = tpu.vector_load_idx %arg8[%add3A_278, %add3A_475] : memref<128x128xf32, #tpu.memory_space<vmem>>[vector<16xi32>, vector<16xi32>], vector<16xf32>,
        %swap3A_476 = arith.index_cast %add3A_171 : i32 to index
        %swap3A_477 = arith.index_cast %scan3A_473 : i32 to index
        %swap3A_478 = arith.constant 80 : index
        %swap3A_479 = tpu.vector_load %arg6[%swap3A_476, %swap3A_477, %swap3A_478] {strides = array<i32>} : memref<10x32x128xf32, #tpu.memory_space<vmem>>, vector<16xf32>,
        tpu.vector_store %arg6[%swap3A_476, %swap3A_477, %swap3A_478], %gather3A {strides = array<i32>} : memref<10x32x128xf32, #tpu.memory_space<vmem>>, vector<16xf32>,
      }
      %scan3A_283 = arith.constant 32 : i32
      %get3A_284 = arith.index_cast %add3A_173 : i32 to index
      %get3A_285 = arith.constant 96 : index
      %get3A_286 = tpu.vector_load %arg5[%get3A_284, %get3A_285] {strides = array<i32>} : memref<50x128xi32, #tpu.memory_space<vmem>>, vector<16xi32>,
      %and3A_287 = arith.constant 3 : i32
      %and3A_288 = vector.broadcast %and3A_287 : i32 to vector<16xi32>
      %and3A_289 = arith.andi %get3A_286, %and3A_288 : vector<16xi32>
      %shift_left3A_290 = arith.constant 5 : i32
      %shift_left3A_291 = vector.broadcast %shift_left3A_290 : i32 to vector<16xi32>
      %shift_left3A_292 = arith.shli %and3A_289, %shift_left3A_291 : vector<16xi32>
      %add3A_293 = arith.constant 96 : i32
      %add3A_294 = vector.broadcast %add3A_293 : i32 to vector<16xi32>
      %add3A_295 = arith.addi %add3A_294, %iota3A : vector<16xi32>
      %scan3A_296 = arith.constant 0 : i32
      %scan3A_297 = arith.constant 32 : i32
      %scan3A_298 = arith.addi %scan3A_296, %scan3A_297 : i32
      %scan3A_299 = arith.constant 1 : i32
      scf.for %scan3A_473 = %scan3A_296 to %scan3A_298 step %scan3A_299  : i32 {
        %add3A_474 = vector.broadcast %scan3A_473 : i32 to vector<16xi32>
        %add3A_475 = arith.addi %shift_left3A_292, %add3A_474 : vector<16xi32>
        %gather3A = tpu.vector_load_idx %arg8[%add3A_295, %add3A_475] : memref<128x128xf32, #tpu.memory_space<vmem>>[vector<16xi32>, vector<16xi32>], vector<16xf32>,
        %swap3A_476 = arith.index_cast %add3A_171 : i32 to index
        %swap3A_477 = arith.index_cast %scan3A_473 : i32 to index
        %swap3A_478 = arith.constant 96 : index
        %swap3A_479 = tpu.vector_load %arg6[%swap3A_476, %swap3A_477, %swap3A_478] {strides = array<i32>} : memref<10x32x128xf32, #tpu.memory_space<vmem>>, vector<16xf32>,
        tpu.vector_store %arg6[%swap3A_476, %swap3A_477, %swap3A_478], %gather3A {strides = array<i32>} : memref<10x32x128xf32, #tpu.memory_space<vmem>>, vector<16xf32>,
      }
      %scan3A_300 = arith.constant 32 : i32
      %get3A_301 = arith.index_cast %add3A_173 : i32 to index
      %get3A_302 = arith.constant 112 : index
      %get3A_303 = tpu.vector_load %arg5[%get3A_301, %get3A_302] {strides = array<i32>} : memref<50x128xi32, #tpu.memory_space<vmem>>, vector<16xi32>,
      %and3A_304 = arith.constant 3 : i32
      %and3A_305 = vector.broadcast %and3A_304 : i32 to vector<16xi32>
      %and3A_306 = arith.andi %get3A_303, %and3A_305 : vector<16xi32>
      %shift_left3A_307 = arith.constant 5 : i32
      %shift_left3A_308 = vector.broadcast %shift_left3A_307 : i32 to vector<16xi32>
      %shift_left3A_309 = arith.shli %and3A_306, %shift_left3A_308 : vector<16xi32>
      %add3A_310 = arith.constant 112 : i32
      %add3A_311 = vector.broadcast %add3A_310 : i32 to vector<16xi32>
      %add3A_312 = arith.addi %add3A_311, %iota3A : vector<16xi32>
      %scan3A_313 = arith.constant 0 : i32
      %scan3A_314 = arith.constant 32 : i32
      %scan3A_315 = arith.addi %scan3A_313, %scan3A_314 : i32
      %scan3A_316 = arith.constant 1 : i32
      scf.for %scan3A_473 = %scan3A_313 to %scan3A_315 step %scan3A_316  : i32 {
        %add3A_474 = vector.broadcast %scan3A_473 : i32 to vector<16xi32>
        %add3A_475 = arith.addi %shift_left3A_309, %add3A_474 : vector<16xi32>
        %gather3A = tpu.vector_load_idx %arg8[%add3A_312, %add3A_475] : memref<128x128xf32, #tpu.memory_space<vmem>>[vector<16xi32>, vector<16xi32>], vector<16xf32>,
        %swap3A_476 = arith.index_cast %add3A_171 : i32 to index
        %swap3A_477 = arith.index_cast %scan3A_473 : i32 to index
        %swap3A_478 = arith.constant 112 : index
        %swap3A_479 = tpu.vector_load %arg6[%swap3A_476, %swap3A_477, %swap3A_478] {strides = array<i32>} : memref<10x32x128xf32, #tpu.memory_space<vmem>>, vector<16xf32>,
        tpu.vector_store %arg6[%swap3A_476, %swap3A_477, %swap3A_478], %gather3A {strides = array<i32>} : memref<10x32x128xf32, #tpu.memory_space<vmem>>, vector<16xf32>,
      }
      %scan3A_317 = arith.constant 32 : i32
      %mul3A_318 = arith.constant 2 : i32
      %mul3A_319 = arith.muli %mul3A_318, %scan3A_167 : i32
      %add3A_320 = arith.constant 1 : i32
      %add3A_321 = arith.addi %mul3A_319, %add3A_320 : i32
      %add3A_322 = arith.constant 20 : i32
      %add3A_323 = arith.addi %add3A_322, %add3A_321 : i32
      %add3A_324 = arith.constant 1 : i32
      %add3A_325 = arith.addi %add3A_323, %add3A_324 : i32
      %lt3A_326 = arith.constant 50 : i32
      %lt3A_327 = arith.cmpi slt, %add3A_325, %lt3A_326 : i32
      %convert_element_type3A_328 = arith.extui %lt3A_327 : i1 to i32
      %cond3A_329 = arith.constant 0 : i32
      %cond3A_330 = arith.cmpi ne, %convert_element_type3A_328, %cond3A_329 : i32
      scf.if %cond3A_330 {
        %add3A_473 = arith.constant 1 : i32
        %add3A_474 = arith.addi %add3A_323, %add3A_473 : i32
        %get3A_475 = arith.index_cast %add3A_474 : i32 to index
        %get3A_476 = arith.constant 0 : index
        %get3A_477 = tpu.vector_load %arg5[%get3A_475, %get3A_476] {strides = array<i32>} : memref<50x128xi32, #tpu.memory_space<vmem>>, vector<16xi32>,
        %shift_right_logical3A_478 = arith.constant 2 : i32
        %shift_right_logical3A_479 = vector.broadcast %shift_right_logical3A_478 : i32 to vector<16xi32>
        %shift_right_logical3A_480 = arith.shrui %get3A_477, %shift_right_logical3A_479 : vector<16xi32>
        %swap3A_481 = arith.constant 0 : index
        %swap3A_482 = tpu.vector_load %arg10[%swap3A_481] {strides = array<i32>} : memref<128xi32, #tpu.memory_space<vmem>>, vector<16xi32>,
        tpu.vector_store %arg10[%swap3A_481], %shift_right_logical3A_480 {strides = array<i32>} : memref<128xi32, #tpu.memory_space<vmem>>, vector<16xi32>,
        %get3A_483 = arith.index_cast %add3A_474 : i32 to index
        %get3A_484 = arith.constant 16 : index
        %get3A_485 = tpu.vector_load %arg5[%get3A_483, %get3A_484] {strides = array<i32>} : memref<50x128xi32, #tpu.memory_space<vmem>>, vector<16xi32>,
        %shift_right_logical3A_486 = arith.constant 2 : i32
        %shift_right_logical3A_487 = vector.broadcast %shift_right_logical3A_486 : i32 to vector<16xi32>
        %shift_right_logical3A_488 = arith.shrui %get3A_485, %shift_right_logical3A_487 : vector<16xi32>
        %swap3A_489 = arith.constant 16 : index
        %swap3A_490 = tpu.vector_load %arg10[%swap3A_489] {strides = array<i32>} : memref<128xi32, #tpu.memory_space<vmem>>, vector<16xi32>,
        tpu.vector_store %arg10[%swap3A_489], %shift_right_logical3A_488 {strides = array<i32>} : memref<128xi32, #tpu.memory_space<vmem>>, vector<16xi32>,
        %get3A_491 = arith.index_cast %add3A_474 : i32 to index
        %get3A_492 = arith.constant 32 : index
        %get3A_493 = tpu.vector_load %arg5[%get3A_491, %get3A_492] {strides = array<i32>} : memref<50x128xi32, #tpu.memory_space<vmem>>, vector<16xi32>,
        %shift_right_logical3A_494 = arith.constant 2 : i32
        %shift_right_logical3A_495 = vector.broadcast %shift_right_logical3A_494 : i32 to vector<16xi32>
        %shift_right_logical3A_496 = arith.shrui %get3A_493, %shift_right_logical3A_495 : vector<16xi32>
        %swap3A_497 = arith.constant 32 : index
        %swap3A_498 = tpu.vector_load %arg10[%swap3A_497] {strides = array<i32>} : memref<128xi32, #tpu.memory_space<vmem>>, vector<16xi32>,
        tpu.vector_store %arg10[%swap3A_497], %shift_right_logical3A_496 {strides = array<i32>} : memref<128xi32, #tpu.memory_space<vmem>>, vector<16xi32>,
        %get3A_499 = arith.index_cast %add3A_474 : i32 to index
        %get3A_500 = arith.constant 48 : index
        %get3A_501 = tpu.vector_load %arg5[%get3A_499, %get3A_500] {strides = array<i32>} : memref<50x128xi32, #tpu.memory_space<vmem>>, vector<16xi32>,
        %shift_right_logical3A_502 = arith.constant 2 : i32
        %shift_right_logical3A_503 = vector.broadcast %shift_right_logical3A_502 : i32 to vector<16xi32>
        %shift_right_logical3A_504 = arith.shrui %get3A_501, %shift_right_logical3A_503 : vector<16xi32>
        %swap3A_505 = arith.constant 48 : index
        %swap3A_506 = tpu.vector_load %arg10[%swap3A_505] {strides = array<i32>} : memref<128xi32, #tpu.memory_space<vmem>>, vector<16xi32>,
        tpu.vector_store %arg10[%swap3A_505], %shift_right_logical3A_504 {strides = array<i32>} : memref<128xi32, #tpu.memory_space<vmem>>, vector<16xi32>,
        %get3A_507 = arith.index_cast %add3A_474 : i32 to index
        %get3A_508 = arith.constant 64 : index
        %get3A_509 = tpu.vector_load %arg5[%get3A_507, %get3A_508] {strides = array<i32>} : memref<50x128xi32, #tpu.memory_space<vmem>>, vector<16xi32>,
        %shift_right_logical3A_510 = arith.constant 2 : i32
        %shift_right_logical3A_511 = vector.broadcast %shift_right_logical3A_510 : i32 to vector<16xi32>
        %shift_right_logical3A_512 = arith.shrui %get3A_509, %shift_right_logical3A_511 : vector<16xi32>
        %swap3A_513 = arith.constant 64 : index
        %swap3A_514 = tpu.vector_load %arg10[%swap3A_513] {strides = array<i32>} : memref<128xi32, #tpu.memory_space<vmem>>, vector<16xi32>,
        tpu.vector_store %arg10[%swap3A_513], %shift_right_logical3A_512 {strides = array<i32>} : memref<128xi32, #tpu.memory_space<vmem>>, vector<16xi32>,
        %get3A_515 = arith.index_cast %add3A_474 : i32 to index
        %get3A_516 = arith.constant 80 : index
        %get3A_517 = tpu.vector_load %arg5[%get3A_515, %get3A_516] {strides = array<i32>} : memref<50x128xi32, #tpu.memory_space<vmem>>, vector<16xi32>,
        %shift_right_logical3A_518 = arith.constant 2 : i32
        %shift_right_logical3A_519 = vector.broadcast %shift_right_logical3A_518 : i32 to vector<16xi32>
        %shift_right_logical3A_520 = arith.shrui %get3A_517, %shift_right_logical3A_519 : vector<16xi32>
        %swap3A_521 = arith.constant 80 : index
        %swap3A_522 = tpu.vector_load %arg10[%swap3A_521] {strides = array<i32>} : memref<128xi32, #tpu.memory_space<vmem>>, vector<16xi32>,
        tpu.vector_store %arg10[%swap3A_521], %shift_right_logical3A_520 {strides = array<i32>} : memref<128xi32, #tpu.memory_space<vmem>>, vector<16xi32>,
        %get3A_523 = arith.index_cast %add3A_474 : i32 to index
        %get3A_524 = arith.constant 96 : index
        %get3A_525 = tpu.vector_load %arg5[%get3A_523, %get3A_524] {strides = array<i32>} : memref<50x128xi32, #tpu.memory_space<vmem>>, vector<16xi32>,
        %shift_right_logical3A_526 = arith.constant 2 : i32
        %shift_right_logical3A_527 = vector.broadcast %shift_right_logical3A_526 : i32 to vector<16xi32>
        %shift_right_logical3A_528 = arith.shrui %get3A_525, %shift_right_logical3A_527 : vector<16xi32>
        %swap3A_529 = arith.constant 96 : index
        %swap3A_530 = tpu.vector_load %arg10[%swap3A_529] {strides = array<i32>} : memref<128xi32, #tpu.memory_space<vmem>>, vector<16xi32>,
        tpu.vector_store %arg10[%swap3A_529], %shift_right_logical3A_528 {strides = array<i32>} : memref<128xi32, #tpu.memory_space<vmem>>, vector<16xi32>,
        %get3A_531 = arith.index_cast %add3A_474 : i32 to index
        %get3A_532 = arith.constant 112 : index
        %get3A_533 = tpu.vector_load %arg5[%get3A_531, %get3A_532] {strides = array<i32>} : memref<50x128xi32, #tpu.memory_space<vmem>>, vector<16xi32>,
        %shift_right_logical3A_534 = arith.constant 2 : i32
        %shift_right_logical3A_535 = vector.broadcast %shift_right_logical3A_534 : i32 to vector<16xi32>
        %shift_right_logical3A_536 = arith.shrui %get3A_533, %shift_right_logical3A_535 : vector<16xi32>
        %swap3A_537 = arith.constant 112 : index
        %swap3A_538 = tpu.vector_load %arg10[%swap3A_537] {strides = array<i32>} : memref<128xi32, #tpu.memory_space<vmem>>, vector<16xi32>,
        tpu.vector_store %arg10[%swap3A_537], %shift_right_logical3A_536 {strides = array<i32>} : memref<128xi32, #tpu.memory_space<vmem>>, vector<16xi32>,
        %dma_start3A_539 = arith.constant 0 : i32
        %dma_start3A_540 = arith.constant 0 : i32
        %dma_start3A_541 = tpu.memref_slice %arg3[%dma_start3A_539, %dma_start3A_540] : memref<250000x128xf32, #tpu.memory_space<hbm>> -> memref<250000x128xf32, #tpu.memory_space<hbm>>
        tpu.enqueue_indirect_dma source(%dma_start3A_541 : memref<250000x128xf32, #tpu.memory_space<hbm>>) target(%arg8 : memref<128x128xf32, #tpu.memory_space<vmem>>) offsets(%arg10 : memref<128xi32, #tpu.memory_space<vmem>>) semaphore(%arg12 : memref<!tpu.dma_semaphore, #tpu.memory_space<semaphore_mem>>)
      } else {
      }
      %dma_wait3A_331 = arith.constant 0 : i32
      %dma_wait3A_332 = arith.constant 0 : i32
      %dma_wait3A_333 = tpu.memref_slice %arg3[%dma_wait3A_331, %dma_wait3A_332] : memref<250000x128xf32, #tpu.memory_space<hbm>> -> memref<128x128xf32, #tpu.memory_space<hbm>>
      %dma_wait3A_334 = arith.constant 0 : i32
      %dma_wait3A_335 = arith.constant 0 : i32
      %dma_wait3A_336 = tpu.memref_slice %arg3[%dma_wait3A_334, %dma_wait3A_335] : memref<250000x128xf32, #tpu.memory_space<hbm>> -> memref<128x128xf32, #tpu.memory_space<hbm>>
      tpu.wait_dma2 semaphore(%arg12 : memref<!tpu.dma_semaphore, #tpu.memory_space<semaphore_mem>>) src(%dma_wait3A_336 : memref<128x128xf32, #tpu.memory_space<hbm>>) dst(%arg9 : memref<128x128xf32, #tpu.memory_space<vmem>>)
      %get3A_337 = arith.index_cast %add3A_323 : i32 to index
      %get3A_338 = arith.constant 0 : index
      %get3A_339 = tpu.vector_load %arg5[%get3A_337, %get3A_338] {strides = array<i32>} : memref<50x128xi32, #tpu.memory_space<vmem>>, vector<16xi32>,
      %and3A_340 = arith.constant 3 : i32
      %and3A_341 = vector.broadcast %and3A_340 : i32 to vector<16xi32>
      %and3A_342 = arith.andi %get3A_339, %and3A_341 : vector<16xi32>
      %shift_left3A_343 = arith.constant 5 : i32
      %shift_left3A_344 = vector.broadcast %shift_left3A_343 : i32 to vector<16xi32>
      %shift_left3A_345 = arith.shli %and3A_342, %shift_left3A_344 : vector<16xi32>
      %add3A_346 = arith.constant 0 : i32
      %add3A_347 = vector.broadcast %add3A_346 : i32 to vector<16xi32>
      %add3A_348 = arith.addi %add3A_347, %iota3A : vector<16xi32>
      %scan3A_349 = arith.constant 0 : i32
      %scan3A_350 = arith.constant 32 : i32
      %scan3A_351 = arith.addi %scan3A_349, %scan3A_350 : i32
      %scan3A_352 = arith.constant 1 : i32
      scf.for %scan3A_473 = %scan3A_349 to %scan3A_351 step %scan3A_352  : i32 {
        %add3A_474 = vector.broadcast %scan3A_473 : i32 to vector<16xi32>
        %add3A_475 = arith.addi %shift_left3A_345, %add3A_474 : vector<16xi32>
        %gather3A = tpu.vector_load_idx %arg9[%add3A_348, %add3A_475] : memref<128x128xf32, #tpu.memory_space<vmem>>[vector<16xi32>, vector<16xi32>], vector<16xf32>,
        %swap3A_476 = arith.index_cast %add3A_321 : i32 to index
        %swap3A_477 = arith.index_cast %scan3A_473 : i32 to index
        %swap3A_478 = arith.constant 0 : index
        %swap3A_479 = tpu.vector_load %arg6[%swap3A_476, %swap3A_477, %swap3A_478] {strides = array<i32>} : memref<10x32x128xf32, #tpu.memory_space<vmem>>, vector<16xf32>,
        tpu.vector_store %arg6[%swap3A_476, %swap3A_477, %swap3A_478], %gather3A {strides = array<i32>} : memref<10x32x128xf32, #tpu.memory_space<vmem>>, vector<16xf32>,
      }
      %scan3A_353 = arith.constant 32 : i32
      %get3A_354 = arith.index_cast %add3A_323 : i32 to index
      %get3A_355 = arith.constant 16 : index
      %get3A_356 = tpu.vector_load %arg5[%get3A_354, %get3A_355] {strides = array<i32>} : memref<50x128xi32, #tpu.memory_space<vmem>>, vector<16xi32>,
      %and3A_357 = arith.constant 3 : i32
      %and3A_358 = vector.broadcast %and3A_357 : i32 to vector<16xi32>
      %and3A_359 = arith.andi %get3A_356, %and3A_358 : vector<16xi32>
      %shift_left3A_360 = arith.constant 5 : i32
      %shift_left3A_361 = vector.broadcast %shift_left3A_360 : i32 to vector<16xi32>
      %shift_left3A_362 = arith.shli %and3A_359, %shift_left3A_361 : vector<16xi32>
      %add3A_363 = arith.constant 16 : i32
      %add3A_364 = vector.broadcast %add3A_363 : i32 to vector<16xi32>
      %add3A_365 = arith.addi %add3A_364, %iota3A : vector<16xi32>
      %scan3A_366 = arith.constant 0 : i32
      %scan3A_367 = arith.constant 32 : i32
      %scan3A_368 = arith.addi %scan3A_366, %scan3A_367 : i32
      %scan3A_369 = arith.constant 1 : i32
      scf.for %scan3A_473 = %scan3A_366 to %scan3A_368 step %scan3A_369  : i32 {
        %add3A_474 = vector.broadcast %scan3A_473 : i32 to vector<16xi32>
        %add3A_475 = arith.addi %shift_left3A_362, %add3A_474 : vector<16xi32>
        %gather3A = tpu.vector_load_idx %arg9[%add3A_365, %add3A_475] : memref<128x128xf32, #tpu.memory_space<vmem>>[vector<16xi32>, vector<16xi32>], vector<16xf32>,
        %swap3A_476 = arith.index_cast %add3A_321 : i32 to index
        %swap3A_477 = arith.index_cast %scan3A_473 : i32 to index
        %swap3A_478 = arith.constant 16 : index
        %swap3A_479 = tpu.vector_load %arg6[%swap3A_476, %swap3A_477, %swap3A_478] {strides = array<i32>} : memref<10x32x128xf32, #tpu.memory_space<vmem>>, vector<16xf32>,
        tpu.vector_store %arg6[%swap3A_476, %swap3A_477, %swap3A_478], %gather3A {strides = array<i32>} : memref<10x32x128xf32, #tpu.memory_space<vmem>>, vector<16xf32>,
      }
      %scan3A_370 = arith.constant 32 : i32
      %get3A_371 = arith.index_cast %add3A_323 : i32 to index
      %get3A_372 = arith.constant 32 : index
      %get3A_373 = tpu.vector_load %arg5[%get3A_371, %get3A_372] {strides = array<i32>} : memref<50x128xi32, #tpu.memory_space<vmem>>, vector<16xi32>,
      %and3A_374 = arith.constant 3 : i32
      %and3A_375 = vector.broadcast %and3A_374 : i32 to vector<16xi32>
      %and3A_376 = arith.andi %get3A_373, %and3A_375 : vector<16xi32>
      %shift_left3A_377 = arith.constant 5 : i32
      %shift_left3A_378 = vector.broadcast %shift_left3A_377 : i32 to vector<16xi32>
      %shift_left3A_379 = arith.shli %and3A_376, %shift_left3A_378 : vector<16xi32>
      %add3A_380 = arith.constant 32 : i32
      %add3A_381 = vector.broadcast %add3A_380 : i32 to vector<16xi32>
      %add3A_382 = arith.addi %add3A_381, %iota3A : vector<16xi32>
      %scan3A_383 = arith.constant 0 : i32
      %scan3A_384 = arith.constant 32 : i32
      %scan3A_385 = arith.addi %scan3A_383, %scan3A_384 : i32
      %scan3A_386 = arith.constant 1 : i32
      scf.for %scan3A_473 = %scan3A_383 to %scan3A_385 step %scan3A_386  : i32 {
        %add3A_474 = vector.broadcast %scan3A_473 : i32 to vector<16xi32>
        %add3A_475 = arith.addi %shift_left3A_379, %add3A_474 : vector<16xi32>
        %gather3A = tpu.vector_load_idx %arg9[%add3A_382, %add3A_475] : memref<128x128xf32, #tpu.memory_space<vmem>>[vector<16xi32>, vector<16xi32>], vector<16xf32>,
        %swap3A_476 = arith.index_cast %add3A_321 : i32 to index
        %swap3A_477 = arith.index_cast %scan3A_473 : i32 to index
        %swap3A_478 = arith.constant 32 : index
        %swap3A_479 = tpu.vector_load %arg6[%swap3A_476, %swap3A_477, %swap3A_478] {strides = array<i32>} : memref<10x32x128xf32, #tpu.memory_space<vmem>>, vector<16xf32>,
        tpu.vector_store %arg6[%swap3A_476, %swap3A_477, %swap3A_478], %gather3A {strides = array<i32>} : memref<10x32x128xf32, #tpu.memory_space<vmem>>, vector<16xf32>,
      }
      %scan3A_387 = arith.constant 32 : i32
      %get3A_388 = arith.index_cast %add3A_323 : i32 to index
      %get3A_389 = arith.constant 48 : index
      %get3A_390 = tpu.vector_load %arg5[%get3A_388, %get3A_389] {strides = array<i32>} : memref<50x128xi32, #tpu.memory_space<vmem>>, vector<16xi32>,
      %and3A_391 = arith.constant 3 : i32
      %and3A_392 = vector.broadcast %and3A_391 : i32 to vector<16xi32>
      %and3A_393 = arith.andi %get3A_390, %and3A_392 : vector<16xi32>
      %shift_left3A_394 = arith.constant 5 : i32
      %shift_left3A_395 = vector.broadcast %shift_left3A_394 : i32 to vector<16xi32>
      %shift_left3A_396 = arith.shli %and3A_393, %shift_left3A_395 : vector<16xi32>
      %add3A_397 = arith.constant 48 : i32
      %add3A_398 = vector.broadcast %add3A_397 : i32 to vector<16xi32>
      %add3A_399 = arith.addi %add3A_398, %iota3A : vector<16xi32>
      %scan3A_400 = arith.constant 0 : i32
      %scan3A_401 = arith.constant 32 : i32
      %scan3A_402 = arith.addi %scan3A_400, %scan3A_401 : i32
      %scan3A_403 = arith.constant 1 : i32
      scf.for %scan3A_473 = %scan3A_400 to %scan3A_402 step %scan3A_403  : i32 {
        %add3A_474 = vector.broadcast %scan3A_473 : i32 to vector<16xi32>
        %add3A_475 = arith.addi %shift_left3A_396, %add3A_474 : vector<16xi32>
        %gather3A = tpu.vector_load_idx %arg9[%add3A_399, %add3A_475] : memref<128x128xf32, #tpu.memory_space<vmem>>[vector<16xi32>, vector<16xi32>], vector<16xf32>,
        %swap3A_476 = arith.index_cast %add3A_321 : i32 to index
        %swap3A_477 = arith.index_cast %scan3A_473 : i32 to index
        %swap3A_478 = arith.constant 48 : index
        %swap3A_479 = tpu.vector_load %arg6[%swap3A_476, %swap3A_477, %swap3A_478] {strides = array<i32>} : memref<10x32x128xf32, #tpu.memory_space<vmem>>, vector<16xf32>,
        tpu.vector_store %arg6[%swap3A_476, %swap3A_477, %swap3A_478], %gather3A {strides = array<i32>} : memref<10x32x128xf32, #tpu.memory_space<vmem>>, vector<16xf32>,
      }
      %scan3A_404 = arith.constant 32 : i32
      %get3A_405 = arith.index_cast %add3A_323 : i32 to index
      %get3A_406 = arith.constant 64 : index
      %get3A_407 = tpu.vector_load %arg5[%get3A_405, %get3A_406] {strides = array<i32>} : memref<50x128xi32, #tpu.memory_space<vmem>>, vector<16xi32>,
      %and3A_408 = arith.constant 3 : i32
      %and3A_409 = vector.broadcast %and3A_408 : i32 to vector<16xi32>
      %and3A_410 = arith.andi %get3A_407, %and3A_409 : vector<16xi32>
      %shift_left3A_411 = arith.constant 5 : i32
      %shift_left3A_412 = vector.broadcast %shift_left3A_411 : i32 to vector<16xi32>
      %shift_left3A_413 = arith.shli %and3A_410, %shift_left3A_412 : vector<16xi32>
      %add3A_414 = arith.constant 64 : i32
      %add3A_415 = vector.broadcast %add3A_414 : i32 to vector<16xi32>
      %add3A_416 = arith.addi %add3A_415, %iota3A : vector<16xi32>
      %scan3A_417 = arith.constant 0 : i32
      %scan3A_418 = arith.constant 32 : i32
      %scan3A_419 = arith.addi %scan3A_417, %scan3A_418 : i32
      %scan3A_420 = arith.constant 1 : i32
      scf.for %scan3A_473 = %scan3A_417 to %scan3A_419 step %scan3A_420  : i32 {
        %add3A_474 = vector.broadcast %scan3A_473 : i32 to vector<16xi32>
        %add3A_475 = arith.addi %shift_left3A_413, %add3A_474 : vector<16xi32>
        %gather3A = tpu.vector_load_idx %arg9[%add3A_416, %add3A_475] : memref<128x128xf32, #tpu.memory_space<vmem>>[vector<16xi32>, vector<16xi32>], vector<16xf32>,
        %swap3A_476 = arith.index_cast %add3A_321 : i32 to index
        %swap3A_477 = arith.index_cast %scan3A_473 : i32 to index
        %swap3A_478 = arith.constant 64 : index
        %swap3A_479 = tpu.vector_load %arg6[%swap3A_476, %swap3A_477, %swap3A_478] {strides = array<i32>} : memref<10x32x128xf32, #tpu.memory_space<vmem>>, vector<16xf32>,
        tpu.vector_store %arg6[%swap3A_476, %swap3A_477, %swap3A_478], %gather3A {strides = array<i32>} : memref<10x32x128xf32, #tpu.memory_space<vmem>>, vector<16xf32>,
      }
      %scan3A_421 = arith.constant 32 : i32
      %get3A_422 = arith.index_cast %add3A_323 : i32 to index
      %get3A_423 = arith.constant 80 : index
      %get3A_424 = tpu.vector_load %arg5[%get3A_422, %get3A_423] {strides = array<i32>} : memref<50x128xi32, #tpu.memory_space<vmem>>, vector<16xi32>,
      %and3A_425 = arith.constant 3 : i32
      %and3A_426 = vector.broadcast %and3A_425 : i32 to vector<16xi32>
      %and3A_427 = arith.andi %get3A_424, %and3A_426 : vector<16xi32>
      %shift_left3A_428 = arith.constant 5 : i32
      %shift_left3A_429 = vector.broadcast %shift_left3A_428 : i32 to vector<16xi32>
      %shift_left3A_430 = arith.shli %and3A_427, %shift_left3A_429 : vector<16xi32>
      %add3A_431 = arith.constant 80 : i32
      %add3A_432 = vector.broadcast %add3A_431 : i32 to vector<16xi32>
      %add3A_433 = arith.addi %add3A_432, %iota3A : vector<16xi32>
      %scan3A_434 = arith.constant 0 : i32
      %scan3A_435 = arith.constant 32 : i32
      %scan3A_436 = arith.addi %scan3A_434, %scan3A_435 : i32
      %scan3A_437 = arith.constant 1 : i32
      scf.for %scan3A_473 = %scan3A_434 to %scan3A_436 step %scan3A_437  : i32 {
        %add3A_474 = vector.broadcast %scan3A_473 : i32 to vector<16xi32>
        %add3A_475 = arith.addi %shift_left3A_430, %add3A_474 : vector<16xi32>
        %gather3A = tpu.vector_load_idx %arg9[%add3A_433, %add3A_475] : memref<128x128xf32, #tpu.memory_space<vmem>>[vector<16xi32>, vector<16xi32>], vector<16xf32>,
        %swap3A_476 = arith.index_cast %add3A_321 : i32 to index
        %swap3A_477 = arith.index_cast %scan3A_473 : i32 to index
        %swap3A_478 = arith.constant 80 : index
        %swap3A_479 = tpu.vector_load %arg6[%swap3A_476, %swap3A_477, %swap3A_478] {strides = array<i32>} : memref<10x32x128xf32, #tpu.memory_space<vmem>>, vector<16xf32>,
        tpu.vector_store %arg6[%swap3A_476, %swap3A_477, %swap3A_478], %gather3A {strides = array<i32>} : memref<10x32x128xf32, #tpu.memory_space<vmem>>, vector<16xf32>,
      }
      %scan3A_438 = arith.constant 32 : i32
      %get3A_439 = arith.index_cast %add3A_323 : i32 to index
      %get3A_440 = arith.constant 96 : index
      %get3A_441 = tpu.vector_load %arg5[%get3A_439, %get3A_440] {strides = array<i32>} : memref<50x128xi32, #tpu.memory_space<vmem>>, vector<16xi32>,
      %and3A_442 = arith.constant 3 : i32
      %and3A_443 = vector.broadcast %and3A_442 : i32 to vector<16xi32>
      %and3A_444 = arith.andi %get3A_441, %and3A_443 : vector<16xi32>
      %shift_left3A_445 = arith.constant 5 : i32
      %shift_left3A_446 = vector.broadcast %shift_left3A_445 : i32 to vector<16xi32>
      %shift_left3A_447 = arith.shli %and3A_444, %shift_left3A_446 : vector<16xi32>
      %add3A_448 = arith.constant 96 : i32
      %add3A_449 = vector.broadcast %add3A_448 : i32 to vector<16xi32>
      %add3A_450 = arith.addi %add3A_449, %iota3A : vector<16xi32>
      %scan3A_451 = arith.constant 0 : i32
      %scan3A_452 = arith.constant 32 : i32
      %scan3A_453 = arith.addi %scan3A_451, %scan3A_452 : i32
      %scan3A_454 = arith.constant 1 : i32
      scf.for %scan3A_473 = %scan3A_451 to %scan3A_453 step %scan3A_454  : i32 {
        %add3A_474 = vector.broadcast %scan3A_473 : i32 to vector<16xi32>
        %add3A_475 = arith.addi %shift_left3A_447, %add3A_474 : vector<16xi32>
        %gather3A = tpu.vector_load_idx %arg9[%add3A_450, %add3A_475] : memref<128x128xf32, #tpu.memory_space<vmem>>[vector<16xi32>, vector<16xi32>], vector<16xf32>,
        %swap3A_476 = arith.index_cast %add3A_321 : i32 to index
        %swap3A_477 = arith.index_cast %scan3A_473 : i32 to index
        %swap3A_478 = arith.constant 96 : index
        %swap3A_479 = tpu.vector_load %arg6[%swap3A_476, %swap3A_477, %swap3A_478] {strides = array<i32>} : memref<10x32x128xf32, #tpu.memory_space<vmem>>, vector<16xf32>,
        tpu.vector_store %arg6[%swap3A_476, %swap3A_477, %swap3A_478], %gather3A {strides = array<i32>} : memref<10x32x128xf32, #tpu.memory_space<vmem>>, vector<16xf32>,
      }
      %scan3A_455 = arith.constant 32 : i32
      %get3A_456 = arith.index_cast %add3A_323 : i32 to index
      %get3A_457 = arith.constant 112 : index
      %get3A_458 = tpu.vector_load %arg5[%get3A_456, %get3A_457] {strides = array<i32>} : memref<50x128xi32, #tpu.memory_space<vmem>>, vector<16xi32>,
      %and3A_459 = arith.constant 3 : i32
      %and3A_460 = vector.broadcast %and3A_459 : i32 to vector<16xi32>
      %and3A_461 = arith.andi %get3A_458, %and3A_460 : vector<16xi32>
      %shift_left3A_462 = arith.constant 5 : i32
      %shift_left3A_463 = vector.broadcast %shift_left3A_462 : i32 to vector<16xi32>
      %shift_left3A_464 = arith.shli %and3A_461, %shift_left3A_463 : vector<16xi32>
      %add3A_465 = arith.constant 112 : i32
      %add3A_466 = vector.broadcast %add3A_465 : i32 to vector<16xi32>
      %add3A_467 = arith.addi %add3A_466, %iota3A : vector<16xi32>
      %scan3A_468 = arith.constant 0 : i32
      %scan3A_469 = arith.constant 32 : i32
      %scan3A_470 = arith.addi %scan3A_468, %scan3A_469 : i32
      %scan3A_471 = arith.constant 1 : i32
      scf.for %scan3A_473 = %scan3A_468 to %scan3A_470 step %scan3A_471  : i32 {
        %add3A_474 = vector.broadcast %scan3A_473 : i32 to vector<16xi32>
        %add3A_475 = arith.addi %shift_left3A_464, %add3A_474 : vector<16xi32>
        %gather3A = tpu.vector_load_idx %arg9[%add3A_467, %add3A_475] : memref<128x128xf32, #tpu.memory_space<vmem>>[vector<16xi32>, vector<16xi32>], vector<16xf32>,
        %swap3A_476 = arith.index_cast %add3A_321 : i32 to index
        %swap3A_477 = arith.index_cast %scan3A_473 : i32 to index
        %swap3A_478 = arith.constant 112 : index
        %swap3A_479 = tpu.vector_load %arg6[%swap3A_476, %swap3A_477, %swap3A_478] {strides = array<i32>} : memref<10x32x128xf32, #tpu.memory_space<vmem>>, vector<16xf32>,
        tpu.vector_store %arg6[%swap3A_476, %swap3A_477, %swap3A_478], %gather3A {strides = array<i32>} : memref<10x32x128xf32, #tpu.memory_space<vmem>>, vector<16xf32>,
      }
      %scan3A_472 = arith.constant 32 : i32
    }
    %scan3A_106 = arith.constant 5 : i32
    %dma_start3A_107 = arith.constant 20 : i32
    %dma_start3A_108 = arith.constant 0 : i32
    %dma_start3A_109 = tpu.memref_slice %arg4[%dma_start3A_107, %dma_start3A_108, %mul3A_2] : memref<50x32x4096xf32, #tpu.memory_space<hbm>> -> memref<10x32x128xf32, #tpu.memory_space<hbm>>
    %dma_start3A_110 = arith.constant 20 : i32
    %dma_start3A_111 = arith.constant 0 : i32
    %dma_start3A_112 = tpu.memref_slice %arg4[%dma_start3A_110, %dma_start3A_111, %mul3A_2] : memref<50x32x4096xf32, #tpu.memory_space<hbm>> -> memref<10x32x128xf32, #tpu.memory_space<hbm>>
    tpu.enqueue_dma source(%arg6 : memref<10x32x128xf32, #tpu.memory_space<vmem>>) target(%dma_start3A_112 : memref<10x32x128xf32, #tpu.memory_space<hbm>>) target_semaphore(%arg13 : memref<!tpu.dma_semaphore, #tpu.memory_space<semaphore_mem>>)
    %dma_wait3A_113 = arith.constant 0 : i32
    %dma_wait3A_114 = arith.constant 0 : i32
    %dma_wait3A_115 = arith.constant 0 : i32
    %dma_wait3A_116 = tpu.memref_slice %arg4[%dma_wait3A_113, %dma_wait3A_114, %dma_wait3A_115] : memref<50x32x4096xf32, #tpu.memory_space<hbm>> -> memref<10x32x128xf32, #tpu.memory_space<hbm>>
    %dma_wait3A_117 = arith.constant 0 : i32
    %dma_wait3A_118 = arith.constant 0 : i32
    %dma_wait3A_119 = arith.constant 0 : i32
    %dma_wait3A_120 = tpu.memref_slice %arg4[%dma_wait3A_117, %dma_wait3A_118, %dma_wait3A_119] : memref<50x32x4096xf32, #tpu.memory_space<hbm>> -> memref<10x32x128xf32, #tpu.memory_space<hbm>>
    tpu.wait_dma2 semaphore(%arg13 : memref<!tpu.dma_semaphore, #tpu.memory_space<semaphore_mem>>) src(%arg7 : memref<10x32x128xf32, #tpu.memory_space<vmem>>) dst(%dma_wait3A_120 : memref<10x32x128xf32, #tpu.memory_space<hbm>>)
    %scan3A_121 = arith.constant 0 : i32
    %scan3A_122 = arith.constant 5 : i32
    %scan3A_123 = arith.addi %scan3A_121, %scan3A_122 : i32
    %scan3A_124 = arith.constant 1 : i32
    scf.for %scan3A_167 = %scan3A_121 to %scan3A_123 step %scan3A_124  : i32 {
      %mul3A_168 = arith.constant 2 : i32
      %mul3A_169 = arith.muli %mul3A_168, %scan3A_167 : i32
      %add3A_170 = arith.constant 0 : i32
      %add3A_171 = arith.addi %mul3A_169, %add3A_170 : i32
      %add3A_172 = arith.constant 30 : i32
      %add3A_173 = arith.addi %add3A_172, %add3A_171 : i32
      %add3A_174 = arith.constant 1 : i32
      %add3A_175 = arith.addi %add3A_173, %add3A_174 : i32
      %lt3A = arith.constant 50 : i32
      %lt3A_176 = arith.cmpi slt, %add3A_175, %lt3A : i32
      %convert_element_type3A = arith.extui %lt3A_176 : i1 to i32
      %cond3A = arith.constant 0 : i32
      %cond3A_177 = arith.cmpi ne, %convert_element_type3A, %cond3A : i32
      scf.if %cond3A_177 {
        %add3A_473 = arith.constant 1 : i32
        %add3A_474 = arith.addi %add3A_173, %add3A_473 : i32
        %get3A_475 = arith.index_cast %add3A_474 : i32 to index
        %get3A_476 = arith.constant 0 : index
        %get3A_477 = tpu.vector_load %arg5[%get3A_475, %get3A_476] {strides = array<i32>} : memref<50x128xi32, #tpu.memory_space<vmem>>, vector<16xi32>,
        %shift_right_logical3A_478 = arith.constant 2 : i32
        %shift_right_logical3A_479 = vector.broadcast %shift_right_logical3A_478 : i32 to vector<16xi32>
        %shift_right_logical3A_480 = arith.shrui %get3A_477, %shift_right_logical3A_479 : vector<16xi32>
        %swap3A_481 = arith.constant 0 : index
        %swap3A_482 = tpu.vector_load %arg11[%swap3A_481] {strides = array<i32>} : memref<128xi32, #tpu.memory_space<vmem>>, vector<16xi32>,
        tpu.vector_store %arg11[%swap3A_481], %shift_right_logical3A_480 {strides = array<i32>} : memref<128xi32, #tpu.memory_space<vmem>>, vector<16xi32>,
        %get3A_483 = arith.index_cast %add3A_474 : i32 to index
        %get3A_484 = arith.constant 16 : index
        %get3A_485 = tpu.vector_load %arg5[%get3A_483, %get3A_484] {strides = array<i32>} : memref<50x128xi32, #tpu.memory_space<vmem>>, vector<16xi32>,
        %shift_right_logical3A_486 = arith.constant 2 : i32
        %shift_right_logical3A_487 = vector.broadcast %shift_right_logical3A_486 : i32 to vector<16xi32>
        %shift_right_logical3A_488 = arith.shrui %get3A_485, %shift_right_logical3A_487 : vector<16xi32>
        %swap3A_489 = arith.constant 16 : index
        %swap3A_490 = tpu.vector_load %arg11[%swap3A_489] {strides = array<i32>} : memref<128xi32, #tpu.memory_space<vmem>>, vector<16xi32>,
        tpu.vector_store %arg11[%swap3A_489], %shift_right_logical3A_488 {strides = array<i32>} : memref<128xi32, #tpu.memory_space<vmem>>, vector<16xi32>,
        %get3A_491 = arith.index_cast %add3A_474 : i32 to index
        %get3A_492 = arith.constant 32 : index
        %get3A_493 = tpu.vector_load %arg5[%get3A_491, %get3A_492] {strides = array<i32>} : memref<50x128xi32, #tpu.memory_space<vmem>>, vector<16xi32>,
        %shift_right_logical3A_494 = arith.constant 2 : i32
        %shift_right_logical3A_495 = vector.broadcast %shift_right_logical3A_494 : i32 to vector<16xi32>
        %shift_right_logical3A_496 = arith.shrui %get3A_493, %shift_right_logical3A_495 : vector<16xi32>
        %swap3A_497 = arith.constant 32 : index
        %swap3A_498 = tpu.vector_load %arg11[%swap3A_497] {strides = array<i32>} : memref<128xi32, #tpu.memory_space<vmem>>, vector<16xi32>,
        tpu.vector_store %arg11[%swap3A_497], %shift_right_logical3A_496 {strides = array<i32>} : memref<128xi32, #tpu.memory_space<vmem>>, vector<16xi32>,
        %get3A_499 = arith.index_cast %add3A_474 : i32 to index
        %get3A_500 = arith.constant 48 : index
        %get3A_501 = tpu.vector_load %arg5[%get3A_499, %get3A_500] {strides = array<i32>} : memref<50x128xi32, #tpu.memory_space<vmem>>, vector<16xi32>,
        %shift_right_logical3A_502 = arith.constant 2 : i32
        %shift_right_logical3A_503 = vector.broadcast %shift_right_logical3A_502 : i32 to vector<16xi32>
        %shift_right_logical3A_504 = arith.shrui %get3A_501, %shift_right_logical3A_503 : vector<16xi32>
        %swap3A_505 = arith.constant 48 : index
        %swap3A_506 = tpu.vector_load %arg11[%swap3A_505] {strides = array<i32>} : memref<128xi32, #tpu.memory_space<vmem>>, vector<16xi32>,
        tpu.vector_store %arg11[%swap3A_505], %shift_right_logical3A_504 {strides = array<i32>} : memref<128xi32, #tpu.memory_space<vmem>>, vector<16xi32>,
        %get3A_507 = arith.index_cast %add3A_474 : i32 to index
        %get3A_508 = arith.constant 64 : index
        %get3A_509 = tpu.vector_load %arg5[%get3A_507, %get3A_508] {strides = array<i32>} : memref<50x128xi32, #tpu.memory_space<vmem>>, vector<16xi32>,
        %shift_right_logical3A_510 = arith.constant 2 : i32
        %shift_right_logical3A_511 = vector.broadcast %shift_right_logical3A_510 : i32 to vector<16xi32>
        %shift_right_logical3A_512 = arith.shrui %get3A_509, %shift_right_logical3A_511 : vector<16xi32>
        %swap3A_513 = arith.constant 64 : index
        %swap3A_514 = tpu.vector_load %arg11[%swap3A_513] {strides = array<i32>} : memref<128xi32, #tpu.memory_space<vmem>>, vector<16xi32>,
        tpu.vector_store %arg11[%swap3A_513], %shift_right_logical3A_512 {strides = array<i32>} : memref<128xi32, #tpu.memory_space<vmem>>, vector<16xi32>,
        %get3A_515 = arith.index_cast %add3A_474 : i32 to index
        %get3A_516 = arith.constant 80 : index
        %get3A_517 = tpu.vector_load %arg5[%get3A_515, %get3A_516] {strides = array<i32>} : memref<50x128xi32, #tpu.memory_space<vmem>>, vector<16xi32>,
        %shift_right_logical3A_518 = arith.constant 2 : i32
        %shift_right_logical3A_519 = vector.broadcast %shift_right_logical3A_518 : i32 to vector<16xi32>
        %shift_right_logical3A_520 = arith.shrui %get3A_517, %shift_right_logical3A_519 : vector<16xi32>
        %swap3A_521 = arith.constant 80 : index
        %swap3A_522 = tpu.vector_load %arg11[%swap3A_521] {strides = array<i32>} : memref<128xi32, #tpu.memory_space<vmem>>, vector<16xi32>,
        tpu.vector_store %arg11[%swap3A_521], %shift_right_logical3A_520 {strides = array<i32>} : memref<128xi32, #tpu.memory_space<vmem>>, vector<16xi32>,
        %get3A_523 = arith.index_cast %add3A_474 : i32 to index
        %get3A_524 = arith.constant 96 : index
        %get3A_525 = tpu.vector_load %arg5[%get3A_523, %get3A_524] {strides = array<i32>} : memref<50x128xi32, #tpu.memory_space<vmem>>, vector<16xi32>,
        %shift_right_logical3A_526 = arith.constant 2 : i32
        %shift_right_logical3A_527 = vector.broadcast %shift_right_logical3A_526 : i32 to vector<16xi32>
        %shift_right_logical3A_528 = arith.shrui %get3A_525, %shift_right_logical3A_527 : vector<16xi32>
        %swap3A_529 = arith.constant 96 : index
        %swap3A_530 = tpu.vector_load %arg11[%swap3A_529] {strides = array<i32>} : memref<128xi32, #tpu.memory_space<vmem>>, vector<16xi32>,
        tpu.vector_store %arg11[%swap3A_529], %shift_right_logical3A_528 {strides = array<i32>} : memref<128xi32, #tpu.memory_space<vmem>>, vector<16xi32>,
        %get3A_531 = arith.index_cast %add3A_474 : i32 to index
        %get3A_532 = arith.constant 112 : index
        %get3A_533 = tpu.vector_load %arg5[%get3A_531, %get3A_532] {strides = array<i32>} : memref<50x128xi32, #tpu.memory_space<vmem>>, vector<16xi32>,
        %shift_right_logical3A_534 = arith.constant 2 : i32
        %shift_right_logical3A_535 = vector.broadcast %shift_right_logical3A_534 : i32 to vector<16xi32>
        %shift_right_logical3A_536 = arith.shrui %get3A_533, %shift_right_logical3A_535 : vector<16xi32>
        %swap3A_537 = arith.constant 112 : index
        %swap3A_538 = tpu.vector_load %arg11[%swap3A_537] {strides = array<i32>} : memref<128xi32, #tpu.memory_space<vmem>>, vector<16xi32>,
        tpu.vector_store %arg11[%swap3A_537], %shift_right_logical3A_536 {strides = array<i32>} : memref<128xi32, #tpu.memory_space<vmem>>, vector<16xi32>,
        %dma_start3A_539 = arith.constant 0 : i32
        %dma_start3A_540 = arith.constant 0 : i32
        %dma_start3A_541 = tpu.memref_slice %arg3[%dma_start3A_539, %dma_start3A_540] : memref<250000x128xf32, #tpu.memory_space<hbm>> -> memref<250000x128xf32, #tpu.memory_space<hbm>>
        tpu.enqueue_indirect_dma source(%dma_start3A_541 : memref<250000x128xf32, #tpu.memory_space<hbm>>) target(%arg9 : memref<128x128xf32, #tpu.memory_space<vmem>>) offsets(%arg11 : memref<128xi32, #tpu.memory_space<vmem>>) semaphore(%arg12 : memref<!tpu.dma_semaphore, #tpu.memory_space<semaphore_mem>>)
      } else {
      }
      %dma_wait3A_178 = arith.constant 0 : i32
      %dma_wait3A_179 = arith.constant 0 : i32
      %dma_wait3A_180 = tpu.memref_slice %arg3[%dma_wait3A_178, %dma_wait3A_179] : memref<250000x128xf32, #tpu.memory_space<hbm>> -> memref<128x128xf32, #tpu.memory_space<hbm>>
      %dma_wait3A_181 = arith.constant 0 : i32
      %dma_wait3A_182 = arith.constant 0 : i32
      %dma_wait3A_183 = tpu.memref_slice %arg3[%dma_wait3A_181, %dma_wait3A_182] : memref<250000x128xf32, #tpu.memory_space<hbm>> -> memref<128x128xf32, #tpu.memory_space<hbm>>
      tpu.wait_dma2 semaphore(%arg12 : memref<!tpu.dma_semaphore, #tpu.memory_space<semaphore_mem>>) src(%dma_wait3A_183 : memref<128x128xf32, #tpu.memory_space<hbm>>) dst(%arg8 : memref<128x128xf32, #tpu.memory_space<vmem>>)
      %get3A_184 = arith.index_cast %add3A_173 : i32 to index
      %get3A_185 = arith.constant 0 : index
      %get3A_186 = tpu.vector_load %arg5[%get3A_184, %get3A_185] {strides = array<i32>} : memref<50x128xi32, #tpu.memory_space<vmem>>, vector<16xi32>,
      %and3A = arith.constant 3 : i32
      %and3A_187 = vector.broadcast %and3A : i32 to vector<16xi32>
      %and3A_188 = arith.andi %get3A_186, %and3A_187 : vector<16xi32>
      %shift_left3A = arith.constant 5 : i32
      %shift_left3A_189 = vector.broadcast %shift_left3A : i32 to vector<16xi32>
      %shift_left3A_190 = arith.shli %and3A_188, %shift_left3A_189 : vector<16xi32>
      %add3A_191 = arith.constant 0 : i32
      %add3A_192 = vector.broadcast %add3A_191 : i32 to vector<16xi32>
      %add3A_193 = arith.addi %add3A_192, %iota3A : vector<16xi32>
      %scan3A_194 = arith.constant 0 : i32
      %scan3A_195 = arith.constant 32 : i32
      %scan3A_196 = arith.addi %scan3A_194, %scan3A_195 : i32
      %scan3A_197 = arith.constant 1 : i32
      scf.for %scan3A_473 = %scan3A_194 to %scan3A_196 step %scan3A_197  : i32 {
        %add3A_474 = vector.broadcast %scan3A_473 : i32 to vector<16xi32>
        %add3A_475 = arith.addi %shift_left3A_190, %add3A_474 : vector<16xi32>
        %gather3A = tpu.vector_load_idx %arg8[%add3A_193, %add3A_475] : memref<128x128xf32, #tpu.memory_space<vmem>>[vector<16xi32>, vector<16xi32>], vector<16xf32>,
        %swap3A_476 = arith.index_cast %add3A_171 : i32 to index
        %swap3A_477 = arith.index_cast %scan3A_473 : i32 to index
        %swap3A_478 = arith.constant 0 : index
        %swap3A_479 = tpu.vector_load %arg7[%swap3A_476, %swap3A_477, %swap3A_478] {strides = array<i32>} : memref<10x32x128xf32, #tpu.memory_space<vmem>>, vector<16xf32>,
        tpu.vector_store %arg7[%swap3A_476, %swap3A_477, %swap3A_478], %gather3A {strides = array<i32>} : memref<10x32x128xf32, #tpu.memory_space<vmem>>, vector<16xf32>,
      }
      %scan3A_198 = arith.constant 32 : i32
      %get3A_199 = arith.index_cast %add3A_173 : i32 to index
      %get3A_200 = arith.constant 16 : index
      %get3A_201 = tpu.vector_load %arg5[%get3A_199, %get3A_200] {strides = array<i32>} : memref<50x128xi32, #tpu.memory_space<vmem>>, vector<16xi32>,
      %and3A_202 = arith.constant 3 : i32
      %and3A_203 = vector.broadcast %and3A_202 : i32 to vector<16xi32>
      %and3A_204 = arith.andi %get3A_201, %and3A_203 : vector<16xi32>
      %shift_left3A_205 = arith.constant 5 : i32
      %shift_left3A_206 = vector.broadcast %shift_left3A_205 : i32 to vector<16xi32>
      %shift_left3A_207 = arith.shli %and3A_204, %shift_left3A_206 : vector<16xi32>
      %add3A_208 = arith.constant 16 : i32
      %add3A_209 = vector.broadcast %add3A_208 : i32 to vector<16xi32>
      %add3A_210 = arith.addi %add3A_209, %iota3A : vector<16xi32>
      %scan3A_211 = arith.constant 0 : i32
      %scan3A_212 = arith.constant 32 : i32
      %scan3A_213 = arith.addi %scan3A_211, %scan3A_212 : i32
      %scan3A_214 = arith.constant 1 : i32
      scf.for %scan3A_473 = %scan3A_211 to %scan3A_213 step %scan3A_214  : i32 {
        %add3A_474 = vector.broadcast %scan3A_473 : i32 to vector<16xi32>
        %add3A_475 = arith.addi %shift_left3A_207, %add3A_474 : vector<16xi32>
        %gather3A = tpu.vector_load_idx %arg8[%add3A_210, %add3A_475] : memref<128x128xf32, #tpu.memory_space<vmem>>[vector<16xi32>, vector<16xi32>], vector<16xf32>,
        %swap3A_476 = arith.index_cast %add3A_171 : i32 to index
        %swap3A_477 = arith.index_cast %scan3A_473 : i32 to index
        %swap3A_478 = arith.constant 16 : index
        %swap3A_479 = tpu.vector_load %arg7[%swap3A_476, %swap3A_477, %swap3A_478] {strides = array<i32>} : memref<10x32x128xf32, #tpu.memory_space<vmem>>, vector<16xf32>,
        tpu.vector_store %arg7[%swap3A_476, %swap3A_477, %swap3A_478], %gather3A {strides = array<i32>} : memref<10x32x128xf32, #tpu.memory_space<vmem>>, vector<16xf32>,
      }
      %scan3A_215 = arith.constant 32 : i32
      %get3A_216 = arith.index_cast %add3A_173 : i32 to index
      %get3A_217 = arith.constant 32 : index
      %get3A_218 = tpu.vector_load %arg5[%get3A_216, %get3A_217] {strides = array<i32>} : memref<50x128xi32, #tpu.memory_space<vmem>>, vector<16xi32>,
      %and3A_219 = arith.constant 3 : i32
      %and3A_220 = vector.broadcast %and3A_219 : i32 to vector<16xi32>
      %and3A_221 = arith.andi %get3A_218, %and3A_220 : vector<16xi32>
      %shift_left3A_222 = arith.constant 5 : i32
      %shift_left3A_223 = vector.broadcast %shift_left3A_222 : i32 to vector<16xi32>
      %shift_left3A_224 = arith.shli %and3A_221, %shift_left3A_223 : vector<16xi32>
      %add3A_225 = arith.constant 32 : i32
      %add3A_226 = vector.broadcast %add3A_225 : i32 to vector<16xi32>
      %add3A_227 = arith.addi %add3A_226, %iota3A : vector<16xi32>
      %scan3A_228 = arith.constant 0 : i32
      %scan3A_229 = arith.constant 32 : i32
      %scan3A_230 = arith.addi %scan3A_228, %scan3A_229 : i32
      %scan3A_231 = arith.constant 1 : i32
      scf.for %scan3A_473 = %scan3A_228 to %scan3A_230 step %scan3A_231  : i32 {
        %add3A_474 = vector.broadcast %scan3A_473 : i32 to vector<16xi32>
        %add3A_475 = arith.addi %shift_left3A_224, %add3A_474 : vector<16xi32>
        %gather3A = tpu.vector_load_idx %arg8[%add3A_227, %add3A_475] : memref<128x128xf32, #tpu.memory_space<vmem>>[vector<16xi32>, vector<16xi32>], vector<16xf32>,
        %swap3A_476 = arith.index_cast %add3A_171 : i32 to index
        %swap3A_477 = arith.index_cast %scan3A_473 : i32 to index
        %swap3A_478 = arith.constant 32 : index
        %swap3A_479 = tpu.vector_load %arg7[%swap3A_476, %swap3A_477, %swap3A_478] {strides = array<i32>} : memref<10x32x128xf32, #tpu.memory_space<vmem>>, vector<16xf32>,
        tpu.vector_store %arg7[%swap3A_476, %swap3A_477, %swap3A_478], %gather3A {strides = array<i32>} : memref<10x32x128xf32, #tpu.memory_space<vmem>>, vector<16xf32>,
      }
      %scan3A_232 = arith.constant 32 : i32
      %get3A_233 = arith.index_cast %add3A_173 : i32 to index
      %get3A_234 = arith.constant 48 : index
      %get3A_235 = tpu.vector_load %arg5[%get3A_233, %get3A_234] {strides = array<i32>} : memref<50x128xi32, #tpu.memory_space<vmem>>, vector<16xi32>,
      %and3A_236 = arith.constant 3 : i32
      %and3A_237 = vector.broadcast %and3A_236 : i32 to vector<16xi32>
      %and3A_238 = arith.andi %get3A_235, %and3A_237 : vector<16xi32>
      %shift_left3A_239 = arith.constant 5 : i32
      %shift_left3A_240 = vector.broadcast %shift_left3A_239 : i32 to vector<16xi32>
      %shift_left3A_241 = arith.shli %and3A_238, %shift_left3A_240 : vector<16xi32>
      %add3A_242 = arith.constant 48 : i32
      %add3A_243 = vector.broadcast %add3A_242 : i32 to vector<16xi32>
      %add3A_244 = arith.addi %add3A_243, %iota3A : vector<16xi32>
      %scan3A_245 = arith.constant 0 : i32
      %scan3A_246 = arith.constant 32 : i32
      %scan3A_247 = arith.addi %scan3A_245, %scan3A_246 : i32
      %scan3A_248 = arith.constant 1 : i32
      scf.for %scan3A_473 = %scan3A_245 to %scan3A_247 step %scan3A_248  : i32 {
        %add3A_474 = vector.broadcast %scan3A_473 : i32 to vector<16xi32>
        %add3A_475 = arith.addi %shift_left3A_241, %add3A_474 : vector<16xi32>
        %gather3A = tpu.vector_load_idx %arg8[%add3A_244, %add3A_475] : memref<128x128xf32, #tpu.memory_space<vmem>>[vector<16xi32>, vector<16xi32>], vector<16xf32>,
        %swap3A_476 = arith.index_cast %add3A_171 : i32 to index
        %swap3A_477 = arith.index_cast %scan3A_473 : i32 to index
        %swap3A_478 = arith.constant 48 : index
        %swap3A_479 = tpu.vector_load %arg7[%swap3A_476, %swap3A_477, %swap3A_478] {strides = array<i32>} : memref<10x32x128xf32, #tpu.memory_space<vmem>>, vector<16xf32>,
        tpu.vector_store %arg7[%swap3A_476, %swap3A_477, %swap3A_478], %gather3A {strides = array<i32>} : memref<10x32x128xf32, #tpu.memory_space<vmem>>, vector<16xf32>,
      }
      %scan3A_249 = arith.constant 32 : i32
      %get3A_250 = arith.index_cast %add3A_173 : i32 to index
      %get3A_251 = arith.constant 64 : index
      %get3A_252 = tpu.vector_load %arg5[%get3A_250, %get3A_251] {strides = array<i32>} : memref<50x128xi32, #tpu.memory_space<vmem>>, vector<16xi32>,
      %and3A_253 = arith.constant 3 : i32
      %and3A_254 = vector.broadcast %and3A_253 : i32 to vector<16xi32>
      %and3A_255 = arith.andi %get3A_252, %and3A_254 : vector<16xi32>
      %shift_left3A_256 = arith.constant 5 : i32
      %shift_left3A_257 = vector.broadcast %shift_left3A_256 : i32 to vector<16xi32>
      %shift_left3A_258 = arith.shli %and3A_255, %shift_left3A_257 : vector<16xi32>
      %add3A_259 = arith.constant 64 : i32
      %add3A_260 = vector.broadcast %add3A_259 : i32 to vector<16xi32>
      %add3A_261 = arith.addi %add3A_260, %iota3A : vector<16xi32>
      %scan3A_262 = arith.constant 0 : i32
      %scan3A_263 = arith.constant 32 : i32
      %scan3A_264 = arith.addi %scan3A_262, %scan3A_263 : i32
      %scan3A_265 = arith.constant 1 : i32
      scf.for %scan3A_473 = %scan3A_262 to %scan3A_264 step %scan3A_265  : i32 {
        %add3A_474 = vector.broadcast %scan3A_473 : i32 to vector<16xi32>
        %add3A_475 = arith.addi %shift_left3A_258, %add3A_474 : vector<16xi32>
        %gather3A = tpu.vector_load_idx %arg8[%add3A_261, %add3A_475] : memref<128x128xf32, #tpu.memory_space<vmem>>[vector<16xi32>, vector<16xi32>], vector<16xf32>,
        %swap3A_476 = arith.index_cast %add3A_171 : i32 to index
        %swap3A_477 = arith.index_cast %scan3A_473 : i32 to index
        %swap3A_478 = arith.constant 64 : index
        %swap3A_479 = tpu.vector_load %arg7[%swap3A_476, %swap3A_477, %swap3A_478] {strides = array<i32>} : memref<10x32x128xf32, #tpu.memory_space<vmem>>, vector<16xf32>,
        tpu.vector_store %arg7[%swap3A_476, %swap3A_477, %swap3A_478], %gather3A {strides = array<i32>} : memref<10x32x128xf32, #tpu.memory_space<vmem>>, vector<16xf32>,
      }
      %scan3A_266 = arith.constant 32 : i32
      %get3A_267 = arith.index_cast %add3A_173 : i32 to index
      %get3A_268 = arith.constant 80 : index
      %get3A_269 = tpu.vector_load %arg5[%get3A_267, %get3A_268] {strides = array<i32>} : memref<50x128xi32, #tpu.memory_space<vmem>>, vector<16xi32>,
      %and3A_270 = arith.constant 3 : i32
      %and3A_271 = vector.broadcast %and3A_270 : i32 to vector<16xi32>
      %and3A_272 = arith.andi %get3A_269, %and3A_271 : vector<16xi32>
      %shift_left3A_273 = arith.constant 5 : i32
      %shift_left3A_274 = vector.broadcast %shift_left3A_273 : i32 to vector<16xi32>
      %shift_left3A_275 = arith.shli %and3A_272, %shift_left3A_274 : vector<16xi32>
      %add3A_276 = arith.constant 80 : i32
      %add3A_277 = vector.broadcast %add3A_276 : i32 to vector<16xi32>
      %add3A_278 = arith.addi %add3A_277, %iota3A : vector<16xi32>
      %scan3A_279 = arith.constant 0 : i32
      %scan3A_280 = arith.constant 32 : i32
      %scan3A_281 = arith.addi %scan3A_279, %scan3A_280 : i32
      %scan3A_282 = arith.constant 1 : i32
      scf.for %scan3A_473 = %scan3A_279 to %scan3A_281 step %scan3A_282  : i32 {
        %add3A_474 = vector.broadcast %scan3A_473 : i32 to vector<16xi32>
        %add3A_475 = arith.addi %shift_left3A_275, %add3A_474 : vector<16xi32>
        %gather3A = tpu.vector_load_idx %arg8[%add3A_278, %add3A_475] : memref<128x128xf32, #tpu.memory_space<vmem>>[vector<16xi32>, vector<16xi32>], vector<16xf32>,
        %swap3A_476 = arith.index_cast %add3A_171 : i32 to index
        %swap3A_477 = arith.index_cast %scan3A_473 : i32 to index
        %swap3A_478 = arith.constant 80 : index
        %swap3A_479 = tpu.vector_load %arg7[%swap3A_476, %swap3A_477, %swap3A_478] {strides = array<i32>} : memref<10x32x128xf32, #tpu.memory_space<vmem>>, vector<16xf32>,
        tpu.vector_store %arg7[%swap3A_476, %swap3A_477, %swap3A_478], %gather3A {strides = array<i32>} : memref<10x32x128xf32, #tpu.memory_space<vmem>>, vector<16xf32>,
      }
      %scan3A_283 = arith.constant 32 : i32
      %get3A_284 = arith.index_cast %add3A_173 : i32 to index
      %get3A_285 = arith.constant 96 : index
      %get3A_286 = tpu.vector_load %arg5[%get3A_284, %get3A_285] {strides = array<i32>} : memref<50x128xi32, #tpu.memory_space<vmem>>, vector<16xi32>,
      %and3A_287 = arith.constant 3 : i32
      %and3A_288 = vector.broadcast %and3A_287 : i32 to vector<16xi32>
      %and3A_289 = arith.andi %get3A_286, %and3A_288 : vector<16xi32>
      %shift_left3A_290 = arith.constant 5 : i32
      %shift_left3A_291 = vector.broadcast %shift_left3A_290 : i32 to vector<16xi32>
      %shift_left3A_292 = arith.shli %and3A_289, %shift_left3A_291 : vector<16xi32>
      %add3A_293 = arith.constant 96 : i32
      %add3A_294 = vector.broadcast %add3A_293 : i32 to vector<16xi32>
      %add3A_295 = arith.addi %add3A_294, %iota3A : vector<16xi32>
      %scan3A_296 = arith.constant 0 : i32
      %scan3A_297 = arith.constant 32 : i32
      %scan3A_298 = arith.addi %scan3A_296, %scan3A_297 : i32
      %scan3A_299 = arith.constant 1 : i32
      scf.for %scan3A_473 = %scan3A_296 to %scan3A_298 step %scan3A_299  : i32 {
        %add3A_474 = vector.broadcast %scan3A_473 : i32 to vector<16xi32>
        %add3A_475 = arith.addi %shift_left3A_292, %add3A_474 : vector<16xi32>
        %gather3A = tpu.vector_load_idx %arg8[%add3A_295, %add3A_475] : memref<128x128xf32, #tpu.memory_space<vmem>>[vector<16xi32>, vector<16xi32>], vector<16xf32>,
        %swap3A_476 = arith.index_cast %add3A_171 : i32 to index
        %swap3A_477 = arith.index_cast %scan3A_473 : i32 to index
        %swap3A_478 = arith.constant 96 : index
        %swap3A_479 = tpu.vector_load %arg7[%swap3A_476, %swap3A_477, %swap3A_478] {strides = array<i32>} : memref<10x32x128xf32, #tpu.memory_space<vmem>>, vector<16xf32>,
        tpu.vector_store %arg7[%swap3A_476, %swap3A_477, %swap3A_478], %gather3A {strides = array<i32>} : memref<10x32x128xf32, #tpu.memory_space<vmem>>, vector<16xf32>,
      }
      %scan3A_300 = arith.constant 32 : i32
      %get3A_301 = arith.index_cast %add3A_173 : i32 to index
      %get3A_302 = arith.constant 112 : index
      %get3A_303 = tpu.vector_load %arg5[%get3A_301, %get3A_302] {strides = array<i32>} : memref<50x128xi32, #tpu.memory_space<vmem>>, vector<16xi32>,
      %and3A_304 = arith.constant 3 : i32
      %and3A_305 = vector.broadcast %and3A_304 : i32 to vector<16xi32>
      %and3A_306 = arith.andi %get3A_303, %and3A_305 : vector<16xi32>
      %shift_left3A_307 = arith.constant 5 : i32
      %shift_left3A_308 = vector.broadcast %shift_left3A_307 : i32 to vector<16xi32>
      %shift_left3A_309 = arith.shli %and3A_306, %shift_left3A_308 : vector<16xi32>
      %add3A_310 = arith.constant 112 : i32
      %add3A_311 = vector.broadcast %add3A_310 : i32 to vector<16xi32>
      %add3A_312 = arith.addi %add3A_311, %iota3A : vector<16xi32>
      %scan3A_313 = arith.constant 0 : i32
      %scan3A_314 = arith.constant 32 : i32
      %scan3A_315 = arith.addi %scan3A_313, %scan3A_314 : i32
      %scan3A_316 = arith.constant 1 : i32
      scf.for %scan3A_473 = %scan3A_313 to %scan3A_315 step %scan3A_316  : i32 {
        %add3A_474 = vector.broadcast %scan3A_473 : i32 to vector<16xi32>
        %add3A_475 = arith.addi %shift_left3A_309, %add3A_474 : vector<16xi32>
        %gather3A = tpu.vector_load_idx %arg8[%add3A_312, %add3A_475] : memref<128x128xf32, #tpu.memory_space<vmem>>[vector<16xi32>, vector<16xi32>], vector<16xf32>,
        %swap3A_476 = arith.index_cast %add3A_171 : i32 to index
        %swap3A_477 = arith.index_cast %scan3A_473 : i32 to index
        %swap3A_478 = arith.constant 112 : index
        %swap3A_479 = tpu.vector_load %arg7[%swap3A_476, %swap3A_477, %swap3A_478] {strides = array<i32>} : memref<10x32x128xf32, #tpu.memory_space<vmem>>, vector<16xf32>,
        tpu.vector_store %arg7[%swap3A_476, %swap3A_477, %swap3A_478], %gather3A {strides = array<i32>} : memref<10x32x128xf32, #tpu.memory_space<vmem>>, vector<16xf32>,
      }
      %scan3A_317 = arith.constant 32 : i32
      %mul3A_318 = arith.constant 2 : i32
      %mul3A_319 = arith.muli %mul3A_318, %scan3A_167 : i32
      %add3A_320 = arith.constant 1 : i32
      %add3A_321 = arith.addi %mul3A_319, %add3A_320 : i32
      %add3A_322 = arith.constant 30 : i32
      %add3A_323 = arith.addi %add3A_322, %add3A_321 : i32
      %add3A_324 = arith.constant 1 : i32
      %add3A_325 = arith.addi %add3A_323, %add3A_324 : i32
      %lt3A_326 = arith.constant 50 : i32
      %lt3A_327 = arith.cmpi slt, %add3A_325, %lt3A_326 : i32
      %convert_element_type3A_328 = arith.extui %lt3A_327 : i1 to i32
      %cond3A_329 = arith.constant 0 : i32
      %cond3A_330 = arith.cmpi ne, %convert_element_type3A_328, %cond3A_329 : i32
      scf.if %cond3A_330 {
        %add3A_473 = arith.constant 1 : i32
        %add3A_474 = arith.addi %add3A_323, %add3A_473 : i32
        %get3A_475 = arith.index_cast %add3A_474 : i32 to index
        %get3A_476 = arith.constant 0 : index
        %get3A_477 = tpu.vector_load %arg5[%get3A_475, %get3A_476] {strides = array<i32>} : memref<50x128xi32, #tpu.memory_space<vmem>>, vector<16xi32>,
        %shift_right_logical3A_478 = arith.constant 2 : i32
        %shift_right_logical3A_479 = vector.broadcast %shift_right_logical3A_478 : i32 to vector<16xi32>
        %shift_right_logical3A_480 = arith.shrui %get3A_477, %shift_right_logical3A_479 : vector<16xi32>
        %swap3A_481 = arith.constant 0 : index
        %swap3A_482 = tpu.vector_load %arg10[%swap3A_481] {strides = array<i32>} : memref<128xi32, #tpu.memory_space<vmem>>, vector<16xi32>,
        tpu.vector_store %arg10[%swap3A_481], %shift_right_logical3A_480 {strides = array<i32>} : memref<128xi32, #tpu.memory_space<vmem>>, vector<16xi32>,
        %get3A_483 = arith.index_cast %add3A_474 : i32 to index
        %get3A_484 = arith.constant 16 : index
        %get3A_485 = tpu.vector_load %arg5[%get3A_483, %get3A_484] {strides = array<i32>} : memref<50x128xi32, #tpu.memory_space<vmem>>, vector<16xi32>,
        %shift_right_logical3A_486 = arith.constant 2 : i32
        %shift_right_logical3A_487 = vector.broadcast %shift_right_logical3A_486 : i32 to vector<16xi32>
        %shift_right_logical3A_488 = arith.shrui %get3A_485, %shift_right_logical3A_487 : vector<16xi32>
        %swap3A_489 = arith.constant 16 : index
        %swap3A_490 = tpu.vector_load %arg10[%swap3A_489] {strides = array<i32>} : memref<128xi32, #tpu.memory_space<vmem>>, vector<16xi32>,
        tpu.vector_store %arg10[%swap3A_489], %shift_right_logical3A_488 {strides = array<i32>} : memref<128xi32, #tpu.memory_space<vmem>>, vector<16xi32>,
        %get3A_491 = arith.index_cast %add3A_474 : i32 to index
        %get3A_492 = arith.constant 32 : index
        %get3A_493 = tpu.vector_load %arg5[%get3A_491, %get3A_492] {strides = array<i32>} : memref<50x128xi32, #tpu.memory_space<vmem>>, vector<16xi32>,
        %shift_right_logical3A_494 = arith.constant 2 : i32
        %shift_right_logical3A_495 = vector.broadcast %shift_right_logical3A_494 : i32 to vector<16xi32>
        %shift_right_logical3A_496 = arith.shrui %get3A_493, %shift_right_logical3A_495 : vector<16xi32>
        %swap3A_497 = arith.constant 32 : index
        %swap3A_498 = tpu.vector_load %arg10[%swap3A_497] {strides = array<i32>} : memref<128xi32, #tpu.memory_space<vmem>>, vector<16xi32>,
        tpu.vector_store %arg10[%swap3A_497], %shift_right_logical3A_496 {strides = array<i32>} : memref<128xi32, #tpu.memory_space<vmem>>, vector<16xi32>,
        %get3A_499 = arith.index_cast %add3A_474 : i32 to index
        %get3A_500 = arith.constant 48 : index
        %get3A_501 = tpu.vector_load %arg5[%get3A_499, %get3A_500] {strides = array<i32>} : memref<50x128xi32, #tpu.memory_space<vmem>>, vector<16xi32>,
        %shift_right_logical3A_502 = arith.constant 2 : i32
        %shift_right_logical3A_503 = vector.broadcast %shift_right_logical3A_502 : i32 to vector<16xi32>
        %shift_right_logical3A_504 = arith.shrui %get3A_501, %shift_right_logical3A_503 : vector<16xi32>
        %swap3A_505 = arith.constant 48 : index
        %swap3A_506 = tpu.vector_load %arg10[%swap3A_505] {strides = array<i32>} : memref<128xi32, #tpu.memory_space<vmem>>, vector<16xi32>,
        tpu.vector_store %arg10[%swap3A_505], %shift_right_logical3A_504 {strides = array<i32>} : memref<128xi32, #tpu.memory_space<vmem>>, vector<16xi32>,
        %get3A_507 = arith.index_cast %add3A_474 : i32 to index
        %get3A_508 = arith.constant 64 : index
        %get3A_509 = tpu.vector_load %arg5[%get3A_507, %get3A_508] {strides = array<i32>} : memref<50x128xi32, #tpu.memory_space<vmem>>, vector<16xi32>,
        %shift_right_logical3A_510 = arith.constant 2 : i32
        %shift_right_logical3A_511 = vector.broadcast %shift_right_logical3A_510 : i32 to vector<16xi32>
        %shift_right_logical3A_512 = arith.shrui %get3A_509, %shift_right_logical3A_511 : vector<16xi32>
        %swap3A_513 = arith.constant 64 : index
        %swap3A_514 = tpu.vector_load %arg10[%swap3A_513] {strides = array<i32>} : memref<128xi32, #tpu.memory_space<vmem>>, vector<16xi32>,
        tpu.vector_store %arg10[%swap3A_513], %shift_right_logical3A_512 {strides = array<i32>} : memref<128xi32, #tpu.memory_space<vmem>>, vector<16xi32>,
        %get3A_515 = arith.index_cast %add3A_474 : i32 to index
        %get3A_516 = arith.constant 80 : index
        %get3A_517 = tpu.vector_load %arg5[%get3A_515, %get3A_516] {strides = array<i32>} : memref<50x128xi32, #tpu.memory_space<vmem>>, vector<16xi32>,
        %shift_right_logical3A_518 = arith.constant 2 : i32
        %shift_right_logical3A_519 = vector.broadcast %shift_right_logical3A_518 : i32 to vector<16xi32>
        %shift_right_logical3A_520 = arith.shrui %get3A_517, %shift_right_logical3A_519 : vector<16xi32>
        %swap3A_521 = arith.constant 80 : index
        %swap3A_522 = tpu.vector_load %arg10[%swap3A_521] {strides = array<i32>} : memref<128xi32, #tpu.memory_space<vmem>>, vector<16xi32>,
        tpu.vector_store %arg10[%swap3A_521], %shift_right_logical3A_520 {strides = array<i32>} : memref<128xi32, #tpu.memory_space<vmem>>, vector<16xi32>,
        %get3A_523 = arith.index_cast %add3A_474 : i32 to index
        %get3A_524 = arith.constant 96 : index
        %get3A_525 = tpu.vector_load %arg5[%get3A_523, %get3A_524] {strides = array<i32>} : memref<50x128xi32, #tpu.memory_space<vmem>>, vector<16xi32>,
        %shift_right_logical3A_526 = arith.constant 2 : i32
        %shift_right_logical3A_527 = vector.broadcast %shift_right_logical3A_526 : i32 to vector<16xi32>
        %shift_right_logical3A_528 = arith.shrui %get3A_525, %shift_right_logical3A_527 : vector<16xi32>
        %swap3A_529 = arith.constant 96 : index
        %swap3A_530 = tpu.vector_load %arg10[%swap3A_529] {strides = array<i32>} : memref<128xi32, #tpu.memory_space<vmem>>, vector<16xi32>,
        tpu.vector_store %arg10[%swap3A_529], %shift_right_logical3A_528 {strides = array<i32>} : memref<128xi32, #tpu.memory_space<vmem>>, vector<16xi32>,
        %get3A_531 = arith.index_cast %add3A_474 : i32 to index
        %get3A_532 = arith.constant 112 : index
        %get3A_533 = tpu.vector_load %arg5[%get3A_531, %get3A_532] {strides = array<i32>} : memref<50x128xi32, #tpu.memory_space<vmem>>, vector<16xi32>,
        %shift_right_logical3A_534 = arith.constant 2 : i32
        %shift_right_logical3A_535 = vector.broadcast %shift_right_logical3A_534 : i32 to vector<16xi32>
        %shift_right_logical3A_536 = arith.shrui %get3A_533, %shift_right_logical3A_535 : vector<16xi32>
        %swap3A_537 = arith.constant 112 : index
        %swap3A_538 = tpu.vector_load %arg10[%swap3A_537] {strides = array<i32>} : memref<128xi32, #tpu.memory_space<vmem>>, vector<16xi32>,
        tpu.vector_store %arg10[%swap3A_537], %shift_right_logical3A_536 {strides = array<i32>} : memref<128xi32, #tpu.memory_space<vmem>>, vector<16xi32>,
        %dma_start3A_539 = arith.constant 0 : i32
        %dma_start3A_540 = arith.constant 0 : i32
        %dma_start3A_541 = tpu.memref_slice %arg3[%dma_start3A_539, %dma_start3A_540] : memref<250000x128xf32, #tpu.memory_space<hbm>> -> memref<250000x128xf32, #tpu.memory_space<hbm>>
        tpu.enqueue_indirect_dma source(%dma_start3A_541 : memref<250000x128xf32, #tpu.memory_space<hbm>>) target(%arg8 : memref<128x128xf32, #tpu.memory_space<vmem>>) offsets(%arg10 : memref<128xi32, #tpu.memory_space<vmem>>) semaphore(%arg12 : memref<!tpu.dma_semaphore, #tpu.memory_space<semaphore_mem>>)
      } else {
      }
      %dma_wait3A_331 = arith.constant 0 : i32
      %dma_wait3A_332 = arith.constant 0 : i32
      %dma_wait3A_333 = tpu.memref_slice %arg3[%dma_wait3A_331, %dma_wait3A_332] : memref<250000x128xf32, #tpu.memory_space<hbm>> -> memref<128x128xf32, #tpu.memory_space<hbm>>
      %dma_wait3A_334 = arith.constant 0 : i32
      %dma_wait3A_335 = arith.constant 0 : i32
      %dma_wait3A_336 = tpu.memref_slice %arg3[%dma_wait3A_334, %dma_wait3A_335] : memref<250000x128xf32, #tpu.memory_space<hbm>> -> memref<128x128xf32, #tpu.memory_space<hbm>>
      tpu.wait_dma2 semaphore(%arg12 : memref<!tpu.dma_semaphore, #tpu.memory_space<semaphore_mem>>) src(%dma_wait3A_336 : memref<128x128xf32, #tpu.memory_space<hbm>>) dst(%arg9 : memref<128x128xf32, #tpu.memory_space<vmem>>)
      %get3A_337 = arith.index_cast %add3A_323 : i32 to index
      %get3A_338 = arith.constant 0 : index
      %get3A_339 = tpu.vector_load %arg5[%get3A_337, %get3A_338] {strides = array<i32>} : memref<50x128xi32, #tpu.memory_space<vmem>>, vector<16xi32>,
      %and3A_340 = arith.constant 3 : i32
      %and3A_341 = vector.broadcast %and3A_340 : i32 to vector<16xi32>
      %and3A_342 = arith.andi %get3A_339, %and3A_341 : vector<16xi32>
      %shift_left3A_343 = arith.constant 5 : i32
      %shift_left3A_344 = vector.broadcast %shift_left3A_343 : i32 to vector<16xi32>
      %shift_left3A_345 = arith.shli %and3A_342, %shift_left3A_344 : vector<16xi32>
      %add3A_346 = arith.constant 0 : i32
      %add3A_347 = vector.broadcast %add3A_346 : i32 to vector<16xi32>
      %add3A_348 = arith.addi %add3A_347, %iota3A : vector<16xi32>
      %scan3A_349 = arith.constant 0 : i32
      %scan3A_350 = arith.constant 32 : i32
      %scan3A_351 = arith.addi %scan3A_349, %scan3A_350 : i32
      %scan3A_352 = arith.constant 1 : i32
      scf.for %scan3A_473 = %scan3A_349 to %scan3A_351 step %scan3A_352  : i32 {
        %add3A_474 = vector.broadcast %scan3A_473 : i32 to vector<16xi32>
        %add3A_475 = arith.addi %shift_left3A_345, %add3A_474 : vector<16xi32>
        %gather3A = tpu.vector_load_idx %arg9[%add3A_348, %add3A_475] : memref<128x128xf32, #tpu.memory_space<vmem>>[vector<16xi32>, vector<16xi32>], vector<16xf32>,
        %swap3A_476 = arith.index_cast %add3A_321 : i32 to index
        %swap3A_477 = arith.index_cast %scan3A_473 : i32 to index
        %swap3A_478 = arith.constant 0 : index
        %swap3A_479 = tpu.vector_load %arg7[%swap3A_476, %swap3A_477, %swap3A_478] {strides = array<i32>} : memref<10x32x128xf32, #tpu.memory_space<vmem>>, vector<16xf32>,
        tpu.vector_store %arg7[%swap3A_476, %swap3A_477, %swap3A_478], %gather3A {strides = array<i32>} : memref<10x32x128xf32, #tpu.memory_space<vmem>>, vector<16xf32>,
      }
      %scan3A_353 = arith.constant 32 : i32
      %get3A_354 = arith.index_cast %add3A_323 : i32 to index
      %get3A_355 = arith.constant 16 : index
      %get3A_356 = tpu.vector_load %arg5[%get3A_354, %get3A_355] {strides = array<i32>} : memref<50x128xi32, #tpu.memory_space<vmem>>, vector<16xi32>,
      %and3A_357 = arith.constant 3 : i32
      %and3A_358 = vector.broadcast %and3A_357 : i32 to vector<16xi32>
      %and3A_359 = arith.andi %get3A_356, %and3A_358 : vector<16xi32>
      %shift_left3A_360 = arith.constant 5 : i32
      %shift_left3A_361 = vector.broadcast %shift_left3A_360 : i32 to vector<16xi32>
      %shift_left3A_362 = arith.shli %and3A_359, %shift_left3A_361 : vector<16xi32>
      %add3A_363 = arith.constant 16 : i32
      %add3A_364 = vector.broadcast %add3A_363 : i32 to vector<16xi32>
      %add3A_365 = arith.addi %add3A_364, %iota3A : vector<16xi32>
      %scan3A_366 = arith.constant 0 : i32
      %scan3A_367 = arith.constant 32 : i32
      %scan3A_368 = arith.addi %scan3A_366, %scan3A_367 : i32
      %scan3A_369 = arith.constant 1 : i32
      scf.for %scan3A_473 = %scan3A_366 to %scan3A_368 step %scan3A_369  : i32 {
        %add3A_474 = vector.broadcast %scan3A_473 : i32 to vector<16xi32>
        %add3A_475 = arith.addi %shift_left3A_362, %add3A_474 : vector<16xi32>
        %gather3A = tpu.vector_load_idx %arg9[%add3A_365, %add3A_475] : memref<128x128xf32, #tpu.memory_space<vmem>>[vector<16xi32>, vector<16xi32>], vector<16xf32>,
        %swap3A_476 = arith.index_cast %add3A_321 : i32 to index
        %swap3A_477 = arith.index_cast %scan3A_473 : i32 to index
        %swap3A_478 = arith.constant 16 : index
        %swap3A_479 = tpu.vector_load %arg7[%swap3A_476, %swap3A_477, %swap3A_478] {strides = array<i32>} : memref<10x32x128xf32, #tpu.memory_space<vmem>>, vector<16xf32>,
        tpu.vector_store %arg7[%swap3A_476, %swap3A_477, %swap3A_478], %gather3A {strides = array<i32>} : memref<10x32x128xf32, #tpu.memory_space<vmem>>, vector<16xf32>,
      }
      %scan3A_370 = arith.constant 32 : i32
      %get3A_371 = arith.index_cast %add3A_323 : i32 to index
      %get3A_372 = arith.constant 32 : index
      %get3A_373 = tpu.vector_load %arg5[%get3A_371, %get3A_372] {strides = array<i32>} : memref<50x128xi32, #tpu.memory_space<vmem>>, vector<16xi32>,
      %and3A_374 = arith.constant 3 : i32
      %and3A_375 = vector.broadcast %and3A_374 : i32 to vector<16xi32>
      %and3A_376 = arith.andi %get3A_373, %and3A_375 : vector<16xi32>
      %shift_left3A_377 = arith.constant 5 : i32
      %shift_left3A_378 = vector.broadcast %shift_left3A_377 : i32 to vector<16xi32>
      %shift_left3A_379 = arith.shli %and3A_376, %shift_left3A_378 : vector<16xi32>
      %add3A_380 = arith.constant 32 : i32
      %add3A_381 = vector.broadcast %add3A_380 : i32 to vector<16xi32>
      %add3A_382 = arith.addi %add3A_381, %iota3A : vector<16xi32>
      %scan3A_383 = arith.constant 0 : i32
      %scan3A_384 = arith.constant 32 : i32
      %scan3A_385 = arith.addi %scan3A_383, %scan3A_384 : i32
      %scan3A_386 = arith.constant 1 : i32
      scf.for %scan3A_473 = %scan3A_383 to %scan3A_385 step %scan3A_386  : i32 {
        %add3A_474 = vector.broadcast %scan3A_473 : i32 to vector<16xi32>
        %add3A_475 = arith.addi %shift_left3A_379, %add3A_474 : vector<16xi32>
        %gather3A = tpu.vector_load_idx %arg9[%add3A_382, %add3A_475] : memref<128x128xf32, #tpu.memory_space<vmem>>[vector<16xi32>, vector<16xi32>], vector<16xf32>,
        %swap3A_476 = arith.index_cast %add3A_321 : i32 to index
        %swap3A_477 = arith.index_cast %scan3A_473 : i32 to index
        %swap3A_478 = arith.constant 32 : index
        %swap3A_479 = tpu.vector_load %arg7[%swap3A_476, %swap3A_477, %swap3A_478] {strides = array<i32>} : memref<10x32x128xf32, #tpu.memory_space<vmem>>, vector<16xf32>,
        tpu.vector_store %arg7[%swap3A_476, %swap3A_477, %swap3A_478], %gather3A {strides = array<i32>} : memref<10x32x128xf32, #tpu.memory_space<vmem>>, vector<16xf32>,
      }
      %scan3A_387 = arith.constant 32 : i32
      %get3A_388 = arith.index_cast %add3A_323 : i32 to index
      %get3A_389 = arith.constant 48 : index
      %get3A_390 = tpu.vector_load %arg5[%get3A_388, %get3A_389] {strides = array<i32>} : memref<50x128xi32, #tpu.memory_space<vmem>>, vector<16xi32>,
      %and3A_391 = arith.constant 3 : i32
      %and3A_392 = vector.broadcast %and3A_391 : i32 to vector<16xi32>
      %and3A_393 = arith.andi %get3A_390, %and3A_392 : vector<16xi32>
      %shift_left3A_394 = arith.constant 5 : i32
      %shift_left3A_395 = vector.broadcast %shift_left3A_394 : i32 to vector<16xi32>
      %shift_left3A_396 = arith.shli %and3A_393, %shift_left3A_395 : vector<16xi32>
      %add3A_397 = arith.constant 48 : i32
      %add3A_398 = vector.broadcast %add3A_397 : i32 to vector<16xi32>
      %add3A_399 = arith.addi %add3A_398, %iota3A : vector<16xi32>
      %scan3A_400 = arith.constant 0 : i32
      %scan3A_401 = arith.constant 32 : i32
      %scan3A_402 = arith.addi %scan3A_400, %scan3A_401 : i32
      %scan3A_403 = arith.constant 1 : i32
      scf.for %scan3A_473 = %scan3A_400 to %scan3A_402 step %scan3A_403  : i32 {
        %add3A_474 = vector.broadcast %scan3A_473 : i32 to vector<16xi32>
        %add3A_475 = arith.addi %shift_left3A_396, %add3A_474 : vector<16xi32>
        %gather3A = tpu.vector_load_idx %arg9[%add3A_399, %add3A_475] : memref<128x128xf32, #tpu.memory_space<vmem>>[vector<16xi32>, vector<16xi32>], vector<16xf32>,
        %swap3A_476 = arith.index_cast %add3A_321 : i32 to index
        %swap3A_477 = arith.index_cast %scan3A_473 : i32 to index
        %swap3A_478 = arith.constant 48 : index
        %swap3A_479 = tpu.vector_load %arg7[%swap3A_476, %swap3A_477, %swap3A_478] {strides = array<i32>} : memref<10x32x128xf32, #tpu.memory_space<vmem>>, vector<16xf32>,
        tpu.vector_store %arg7[%swap3A_476, %swap3A_477, %swap3A_478], %gather3A {strides = array<i32>} : memref<10x32x128xf32, #tpu.memory_space<vmem>>, vector<16xf32>,
      }
      %scan3A_404 = arith.constant 32 : i32
      %get3A_405 = arith.index_cast %add3A_323 : i32 to index
      %get3A_406 = arith.constant 64 : index
      %get3A_407 = tpu.vector_load %arg5[%get3A_405, %get3A_406] {strides = array<i32>} : memref<50x128xi32, #tpu.memory_space<vmem>>, vector<16xi32>,
      %and3A_408 = arith.constant 3 : i32
      %and3A_409 = vector.broadcast %and3A_408 : i32 to vector<16xi32>
      %and3A_410 = arith.andi %get3A_407, %and3A_409 : vector<16xi32>
      %shift_left3A_411 = arith.constant 5 : i32
      %shift_left3A_412 = vector.broadcast %shift_left3A_411 : i32 to vector<16xi32>
      %shift_left3A_413 = arith.shli %and3A_410, %shift_left3A_412 : vector<16xi32>
      %add3A_414 = arith.constant 64 : i32
      %add3A_415 = vector.broadcast %add3A_414 : i32 to vector<16xi32>
      %add3A_416 = arith.addi %add3A_415, %iota3A : vector<16xi32>
      %scan3A_417 = arith.constant 0 : i32
      %scan3A_418 = arith.constant 32 : i32
      %scan3A_419 = arith.addi %scan3A_417, %scan3A_418 : i32
      %scan3A_420 = arith.constant 1 : i32
      scf.for %scan3A_473 = %scan3A_417 to %scan3A_419 step %scan3A_420  : i32 {
        %add3A_474 = vector.broadcast %scan3A_473 : i32 to vector<16xi32>
        %add3A_475 = arith.addi %shift_left3A_413, %add3A_474 : vector<16xi32>
        %gather3A = tpu.vector_load_idx %arg9[%add3A_416, %add3A_475] : memref<128x128xf32, #tpu.memory_space<vmem>>[vector<16xi32>, vector<16xi32>], vector<16xf32>,
        %swap3A_476 = arith.index_cast %add3A_321 : i32 to index
        %swap3A_477 = arith.index_cast %scan3A_473 : i32 to index
        %swap3A_478 = arith.constant 64 : index
        %swap3A_479 = tpu.vector_load %arg7[%swap3A_476, %swap3A_477, %swap3A_478] {strides = array<i32>} : memref<10x32x128xf32, #tpu.memory_space<vmem>>, vector<16xf32>,
        tpu.vector_store %arg7[%swap3A_476, %swap3A_477, %swap3A_478], %gather3A {strides = array<i32>} : memref<10x32x128xf32, #tpu.memory_space<vmem>>, vector<16xf32>,
      }
      %scan3A_421 = arith.constant 32 : i32
      %get3A_422 = arith.index_cast %add3A_323 : i32 to index
      %get3A_423 = arith.constant 80 : index
      %get3A_424 = tpu.vector_load %arg5[%get3A_422, %get3A_423] {strides = array<i32>} : memref<50x128xi32, #tpu.memory_space<vmem>>, vector<16xi32>,
      %and3A_425 = arith.constant 3 : i32
      %and3A_426 = vector.broadcast %and3A_425 : i32 to vector<16xi32>
      %and3A_427 = arith.andi %get3A_424, %and3A_426 : vector<16xi32>
      %shift_left3A_428 = arith.constant 5 : i32
      %shift_left3A_429 = vector.broadcast %shift_left3A_428 : i32 to vector<16xi32>
      %shift_left3A_430 = arith.shli %and3A_427, %shift_left3A_429 : vector<16xi32>
      %add3A_431 = arith.constant 80 : i32
      %add3A_432 = vector.broadcast %add3A_431 : i32 to vector<16xi32>
      %add3A_433 = arith.addi %add3A_432, %iota3A : vector<16xi32>
      %scan3A_434 = arith.constant 0 : i32
      %scan3A_435 = arith.constant 32 : i32
      %scan3A_436 = arith.addi %scan3A_434, %scan3A_435 : i32
      %scan3A_437 = arith.constant 1 : i32
      scf.for %scan3A_473 = %scan3A_434 to %scan3A_436 step %scan3A_437  : i32 {
        %add3A_474 = vector.broadcast %scan3A_473 : i32 to vector<16xi32>
        %add3A_475 = arith.addi %shift_left3A_430, %add3A_474 : vector<16xi32>
        %gather3A = tpu.vector_load_idx %arg9[%add3A_433, %add3A_475] : memref<128x128xf32, #tpu.memory_space<vmem>>[vector<16xi32>, vector<16xi32>], vector<16xf32>,
        %swap3A_476 = arith.index_cast %add3A_321 : i32 to index
        %swap3A_477 = arith.index_cast %scan3A_473 : i32 to index
        %swap3A_478 = arith.constant 80 : index
        %swap3A_479 = tpu.vector_load %arg7[%swap3A_476, %swap3A_477, %swap3A_478] {strides = array<i32>} : memref<10x32x128xf32, #tpu.memory_space<vmem>>, vector<16xf32>,
        tpu.vector_store %arg7[%swap3A_476, %swap3A_477, %swap3A_478], %gather3A {strides = array<i32>} : memref<10x32x128xf32, #tpu.memory_space<vmem>>, vector<16xf32>,
      }
      %scan3A_438 = arith.constant 32 : i32
      %get3A_439 = arith.index_cast %add3A_323 : i32 to index
      %get3A_440 = arith.constant 96 : index
      %get3A_441 = tpu.vector_load %arg5[%get3A_439, %get3A_440] {strides = array<i32>} : memref<50x128xi32, #tpu.memory_space<vmem>>, vector<16xi32>,
      %and3A_442 = arith.constant 3 : i32
      %and3A_443 = vector.broadcast %and3A_442 : i32 to vector<16xi32>
      %and3A_444 = arith.andi %get3A_441, %and3A_443 : vector<16xi32>
      %shift_left3A_445 = arith.constant 5 : i32
      %shift_left3A_446 = vector.broadcast %shift_left3A_445 : i32 to vector<16xi32>
      %shift_left3A_447 = arith.shli %and3A_444, %shift_left3A_446 : vector<16xi32>
      %add3A_448 = arith.constant 96 : i32
      %add3A_449 = vector.broadcast %add3A_448 : i32 to vector<16xi32>
      %add3A_450 = arith.addi %add3A_449, %iota3A : vector<16xi32>
      %scan3A_451 = arith.constant 0 : i32
      %scan3A_452 = arith.constant 32 : i32
      %scan3A_453 = arith.addi %scan3A_451, %scan3A_452 : i32
      %scan3A_454 = arith.constant 1 : i32
      scf.for %scan3A_473 = %scan3A_451 to %scan3A_453 step %scan3A_454  : i32 {
        %add3A_474 = vector.broadcast %scan3A_473 : i32 to vector<16xi32>
        %add3A_475 = arith.addi %shift_left3A_447, %add3A_474 : vector<16xi32>
        %gather3A = tpu.vector_load_idx %arg9[%add3A_450, %add3A_475] : memref<128x128xf32, #tpu.memory_space<vmem>>[vector<16xi32>, vector<16xi32>], vector<16xf32>,
        %swap3A_476 = arith.index_cast %add3A_321 : i32 to index
        %swap3A_477 = arith.index_cast %scan3A_473 : i32 to index
        %swap3A_478 = arith.constant 96 : index
        %swap3A_479 = tpu.vector_load %arg7[%swap3A_476, %swap3A_477, %swap3A_478] {strides = array<i32>} : memref<10x32x128xf32, #tpu.memory_space<vmem>>, vector<16xf32>,
        tpu.vector_store %arg7[%swap3A_476, %swap3A_477, %swap3A_478], %gather3A {strides = array<i32>} : memref<10x32x128xf32, #tpu.memory_space<vmem>>, vector<16xf32>,
      }
      %scan3A_455 = arith.constant 32 : i32
      %get3A_456 = arith.index_cast %add3A_323 : i32 to index
      %get3A_457 = arith.constant 112 : index
      %get3A_458 = tpu.vector_load %arg5[%get3A_456, %get3A_457] {strides = array<i32>} : memref<50x128xi32, #tpu.memory_space<vmem>>, vector<16xi32>,
      %and3A_459 = arith.constant 3 : i32
      %and3A_460 = vector.broadcast %and3A_459 : i32 to vector<16xi32>
      %and3A_461 = arith.andi %get3A_458, %and3A_460 : vector<16xi32>
      %shift_left3A_462 = arith.constant 5 : i32
      %shift_left3A_463 = vector.broadcast %shift_left3A_462 : i32 to vector<16xi32>
      %shift_left3A_464 = arith.shli %and3A_461, %shift_left3A_463 : vector<16xi32>
      %add3A_465 = arith.constant 112 : i32
      %add3A_466 = vector.broadcast %add3A_465 : i32 to vector<16xi32>
      %add3A_467 = arith.addi %add3A_466, %iota3A : vector<16xi32>
      %scan3A_468 = arith.constant 0 : i32
      %scan3A_469 = arith.constant 32 : i32
      %scan3A_470 = arith.addi %scan3A_468, %scan3A_469 : i32
      %scan3A_471 = arith.constant 1 : i32
      scf.for %scan3A_473 = %scan3A_468 to %scan3A_470 step %scan3A_471  : i32 {
        %add3A_474 = vector.broadcast %scan3A_473 : i32 to vector<16xi32>
        %add3A_475 = arith.addi %shift_left3A_464, %add3A_474 : vector<16xi32>
        %gather3A = tpu.vector_load_idx %arg9[%add3A_467, %add3A_475] : memref<128x128xf32, #tpu.memory_space<vmem>>[vector<16xi32>, vector<16xi32>], vector<16xf32>,
        %swap3A_476 = arith.index_cast %add3A_321 : i32 to index
        %swap3A_477 = arith.index_cast %scan3A_473 : i32 to index
        %swap3A_478 = arith.constant 112 : index
        %swap3A_479 = tpu.vector_load %arg7[%swap3A_476, %swap3A_477, %swap3A_478] {strides = array<i32>} : memref<10x32x128xf32, #tpu.memory_space<vmem>>, vector<16xf32>,
        tpu.vector_store %arg7[%swap3A_476, %swap3A_477, %swap3A_478], %gather3A {strides = array<i32>} : memref<10x32x128xf32, #tpu.memory_space<vmem>>, vector<16xf32>,
      }
      %scan3A_472 = arith.constant 32 : i32
    }
    %scan3A_125 = arith.constant 5 : i32
    %dma_start3A_126 = arith.constant 30 : i32
    %dma_start3A_127 = arith.constant 0 : i32
    %dma_start3A_128 = tpu.memref_slice %arg4[%dma_start3A_126, %dma_start3A_127, %mul3A_2] : memref<50x32x4096xf32, #tpu.memory_space<hbm>> -> memref<10x32x128xf32, #tpu.memory_space<hbm>>
    %dma_start3A_129 = arith.constant 30 : i32
    %dma_start3A_130 = arith.constant 0 : i32
    %dma_start3A_131 = tpu.memref_slice %arg4[%dma_start3A_129, %dma_start3A_130, %mul3A_2] : memref<50x32x4096xf32, #tpu.memory_space<hbm>> -> memref<10x32x128xf32, #tpu.memory_space<hbm>>
    tpu.enqueue_dma source(%arg7 : memref<10x32x128xf32, #tpu.memory_space<vmem>>) target(%dma_start3A_131 : memref<10x32x128xf32, #tpu.memory_space<hbm>>) target_semaphore(%arg13 : memref<!tpu.dma_semaphore, #tpu.memory_space<semaphore_mem>>)
    %dma_wait3A_132 = arith.constant 0 : i32
    %dma_wait3A_133 = arith.constant 0 : i32
    %dma_wait3A_134 = arith.constant 0 : i32
    %dma_wait3A_135 = tpu.memref_slice %arg4[%dma_wait3A_132, %dma_wait3A_133, %dma_wait3A_134] : memref<50x32x4096xf32, #tpu.memory_space<hbm>> -> memref<10x32x128xf32, #tpu.memory_space<hbm>>
    %dma_wait3A_136 = arith.constant 0 : i32
    %dma_wait3A_137 = arith.constant 0 : i32
    %dma_wait3A_138 = arith.constant 0 : i32
    %dma_wait3A_139 = tpu.memref_slice %arg4[%dma_wait3A_136, %dma_wait3A_137, %dma_wait3A_138] : memref<50x32x4096xf32, #tpu.memory_space<hbm>> -> memref<10x32x128xf32, #tpu.memory_space<hbm>>
    tpu.wait_dma2 semaphore(%arg13 : memref<!tpu.dma_semaphore, #tpu.memory_space<semaphore_mem>>) src(%arg6 : memref<10x32x128xf32, #tpu.memory_space<vmem>>) dst(%dma_wait3A_139 : memref<10x32x128xf32, #tpu.memory_space<hbm>>)
    %scan3A_140 = arith.constant 0 : i32
    %scan3A_141 = arith.constant 5 : i32
    %scan3A_142 = arith.addi %scan3A_140, %scan3A_141 : i32
    %scan3A_143 = arith.constant 1 : i32
    scf.for %scan3A_167 = %scan3A_140 to %scan3A_142 step %scan3A_143  : i32 {
      %mul3A_168 = arith.constant 2 : i32
      %mul3A_169 = arith.muli %mul3A_168, %scan3A_167 : i32
      %add3A_170 = arith.constant 0 : i32
      %add3A_171 = arith.addi %mul3A_169, %add3A_170 : i32
      %add3A_172 = arith.constant 40 : i32
      %add3A_173 = arith.addi %add3A_172, %add3A_171 : i32
      %add3A_174 = arith.constant 1 : i32
      %add3A_175 = arith.addi %add3A_173, %add3A_174 : i32
      %lt3A = arith.constant 50 : i32
      %lt3A_176 = arith.cmpi slt, %add3A_175, %lt3A : i32
      %convert_element_type3A = arith.extui %lt3A_176 : i1 to i32
      %cond3A = arith.constant 0 : i32
      %cond3A_177 = arith.cmpi ne, %convert_element_type3A, %cond3A : i32
      scf.if %cond3A_177 {
        %add3A_473 = arith.constant 1 : i32
        %add3A_474 = arith.addi %add3A_173, %add3A_473 : i32
        %get3A_475 = arith.index_cast %add3A_474 : i32 to index
        %get3A_476 = arith.constant 0 : index
        %get3A_477 = tpu.vector_load %arg5[%get3A_475, %get3A_476] {strides = array<i32>} : memref<50x128xi32, #tpu.memory_space<vmem>>, vector<16xi32>,
        %shift_right_logical3A_478 = arith.constant 2 : i32
        %shift_right_logical3A_479 = vector.broadcast %shift_right_logical3A_478 : i32 to vector<16xi32>
        %shift_right_logical3A_480 = arith.shrui %get3A_477, %shift_right_logical3A_479 : vector<16xi32>
        %swap3A_481 = arith.constant 0 : index
        %swap3A_482 = tpu.vector_load %arg11[%swap3A_481] {strides = array<i32>} : memref<128xi32, #tpu.memory_space<vmem>>, vector<16xi32>,
        tpu.vector_store %arg11[%swap3A_481], %shift_right_logical3A_480 {strides = array<i32>} : memref<128xi32, #tpu.memory_space<vmem>>, vector<16xi32>,
        %get3A_483 = arith.index_cast %add3A_474 : i32 to index
        %get3A_484 = arith.constant 16 : index
        %get3A_485 = tpu.vector_load %arg5[%get3A_483, %get3A_484] {strides = array<i32>} : memref<50x128xi32, #tpu.memory_space<vmem>>, vector<16xi32>,
        %shift_right_logical3A_486 = arith.constant 2 : i32
        %shift_right_logical3A_487 = vector.broadcast %shift_right_logical3A_486 : i32 to vector<16xi32>
        %shift_right_logical3A_488 = arith.shrui %get3A_485, %shift_right_logical3A_487 : vector<16xi32>
        %swap3A_489 = arith.constant 16 : index
        %swap3A_490 = tpu.vector_load %arg11[%swap3A_489] {strides = array<i32>} : memref<128xi32, #tpu.memory_space<vmem>>, vector<16xi32>,
        tpu.vector_store %arg11[%swap3A_489], %shift_right_logical3A_488 {strides = array<i32>} : memref<128xi32, #tpu.memory_space<vmem>>, vector<16xi32>,
        %get3A_491 = arith.index_cast %add3A_474 : i32 to index
        %get3A_492 = arith.constant 32 : index
        %get3A_493 = tpu.vector_load %arg5[%get3A_491, %get3A_492] {strides = array<i32>} : memref<50x128xi32, #tpu.memory_space<vmem>>, vector<16xi32>,
        %shift_right_logical3A_494 = arith.constant 2 : i32
        %shift_right_logical3A_495 = vector.broadcast %shift_right_logical3A_494 : i32 to vector<16xi32>
        %shift_right_logical3A_496 = arith.shrui %get3A_493, %shift_right_logical3A_495 : vector<16xi32>
        %swap3A_497 = arith.constant 32 : index
        %swap3A_498 = tpu.vector_load %arg11[%swap3A_497] {strides = array<i32>} : memref<128xi32, #tpu.memory_space<vmem>>, vector<16xi32>,
        tpu.vector_store %arg11[%swap3A_497], %shift_right_logical3A_496 {strides = array<i32>} : memref<128xi32, #tpu.memory_space<vmem>>, vector<16xi32>,
        %get3A_499 = arith.index_cast %add3A_474 : i32 to index
        %get3A_500 = arith.constant 48 : index
        %get3A_501 = tpu.vector_load %arg5[%get3A_499, %get3A_500] {strides = array<i32>} : memref<50x128xi32, #tpu.memory_space<vmem>>, vector<16xi32>,
        %shift_right_logical3A_502 = arith.constant 2 : i32
        %shift_right_logical3A_503 = vector.broadcast %shift_right_logical3A_502 : i32 to vector<16xi32>
        %shift_right_logical3A_504 = arith.shrui %get3A_501, %shift_right_logical3A_503 : vector<16xi32>
        %swap3A_505 = arith.constant 48 : index
        %swap3A_506 = tpu.vector_load %arg11[%swap3A_505] {strides = array<i32>} : memref<128xi32, #tpu.memory_space<vmem>>, vector<16xi32>,
        tpu.vector_store %arg11[%swap3A_505], %shift_right_logical3A_504 {strides = array<i32>} : memref<128xi32, #tpu.memory_space<vmem>>, vector<16xi32>,
        %get3A_507 = arith.index_cast %add3A_474 : i32 to index
        %get3A_508 = arith.constant 64 : index
        %get3A_509 = tpu.vector_load %arg5[%get3A_507, %get3A_508] {strides = array<i32>} : memref<50x128xi32, #tpu.memory_space<vmem>>, vector<16xi32>,
        %shift_right_logical3A_510 = arith.constant 2 : i32
        %shift_right_logical3A_511 = vector.broadcast %shift_right_logical3A_510 : i32 to vector<16xi32>
        %shift_right_logical3A_512 = arith.shrui %get3A_509, %shift_right_logical3A_511 : vector<16xi32>
        %swap3A_513 = arith.constant 64 : index
        %swap3A_514 = tpu.vector_load %arg11[%swap3A_513] {strides = array<i32>} : memref<128xi32, #tpu.memory_space<vmem>>, vector<16xi32>,
        tpu.vector_store %arg11[%swap3A_513], %shift_right_logical3A_512 {strides = array<i32>} : memref<128xi32, #tpu.memory_space<vmem>>, vector<16xi32>,
        %get3A_515 = arith.index_cast %add3A_474 : i32 to index
        %get3A_516 = arith.constant 80 : index
        %get3A_517 = tpu.vector_load %arg5[%get3A_515, %get3A_516] {strides = array<i32>} : memref<50x128xi32, #tpu.memory_space<vmem>>, vector<16xi32>,
        %shift_right_logical3A_518 = arith.constant 2 : i32
        %shift_right_logical3A_519 = vector.broadcast %shift_right_logical3A_518 : i32 to vector<16xi32>
        %shift_right_logical3A_520 = arith.shrui %get3A_517, %shift_right_logical3A_519 : vector<16xi32>
        %swap3A_521 = arith.constant 80 : index
        %swap3A_522 = tpu.vector_load %arg11[%swap3A_521] {strides = array<i32>} : memref<128xi32, #tpu.memory_space<vmem>>, vector<16xi32>,
        tpu.vector_store %arg11[%swap3A_521], %shift_right_logical3A_520 {strides = array<i32>} : memref<128xi32, #tpu.memory_space<vmem>>, vector<16xi32>,
        %get3A_523 = arith.index_cast %add3A_474 : i32 to index
        %get3A_524 = arith.constant 96 : index
        %get3A_525 = tpu.vector_load %arg5[%get3A_523, %get3A_524] {strides = array<i32>} : memref<50x128xi32, #tpu.memory_space<vmem>>, vector<16xi32>,
        %shift_right_logical3A_526 = arith.constant 2 : i32
        %shift_right_logical3A_527 = vector.broadcast %shift_right_logical3A_526 : i32 to vector<16xi32>
        %shift_right_logical3A_528 = arith.shrui %get3A_525, %shift_right_logical3A_527 : vector<16xi32>
        %swap3A_529 = arith.constant 96 : index
        %swap3A_530 = tpu.vector_load %arg11[%swap3A_529] {strides = array<i32>} : memref<128xi32, #tpu.memory_space<vmem>>, vector<16xi32>,
        tpu.vector_store %arg11[%swap3A_529], %shift_right_logical3A_528 {strides = array<i32>} : memref<128xi32, #tpu.memory_space<vmem>>, vector<16xi32>,
        %get3A_531 = arith.index_cast %add3A_474 : i32 to index
        %get3A_532 = arith.constant 112 : index
        %get3A_533 = tpu.vector_load %arg5[%get3A_531, %get3A_532] {strides = array<i32>} : memref<50x128xi32, #tpu.memory_space<vmem>>, vector<16xi32>,
        %shift_right_logical3A_534 = arith.constant 2 : i32
        %shift_right_logical3A_535 = vector.broadcast %shift_right_logical3A_534 : i32 to vector<16xi32>
        %shift_right_logical3A_536 = arith.shrui %get3A_533, %shift_right_logical3A_535 : vector<16xi32>
        %swap3A_537 = arith.constant 112 : index
        %swap3A_538 = tpu.vector_load %arg11[%swap3A_537] {strides = array<i32>} : memref<128xi32, #tpu.memory_space<vmem>>, vector<16xi32>,
        tpu.vector_store %arg11[%swap3A_537], %shift_right_logical3A_536 {strides = array<i32>} : memref<128xi32, #tpu.memory_space<vmem>>, vector<16xi32>,
        %dma_start3A_539 = arith.constant 0 : i32
        %dma_start3A_540 = arith.constant 0 : i32
        %dma_start3A_541 = tpu.memref_slice %arg3[%dma_start3A_539, %dma_start3A_540] : memref<250000x128xf32, #tpu.memory_space<hbm>> -> memref<250000x128xf32, #tpu.memory_space<hbm>>
        tpu.enqueue_indirect_dma source(%dma_start3A_541 : memref<250000x128xf32, #tpu.memory_space<hbm>>) target(%arg9 : memref<128x128xf32, #tpu.memory_space<vmem>>) offsets(%arg11 : memref<128xi32, #tpu.memory_space<vmem>>) semaphore(%arg12 : memref<!tpu.dma_semaphore, #tpu.memory_space<semaphore_mem>>)
      } else {
      }
      %dma_wait3A_178 = arith.constant 0 : i32
      %dma_wait3A_179 = arith.constant 0 : i32
      %dma_wait3A_180 = tpu.memref_slice %arg3[%dma_wait3A_178, %dma_wait3A_179] : memref<250000x128xf32, #tpu.memory_space<hbm>> -> memref<128x128xf32, #tpu.memory_space<hbm>>
      %dma_wait3A_181 = arith.constant 0 : i32
      %dma_wait3A_182 = arith.constant 0 : i32
      %dma_wait3A_183 = tpu.memref_slice %arg3[%dma_wait3A_181, %dma_wait3A_182] : memref<250000x128xf32, #tpu.memory_space<hbm>> -> memref<128x128xf32, #tpu.memory_space<hbm>>
      tpu.wait_dma2 semaphore(%arg12 : memref<!tpu.dma_semaphore, #tpu.memory_space<semaphore_mem>>) src(%dma_wait3A_183 : memref<128x128xf32, #tpu.memory_space<hbm>>) dst(%arg8 : memref<128x128xf32, #tpu.memory_space<vmem>>)
      %get3A_184 = arith.index_cast %add3A_173 : i32 to index
      %get3A_185 = arith.constant 0 : index
      %get3A_186 = tpu.vector_load %arg5[%get3A_184, %get3A_185] {strides = array<i32>} : memref<50x128xi32, #tpu.memory_space<vmem>>, vector<16xi32>,
      %and3A = arith.constant 3 : i32
      %and3A_187 = vector.broadcast %and3A : i32 to vector<16xi32>
      %and3A_188 = arith.andi %get3A_186, %and3A_187 : vector<16xi32>
      %shift_left3A = arith.constant 5 : i32
      %shift_left3A_189 = vector.broadcast %shift_left3A : i32 to vector<16xi32>
      %shift_left3A_190 = arith.shli %and3A_188, %shift_left3A_189 : vector<16xi32>
      %add3A_191 = arith.constant 0 : i32
      %add3A_192 = vector.broadcast %add3A_191 : i32 to vector<16xi32>
      %add3A_193 = arith.addi %add3A_192, %iota3A : vector<16xi32>
      %scan3A_194 = arith.constant 0 : i32
      %scan3A_195 = arith.constant 32 : i32
      %scan3A_196 = arith.addi %scan3A_194, %scan3A_195 : i32
      %scan3A_197 = arith.constant 1 : i32
      scf.for %scan3A_473 = %scan3A_194 to %scan3A_196 step %scan3A_197  : i32 {
        %add3A_474 = vector.broadcast %scan3A_473 : i32 to vector<16xi32>
        %add3A_475 = arith.addi %shift_left3A_190, %add3A_474 : vector<16xi32>
        %gather3A = tpu.vector_load_idx %arg8[%add3A_193, %add3A_475] : memref<128x128xf32, #tpu.memory_space<vmem>>[vector<16xi32>, vector<16xi32>], vector<16xf32>,
        %swap3A_476 = arith.index_cast %add3A_171 : i32 to index
        %swap3A_477 = arith.index_cast %scan3A_473 : i32 to index
        %swap3A_478 = arith.constant 0 : index
        %swap3A_479 = tpu.vector_load %arg6[%swap3A_476, %swap3A_477, %swap3A_478] {strides = array<i32>} : memref<10x32x128xf32, #tpu.memory_space<vmem>>, vector<16xf32>,
        tpu.vector_store %arg6[%swap3A_476, %swap3A_477, %swap3A_478], %gather3A {strides = array<i32>} : memref<10x32x128xf32, #tpu.memory_space<vmem>>, vector<16xf32>,
      }
      %scan3A_198 = arith.constant 32 : i32
      %get3A_199 = arith.index_cast %add3A_173 : i32 to index
      %get3A_200 = arith.constant 16 : index
      %get3A_201 = tpu.vector_load %arg5[%get3A_199, %get3A_200] {strides = array<i32>} : memref<50x128xi32, #tpu.memory_space<vmem>>, vector<16xi32>,
      %and3A_202 = arith.constant 3 : i32
      %and3A_203 = vector.broadcast %and3A_202 : i32 to vector<16xi32>
      %and3A_204 = arith.andi %get3A_201, %and3A_203 : vector<16xi32>
      %shift_left3A_205 = arith.constant 5 : i32
      %shift_left3A_206 = vector.broadcast %shift_left3A_205 : i32 to vector<16xi32>
      %shift_left3A_207 = arith.shli %and3A_204, %shift_left3A_206 : vector<16xi32>
      %add3A_208 = arith.constant 16 : i32
      %add3A_209 = vector.broadcast %add3A_208 : i32 to vector<16xi32>
      %add3A_210 = arith.addi %add3A_209, %iota3A : vector<16xi32>
      %scan3A_211 = arith.constant 0 : i32
      %scan3A_212 = arith.constant 32 : i32
      %scan3A_213 = arith.addi %scan3A_211, %scan3A_212 : i32
      %scan3A_214 = arith.constant 1 : i32
      scf.for %scan3A_473 = %scan3A_211 to %scan3A_213 step %scan3A_214  : i32 {
        %add3A_474 = vector.broadcast %scan3A_473 : i32 to vector<16xi32>
        %add3A_475 = arith.addi %shift_left3A_207, %add3A_474 : vector<16xi32>
        %gather3A = tpu.vector_load_idx %arg8[%add3A_210, %add3A_475] : memref<128x128xf32, #tpu.memory_space<vmem>>[vector<16xi32>, vector<16xi32>], vector<16xf32>,
        %swap3A_476 = arith.index_cast %add3A_171 : i32 to index
        %swap3A_477 = arith.index_cast %scan3A_473 : i32 to index
        %swap3A_478 = arith.constant 16 : index
        %swap3A_479 = tpu.vector_load %arg6[%swap3A_476, %swap3A_477, %swap3A_478] {strides = array<i32>} : memref<10x32x128xf32, #tpu.memory_space<vmem>>, vector<16xf32>,
        tpu.vector_store %arg6[%swap3A_476, %swap3A_477, %swap3A_478], %gather3A {strides = array<i32>} : memref<10x32x128xf32, #tpu.memory_space<vmem>>, vector<16xf32>,
      }
      %scan3A_215 = arith.constant 32 : i32
      %get3A_216 = arith.index_cast %add3A_173 : i32 to index
      %get3A_217 = arith.constant 32 : index
      %get3A_218 = tpu.vector_load %arg5[%get3A_216, %get3A_217] {strides = array<i32>} : memref<50x128xi32, #tpu.memory_space<vmem>>, vector<16xi32>,
      %and3A_219 = arith.constant 3 : i32
      %and3A_220 = vector.broadcast %and3A_219 : i32 to vector<16xi32>
      %and3A_221 = arith.andi %get3A_218, %and3A_220 : vector<16xi32>
      %shift_left3A_222 = arith.constant 5 : i32
      %shift_left3A_223 = vector.broadcast %shift_left3A_222 : i32 to vector<16xi32>
      %shift_left3A_224 = arith.shli %and3A_221, %shift_left3A_223 : vector<16xi32>
      %add3A_225 = arith.constant 32 : i32
      %add3A_226 = vector.broadcast %add3A_225 : i32 to vector<16xi32>
      %add3A_227 = arith.addi %add3A_226, %iota3A : vector<16xi32>
      %scan3A_228 = arith.constant 0 : i32
      %scan3A_229 = arith.constant 32 : i32
      %scan3A_230 = arith.addi %scan3A_228, %scan3A_229 : i32
      %scan3A_231 = arith.constant 1 : i32
      scf.for %scan3A_473 = %scan3A_228 to %scan3A_230 step %scan3A_231  : i32 {
        %add3A_474 = vector.broadcast %scan3A_473 : i32 to vector<16xi32>
        %add3A_475 = arith.addi %shift_left3A_224, %add3A_474 : vector<16xi32>
        %gather3A = tpu.vector_load_idx %arg8[%add3A_227, %add3A_475] : memref<128x128xf32, #tpu.memory_space<vmem>>[vector<16xi32>, vector<16xi32>], vector<16xf32>,
        %swap3A_476 = arith.index_cast %add3A_171 : i32 to index
        %swap3A_477 = arith.index_cast %scan3A_473 : i32 to index
        %swap3A_478 = arith.constant 32 : index
        %swap3A_479 = tpu.vector_load %arg6[%swap3A_476, %swap3A_477, %swap3A_478] {strides = array<i32>} : memref<10x32x128xf32, #tpu.memory_space<vmem>>, vector<16xf32>,
        tpu.vector_store %arg6[%swap3A_476, %swap3A_477, %swap3A_478], %gather3A {strides = array<i32>} : memref<10x32x128xf32, #tpu.memory_space<vmem>>, vector<16xf32>,
      }
      %scan3A_232 = arith.constant 32 : i32
      %get3A_233 = arith.index_cast %add3A_173 : i32 to index
      %get3A_234 = arith.constant 48 : index
      %get3A_235 = tpu.vector_load %arg5[%get3A_233, %get3A_234] {strides = array<i32>} : memref<50x128xi32, #tpu.memory_space<vmem>>, vector<16xi32>,
      %and3A_236 = arith.constant 3 : i32
      %and3A_237 = vector.broadcast %and3A_236 : i32 to vector<16xi32>
      %and3A_238 = arith.andi %get3A_235, %and3A_237 : vector<16xi32>
      %shift_left3A_239 = arith.constant 5 : i32
      %shift_left3A_240 = vector.broadcast %shift_left3A_239 : i32 to vector<16xi32>
      %shift_left3A_241 = arith.shli %and3A_238, %shift_left3A_240 : vector<16xi32>
      %add3A_242 = arith.constant 48 : i32
      %add3A_243 = vector.broadcast %add3A_242 : i32 to vector<16xi32>
      %add3A_244 = arith.addi %add3A_243, %iota3A : vector<16xi32>
      %scan3A_245 = arith.constant 0 : i32
      %scan3A_246 = arith.constant 32 : i32
      %scan3A_247 = arith.addi %scan3A_245, %scan3A_246 : i32
      %scan3A_248 = arith.constant 1 : i32
      scf.for %scan3A_473 = %scan3A_245 to %scan3A_247 step %scan3A_248  : i32 {
        %add3A_474 = vector.broadcast %scan3A_473 : i32 to vector<16xi32>
        %add3A_475 = arith.addi %shift_left3A_241, %add3A_474 : vector<16xi32>
        %gather3A = tpu.vector_load_idx %arg8[%add3A_244, %add3A_475] : memref<128x128xf32, #tpu.memory_space<vmem>>[vector<16xi32>, vector<16xi32>], vector<16xf32>,
        %swap3A_476 = arith.index_cast %add3A_171 : i32 to index
        %swap3A_477 = arith.index_cast %scan3A_473 : i32 to index
        %swap3A_478 = arith.constant 48 : index
        %swap3A_479 = tpu.vector_load %arg6[%swap3A_476, %swap3A_477, %swap3A_478] {strides = array<i32>} : memref<10x32x128xf32, #tpu.memory_space<vmem>>, vector<16xf32>,
        tpu.vector_store %arg6[%swap3A_476, %swap3A_477, %swap3A_478], %gather3A {strides = array<i32>} : memref<10x32x128xf32, #tpu.memory_space<vmem>>, vector<16xf32>,
      }
      %scan3A_249 = arith.constant 32 : i32
      %get3A_250 = arith.index_cast %add3A_173 : i32 to index
      %get3A_251 = arith.constant 64 : index
      %get3A_252 = tpu.vector_load %arg5[%get3A_250, %get3A_251] {strides = array<i32>} : memref<50x128xi32, #tpu.memory_space<vmem>>, vector<16xi32>,
      %and3A_253 = arith.constant 3 : i32
      %and3A_254 = vector.broadcast %and3A_253 : i32 to vector<16xi32>
      %and3A_255 = arith.andi %get3A_252, %and3A_254 : vector<16xi32>
      %shift_left3A_256 = arith.constant 5 : i32
      %shift_left3A_257 = vector.broadcast %shift_left3A_256 : i32 to vector<16xi32>
      %shift_left3A_258 = arith.shli %and3A_255, %shift_left3A_257 : vector<16xi32>
      %add3A_259 = arith.constant 64 : i32
      %add3A_260 = vector.broadcast %add3A_259 : i32 to vector<16xi32>
      %add3A_261 = arith.addi %add3A_260, %iota3A : vector<16xi32>
      %scan3A_262 = arith.constant 0 : i32
      %scan3A_263 = arith.constant 32 : i32
      %scan3A_264 = arith.addi %scan3A_262, %scan3A_263 : i32
      %scan3A_265 = arith.constant 1 : i32
      scf.for %scan3A_473 = %scan3A_262 to %scan3A_264 step %scan3A_265  : i32 {
        %add3A_474 = vector.broadcast %scan3A_473 : i32 to vector<16xi32>
        %add3A_475 = arith.addi %shift_left3A_258, %add3A_474 : vector<16xi32>
        %gather3A = tpu.vector_load_idx %arg8[%add3A_261, %add3A_475] : memref<128x128xf32, #tpu.memory_space<vmem>>[vector<16xi32>, vector<16xi32>], vector<16xf32>,
        %swap3A_476 = arith.index_cast %add3A_171 : i32 to index
        %swap3A_477 = arith.index_cast %scan3A_473 : i32 to index
        %swap3A_478 = arith.constant 64 : index
        %swap3A_479 = tpu.vector_load %arg6[%swap3A_476, %swap3A_477, %swap3A_478] {strides = array<i32>} : memref<10x32x128xf32, #tpu.memory_space<vmem>>, vector<16xf32>,
        tpu.vector_store %arg6[%swap3A_476, %swap3A_477, %swap3A_478], %gather3A {strides = array<i32>} : memref<10x32x128xf32, #tpu.memory_space<vmem>>, vector<16xf32>,
      }
      %scan3A_266 = arith.constant 32 : i32
      %get3A_267 = arith.index_cast %add3A_173 : i32 to index
      %get3A_268 = arith.constant 80 : index
      %get3A_269 = tpu.vector_load %arg5[%get3A_267, %get3A_268] {strides = array<i32>} : memref<50x128xi32, #tpu.memory_space<vmem>>, vector<16xi32>,
      %and3A_270 = arith.constant 3 : i32
      %and3A_271 = vector.broadcast %and3A_270 : i32 to vector<16xi32>
      %and3A_272 = arith.andi %get3A_269, %and3A_271 : vector<16xi32>
      %shift_left3A_273 = arith.constant 5 : i32
      %shift_left3A_274 = vector.broadcast %shift_left3A_273 : i32 to vector<16xi32>
      %shift_left3A_275 = arith.shli %and3A_272, %shift_left3A_274 : vector<16xi32>
      %add3A_276 = arith.constant 80 : i32
      %add3A_277 = vector.broadcast %add3A_276 : i32 to vector<16xi32>
      %add3A_278 = arith.addi %add3A_277, %iota3A : vector<16xi32>
      %scan3A_279 = arith.constant 0 : i32
      %scan3A_280 = arith.constant 32 : i32
      %scan3A_281 = arith.addi %scan3A_279, %scan3A_280 : i32
      %scan3A_282 = arith.constant 1 : i32
      scf.for %scan3A_473 = %scan3A_279 to %scan3A_281 step %scan3A_282  : i32 {
        %add3A_474 = vector.broadcast %scan3A_473 : i32 to vector<16xi32>
        %add3A_475 = arith.addi %shift_left3A_275, %add3A_474 : vector<16xi32>
        %gather3A = tpu.vector_load_idx %arg8[%add3A_278, %add3A_475] : memref<128x128xf32, #tpu.memory_space<vmem>>[vector<16xi32>, vector<16xi32>], vector<16xf32>,
        %swap3A_476 = arith.index_cast %add3A_171 : i32 to index
        %swap3A_477 = arith.index_cast %scan3A_473 : i32 to index
        %swap3A_478 = arith.constant 80 : index
        %swap3A_479 = tpu.vector_load %arg6[%swap3A_476, %swap3A_477, %swap3A_478] {strides = array<i32>} : memref<10x32x128xf32, #tpu.memory_space<vmem>>, vector<16xf32>,
        tpu.vector_store %arg6[%swap3A_476, %swap3A_477, %swap3A_478], %gather3A {strides = array<i32>} : memref<10x32x128xf32, #tpu.memory_space<vmem>>, vector<16xf32>,
      }
      %scan3A_283 = arith.constant 32 : i32
      %get3A_284 = arith.index_cast %add3A_173 : i32 to index
      %get3A_285 = arith.constant 96 : index
      %get3A_286 = tpu.vector_load %arg5[%get3A_284, %get3A_285] {strides = array<i32>} : memref<50x128xi32, #tpu.memory_space<vmem>>, vector<16xi32>,
      %and3A_287 = arith.constant 3 : i32
      %and3A_288 = vector.broadcast %and3A_287 : i32 to vector<16xi32>
      %and3A_289 = arith.andi %get3A_286, %and3A_288 : vector<16xi32>
      %shift_left3A_290 = arith.constant 5 : i32
      %shift_left3A_291 = vector.broadcast %shift_left3A_290 : i32 to vector<16xi32>
      %shift_left3A_292 = arith.shli %and3A_289, %shift_left3A_291 : vector<16xi32>
      %add3A_293 = arith.constant 96 : i32
      %add3A_294 = vector.broadcast %add3A_293 : i32 to vector<16xi32>
      %add3A_295 = arith.addi %add3A_294, %iota3A : vector<16xi32>
      %scan3A_296 = arith.constant 0 : i32
      %scan3A_297 = arith.constant 32 : i32
      %scan3A_298 = arith.addi %scan3A_296, %scan3A_297 : i32
      %scan3A_299 = arith.constant 1 : i32
      scf.for %scan3A_473 = %scan3A_296 to %scan3A_298 step %scan3A_299  : i32 {
        %add3A_474 = vector.broadcast %scan3A_473 : i32 to vector<16xi32>
        %add3A_475 = arith.addi %shift_left3A_292, %add3A_474 : vector<16xi32>
        %gather3A = tpu.vector_load_idx %arg8[%add3A_295, %add3A_475] : memref<128x128xf32, #tpu.memory_space<vmem>>[vector<16xi32>, vector<16xi32>], vector<16xf32>,
        %swap3A_476 = arith.index_cast %add3A_171 : i32 to index
        %swap3A_477 = arith.index_cast %scan3A_473 : i32 to index
        %swap3A_478 = arith.constant 96 : index
        %swap3A_479 = tpu.vector_load %arg6[%swap3A_476, %swap3A_477, %swap3A_478] {strides = array<i32>} : memref<10x32x128xf32, #tpu.memory_space<vmem>>, vector<16xf32>,
        tpu.vector_store %arg6[%swap3A_476, %swap3A_477, %swap3A_478], %gather3A {strides = array<i32>} : memref<10x32x128xf32, #tpu.memory_space<vmem>>, vector<16xf32>,
      }
      %scan3A_300 = arith.constant 32 : i32
      %get3A_301 = arith.index_cast %add3A_173 : i32 to index
      %get3A_302 = arith.constant 112 : index
      %get3A_303 = tpu.vector_load %arg5[%get3A_301, %get3A_302] {strides = array<i32>} : memref<50x128xi32, #tpu.memory_space<vmem>>, vector<16xi32>,
      %and3A_304 = arith.constant 3 : i32
      %and3A_305 = vector.broadcast %and3A_304 : i32 to vector<16xi32>
      %and3A_306 = arith.andi %get3A_303, %and3A_305 : vector<16xi32>
      %shift_left3A_307 = arith.constant 5 : i32
      %shift_left3A_308 = vector.broadcast %shift_left3A_307 : i32 to vector<16xi32>
      %shift_left3A_309 = arith.shli %and3A_306, %shift_left3A_308 : vector<16xi32>
      %add3A_310 = arith.constant 112 : i32
      %add3A_311 = vector.broadcast %add3A_310 : i32 to vector<16xi32>
      %add3A_312 = arith.addi %add3A_311, %iota3A : vector<16xi32>
      %scan3A_313 = arith.constant 0 : i32
      %scan3A_314 = arith.constant 32 : i32
      %scan3A_315 = arith.addi %scan3A_313, %scan3A_314 : i32
      %scan3A_316 = arith.constant 1 : i32
      scf.for %scan3A_473 = %scan3A_313 to %scan3A_315 step %scan3A_316  : i32 {
        %add3A_474 = vector.broadcast %scan3A_473 : i32 to vector<16xi32>
        %add3A_475 = arith.addi %shift_left3A_309, %add3A_474 : vector<16xi32>
        %gather3A = tpu.vector_load_idx %arg8[%add3A_312, %add3A_475] : memref<128x128xf32, #tpu.memory_space<vmem>>[vector<16xi32>, vector<16xi32>], vector<16xf32>,
        %swap3A_476 = arith.index_cast %add3A_171 : i32 to index
        %swap3A_477 = arith.index_cast %scan3A_473 : i32 to index
        %swap3A_478 = arith.constant 112 : index
        %swap3A_479 = tpu.vector_load %arg6[%swap3A_476, %swap3A_477, %swap3A_478] {strides = array<i32>} : memref<10x32x128xf32, #tpu.memory_space<vmem>>, vector<16xf32>,
        tpu.vector_store %arg6[%swap3A_476, %swap3A_477, %swap3A_478], %gather3A {strides = array<i32>} : memref<10x32x128xf32, #tpu.memory_space<vmem>>, vector<16xf32>,
      }
      %scan3A_317 = arith.constant 32 : i32
      %mul3A_318 = arith.constant 2 : i32
      %mul3A_319 = arith.muli %mul3A_318, %scan3A_167 : i32
      %add3A_320 = arith.constant 1 : i32
      %add3A_321 = arith.addi %mul3A_319, %add3A_320 : i32
      %add3A_322 = arith.constant 40 : i32
      %add3A_323 = arith.addi %add3A_322, %add3A_321 : i32
      %add3A_324 = arith.constant 1 : i32
      %add3A_325 = arith.addi %add3A_323, %add3A_324 : i32
      %lt3A_326 = arith.constant 50 : i32
      %lt3A_327 = arith.cmpi slt, %add3A_325, %lt3A_326 : i32
      %convert_element_type3A_328 = arith.extui %lt3A_327 : i1 to i32
      %cond3A_329 = arith.constant 0 : i32
      %cond3A_330 = arith.cmpi ne, %convert_element_type3A_328, %cond3A_329 : i32
      scf.if %cond3A_330 {
        %add3A_473 = arith.constant 1 : i32
        %add3A_474 = arith.addi %add3A_323, %add3A_473 : i32
        %get3A_475 = arith.index_cast %add3A_474 : i32 to index
        %get3A_476 = arith.constant 0 : index
        %get3A_477 = tpu.vector_load %arg5[%get3A_475, %get3A_476] {strides = array<i32>} : memref<50x128xi32, #tpu.memory_space<vmem>>, vector<16xi32>,
        %shift_right_logical3A_478 = arith.constant 2 : i32
        %shift_right_logical3A_479 = vector.broadcast %shift_right_logical3A_478 : i32 to vector<16xi32>
        %shift_right_logical3A_480 = arith.shrui %get3A_477, %shift_right_logical3A_479 : vector<16xi32>
        %swap3A_481 = arith.constant 0 : index
        %swap3A_482 = tpu.vector_load %arg10[%swap3A_481] {strides = array<i32>} : memref<128xi32, #tpu.memory_space<vmem>>, vector<16xi32>,
        tpu.vector_store %arg10[%swap3A_481], %shift_right_logical3A_480 {strides = array<i32>} : memref<128xi32, #tpu.memory_space<vmem>>, vector<16xi32>,
        %get3A_483 = arith.index_cast %add3A_474 : i32 to index
        %get3A_484 = arith.constant 16 : index
        %get3A_485 = tpu.vector_load %arg5[%get3A_483, %get3A_484] {strides = array<i32>} : memref<50x128xi32, #tpu.memory_space<vmem>>, vector<16xi32>,
        %shift_right_logical3A_486 = arith.constant 2 : i32
        %shift_right_logical3A_487 = vector.broadcast %shift_right_logical3A_486 : i32 to vector<16xi32>
        %shift_right_logical3A_488 = arith.shrui %get3A_485, %shift_right_logical3A_487 : vector<16xi32>
        %swap3A_489 = arith.constant 16 : index
        %swap3A_490 = tpu.vector_load %arg10[%swap3A_489] {strides = array<i32>} : memref<128xi32, #tpu.memory_space<vmem>>, vector<16xi32>,
        tpu.vector_store %arg10[%swap3A_489], %shift_right_logical3A_488 {strides = array<i32>} : memref<128xi32, #tpu.memory_space<vmem>>, vector<16xi32>,
        %get3A_491 = arith.index_cast %add3A_474 : i32 to index
        %get3A_492 = arith.constant 32 : index
        %get3A_493 = tpu.vector_load %arg5[%get3A_491, %get3A_492] {strides = array<i32>} : memref<50x128xi32, #tpu.memory_space<vmem>>, vector<16xi32>,
        %shift_right_logical3A_494 = arith.constant 2 : i32
        %shift_right_logical3A_495 = vector.broadcast %shift_right_logical3A_494 : i32 to vector<16xi32>
        %shift_right_logical3A_496 = arith.shrui %get3A_493, %shift_right_logical3A_495 : vector<16xi32>
        %swap3A_497 = arith.constant 32 : index
        %swap3A_498 = tpu.vector_load %arg10[%swap3A_497] {strides = array<i32>} : memref<128xi32, #tpu.memory_space<vmem>>, vector<16xi32>,
        tpu.vector_store %arg10[%swap3A_497], %shift_right_logical3A_496 {strides = array<i32>} : memref<128xi32, #tpu.memory_space<vmem>>, vector<16xi32>,
        %get3A_499 = arith.index_cast %add3A_474 : i32 to index
        %get3A_500 = arith.constant 48 : index
        %get3A_501 = tpu.vector_load %arg5[%get3A_499, %get3A_500] {strides = array<i32>} : memref<50x128xi32, #tpu.memory_space<vmem>>, vector<16xi32>,
        %shift_right_logical3A_502 = arith.constant 2 : i32
        %shift_right_logical3A_503 = vector.broadcast %shift_right_logical3A_502 : i32 to vector<16xi32>
        %shift_right_logical3A_504 = arith.shrui %get3A_501, %shift_right_logical3A_503 : vector<16xi32>
        %swap3A_505 = arith.constant 48 : index
        %swap3A_506 = tpu.vector_load %arg10[%swap3A_505] {strides = array<i32>} : memref<128xi32, #tpu.memory_space<vmem>>, vector<16xi32>,
        tpu.vector_store %arg10[%swap3A_505], %shift_right_logical3A_504 {strides = array<i32>} : memref<128xi32, #tpu.memory_space<vmem>>, vector<16xi32>,
        %get3A_507 = arith.index_cast %add3A_474 : i32 to index
        %get3A_508 = arith.constant 64 : index
        %get3A_509 = tpu.vector_load %arg5[%get3A_507, %get3A_508] {strides = array<i32>} : memref<50x128xi32, #tpu.memory_space<vmem>>, vector<16xi32>,
        %shift_right_logical3A_510 = arith.constant 2 : i32
        %shift_right_logical3A_511 = vector.broadcast %shift_right_logical3A_510 : i32 to vector<16xi32>
        %shift_right_logical3A_512 = arith.shrui %get3A_509, %shift_right_logical3A_511 : vector<16xi32>
        %swap3A_513 = arith.constant 64 : index
        %swap3A_514 = tpu.vector_load %arg10[%swap3A_513] {strides = array<i32>} : memref<128xi32, #tpu.memory_space<vmem>>, vector<16xi32>,
        tpu.vector_store %arg10[%swap3A_513], %shift_right_logical3A_512 {strides = array<i32>} : memref<128xi32, #tpu.memory_space<vmem>>, vector<16xi32>,
        %get3A_515 = arith.index_cast %add3A_474 : i32 to index
        %get3A_516 = arith.constant 80 : index
        %get3A_517 = tpu.vector_load %arg5[%get3A_515, %get3A_516] {strides = array<i32>} : memref<50x128xi32, #tpu.memory_space<vmem>>, vector<16xi32>,
        %shift_right_logical3A_518 = arith.constant 2 : i32
        %shift_right_logical3A_519 = vector.broadcast %shift_right_logical3A_518 : i32 to vector<16xi32>
        %shift_right_logical3A_520 = arith.shrui %get3A_517, %shift_right_logical3A_519 : vector<16xi32>
        %swap3A_521 = arith.constant 80 : index
        %swap3A_522 = tpu.vector_load %arg10[%swap3A_521] {strides = array<i32>} : memref<128xi32, #tpu.memory_space<vmem>>, vector<16xi32>,
        tpu.vector_store %arg10[%swap3A_521], %shift_right_logical3A_520 {strides = array<i32>} : memref<128xi32, #tpu.memory_space<vmem>>, vector<16xi32>,
        %get3A_523 = arith.index_cast %add3A_474 : i32 to index
        %get3A_524 = arith.constant 96 : index
        %get3A_525 = tpu.vector_load %arg5[%get3A_523, %get3A_524] {strides = array<i32>} : memref<50x128xi32, #tpu.memory_space<vmem>>, vector<16xi32>,
        %shift_right_logical3A_526 = arith.constant 2 : i32
        %shift_right_logical3A_527 = vector.broadcast %shift_right_logical3A_526 : i32 to vector<16xi32>
        %shift_right_logical3A_528 = arith.shrui %get3A_525, %shift_right_logical3A_527 : vector<16xi32>
        %swap3A_529 = arith.constant 96 : index
        %swap3A_530 = tpu.vector_load %arg10[%swap3A_529] {strides = array<i32>} : memref<128xi32, #tpu.memory_space<vmem>>, vector<16xi32>,
        tpu.vector_store %arg10[%swap3A_529], %shift_right_logical3A_528 {strides = array<i32>} : memref<128xi32, #tpu.memory_space<vmem>>, vector<16xi32>,
        %get3A_531 = arith.index_cast %add3A_474 : i32 to index
        %get3A_532 = arith.constant 112 : index
        %get3A_533 = tpu.vector_load %arg5[%get3A_531, %get3A_532] {strides = array<i32>} : memref<50x128xi32, #tpu.memory_space<vmem>>, vector<16xi32>,
        %shift_right_logical3A_534 = arith.constant 2 : i32
        %shift_right_logical3A_535 = vector.broadcast %shift_right_logical3A_534 : i32 to vector<16xi32>
        %shift_right_logical3A_536 = arith.shrui %get3A_533, %shift_right_logical3A_535 : vector<16xi32>
        %swap3A_537 = arith.constant 112 : index
        %swap3A_538 = tpu.vector_load %arg10[%swap3A_537] {strides = array<i32>} : memref<128xi32, #tpu.memory_space<vmem>>, vector<16xi32>,
        tpu.vector_store %arg10[%swap3A_537], %shift_right_logical3A_536 {strides = array<i32>} : memref<128xi32, #tpu.memory_space<vmem>>, vector<16xi32>,
        %dma_start3A_539 = arith.constant 0 : i32
        %dma_start3A_540 = arith.constant 0 : i32
        %dma_start3A_541 = tpu.memref_slice %arg3[%dma_start3A_539, %dma_start3A_540] : memref<250000x128xf32, #tpu.memory_space<hbm>> -> memref<250000x128xf32, #tpu.memory_space<hbm>>
        tpu.enqueue_indirect_dma source(%dma_start3A_541 : memref<250000x128xf32, #tpu.memory_space<hbm>>) target(%arg8 : memref<128x128xf32, #tpu.memory_space<vmem>>) offsets(%arg10 : memref<128xi32, #tpu.memory_space<vmem>>) semaphore(%arg12 : memref<!tpu.dma_semaphore, #tpu.memory_space<semaphore_mem>>)
      } else {
      }
      %dma_wait3A_331 = arith.constant 0 : i32
      %dma_wait3A_332 = arith.constant 0 : i32
      %dma_wait3A_333 = tpu.memref_slice %arg3[%dma_wait3A_331, %dma_wait3A_332] : memref<250000x128xf32, #tpu.memory_space<hbm>> -> memref<128x128xf32, #tpu.memory_space<hbm>>
      %dma_wait3A_334 = arith.constant 0 : i32
      %dma_wait3A_335 = arith.constant 0 : i32
      %dma_wait3A_336 = tpu.memref_slice %arg3[%dma_wait3A_334, %dma_wait3A_335] : memref<250000x128xf32, #tpu.memory_space<hbm>> -> memref<128x128xf32, #tpu.memory_space<hbm>>
      tpu.wait_dma2 semaphore(%arg12 : memref<!tpu.dma_semaphore, #tpu.memory_space<semaphore_mem>>) src(%dma_wait3A_336 : memref<128x128xf32, #tpu.memory_space<hbm>>) dst(%arg9 : memref<128x128xf32, #tpu.memory_space<vmem>>)
      %get3A_337 = arith.index_cast %add3A_323 : i32 to index
      %get3A_338 = arith.constant 0 : index
      %get3A_339 = tpu.vector_load %arg5[%get3A_337, %get3A_338] {strides = array<i32>} : memref<50x128xi32, #tpu.memory_space<vmem>>, vector<16xi32>,
      %and3A_340 = arith.constant 3 : i32
      %and3A_341 = vector.broadcast %and3A_340 : i32 to vector<16xi32>
      %and3A_342 = arith.andi %get3A_339, %and3A_341 : vector<16xi32>
      %shift_left3A_343 = arith.constant 5 : i32
      %shift_left3A_344 = vector.broadcast %shift_left3A_343 : i32 to vector<16xi32>
      %shift_left3A_345 = arith.shli %and3A_342, %shift_left3A_344 : vector<16xi32>
      %add3A_346 = arith.constant 0 : i32
      %add3A_347 = vector.broadcast %add3A_346 : i32 to vector<16xi32>
      %add3A_348 = arith.addi %add3A_347, %iota3A : vector<16xi32>
      %scan3A_349 = arith.constant 0 : i32
      %scan3A_350 = arith.constant 32 : i32
      %scan3A_351 = arith.addi %scan3A_349, %scan3A_350 : i32
      %scan3A_352 = arith.constant 1 : i32
      scf.for %scan3A_473 = %scan3A_349 to %scan3A_351 step %scan3A_352  : i32 {
        %add3A_474 = vector.broadcast %scan3A_473 : i32 to vector<16xi32>
        %add3A_475 = arith.addi %shift_left3A_345, %add3A_474 : vector<16xi32>
        %gather3A = tpu.vector_load_idx %arg9[%add3A_348, %add3A_475] : memref<128x128xf32, #tpu.memory_space<vmem>>[vector<16xi32>, vector<16xi32>], vector<16xf32>,
        %swap3A_476 = arith.index_cast %add3A_321 : i32 to index
        %swap3A_477 = arith.index_cast %scan3A_473 : i32 to index
        %swap3A_478 = arith.constant 0 : index
        %swap3A_479 = tpu.vector_load %arg6[%swap3A_476, %swap3A_477, %swap3A_478] {strides = array<i32>} : memref<10x32x128xf32, #tpu.memory_space<vmem>>, vector<16xf32>,
        tpu.vector_store %arg6[%swap3A_476, %swap3A_477, %swap3A_478], %gather3A {strides = array<i32>} : memref<10x32x128xf32, #tpu.memory_space<vmem>>, vector<16xf32>,
      }
      %scan3A_353 = arith.constant 32 : i32
      %get3A_354 = arith.index_cast %add3A_323 : i32 to index
      %get3A_355 = arith.constant 16 : index
      %get3A_356 = tpu.vector_load %arg5[%get3A_354, %get3A_355] {strides = array<i32>} : memref<50x128xi32, #tpu.memory_space<vmem>>, vector<16xi32>,
      %and3A_357 = arith.constant 3 : i32
      %and3A_358 = vector.broadcast %and3A_357 : i32 to vector<16xi32>
      %and3A_359 = arith.andi %get3A_356, %and3A_358 : vector<16xi32>
      %shift_left3A_360 = arith.constant 5 : i32
      %shift_left3A_361 = vector.broadcast %shift_left3A_360 : i32 to vector<16xi32>
      %shift_left3A_362 = arith.shli %and3A_359, %shift_left3A_361 : vector<16xi32>
      %add3A_363 = arith.constant 16 : i32
      %add3A_364 = vector.broadcast %add3A_363 : i32 to vector<16xi32>
      %add3A_365 = arith.addi %add3A_364, %iota3A : vector<16xi32>
      %scan3A_366 = arith.constant 0 : i32
      %scan3A_367 = arith.constant 32 : i32
      %scan3A_368 = arith.addi %scan3A_366, %scan3A_367 : i32
      %scan3A_369 = arith.constant 1 : i32
      scf.for %scan3A_473 = %scan3A_366 to %scan3A_368 step %scan3A_369  : i32 {
        %add3A_474 = vector.broadcast %scan3A_473 : i32 to vector<16xi32>
        %add3A_475 = arith.addi %shift_left3A_362, %add3A_474 : vector<16xi32>
        %gather3A = tpu.vector_load_idx %arg9[%add3A_365, %add3A_475] : memref<128x128xf32, #tpu.memory_space<vmem>>[vector<16xi32>, vector<16xi32>], vector<16xf32>,
        %swap3A_476 = arith.index_cast %add3A_321 : i32 to index
        %swap3A_477 = arith.index_cast %scan3A_473 : i32 to index
        %swap3A_478 = arith.constant 16 : index
        %swap3A_479 = tpu.vector_load %arg6[%swap3A_476, %swap3A_477, %swap3A_478] {strides = array<i32>} : memref<10x32x128xf32, #tpu.memory_space<vmem>>, vector<16xf32>,
        tpu.vector_store %arg6[%swap3A_476, %swap3A_477, %swap3A_478], %gather3A {strides = array<i32>} : memref<10x32x128xf32, #tpu.memory_space<vmem>>, vector<16xf32>,
      }
      %scan3A_370 = arith.constant 32 : i32
      %get3A_371 = arith.index_cast %add3A_323 : i32 to index
      %get3A_372 = arith.constant 32 : index
      %get3A_373 = tpu.vector_load %arg5[%get3A_371, %get3A_372] {strides = array<i32>} : memref<50x128xi32, #tpu.memory_space<vmem>>, vector<16xi32>,
      %and3A_374 = arith.constant 3 : i32
      %and3A_375 = vector.broadcast %and3A_374 : i32 to vector<16xi32>
      %and3A_376 = arith.andi %get3A_373, %and3A_375 : vector<16xi32>
      %shift_left3A_377 = arith.constant 5 : i32
      %shift_left3A_378 = vector.broadcast %shift_left3A_377 : i32 to vector<16xi32>
      %shift_left3A_379 = arith.shli %and3A_376, %shift_left3A_378 : vector<16xi32>
      %add3A_380 = arith.constant 32 : i32
      %add3A_381 = vector.broadcast %add3A_380 : i32 to vector<16xi32>
      %add3A_382 = arith.addi %add3A_381, %iota3A : vector<16xi32>
      %scan3A_383 = arith.constant 0 : i32
      %scan3A_384 = arith.constant 32 : i32
      %scan3A_385 = arith.addi %scan3A_383, %scan3A_384 : i32
      %scan3A_386 = arith.constant 1 : i32
      scf.for %scan3A_473 = %scan3A_383 to %scan3A_385 step %scan3A_386  : i32 {
        %add3A_474 = vector.broadcast %scan3A_473 : i32 to vector<16xi32>
        %add3A_475 = arith.addi %shift_left3A_379, %add3A_474 : vector<16xi32>
        %gather3A = tpu.vector_load_idx %arg9[%add3A_382, %add3A_475] : memref<128x128xf32, #tpu.memory_space<vmem>>[vector<16xi32>, vector<16xi32>], vector<16xf32>,
        %swap3A_476 = arith.index_cast %add3A_321 : i32 to index
        %swap3A_477 = arith.index_cast %scan3A_473 : i32 to index
        %swap3A_478 = arith.constant 32 : index
        %swap3A_479 = tpu.vector_load %arg6[%swap3A_476, %swap3A_477, %swap3A_478] {strides = array<i32>} : memref<10x32x128xf32, #tpu.memory_space<vmem>>, vector<16xf32>,
        tpu.vector_store %arg6[%swap3A_476, %swap3A_477, %swap3A_478], %gather3A {strides = array<i32>} : memref<10x32x128xf32, #tpu.memory_space<vmem>>, vector<16xf32>,
      }
      %scan3A_387 = arith.constant 32 : i32
      %get3A_388 = arith.index_cast %add3A_323 : i32 to index
      %get3A_389 = arith.constant 48 : index
      %get3A_390 = tpu.vector_load %arg5[%get3A_388, %get3A_389] {strides = array<i32>} : memref<50x128xi32, #tpu.memory_space<vmem>>, vector<16xi32>,
      %and3A_391 = arith.constant 3 : i32
      %and3A_392 = vector.broadcast %and3A_391 : i32 to vector<16xi32>
      %and3A_393 = arith.andi %get3A_390, %and3A_392 : vector<16xi32>
      %shift_left3A_394 = arith.constant 5 : i32
      %shift_left3A_395 = vector.broadcast %shift_left3A_394 : i32 to vector<16xi32>
      %shift_left3A_396 = arith.shli %and3A_393, %shift_left3A_395 : vector<16xi32>
      %add3A_397 = arith.constant 48 : i32
      %add3A_398 = vector.broadcast %add3A_397 : i32 to vector<16xi32>
      %add3A_399 = arith.addi %add3A_398, %iota3A : vector<16xi32>
      %scan3A_400 = arith.constant 0 : i32
      %scan3A_401 = arith.constant 32 : i32
      %scan3A_402 = arith.addi %scan3A_400, %scan3A_401 : i32
      %scan3A_403 = arith.constant 1 : i32
      scf.for %scan3A_473 = %scan3A_400 to %scan3A_402 step %scan3A_403  : i32 {
        %add3A_474 = vector.broadcast %scan3A_473 : i32 to vector<16xi32>
        %add3A_475 = arith.addi %shift_left3A_396, %add3A_474 : vector<16xi32>
        %gather3A = tpu.vector_load_idx %arg9[%add3A_399, %add3A_475] : memref<128x128xf32, #tpu.memory_space<vmem>>[vector<16xi32>, vector<16xi32>], vector<16xf32>,
        %swap3A_476 = arith.index_cast %add3A_321 : i32 to index
        %swap3A_477 = arith.index_cast %scan3A_473 : i32 to index
        %swap3A_478 = arith.constant 48 : index
        %swap3A_479 = tpu.vector_load %arg6[%swap3A_476, %swap3A_477, %swap3A_478] {strides = array<i32>} : memref<10x32x128xf32, #tpu.memory_space<vmem>>, vector<16xf32>,
        tpu.vector_store %arg6[%swap3A_476, %swap3A_477, %swap3A_478], %gather3A {strides = array<i32>} : memref<10x32x128xf32, #tpu.memory_space<vmem>>, vector<16xf32>,
      }
      %scan3A_404 = arith.constant 32 : i32
      %get3A_405 = arith.index_cast %add3A_323 : i32 to index
      %get3A_406 = arith.constant 64 : index
      %get3A_407 = tpu.vector_load %arg5[%get3A_405, %get3A_406] {strides = array<i32>} : memref<50x128xi32, #tpu.memory_space<vmem>>, vector<16xi32>,
      %and3A_408 = arith.constant 3 : i32
      %and3A_409 = vector.broadcast %and3A_408 : i32 to vector<16xi32>
      %and3A_410 = arith.andi %get3A_407, %and3A_409 : vector<16xi32>
      %shift_left3A_411 = arith.constant 5 : i32
      %shift_left3A_412 = vector.broadcast %shift_left3A_411 : i32 to vector<16xi32>
      %shift_left3A_413 = arith.shli %and3A_410, %shift_left3A_412 : vector<16xi32>
      %add3A_414 = arith.constant 64 : i32
      %add3A_415 = vector.broadcast %add3A_414 : i32 to vector<16xi32>
      %add3A_416 = arith.addi %add3A_415, %iota3A : vector<16xi32>
      %scan3A_417 = arith.constant 0 : i32
      %scan3A_418 = arith.constant 32 : i32
      %scan3A_419 = arith.addi %scan3A_417, %scan3A_418 : i32
      %scan3A_420 = arith.constant 1 : i32
      scf.for %scan3A_473 = %scan3A_417 to %scan3A_419 step %scan3A_420  : i32 {
        %add3A_474 = vector.broadcast %scan3A_473 : i32 to vector<16xi32>
        %add3A_475 = arith.addi %shift_left3A_413, %add3A_474 : vector<16xi32>
        %gather3A = tpu.vector_load_idx %arg9[%add3A_416, %add3A_475] : memref<128x128xf32, #tpu.memory_space<vmem>>[vector<16xi32>, vector<16xi32>], vector<16xf32>,
        %swap3A_476 = arith.index_cast %add3A_321 : i32 to index
        %swap3A_477 = arith.index_cast %scan3A_473 : i32 to index
        %swap3A_478 = arith.constant 64 : index
        %swap3A_479 = tpu.vector_load %arg6[%swap3A_476, %swap3A_477, %swap3A_478] {strides = array<i32>} : memref<10x32x128xf32, #tpu.memory_space<vmem>>, vector<16xf32>,
        tpu.vector_store %arg6[%swap3A_476, %swap3A_477, %swap3A_478], %gather3A {strides = array<i32>} : memref<10x32x128xf32, #tpu.memory_space<vmem>>, vector<16xf32>,
      }
      %scan3A_421 = arith.constant 32 : i32
      %get3A_422 = arith.index_cast %add3A_323 : i32 to index
      %get3A_423 = arith.constant 80 : index
      %get3A_424 = tpu.vector_load %arg5[%get3A_422, %get3A_423] {strides = array<i32>} : memref<50x128xi32, #tpu.memory_space<vmem>>, vector<16xi32>,
      %and3A_425 = arith.constant 3 : i32
      %and3A_426 = vector.broadcast %and3A_425 : i32 to vector<16xi32>
      %and3A_427 = arith.andi %get3A_424, %and3A_426 : vector<16xi32>
      %shift_left3A_428 = arith.constant 5 : i32
      %shift_left3A_429 = vector.broadcast %shift_left3A_428 : i32 to vector<16xi32>
      %shift_left3A_430 = arith.shli %and3A_427, %shift_left3A_429 : vector<16xi32>
      %add3A_431 = arith.constant 80 : i32
      %add3A_432 = vector.broadcast %add3A_431 : i32 to vector<16xi32>
      %add3A_433 = arith.addi %add3A_432, %iota3A : vector<16xi32>
      %scan3A_434 = arith.constant 0 : i32
      %scan3A_435 = arith.constant 32 : i32
      %scan3A_436 = arith.addi %scan3A_434, %scan3A_435 : i32
      %scan3A_437 = arith.constant 1 : i32
      scf.for %scan3A_473 = %scan3A_434 to %scan3A_436 step %scan3A_437  : i32 {
        %add3A_474 = vector.broadcast %scan3A_473 : i32 to vector<16xi32>
        %add3A_475 = arith.addi %shift_left3A_430, %add3A_474 : vector<16xi32>
        %gather3A = tpu.vector_load_idx %arg9[%add3A_433, %add3A_475] : memref<128x128xf32, #tpu.memory_space<vmem>>[vector<16xi32>, vector<16xi32>], vector<16xf32>,
        %swap3A_476 = arith.index_cast %add3A_321 : i32 to index
        %swap3A_477 = arith.index_cast %scan3A_473 : i32 to index
        %swap3A_478 = arith.constant 80 : index
        %swap3A_479 = tpu.vector_load %arg6[%swap3A_476, %swap3A_477, %swap3A_478] {strides = array<i32>} : memref<10x32x128xf32, #tpu.memory_space<vmem>>, vector<16xf32>,
        tpu.vector_store %arg6[%swap3A_476, %swap3A_477, %swap3A_478], %gather3A {strides = array<i32>} : memref<10x32x128xf32, #tpu.memory_space<vmem>>, vector<16xf32>,
      }
      %scan3A_438 = arith.constant 32 : i32
      %get3A_439 = arith.index_cast %add3A_323 : i32 to index
      %get3A_440 = arith.constant 96 : index
      %get3A_441 = tpu.vector_load %arg5[%get3A_439, %get3A_440] {strides = array<i32>} : memref<50x128xi32, #tpu.memory_space<vmem>>, vector<16xi32>,
      %and3A_442 = arith.constant 3 : i32
      %and3A_443 = vector.broadcast %and3A_442 : i32 to vector<16xi32>
      %and3A_444 = arith.andi %get3A_441, %and3A_443 : vector<16xi32>
      %shift_left3A_445 = arith.constant 5 : i32
      %shift_left3A_446 = vector.broadcast %shift_left3A_445 : i32 to vector<16xi32>
      %shift_left3A_447 = arith.shli %and3A_444, %shift_left3A_446 : vector<16xi32>
      %add3A_448 = arith.constant 96 : i32
      %add3A_449 = vector.broadcast %add3A_448 : i32 to vector<16xi32>
      %add3A_450 = arith.addi %add3A_449, %iota3A : vector<16xi32>
      %scan3A_451 = arith.constant 0 : i32
      %scan3A_452 = arith.constant 32 : i32
      %scan3A_453 = arith.addi %scan3A_451, %scan3A_452 : i32
      %scan3A_454 = arith.constant 1 : i32
      scf.for %scan3A_473 = %scan3A_451 to %scan3A_453 step %scan3A_454  : i32 {
        %add3A_474 = vector.broadcast %scan3A_473 : i32 to vector<16xi32>
        %add3A_475 = arith.addi %shift_left3A_447, %add3A_474 : vector<16xi32>
        %gather3A = tpu.vector_load_idx %arg9[%add3A_450, %add3A_475] : memref<128x128xf32, #tpu.memory_space<vmem>>[vector<16xi32>, vector<16xi32>], vector<16xf32>,
        %swap3A_476 = arith.index_cast %add3A_321 : i32 to index
        %swap3A_477 = arith.index_cast %scan3A_473 : i32 to index
        %swap3A_478 = arith.constant 96 : index
        %swap3A_479 = tpu.vector_load %arg6[%swap3A_476, %swap3A_477, %swap3A_478] {strides = array<i32>} : memref<10x32x128xf32, #tpu.memory_space<vmem>>, vector<16xf32>,
        tpu.vector_store %arg6[%swap3A_476, %swap3A_477, %swap3A_478], %gather3A {strides = array<i32>} : memref<10x32x128xf32, #tpu.memory_space<vmem>>, vector<16xf32>,
      }
      %scan3A_455 = arith.constant 32 : i32
      %get3A_456 = arith.index_cast %add3A_323 : i32 to index
      %get3A_457 = arith.constant 112 : index
      %get3A_458 = tpu.vector_load %arg5[%get3A_456, %get3A_457] {strides = array<i32>} : memref<50x128xi32, #tpu.memory_space<vmem>>, vector<16xi32>,
      %and3A_459 = arith.constant 3 : i32
      %and3A_460 = vector.broadcast %and3A_459 : i32 to vector<16xi32>
      %and3A_461 = arith.andi %get3A_458, %and3A_460 : vector<16xi32>
      %shift_left3A_462 = arith.constant 5 : i32
      %shift_left3A_463 = vector.broadcast %shift_left3A_462 : i32 to vector<16xi32>
      %shift_left3A_464 = arith.shli %and3A_461, %shift_left3A_463 : vector<16xi32>
      %add3A_465 = arith.constant 112 : i32
      %add3A_466 = vector.broadcast %add3A_465 : i32 to vector<16xi32>
      %add3A_467 = arith.addi %add3A_466, %iota3A : vector<16xi32>
      %scan3A_468 = arith.constant 0 : i32
      %scan3A_469 = arith.constant 32 : i32
      %scan3A_470 = arith.addi %scan3A_468, %scan3A_469 : i32
      %scan3A_471 = arith.constant 1 : i32
      scf.for %scan3A_473 = %scan3A_468 to %scan3A_470 step %scan3A_471  : i32 {
        %add3A_474 = vector.broadcast %scan3A_473 : i32 to vector<16xi32>
        %add3A_475 = arith.addi %shift_left3A_464, %add3A_474 : vector<16xi32>
        %gather3A = tpu.vector_load_idx %arg9[%add3A_467, %add3A_475] : memref<128x128xf32, #tpu.memory_space<vmem>>[vector<16xi32>, vector<16xi32>], vector<16xf32>,
        %swap3A_476 = arith.index_cast %add3A_321 : i32 to index
        %swap3A_477 = arith.index_cast %scan3A_473 : i32 to index
        %swap3A_478 = arith.constant 112 : index
        %swap3A_479 = tpu.vector_load %arg6[%swap3A_476, %swap3A_477, %swap3A_478] {strides = array<i32>} : memref<10x32x128xf32, #tpu.memory_space<vmem>>, vector<16xf32>,
        tpu.vector_store %arg6[%swap3A_476, %swap3A_477, %swap3A_478], %gather3A {strides = array<i32>} : memref<10x32x128xf32, #tpu.memory_space<vmem>>, vector<16xf32>,
      }
      %scan3A_472 = arith.constant 32 : i32
    }
    %scan3A_144 = arith.constant 5 : i32
    %dma_start3A_145 = arith.constant 40 : i32
    %dma_start3A_146 = arith.constant 0 : i32
    %dma_start3A_147 = tpu.memref_slice %arg4[%dma_start3A_145, %dma_start3A_146, %mul3A_2] : memref<50x32x4096xf32, #tpu.memory_space<hbm>> -> memref<10x32x128xf32, #tpu.memory_space<hbm>>
    %dma_start3A_148 = arith.constant 40 : i32
    %dma_start3A_149 = arith.constant 0 : i32
    %dma_start3A_150 = tpu.memref_slice %arg4[%dma_start3A_148, %dma_start3A_149, %mul3A_2] : memref<50x32x4096xf32, #tpu.memory_space<hbm>> -> memref<10x32x128xf32, #tpu.memory_space<hbm>>
    tpu.enqueue_dma source(%arg6 : memref<10x32x128xf32, #tpu.memory_space<vmem>>) target(%dma_start3A_150 : memref<10x32x128xf32, #tpu.memory_space<hbm>>) target_semaphore(%arg13 : memref<!tpu.dma_semaphore, #tpu.memory_space<semaphore_mem>>)
    %dma_wait3A_151 = arith.constant 0 : i32
    %dma_wait3A_152 = arith.constant 0 : i32
    %dma_wait3A_153 = arith.constant 0 : i32
    %dma_wait3A_154 = tpu.memref_slice %arg4[%dma_wait3A_151, %dma_wait3A_152, %dma_wait3A_153] : memref<50x32x4096xf32, #tpu.memory_space<hbm>> -> memref<10x32x128xf32, #tpu.memory_space<hbm>>
    %dma_wait3A_155 = arith.constant 0 : i32
    %dma_wait3A_156 = arith.constant 0 : i32
    %dma_wait3A_157 = arith.constant 0 : i32
    %dma_wait3A_158 = tpu.memref_slice %arg4[%dma_wait3A_155, %dma_wait3A_156, %dma_wait3A_157] : memref<50x32x4096xf32, #tpu.memory_space<hbm>> -> memref<10x32x128xf32, #tpu.memory_space<hbm>>
    tpu.wait_dma2 semaphore(%arg13 : memref<!tpu.dma_semaphore, #tpu.memory_space<semaphore_mem>>) src(%arg6 : memref<10x32x128xf32, #tpu.memory_space<vmem>>) dst(%dma_wait3A_158 : memref<10x32x128xf32, #tpu.memory_space<hbm>>)
    %dma_wait3A_159 = arith.constant 0 : i32
    %dma_wait3A_160 = arith.constant 0 : i32
    %dma_wait3A_161 = arith.constant 0 : i32
    %dma_wait3A_162 = tpu.memref_slice %arg4[%dma_wait3A_159, %dma_wait3A_160, %dma_wait3A_161] : memref<50x32x4096xf32, #tpu.memory_space<hbm>> -> memref<10x32x128xf32, #tpu.memory_space<hbm>>
    %dma_wait3A_163 = arith.constant 0 : i32
    %dma_wait3A_164 = arith.constant 0 : i32
    %dma_wait3A_165 = arith.constant 0 : i32
    %dma_wait3A_166 = tpu.memref_slice %arg4[%dma_wait3A_163, %dma_wait3A_164, %dma_wait3A_165] : memref<50x32x4096xf32, #tpu.memory_space<hbm>> -> memref<10x32x128xf32, #tpu.memory_space<hbm>>
    tpu.wait_dma2 semaphore(%arg13 : memref<!tpu.dma_semaphore, #tpu.memory_space<semaphore_mem>>) src(%arg7 : memref<10x32x128xf32, #tpu.memory_space<vmem>>) dst(%dma_wait3A_166 : memref<10x32x128xf32, #tpu.memory_space<hbm>>)
    return
  }
}

</mosaic_0001>

<sc_bundles>
// kernel: _emb.3.cloned.1.call-start
scs
__scs_entry_jumppad:
0x0: {  	(pc) =	sbr.rel $0x88, $3  }
0x1: {  	(tag) =	ssettag $0x0;
	lr =	simm.s32 $0x1  }
0x2: {  	[smem:$0x3F9F] =	sst lr;
	_ =	strace $0xD0000000  }
0x3: {  	_ = 	snop  }
0x4: {  	_ = 	snop  }
0x5: {  	_ = 	snop  }
0x6: {  	_ = 	snop  }
0x7: {  	_ = 	snop  }
__scs_overlays_trampoline_lowered:
0x8: {  	[smem:$0x3FAE] =	sst s0  }
0x9: {  	[smem:$0x3FAF] =	sst s1  }
0xa: {  	[smem:$0x3FB0] =	sst s2  }
0xb: {  	[smem:$0x3FB1] =	sst s3  }
0xc: {  	[smem:$0x3FB2] =	sst s4  }
0xd: {  	[smem:$0x3FB3] =	sst s5  }
0xe: {  	[smem:$0x3FB4] =	sst s6  }
0xf: {  	[smem:$0x3FB5] =	sst s7  }
0x10: {  	[smem:$0x3FB6] =	sst s8  }
0x11: {  	[smem:$0x3FB7] =	sst s9;
	s0 =	simm.s32 @!p0 $0x0  }
0x12: {  	s1 =	sld [smem:$0x3F9D];
	s0 =	simm.s32 @p0 $0x1  }
0x13: {  	[smem:$0x3FB8] =	sst s0;
	s0 =	simm.s32 @!p1 $0x0  }
0x14: {  	s2 =	sld [smem:$0x3F9C];
	s0 =	simm.s32 @p1 $0x1  }
0x15: {  	[smem:$0x3FB9] =	sst s0;
	s0 =	simm.s32 @!p2 $0x0  }
0x16: {  	s3 =	sld [smem:$0x3FDB];
	s0 =	simm.s32 @p2 $0x1  }
0x17: {  	s4 =	simm.s32 $0x1BF5;
	[smem:$0x3FBB] =	sst s0  }
0x18: {  	s0 =	sld [smem:$0x3F9E];
	_ =	swait.ge [sflag:s4], $0x0  }
0x19: {  	s7 =	sld [smem:$0x3F9F]  }
0x1a: {  	s8 =	sadd.s32 $0xFFFFE003, lr  }
0x1b: {  	s9 =	sadd.s32 $0xFFFFFEF7, lr;
	s5 =	simm.s32 $0xFFFFFFFF;
	p2 =	slt.u32 s8, $0xFFFFF086  }
0x1c: {  	p1 =	slt.u32 s9, $0xF7A;
	s5 =	simm.s32 @!p2 $0x0  }
0x1d: {  	s5 =	simm.s32 @p1 $0x1;
	p0 =	seq.s32 s7, s2  }
0x1e: {  	s7 =	smul.u32 @!p0 $0xF7A, s2;
	p2 =	seq.s32 @!p0 s5, $0x0  }
0x1f: {  	s9 =	smul.u32 $0xF7A, s1;
	s8 =	simm.s32 @!p0 $0x1BF5;
	p2 =	por !p2, p0  }
0x20: {  	[sflag:s8] =	ssyncset.s32 @!p0 $0xFFFFF086;
	s6 =	sadd.s32 @!p0 s3, s7;
	s7 =	simm.s32 @!p0 $0x108  }
0x21: {  	s3 =	sadd.s32 s3, s9;
	s6 =	sadd.s32 @!p0 $0x88, s6;
	s7 =	simm.s32 @p2 $0x1082  }
0x22: {  	[simem:s7], [sflag:s8] =	dma.local @!p0 [hbm:s6], $0xF7A  }
0x23: {  	s9 =	sor.u32 $0xD0000000, s2;
	s6 =	simm.s32 $0x108;
	_ =	swait.ge @!p0 [sflag:s8], $0x0  }
0x24: {  	s3 =	sadd.s32 $0x88, s3;
	s6 =	simm.s32 @!p1 $0x1082;
	[sflag:s4] =	ssyncset.s32 $0xFFFFF086  }
0x25: {  	[simem:s6], [sflag:s4] =	dma.local [hbm:s3], $0xF7A  }
0x26: {  	[smem:$0x3F9F] =	sst s1;
	(tag) =	ssettag s2;
	_ =	strace s9  }
0x27: {  	s1 =	sld [smem:$0x3FAF]  }
0x28: {  	s2 =	sld [smem:$0x3FB0]  }
0x29: {  	s4 =	sld [smem:$0x3FB2]  }
0x2a: {  	p0 =	seq.s32 s5, $0x0;
	s5 =	sld [smem:$0x3FB3]  }
0x2b: {  	s6 =	sld [smem:$0x3FB4]  }
0x2c: {  	s7 =	sld [smem:$0x3FB5]  }
0x2d: {  	s3 =	simm.s32 $0x108;
	s8 =	sld [smem:$0x3FB6]  }
0x2e: {  	s3 =	simm.s32 @!p0 $0x1082;
	s9 =	sld [smem:$0x3FB7]  }
0x2f: {  	lr =	sadd.s32 s0, s3;
	s0 =	sld [smem:$0x3FAE]  }
0x30: {  	s3 =	sld [smem:$0x3FB1]  }
0x31: {  	[smem:$0x3FBA] =	sst s10  }
0x32: {  	s10 =	sld [smem:$0x3FB8];
	_ =	sdelay $0x3  }
0x33: {  	p0 =	seq.s32 s10, $0x1;
	s10 =	sld [smem:$0x3FBA];
	_ =	sdelay $0x3  }
0x34: {  	[smem:$0x3FBA] =	sst s10  }
0x35: {  	s10 =	sld [smem:$0x3FB9];
	_ =	sdelay $0x3  }
0x36: {  	p1 =	seq.s32 s10, $0x1;
	s10 =	sld [smem:$0x3FBA];
	_ =	sdelay $0x3  }
0x37: {  	[smem:$0x3FBA] =	sst s10  }
0x38: {  	s10 =	sld [smem:$0x3FBB]  }
0x39: {  	_ = 	snop;
	(pc) =	sbr.ind lr, $3  }
0x3a: {  	_ = 	snop  }
0x3b: {  	_ = 	snop  }
0x3c: {  	p2 =	seq.s32 s10, $0x1;
	s10 =	sld [smem:$0x3FBA]  }
0x3d: {  	_ =	shalt  }
0x3e: {  	_ =	shalt  }
0x3f: {  	_ =	shalt  }
0x40: {  	_ =	shalt  }
0x41: {  	_ =	shalt  }
0x42: {  	_ =	shalt  }
0x43: {  	_ =	shalt  }
0x44: {  	_ =	shalt  }
0x45: {  	_ =	shalt  }
0x46: {  	_ =	shalt  }
0x47: {  	_ =	shalt  }
0x48: {  	_ =	shalt  }
0x49: {  	_ =	shalt  }
0x4a: {  	_ =	shalt  }
0x4b: {  	_ =	shalt  }
0x4c: {  	_ =	shalt  }
0x4d: {  	_ =	shalt  }
0x4e: {  	_ =	shalt  }
0x4f: {  	_ =	shalt  }
0x50: {  	_ =	shalt  }
0x51: {  	_ =	shalt  }
0x52: {  	_ =	shalt  }
0x53: {  	_ =	shalt  }
0x54: {  	_ =	shalt  }
0x55: {  	_ =	shalt  }
0x56: {  	_ =	shalt  }
0x57: {  	_ =	shalt  }
0x58: {  	_ =	shalt  }
0x59: {  	_ =	shalt  }
0x5a: {  	_ =	shalt  }
0x5b: {  	_ =	shalt  }
0x5c: {  	_ =	shalt  }
0x5d: {  	_ =	shalt  }
0x5e: {  	_ =	shalt  }
0x5f: {  	_ =	shalt  }
0x60: {  	_ =	shalt  }
0x61: {  	_ =	shalt  }
0x62: {  	_ =	shalt  }
0x63: {  	_ =	shalt  }
0x64: {  	_ =	shalt  }
0x65: {  	_ =	shalt  }
0x66: {  	_ =	shalt  }
0x67: {  	_ =	shalt  }
0x68: {  	_ =	shalt  }
0x69: {  	_ =	shalt  }
0x6a: {  	_ =	shalt  }
0x6b: {  	_ =	shalt  }
0x6c: {  	_ =	shalt  }
0x6d: {  	_ =	shalt  }
0x6e: {  	_ =	shalt  }
0x6f: {  	_ =	shalt  }
0x70: {  	_ =	shalt  }
0x71: {  	_ =	shalt  }
0x72: {  	_ =	shalt  }
0x73: {  	_ =	shalt  }
0x74: {  	_ =	shalt  }
0x75: {  	_ =	shalt  }
0x76: {  	_ =	shalt  }
0x77: {  	_ =	shalt  }
0x78: {  	_ =	shalt  }
0x79: {  	_ =	shalt  }
0x7a: {  	_ =	shalt  }
0x7b: {  	_ =	shalt  }
0x7c: {  	_ =	shalt  }
0x7d: {  	_ =	shalt  }
0x7e: {  	_ =	shalt  }
0x7f: {  	_ =	shalt  }
0x80: {  	_ =	shalt  }
0x81: {  	_ =	shalt  }
0x82: {  	_ =	shalt  }
0x83: {  	_ =	shalt  }
0x84: {  	_ =	shalt  }
0x85: {  	_ =	shalt  }
0x86: {  	_ =	shalt  }
0x87: {  	_ =	shalt  }
.Lfunc_end0:
.L_simem_size_0:
called_computation_lowered:
.L_overlay_start_0:
0x88: {  	s2 =	sld [smem:$0x3FD9]  }
0x89: {  	s3 =	sld [smem:$0x3FFE];
	_ =	sdelay $0x1  }
0x8a: {  	s1 =	srdreg.scid  }
0x8b: {  	s0 =	sand.u32 $0x1, s1  }
0x8c: {  	s17 =	sshll.u32 s0, $0xA;
	s2 =	sadd.s32 s3, s2  }
0x8d: {  	s2 =	sadd.s32 s2, s17  }
0x8e: {  	[smem:$0x3FC6] =	sst s2  }
0x8f: {  	_ = 	snop  }
0x90: {  	s2 =	sld [smem:$0x3FC9]  }
0x91: {  	s18 =	sld [smem:$0x3FD0];
	(tm) =	ssettm $0x1  }
0x92: {  	s4 =	sld [smem:$0x3FFB];
	_ =	sdelay $0x3  }
0x93: {  	_ =	strace s4  }
0x94: {  	s4 =	sld [smem:$0x3FFC];
	_ =	sdelay $0x3  }
0x95: {  	_ =	strace s4  }
0x96: {  	s4 =	sld [smem:$0x3FFD];
	_ =	sdelay $0x3  }
0x97: {  	_ =	strace s4  }
0x98: {  	_ =	strace $0x8FFFFFFF  }
0x99: {  	s19 =	sld [smem:$0x3FDB];
	_ =	sdelay $0x1  }
0x9a: {  	s5 =	simm.s32 $_scs_section_size  }
0x9b: {  	s6 =	simm.s32 $_size__tile_overlayer_lowered;
	s7 =	simm.s32 $_tile_overlayer_lowered  }
0x9c: {  	s22 =	simm.s32 $0x1BFF;
	s21 =	sshll.u32 s7, $0x1;
	s4 =	sadd.s32 s5, s19  }
0x9d: {  	s8 =	simm.s32 $0x0;
	s20 =	sshll.u32 s6, $0x1;
	s6 =	sadd.s32 s21, s4  }
0x9e: {  	[timem:s8], [sflag:s22] =	dma.local [hbm:s6], s20  }
0x9f: {  	_ =	swait.ge [sflag:s22], s20  }
0xa0: {  	s5 =	ssub.s32 $0x0, s20;
	[sflag:s22] =	ssyncset.done $0x0  }
0xa1: {  	[sflag:s22] =	ssyncadd.s32 s5;
	_ =	sdelay $0x1  }
0xa2: {  	s23 =	simm.s32 $0x1B8B  }
0xa3: {  	_ =	swait.ge [sflag:s23], $0x1  }
0xa4: {  	[sflag:s23] =	ssyncset.done $0x0  }
0xa5: {  	s25 =	simm.s32 $0x1B8E;
	s24 =	sld [smem:$0x3FFE];
	[sflag:s23] =	ssyncadd.s32 $0xFFFFFFFF  }
0xa6: {  	s26 =	simm.s32 $execute0_lowered;
	[smem:$0x3FD2] =	sst s25  }
0xa7: {  	s6 =	sshll.u32 s26, $0x1;
	_ =	strace $0x80000046;
	[dreg:$0x1] =	wrdreg $0xFFFFFFFF  }
0xa8: {  	s28 =	simm.s32 $_size_execute0_lowered;
	s4 =	sadd.s32 s4, s6;
	[dreg:$0x0] =	wrdreg $0x0  }
0xa9: {  	s6 =	sshll.u32 s28, $0x1;
	[dreg:$0x2] =	wrdreg s4  }
0xaa: {  	[dreg:$0x3] =	wrdreg s6  }
0xab: {  	[dreg:$0x4] =	wrdreg $0xC0  }
0xac: {  	_ =	task [dreg:s8], $0x5FFFF  }
0xad: {  	[dreg:$0x1] =	wrdreg $0xFFFFFFFF  }
0xae: {  	[dreg:$0x0] =	wrdreg $0x60  }
0xaf: {  	[dreg:$0x2] =	wrdreg s2  }
0xb0: {  	[dreg:$0x3] =	wrdreg s24  }
0xb1: {  	[dreg:$0x4] =	wrdreg s18  }
0xb2: {  	[dreg:$0x5] =	wrdreg $0x9  }
0xb3: {  	_ =	task.clear_ibuf [dreg:s8], $0x6FFFF;
	_ =	strace $0x90000046  }
0xb4: {  	s29 =	simm.s32 $0x9;
	_ =	strace $0x80000048  }
0xb5: {  	_ =	swait.ge [sflag:s29], $0x1  }
0xb6: {  	[sflag:s29] =	ssyncadd.s32 $0xFFFFFFFF  }
0xb7: {  	_ =	strace $0x90000048  }
0xb8: {  	_ =	sfence  }
0xb9: {  	s30 =	sld [smem:$0x0];
	_ =	sdelay $0x2  }
0xba: {  	s31 =	sshll.u32 s1, $0xD;
	s1 =	sshrl.u32 s1, $0x2  }
0xbb: {  	s3 =	sand.u32 $0x4000, s31;
	s1 =	sadd.s32 s1, s30  }
0xbc: {  	s0 =	sor.u32 s3, s0;
	s1 =	sshll.u32 s1, $0x11  }
0xbd: {  	s0 =	sor.u32 s1, s0  }
0xbe: {  	s0 =	sadd.s32 $0x8F2B, s0  }
0xbf: {  	[sflag:s0] =	ssyncadd.remote.s32 $0x1  }
0xc0: {  	_ =	sfence.sel $0xFFFF  }
0xc1: {  	[dreg:$0x0] =	wrdreg $0xFFFFFFFF;
	(pc) =	sbr.abs _section_cstart, $3  }
0xc2: {  	[dreg:$0x1] =	wrdreg $0xFFFFFFFF  }
0xc3: {  	_ =	task.clear_ibuf [dreg:s8], $0x2FFFF;
	_ =	strace $0x9FFFFFFF  }
0xc4: {  	(tm) =	ssettm $0x7FFFFFFF  }
0xc5: {  	_ =	shalt  }
tec
execute0_lowered:
.L_overlay_start_1:
0x0: {  	(tag) =	ssettag $0x1  }
0x1: {  	s0 =	rddreg [dreg:$0x0]  }
0x2: {  	s1 =	rddreg [dreg:$0x1]  }
0x3: {  	s2 =	rddreg [dreg:$0x2]  }
0x4: {  	s4 =	simm.s32 $0x0;
	s3 =	srdreg.scid;
	s5 =	stileid.u32  }
0x5: {  	s16 =	simm.s32 $0x80;
	s17 =	simm.s32 $0x1DC00;
	s21 =	sand.u32 $0x1, s3  }
0x6: {  	s18 =	simm.s32 $0x15C00;
	s5 =	sshll.u32 s5, $0x8;
	s6 =	sshll.u32 s21, $0x7  }
0x7: {  	s19 =	simm.s32 $0x1DC80;
	s20 =	simm.s32 $0x19C00;
	s23 =	sor.u32 s6, s5  }
0x8: {  	[smem:$0x7FF] =	sst s4;
	s3 =	sadd.s32 $0xF42800, s1;
	s6 =	sadd.s32 s0, s23  }
0x9: {  	_ =	strace $0x80000047;
	s2 =	sadd.s32 s2, s23;
	[dreg:$0x4] =	wrdreg s6  }
0xa: {  	s4 =	simm.s32 $0x8000;
	s26 =	sadd.s32 $0x6000, s6;
	[dreg:$0x5] =	wrdreg s2  }
0xb: {  	v0 =	vlaneseq.u32;
	s22 =	ssub.s32 $0x2, s21;
	s28 =	sadd.s32 $0x28000, s2;
	[dreg:$0x6] =	wrdreg s26  }
0xc: {  	v0 =	vmul.u32 $0x80, v0;
	s21 =	simm.s32 $0x1;
	s29 =	sadd.s32 $0x50000, s2;
	[dreg:$0x7] =	wrdreg s28  }
0xd: {  	s24 =	sshrl.u32 s22, $0x1;
	s30 =	sadd.s32 $0x78000, s2;
	[dreg:$0x8] =	wrdreg s29  }
0xe: {  	v1 =	vor.u32 $0x800, v0;
	s25 =	ssub.s32 s22, s24;
	s31 =	sadd.s32 $0xA0000, s2;
	[dreg:$0x9] =	wrdreg s30  }
0xf: {  	v2 =	vor.u32 $0x1000, v0;
	v3 =	vor.u32 $0x1800, v0;
	v4 =	vor.u32 $0x2000, v0;
	s24 =	simm.s32 $0x2;
	s0 =	smax.u32 s25, $0x1;
	[dreg:$0xa] =	wrdreg s31  }
0x10: {  	v5 =	vor.u32 $0x2800, v0;
	v6 =	vor.u32 $0x3000, v0;
	v7 =	vor.u32 $0x3800, v0;
	s2 =	simm.s32 $0x400;
	s25 =	simm.s32 $0x0;
	[dreg:$0xb] =	wrdreg s0  }
.LBB2_1:
0x11: {  	s0 =	simm.s32 $0x0;
	s1 =	rddreg [dreg:$0x4]  }
0x12: {  	[tilespmem:s0], [sflag:$0x3] =	stream.strided.gather [hbm4b:s1+s2], $0x1800, s4, s2, $0x38;
	[tilespmem:$0x1DD00] =	vst v63  }
0x13: {  	s22 =	rddreg [dreg:$0x6];
	s23 =	simm.s32 $0x1800;
	s26 =	simm.s32 $0x3  }
0x14: {  	[tilespmem:s23], [sflag:$0x3] =	stream.linear.gather [hbm4b:s22+s0], $0x100, $0x38;
	[tilespmem:$0x1DD00] =	vst v63  }
0x15: {  	_ =	swait.ge [sflag:s26], $0x1900  }
0x16: {  	[sflag:s26] =	ssyncset.done $0x0  }
0x17: {  	[sflag:s26] =	ssyncadd.s32 $0xFFFFE700  }
0x18: {  	v8 =	vld [tilespmem:$0x0]  }
0x19: {  	v9 =	vld [tilespmem:$0x10]  }
0x1a: {  	v10 =	vld [tilespmem:$0x20]  }
0x1b: {  	v11 =	vld [tilespmem:$0x30]  }
0x1c: {  	v12 =	vld [tilespmem:$0x40]  }
0x1d: {  	v13 =	vld [tilespmem:$0x50];
	v8 =	vshrl.u32 v8, $0x2  }
0x1e: {  	v62 =	vld [tilespmem:$0x60];
	[tilespmem:$0x1DC00] =	vst v8;
	v8 =	vshrl.u32 v9, $0x2  }
0x1f: {  	v63 =	vld [tilespmem:$0x70];
	[tilespmem:$0x1DC10] =	vst v8;
	v8 =	vshrl.u32 v10, $0x2  }
0x20: {  	s13 =	simm.s32 $0x8000;
	s28 =	simm.s32 $0x1C20;
	s29 =	simm.s32 $0x1C30;
	[tilespmem:$0x1DC20] =	vst v8;
	v8 =	vshrl.u32 v11, $0x2  }
0x21: {  	s30 =	simm.s32 $0x1C40;
	s31 =	simm.s32 $0x1C50;
	s14 =	simm.s32 $0x2C00;
	[tilespmem:$0x1DC30] =	vst v8;
	v8 =	vshrl.u32 v12, $0x2  }
0x22: {  	s6 =	simm.s32 $0x2C30;
	s7 =	simm.s32 $0x2C40;
	s8 =	simm.s32 $0x2C50;
	[tilespmem:$0x1DC40] =	vst v8;
	v8 =	vshrl.u32 v13, $0x2  }
0x23: {  	s9 =	simm.s32 $0x2C60;
	s10 =	simm.s32 $0x2C70;
	s1 =	simm.s32 $0x1C70;
	[tilespmem:$0x1DC50] =	vst v8;
	v8 =	vshrl.u32 v62, $0x2  }
0x24: {  	s2 =	simm.s32 $0x2C20;
	s4 =	simm.s32 $0x0;
	s0 =	simm.s32 $0x1C60;
	[tilespmem:$0x1DC60] =	vst v8;
	v8 =	vshrl.u32 v63, $0x2  }
0x25: {  	s23 =	simm.s32 $0x2C10;
	s22 =	simm.s32 $0x1C00;
	s26 =	simm.s32 $0x1C10;
	[tilespmem:$0x1DC70] =	vst v8  }
0x26: {  	[tilespmem:s18], [sflag:$0x1] =	stream.indirect.gather [hbm4b:s3+s16], $0x80, s17, s16, $0xb8;
	[tilespmem:$0x1DD00] =	vst v63  }
.LBB2_2:
0x27: {  	s5 =	sshll.u32 s4, $0x8  }
0x28: {  	s5 =	sor.u32 $0x80, s5  }
0x29: {  	s5 =	sand.u32 $0x3FFFFF80, s5  }
0x2a: {  	v8 =	vld [tilespmem:s5+$0x0];
	_ =	sdelay $0x4  }
0x2b: {  	v8 =	vshrl.u32 v8, $0x2  }
0x2c: {  	[tilespmem:$0x1DC80] =	vst v8  }
0x2d: {  	v8 =	vld [tilespmem:s5+$0x10];
	_ =	sdelay $0x4  }
0x2e: {  	v8 =	vshrl.u32 v8, $0x2  }
0x2f: {  	[tilespmem:$0x1DC90] =	vst v8  }
0x30: {  	v8 =	vld [tilespmem:s5+$0x20];
	_ =	sdelay $0x4  }
0x31: {  	v8 =	vshrl.u32 v8, $0x2  }
0x32: {  	[tilespmem:$0x1DCA0] =	vst v8  }
0x33: {  	v8 =	vld [tilespmem:s5+$0x30];
	_ =	sdelay $0x4  }
0x34: {  	v8 =	vshrl.u32 v8, $0x2  }
0x35: {  	[tilespmem:$0x1DCB0] =	vst v8  }
0x36: {  	v8 =	vld [tilespmem:s5+$0x40];
	_ =	sdelay $0x4  }
0x37: {  	v8 =	vshrl.u32 v8, $0x2  }
0x38: {  	[tilespmem:$0x1DCC0] =	vst v8  }
0x39: {  	v8 =	vld [tilespmem:s5+$0x50];
	_ =	sdelay $0x4  }
0x3a: {  	v8 =	vshrl.u32 v8, $0x2  }
0x3b: {  	[tilespmem:$0x1DCD0] =	vst v8  }
0x3c: {  	v8 =	vld [tilespmem:s5+$0x60];
	_ =	sdelay $0x4  }
0x3d: {  	v8 =	vshrl.u32 v8, $0x2  }
0x3e: {  	[tilespmem:$0x1DCE0] =	vst v8  }
0x3f: {  	v8 =	vld [tilespmem:s5+$0x70];
	_ =	sdelay $0x4  }
0x40: {  	v8 =	vshrl.u32 v8, $0x2  }
0x41: {  	[tilespmem:$0x1DCF0] =	vst v8  }
0x42: {  	[tilespmem:s20], [sflag:$0x1] =	stream.indirect.gather [hbm4b:s3+s16], $0x80, s19, s16, $0xb8;
	[tilespmem:$0x1DD00] =	vst v63  }
0x43: {  	_ =	swait.ge [sflag:s21], $0x4000  }
0x44: {  	s11 =	sshll.u32 s4, $0xA;
	[sflag:s21] =	ssyncset.done $0x0  }
0x45: {  	s15 =	sshra.s32 s11, $0x2;
	[sflag:s21] =	ssyncadd.s32 $0xFFFFC000  }
0x46: {  	v8 =	vld [tilespmem:s15+$0x0];
	_ =	sdelay $0x4  }
0x47: {  	v8 =	vshll.u32 v8, $0x5  }
0x48: {  	v8 =	vand.u32 $0x60, v8  }
0x49: {  	s12 =	simm.s32 $0x0;
	v8 =	vor.u32 v0, v8  }
0x4a: {  	v9 =	vor.u32 s12, v8;
	_ =	sdelay $0x4  }
0x4b: {  	s12 =	simm.s32 $0x1;
	v9 =	vld.idx.msk [tilespmem:v9+s18+$0x0], $0xffff  }
0x4c: {  	v10 =	vor.u32 s12, v8;
	_ =	sdelay $0x3  }
0x4d: {  	[tilespmem:s22+$0x0] =	vst v9  }
0x4e: {  	s12 =	simm.s32 $0x2;
	v9 =	vld.idx.msk [tilespmem:v10+s18+$0x0], $0xffff  }
0x4f: {  	s11 =	smov.u32 s22;
	v10 =	vor.u32 s12, v8;
	s12 =	simm.s32 $0x3  }
.LBB2_3:
0x50: {  	p0 =	sne.s32 s12, $0x1F;
	_ =	sdelay $0x1  }
.Ltmp0:
0x51: {  	s11 =	sadd.s32 $0x80, s11;
	(pc) =	sbr.rel @p0 .LBB2_3-.Ltmp0, $3  }
0x52: {  	[tilespmem:s11+$0x0] =	vst v9  }
0x53: {  	v9 =	vld.idx.msk [tilespmem:v10+s18+$0x0], $0xffff;
	_ =	sdelay $0x1  }
0x54: {  	v10 =	vor.u32 s12, v8;
	s12 =	sadd.s32 $0x1, s12  }
0x55: {  	_ =	sdelay $0x1  }
0x56: {  	s11 =	sadd.s32 $0x80, s11  }
0x57: {  	[tilespmem:s11+$0x0] =	vst v9  }
0x58: {  	v8 =	vld.idx.msk [tilespmem:v10+s18+$0x0], $0xffff;
	_ =	sdelay $0x3  }
0x59: {  	s11 =	sadd.s32 $0x80, s11  }
0x5a: {  	[tilespmem:s11+$0x0] =	vst v8  }
0x5b: {  	v8 =	vld [tilespmem:s15+$0x10];
	_ =	sdelay $0x4  }
0x5c: {  	v8 =	vshll.u32 v8, $0x5  }
0x5d: {  	v8 =	vand.u32 $0x60, v8  }
0x5e: {  	s12 =	simm.s32 $0x0;
	v8 =	vor.u32 v1, v8  }
0x5f: {  	v9 =	vor.u32 s12, v8;
	_ =	sdelay $0x4  }
0x60: {  	s12 =	simm.s32 $0x1;
	v9 =	vld.idx.msk [tilespmem:v9+s18+$0x0], $0xffff  }
0x61: {  	v10 =	vor.u32 s12, v8;
	_ =	sdelay $0x3  }
0x62: {  	[tilespmem:s26+$0x0] =	vst v9  }
0x63: {  	s12 =	simm.s32 $0x2;
	v9 =	vld.idx.msk [tilespmem:v10+s18+$0x0], $0xffff  }
0x64: {  	s11 =	smov.u32 s26;
	v10 =	vor.u32 s12, v8;
	s12 =	simm.s32 $0x3  }
.LBB2_5:
0x65: {  	p0 =	sne.s32 s12, $0x1F;
	_ =	sdelay $0x1  }
.Ltmp1:
0x66: {  	s11 =	sadd.s32 $0x80, s11;
	(pc) =	sbr.rel @p0 .LBB2_5-.Ltmp1, $3  }
0x67: {  	[tilespmem:s11+$0x0] =	vst v9  }
0x68: {  	v9 =	vld.idx.msk [tilespmem:v10+s18+$0x0], $0xffff;
	_ =	sdelay $0x1  }
0x69: {  	v10 =	vor.u32 s12, v8;
	s12 =	sadd.s32 $0x1, s12  }
0x6a: {  	_ =	sdelay $0x1  }
0x6b: {  	s11 =	sadd.s32 $0x80, s11  }
0x6c: {  	[tilespmem:s11+$0x0] =	vst v9  }
0x6d: {  	v8 =	vld.idx.msk [tilespmem:v10+s18+$0x0], $0xffff;
	_ =	sdelay $0x3  }
0x6e: {  	s11 =	sadd.s32 $0x80, s11  }
0x6f: {  	[tilespmem:s11+$0x0] =	vst v8  }
0x70: {  	v8 =	vld [tilespmem:s15+$0x20];
	_ =	sdelay $0x4  }
0x71: {  	v8 =	vshll.u32 v8, $0x5  }
0x72: {  	v8 =	vand.u32 $0x60, v8  }
0x73: {  	s12 =	simm.s32 $0x0;
	v8 =	vor.u32 v2, v8  }
0x74: {  	v9 =	vor.u32 s12, v8;
	_ =	sdelay $0x4  }
0x75: {  	s12 =	simm.s32 $0x1;
	v9 =	vld.idx.msk [tilespmem:v9+s18+$0x0], $0xffff  }
0x76: {  	v10 =	vor.u32 s12, v8;
	_ =	sdelay $0x3  }
0x77: {  	[tilespmem:s28+$0x0] =	vst v9  }
0x78: {  	s12 =	simm.s32 $0x2;
	v9 =	vld.idx.msk [tilespmem:v10+s18+$0x0], $0xffff  }
0x79: {  	s11 =	smov.u32 s28;
	v10 =	vor.u32 s12, v8;
	s12 =	simm.s32 $0x3  }
.LBB2_7:
0x7a: {  	p0 =	sne.s32 s12, $0x1F;
	_ =	sdelay $0x1  }
.Ltmp2:
0x7b: {  	s11 =	sadd.s32 $0x80, s11;
	(pc) =	sbr.rel @p0 .LBB2_7-.Ltmp2, $3  }
0x7c: {  	[tilespmem:s11+$0x0] =	vst v9  }
0x7d: {  	v9 =	vld.idx.msk [tilespmem:v10+s18+$0x0], $0xffff;
	_ =	sdelay $0x1  }
0x7e: {  	v10 =	vor.u32 s12, v8;
	s12 =	sadd.s32 $0x1, s12  }
0x7f: {  	_ =	sdelay $0x1  }
0x80: {  	s11 =	sadd.s32 $0x80, s11  }
0x81: {  	[tilespmem:s11+$0x0] =	vst v9  }
0x82: {  	v8 =	vld.idx.msk [tilespmem:v10+s18+$0x0], $0xffff;
	_ =	sdelay $0x3  }
0x83: {  	s11 =	sadd.s32 $0x80, s11  }
0x84: {  	[tilespmem:s11+$0x0] =	vst v8  }
0x85: {  	v8 =	vld [tilespmem:s15+$0x30];
	_ =	sdelay $0x4  }
0x86: {  	v8 =	vshll.u32 v8, $0x5  }
0x87: {  	v8 =	vand.u32 $0x60, v8  }
0x88: {  	s12 =	simm.s32 $0x0;
	v8 =	vor.u32 v3, v8  }
0x89: {  	v9 =	vor.u32 s12, v8;
	_ =	sdelay $0x4  }
0x8a: {  	s12 =	simm.s32 $0x1;
	v9 =	vld.idx.msk [tilespmem:v9+s18+$0x0], $0xffff  }
0x8b: {  	v10 =	vor.u32 s12, v8;
	_ =	sdelay $0x3  }
0x8c: {  	[tilespmem:s29+$0x0] =	vst v9  }
0x8d: {  	s12 =	simm.s32 $0x2;
	v9 =	vld.idx.msk [tilespmem:v10+s18+$0x0], $0xffff  }
0x8e: {  	s11 =	smov.u32 s29;
	v10 =	vor.u32 s12, v8;
	s12 =	simm.s32 $0x3  }
.LBB2_9:
0x8f: {  	p0 =	sne.s32 s12, $0x1F;
	_ =	sdelay $0x1  }
.Ltmp3:
0x90: {  	s11 =	sadd.s32 $0x80, s11;
	(pc) =	sbr.rel @p0 .LBB2_9-.Ltmp3, $3  }
0x91: {  	[tilespmem:s11+$0x0] =	vst v9  }
0x92: {  	v9 =	vld.idx.msk [tilespmem:v10+s18+$0x0], $0xffff;
	_ =	sdelay $0x1  }
0x93: {  	v10 =	vor.u32 s12, v8;
	s12 =	sadd.s32 $0x1, s12  }
0x94: {  	_ =	sdelay $0x1  }
0x95: {  	s11 =	sadd.s32 $0x80, s11  }
0x96: {  	[tilespmem:s11+$0x0] =	vst v9  }
0x97: {  	v8 =	vld.idx.msk [tilespmem:v10+s18+$0x0], $0xffff;
	_ =	sdelay $0x3  }
0x98: {  	s11 =	sadd.s32 $0x80, s11  }
0x99: {  	[tilespmem:s11+$0x0] =	vst v8  }
0x9a: {  	v8 =	vld [tilespmem:s15+$0x40];
	_ =	sdelay $0x4  }
0x9b: {  	v8 =	vshll.u32 v8, $0x5  }
0x9c: {  	v8 =	vand.u32 $0x60, v8  }
0x9d: {  	s12 =	simm.s32 $0x0;
	v8 =	vor.u32 v4, v8  }
0x9e: {  	v9 =	vor.u32 s12, v8;
	_ =	sdelay $0x4  }
0x9f: {  	s12 =	simm.s32 $0x1;
	v9 =	vld.idx.msk [tilespmem:v9+s18+$0x0], $0xffff  }
0xa0: {  	v10 =	vor.u32 s12, v8;
	_ =	sdelay $0x3  }
0xa1: {  	[tilespmem:s30+$0x0] =	vst v9  }
0xa2: {  	s12 =	simm.s32 $0x2;
	v9 =	vld.idx.msk [tilespmem:v10+s18+$0x0], $0xffff  }
0xa3: {  	s11 =	smov.u32 s30;
	v10 =	vor.u32 s12, v8;
	s12 =	simm.s32 $0x3  }
.LBB2_11:
0xa4: {  	p0 =	sne.s32 s12, $0x1F;
	_ =	sdelay $0x1  }
.Ltmp4:
0xa5: {  	s11 =	sadd.s32 $0x80, s11;
	(pc) =	sbr.rel @p0 .LBB2_11-.Ltmp4, $3  }
0xa6: {  	[tilespmem:s11+$0x0] =	vst v9  }
0xa7: {  	v9 =	vld.idx.msk [tilespmem:v10+s18+$0x0], $0xffff;
	_ =	sdelay $0x1  }
0xa8: {  	v10 =	vor.u32 s12, v8;
	s12 =	sadd.s32 $0x1, s12  }
0xa9: {  	_ =	sdelay $0x1  }
0xaa: {  	s11 =	sadd.s32 $0x80, s11  }
0xab: {  	[tilespmem:s11+$0x0] =	vst v9  }
0xac: {  	v8 =	vld.idx.msk [tilespmem:v10+s18+$0x0], $0xffff;
	_ =	sdelay $0x3  }
0xad: {  	s11 =	sadd.s32 $0x80, s11  }
0xae: {  	[tilespmem:s11+$0x0] =	vst v8  }
0xaf: {  	v8 =	vld [tilespmem:s15+$0x50];
	_ =	sdelay $0x4  }
0xb0: {  	v8 =	vshll.u32 v8, $0x5  }
0xb1: {  	v8 =	vand.u32 $0x60, v8  }
0xb2: {  	s12 =	simm.s32 $0x0;
	v8 =	vor.u32 v5, v8  }
0xb3: {  	v9 =	vor.u32 s12, v8;
	_ =	sdelay $0x4  }
0xb4: {  	s12 =	simm.s32 $0x1;
	v9 =	vld.idx.msk [tilespmem:v9+s18+$0x0], $0xffff  }
0xb5: {  	v10 =	vor.u32 s12, v8;
	_ =	sdelay $0x3  }
0xb6: {  	[tilespmem:s31+$0x0] =	vst v9  }
0xb7: {  	s12 =	simm.s32 $0x2;
	v9 =	vld.idx.msk [tilespmem:v10+s18+$0x0], $0xffff  }
0xb8: {  	s11 =	smov.u32 s31;
	v10 =	vor.u32 s12, v8;
	s12 =	simm.s32 $0x3  }
.LBB2_13:
0xb9: {  	p0 =	sne.s32 s12, $0x1F;
	_ =	sdelay $0x1  }
.Ltmp5:
0xba: {  	s11 =	sadd.s32 $0x80, s11;
	(pc) =	sbr.rel @p0 .LBB2_13-.Ltmp5, $3  }
0xbb: {  	[tilespmem:s11+$0x0] =	vst v9  }
0xbc: {  	v9 =	vld.idx.msk [tilespmem:v10+s18+$0x0], $0xffff;
	_ =	sdelay $0x1  }
0xbd: {  	v10 =	vor.u32 s12, v8;
	s12 =	sadd.s32 $0x1, s12  }
0xbe: {  	_ =	sdelay $0x1  }
0xbf: {  	s11 =	sadd.s32 $0x80, s11  }
0xc0: {  	[tilespmem:s11+$0x0] =	vst v9  }
0xc1: {  	v8 =	vld.idx.msk [tilespmem:v10+s18+$0x0], $0xffff;
	_ =	sdelay $0x3  }
0xc2: {  	s11 =	sadd.s32 $0x80, s11  }
0xc3: {  	[tilespmem:s11+$0x0] =	vst v8  }
0xc4: {  	v8 =	vld [tilespmem:s15+$0x60];
	_ =	sdelay $0x4  }
0xc5: {  	v8 =	vshll.u32 v8, $0x5  }
0xc6: {  	v8 =	vand.u32 $0x60, v8  }
0xc7: {  	s12 =	simm.s32 $0x0;
	v8 =	vor.u32 v6, v8  }
0xc8: {  	v9 =	vor.u32 s12, v8;
	_ =	sdelay $0x4  }
0xc9: {  	s12 =	simm.s32 $0x1;
	v9 =	vld.idx.msk [tilespmem:v9+s18+$0x0], $0xffff  }
0xca: {  	v10 =	vor.u32 s12, v8;
	_ =	sdelay $0x3  }
0xcb: {  	[tilespmem:s0+$0x0] =	vst v9  }
0xcc: {  	s12 =	simm.s32 $0x2;
	v9 =	vld.idx.msk [tilespmem:v10+s18+$0x0], $0xffff  }
0xcd: {  	s11 =	smov.u32 s0;
	v10 =	vor.u32 s12, v8;
	s12 =	simm.s32 $0x3  }
.LBB2_15:
0xce: {  	p0 =	sne.s32 s12, $0x1F;
	_ =	sdelay $0x1  }
.Ltmp6:
0xcf: {  	s11 =	sadd.s32 $0x80, s11;
	(pc) =	sbr.rel @p0 .LBB2_15-.Ltmp6, $3  }
0xd0: {  	[tilespmem:s11+$0x0] =	vst v9  }
0xd1: {  	v9 =	vld.idx.msk [tilespmem:v10+s18+$0x0], $0xffff;
	_ =	sdelay $0x1  }
0xd2: {  	v10 =	vor.u32 s12, v8;
	s12 =	sadd.s32 $0x1, s12  }
0xd3: {  	_ =	sdelay $0x1  }
0xd4: {  	s11 =	sadd.s32 $0x80, s11  }
0xd5: {  	[tilespmem:s11+$0x0] =	vst v9  }
0xd6: {  	v8 =	vld.idx.msk [tilespmem:v10+s18+$0x0], $0xffff;
	_ =	sdelay $0x3  }
0xd7: {  	s11 =	sadd.s32 $0x80, s11  }
0xd8: {  	[tilespmem:s11+$0x0] =	vst v8  }
0xd9: {  	v8 =	vld [tilespmem:s15+$0x70];
	_ =	sdelay $0x4  }
0xda: {  	v8 =	vshll.u32 v8, $0x5  }
0xdb: {  	v8 =	vand.u32 $0x60, v8  }
0xdc: {  	s12 =	simm.s32 $0x0;
	v8 =	vor.u32 v7, v8  }
0xdd: {  	v9 =	vor.u32 s12, v8;
	_ =	sdelay $0x4  }
0xde: {  	s12 =	simm.s32 $0x1;
	v9 =	vld.idx.msk [tilespmem:v9+s18+$0x0], $0xffff  }
0xdf: {  	v10 =	vor.u32 s12, v8;
	_ =	sdelay $0x3  }
0xe0: {  	[tilespmem:s1+$0x0] =	vst v9  }
0xe1: {  	s12 =	simm.s32 $0x2;
	v9 =	vld.idx.msk [tilespmem:v10+s18+$0x0], $0xffff  }
0xe2: {  	s11 =	smov.u32 s1;
	v10 =	vor.u32 s12, v8;
	s12 =	simm.s32 $0x3  }
.LBB2_17:
0xe3: {  	p0 =	sne.s32 s12, $0x1F;
	_ =	sdelay $0x1  }
.Ltmp7:
0xe4: {  	s11 =	sadd.s32 $0x80, s11;
	(pc) =	sbr.rel @p0 .LBB2_17-.Ltmp7, $3  }
0xe5: {  	[tilespmem:s11+$0x0] =	vst v9  }
0xe6: {  	v9 =	vld.idx.msk [tilespmem:v10+s18+$0x0], $0xffff;
	_ =	sdelay $0x1  }
0xe7: {  	v10 =	vor.u32 s12, v8;
	s12 =	sadd.s32 $0x1, s12  }
0xe8: {  	_ =	sdelay $0x1  }
0xe9: {  	s11 =	sadd.s32 $0x80, s11  }
0xea: {  	[tilespmem:s11+$0x0] =	vst v9  }
0xeb: {  	v8 =	vld.idx.msk [tilespmem:v10+s18+$0x0], $0xffff;
	_ =	sdelay $0x3  }
0xec: {  	s11 =	sadd.s32 $0x80, s11  }
0xed: {  	[tilespmem:s11+$0x0] =	vst v8  }
0xee: {  	v8 =	vld [tilespmem:s15+$0x100];
	_ =	sdelay $0x4  }
0xef: {  	v8 =	vshrl.u32 v8, $0x2  }
0xf0: {  	[tilespmem:$0x1DC00] =	vst v8  }
0xf1: {  	v8 =	vld [tilespmem:s15+$0x110];
	_ =	sdelay $0x4  }
0xf2: {  	v8 =	vshrl.u32 v8, $0x2  }
0xf3: {  	[tilespmem:$0x1DC10] =	vst v8  }
0xf4: {  	v8 =	vld [tilespmem:s15+$0x120];
	_ =	sdelay $0x4  }
0xf5: {  	v8 =	vshrl.u32 v8, $0x2  }
0xf6: {  	[tilespmem:$0x1DC20] =	vst v8  }
0xf7: {  	v8 =	vld [tilespmem:s15+$0x130];
	_ =	sdelay $0x4  }
0xf8: {  	v8 =	vshrl.u32 v8, $0x2  }
0xf9: {  	[tilespmem:$0x1DC30] =	vst v8  }
0xfa: {  	v8 =	vld [tilespmem:s15+$0x140];
	_ =	sdelay $0x4  }
0xfb: {  	v8 =	vshrl.u32 v8, $0x2  }
0xfc: {  	[tilespmem:$0x1DC40] =	vst v8  }
0xfd: {  	v8 =	vld [tilespmem:s15+$0x150];
	_ =	sdelay $0x4  }
0xfe: {  	v8 =	vshrl.u32 v8, $0x2  }
0xff: {  	[tilespmem:$0x1DC50] =	vst v8  }
0x100: {  	v8 =	vld [tilespmem:s15+$0x160];
	_ =	sdelay $0x4  }
0x101: {  	v8 =	vshrl.u32 v8, $0x2  }
0x102: {  	[tilespmem:$0x1DC60] =	vst v8  }
0x103: {  	v8 =	vld [tilespmem:s15+$0x170];
	_ =	sdelay $0x4  }
0x104: {  	v8 =	vshrl.u32 v8, $0x2  }
0x105: {  	[tilespmem:$0x1DC70] =	vst v8  }
0x106: {  	[tilespmem:s18], [sflag:$0x1] =	stream.indirect.gather [hbm4b:s3+s16], $0x80, s17, s16, $0xb8;
	[tilespmem:$0x1DD00] =	vst v63  }
0x107: {  	_ =	swait.ge [sflag:s21], $0x4000  }
0x108: {  	[sflag:s21] =	ssyncset.done $0x0  }
0x109: {  	[sflag:s21] =	ssyncadd.s32 $0xFFFFC000  }
0x10a: {  	v8 =	vld [tilespmem:s5+$0x0];
	_ =	sdelay $0x4  }
0x10b: {  	v8 =	vshll.u32 v8, $0x5  }
0x10c: {  	v8 =	vand.u32 $0x60, v8  }
0x10d: {  	s15 =	simm.s32 $0x0;
	v8 =	vor.u32 v0, v8  }
0x10e: {  	v9 =	vor.u32 s15, v8;
	_ =	sdelay $0x4  }
0x10f: {  	s12 =	simm.s32 $0x1;
	v9 =	vld.idx.msk [tilespmem:v9+s20+$0x0], $0xffff  }
0x110: {  	v10 =	vor.u32 s12, v8;
	_ =	sdelay $0x3  }
0x111: {  	[tilespmem:s14+$0x0] =	vst v9  }
0x112: {  	s15 =	simm.s32 $0x2;
	v9 =	vld.idx.msk [tilespmem:v10+s20+$0x0], $0xffff  }
0x113: {  	s11 =	smov.u32 s14;
	s12 =	simm.s32 $0x3;
	v10 =	vor.u32 s15, v8  }
.LBB2_19:
0x114: {  	p0 =	sne.s32 s12, $0x1F;
	_ =	sdelay $0x1  }
.Ltmp8:
0x115: {  	s11 =	sadd.s32 $0x80, s11;
	(pc) =	sbr.rel @p0 .LBB2_19-.Ltmp8, $3  }
0x116: {  	[tilespmem:s11+$0x0] =	vst v9  }
0x117: {  	v9 =	vld.idx.msk [tilespmem:v10+s20+$0x0], $0xffff;
	_ =	sdelay $0x1  }
0x118: {  	v10 =	vor.u32 s12, v8;
	s12 =	sadd.s32 $0x1, s12  }
0x119: {  	_ =	sdelay $0x1  }
0x11a: {  	s11 =	sadd.s32 $0x80, s11  }
0x11b: {  	[tilespmem:s11+$0x0] =	vst v9  }
0x11c: {  	v8 =	vld.idx.msk [tilespmem:v10+s20+$0x0], $0xffff;
	_ =	sdelay $0x3  }
0x11d: {  	s11 =	sadd.s32 $0x80, s11  }
0x11e: {  	[tilespmem:s11+$0x0] =	vst v8  }
0x11f: {  	v8 =	vld [tilespmem:s5+$0x10];
	_ =	sdelay $0x4  }
0x120: {  	v8 =	vshll.u32 v8, $0x5  }
0x121: {  	v8 =	vand.u32 $0x60, v8  }
0x122: {  	s15 =	simm.s32 $0x0;
	v8 =	vor.u32 v1, v8  }
0x123: {  	v9 =	vor.u32 s15, v8;
	_ =	sdelay $0x4  }
0x124: {  	s12 =	simm.s32 $0x1;
	v9 =	vld.idx.msk [tilespmem:v9+s20+$0x0], $0xffff  }
0x125: {  	v10 =	vor.u32 s12, v8;
	_ =	sdelay $0x3  }
0x126: {  	[tilespmem:s23+$0x0] =	vst v9  }
0x127: {  	s15 =	simm.s32 $0x2;
	v9 =	vld.idx.msk [tilespmem:v10+s20+$0x0], $0xffff  }
0x128: {  	s11 =	smov.u32 s23;
	s12 =	simm.s32 $0x3;
	v10 =	vor.u32 s15, v8  }
.LBB2_21:
0x129: {  	p0 =	sne.s32 s12, $0x1F;
	_ =	sdelay $0x1  }
.Ltmp9:
0x12a: {  	s11 =	sadd.s32 $0x80, s11;
	(pc) =	sbr.rel @p0 .LBB2_21-.Ltmp9, $3  }
0x12b: {  	[tilespmem:s11+$0x0] =	vst v9  }
0x12c: {  	v9 =	vld.idx.msk [tilespmem:v10+s20+$0x0], $0xffff;
	_ =	sdelay $0x1  }
0x12d: {  	v10 =	vor.u32 s12, v8;
	s12 =	sadd.s32 $0x1, s12  }
0x12e: {  	_ =	sdelay $0x1  }
0x12f: {  	s11 =	sadd.s32 $0x80, s11  }
0x130: {  	[tilespmem:s11+$0x0] =	vst v9  }
0x131: {  	v8 =	vld.idx.msk [tilespmem:v10+s20+$0x0], $0xffff;
	_ =	sdelay $0x3  }
0x132: {  	s11 =	sadd.s32 $0x80, s11  }
0x133: {  	[tilespmem:s11+$0x0] =	vst v8  }
0x134: {  	v8 =	vld [tilespmem:s5+$0x20];
	_ =	sdelay $0x4  }
0x135: {  	v8 =	vshll.u32 v8, $0x5  }
0x136: {  	v8 =	vand.u32 $0x60, v8  }
0x137: {  	s15 =	simm.s32 $0x0;
	v8 =	vor.u32 v2, v8  }
0x138: {  	v9 =	vor.u32 s15, v8;
	_ =	sdelay $0x4  }
0x139: {  	s12 =	simm.s32 $0x1;
	v9 =	vld.idx.msk [tilespmem:v9+s20+$0x0], $0xffff  }
0x13a: {  	v10 =	vor.u32 s12, v8;
	_ =	sdelay $0x3  }
0x13b: {  	[tilespmem:s2+$0x0] =	vst v9  }
0x13c: {  	s15 =	simm.s32 $0x2;
	v9 =	vld.idx.msk [tilespmem:v10+s20+$0x0], $0xffff  }
0x13d: {  	s11 =	smov.u32 s2;
	s12 =	simm.s32 $0x3;
	v10 =	vor.u32 s15, v8  }
.LBB2_23:
0x13e: {  	p0 =	sne.s32 s12, $0x1F;
	_ =	sdelay $0x1  }
.Ltmp10:
0x13f: {  	s11 =	sadd.s32 $0x80, s11;
	(pc) =	sbr.rel @p0 .LBB2_23-.Ltmp10, $3  }
0x140: {  	[tilespmem:s11+$0x0] =	vst v9  }
0x141: {  	v9 =	vld.idx.msk [tilespmem:v10+s20+$0x0], $0xffff;
	_ =	sdelay $0x1  }
0x142: {  	v10 =	vor.u32 s12, v8;
	s12 =	sadd.s32 $0x1, s12  }
0x143: {  	_ =	sdelay $0x1  }
0x144: {  	s11 =	sadd.s32 $0x80, s11  }
0x145: {  	[tilespmem:s11+$0x0] =	vst v9  }
0x146: {  	v8 =	vld.idx.msk [tilespmem:v10+s20+$0x0], $0xffff;
	_ =	sdelay $0x3  }
0x147: {  	s11 =	sadd.s32 $0x80, s11  }
0x148: {  	[tilespmem:s11+$0x0] =	vst v8  }
0x149: {  	v8 =	vld [tilespmem:s5+$0x30];
	_ =	sdelay $0x4  }
0x14a: {  	v8 =	vshll.u32 v8, $0x5  }
0x14b: {  	v8 =	vand.u32 $0x60, v8  }
0x14c: {  	s15 =	simm.s32 $0x0;
	v8 =	vor.u32 v3, v8  }
0x14d: {  	v9 =	vor.u32 s15, v8;
	_ =	sdelay $0x4  }
0x14e: {  	s12 =	simm.s32 $0x1;
	v9 =	vld.idx.msk [tilespmem:v9+s20+$0x0], $0xffff  }
0x14f: {  	v10 =	vor.u32 s12, v8;
	_ =	sdelay $0x3  }
0x150: {  	[tilespmem:s6+$0x0] =	vst v9  }
0x151: {  	s15 =	simm.s32 $0x2;
	v9 =	vld.idx.msk [tilespmem:v10+s20+$0x0], $0xffff  }
0x152: {  	s11 =	smov.u32 s6;
	s12 =	simm.s32 $0x3;
	v10 =	vor.u32 s15, v8  }
.LBB2_25:
0x153: {  	p0 =	sne.s32 s12, $0x1F;
	_ =	sdelay $0x1  }
.Ltmp11:
0x154: {  	s11 =	sadd.s32 $0x80, s11;
	(pc) =	sbr.rel @p0 .LBB2_25-.Ltmp11, $3  }
0x155: {  	[tilespmem:s11+$0x0] =	vst v9  }
0x156: {  	v9 =	vld.idx.msk [tilespmem:v10+s20+$0x0], $0xffff;
	_ =	sdelay $0x1  }
0x157: {  	v10 =	vor.u32 s12, v8;
	s12 =	sadd.s32 $0x1, s12  }
0x158: {  	_ =	sdelay $0x1  }
0x159: {  	s11 =	sadd.s32 $0x80, s11  }
0x15a: {  	[tilespmem:s11+$0x0] =	vst v9  }
0x15b: {  	v8 =	vld.idx.msk [tilespmem:v10+s20+$0x0], $0xffff;
	_ =	sdelay $0x3  }
0x15c: {  	s11 =	sadd.s32 $0x80, s11  }
0x15d: {  	[tilespmem:s11+$0x0] =	vst v8  }
0x15e: {  	v8 =	vld [tilespmem:s5+$0x40];
	_ =	sdelay $0x4  }
0x15f: {  	v8 =	vshll.u32 v8, $0x5  }
0x160: {  	v8 =	vand.u32 $0x60, v8  }
0x161: {  	s15 =	simm.s32 $0x0;
	v8 =	vor.u32 v4, v8  }
0x162: {  	v9 =	vor.u32 s15, v8;
	_ =	sdelay $0x4  }
0x163: {  	s12 =	simm.s32 $0x1;
	v9 =	vld.idx.msk [tilespmem:v9+s20+$0x0], $0xffff  }
0x164: {  	v10 =	vor.u32 s12, v8;
	_ =	sdelay $0x3  }
0x165: {  	[tilespmem:s7+$0x0] =	vst v9  }
0x166: {  	s15 =	simm.s32 $0x2;
	v9 =	vld.idx.msk [tilespmem:v10+s20+$0x0], $0xffff  }
0x167: {  	s11 =	smov.u32 s7;
	s12 =	simm.s32 $0x3;
	v10 =	vor.u32 s15, v8  }
.LBB2_27:
0x168: {  	p0 =	sne.s32 s12, $0x1F;
	_ =	sdelay $0x1  }
.Ltmp12:
0x169: {  	s11 =	sadd.s32 $0x80, s11;
	(pc) =	sbr.rel @p0 .LBB2_27-.Ltmp12, $3  }
0x16a: {  	[tilespmem:s11+$0x0] =	vst v9  }
0x16b: {  	v9 =	vld.idx.msk [tilespmem:v10+s20+$0x0], $0xffff;
	_ =	sdelay $0x1  }
0x16c: {  	v10 =	vor.u32 s12, v8;
	s12 =	sadd.s32 $0x1, s12  }
0x16d: {  	_ =	sdelay $0x1  }
0x16e: {  	s11 =	sadd.s32 $0x80, s11  }
0x16f: {  	[tilespmem:s11+$0x0] =	vst v9  }
0x170: {  	v8 =	vld.idx.msk [tilespmem:v10+s20+$0x0], $0xffff;
	_ =	sdelay $0x3  }
0x171: {  	s11 =	sadd.s32 $0x80, s11  }
0x172: {  	[tilespmem:s11+$0x0] =	vst v8  }
0x173: {  	v8 =	vld [tilespmem:s5+$0x50];
	_ =	sdelay $0x4  }
0x174: {  	v8 =	vshll.u32 v8, $0x5  }
0x175: {  	v8 =	vand.u32 $0x60, v8  }
0x176: {  	s15 =	simm.s32 $0x0;
	v8 =	vor.u32 v5, v8  }
0x177: {  	v9 =	vor.u32 s15, v8;
	_ =	sdelay $0x4  }
0x178: {  	s12 =	simm.s32 $0x1;
	v9 =	vld.idx.msk [tilespmem:v9+s20+$0x0], $0xffff  }
0x179: {  	v10 =	vor.u32 s12, v8;
	_ =	sdelay $0x3  }
0x17a: {  	[tilespmem:s8+$0x0] =	vst v9  }
0x17b: {  	s15 =	simm.s32 $0x2;
	v9 =	vld.idx.msk [tilespmem:v10+s20+$0x0], $0xffff  }
0x17c: {  	s11 =	smov.u32 s8;
	s12 =	simm.s32 $0x3;
	v10 =	vor.u32 s15, v8  }
.LBB2_29:
0x17d: {  	p0 =	sne.s32 s12, $0x1F;
	_ =	sdelay $0x1  }
.Ltmp13:
0x17e: {  	s11 =	sadd.s32 $0x80, s11;
	(pc) =	sbr.rel @p0 .LBB2_29-.Ltmp13, $3  }
0x17f: {  	[tilespmem:s11+$0x0] =	vst v9  }
0x180: {  	v9 =	vld.idx.msk [tilespmem:v10+s20+$0x0], $0xffff;
	_ =	sdelay $0x1  }
0x181: {  	v10 =	vor.u32 s12, v8;
	s12 =	sadd.s32 $0x1, s12  }
0x182: {  	_ =	sdelay $0x1  }
0x183: {  	s11 =	sadd.s32 $0x80, s11  }
0x184: {  	[tilespmem:s11+$0x0] =	vst v9  }
0x185: {  	v8 =	vld.idx.msk [tilespmem:v10+s20+$0x0], $0xffff;
	_ =	sdelay $0x3  }
0x186: {  	s11 =	sadd.s32 $0x80, s11  }
0x187: {  	[tilespmem:s11+$0x0] =	vst v8  }
0x188: {  	v8 =	vld [tilespmem:s5+$0x60];
	_ =	sdelay $0x4  }
0x189: {  	v8 =	vshll.u32 v8, $0x5  }
0x18a: {  	v8 =	vand.u32 $0x60, v8  }
0x18b: {  	s15 =	simm.s32 $0x0;
	v8 =	vor.u32 v6, v8  }
0x18c: {  	v9 =	vor.u32 s15, v8;
	_ =	sdelay $0x4  }
0x18d: {  	s12 =	simm.s32 $0x1;
	v9 =	vld.idx.msk [tilespmem:v9+s20+$0x0], $0xffff  }
0x18e: {  	v10 =	vor.u32 s12, v8;
	_ =	sdelay $0x3  }
0x18f: {  	[tilespmem:s9+$0x0] =	vst v9  }
0x190: {  	s15 =	simm.s32 $0x2;
	v9 =	vld.idx.msk [tilespmem:v10+s20+$0x0], $0xffff  }
0x191: {  	s11 =	smov.u32 s9;
	s12 =	simm.s32 $0x3;
	v10 =	vor.u32 s15, v8  }
.LBB2_31:
0x192: {  	p0 =	sne.s32 s12, $0x1F;
	_ =	sdelay $0x1  }
.Ltmp14:
0x193: {  	s11 =	sadd.s32 $0x80, s11;
	(pc) =	sbr.rel @p0 .LBB2_31-.Ltmp14, $3  }
0x194: {  	[tilespmem:s11+$0x0] =	vst v9  }
0x195: {  	v9 =	vld.idx.msk [tilespmem:v10+s20+$0x0], $0xffff;
	_ =	sdelay $0x1  }
0x196: {  	v10 =	vor.u32 s12, v8;
	s12 =	sadd.s32 $0x1, s12  }
0x197: {  	_ =	sdelay $0x1  }
0x198: {  	s11 =	sadd.s32 $0x80, s11  }
0x199: {  	[tilespmem:s11+$0x0] =	vst v9  }
0x19a: {  	v8 =	vld.idx.msk [tilespmem:v10+s20+$0x0], $0xffff;
	_ =	sdelay $0x3  }
0x19b: {  	s11 =	sadd.s32 $0x80, s11  }
0x19c: {  	[tilespmem:s11+$0x0] =	vst v8  }
0x19d: {  	v8 =	vld [tilespmem:s5+$0x70];
	_ =	sdelay $0x4  }
0x19e: {  	v8 =	vshll.u32 v8, $0x5  }
0x19f: {  	v8 =	vand.u32 $0x60, v8  }
0x1a0: {  	s11 =	simm.s32 $0x0;
	v8 =	vor.u32 v7, v8  }
0x1a1: {  	v9 =	vor.u32 s11, v8;
	_ =	sdelay $0x4  }
0x1a2: {  	s12 =	simm.s32 $0x1;
	v9 =	vld.idx.msk [tilespmem:v9+s20+$0x0], $0xffff  }
0x1a3: {  	v10 =	vor.u32 s12, v8;
	_ =	sdelay $0x3  }
0x1a4: {  	[tilespmem:s10+$0x0] =	vst v9  }
0x1a5: {  	s15 =	simm.s32 $0x2;
	v9 =	vld.idx.msk [tilespmem:v10+s20+$0x0], $0xffff  }
0x1a6: {  	s5 =	smov.u32 s10;
	s11 =	simm.s32 $0x3;
	v10 =	vor.u32 s15, v8  }
.LBB2_33:
0x1a7: {  	p0 =	sne.s32 s11, $0x1F;
	_ =	sdelay $0x1  }
.Ltmp15:
0x1a8: {  	s5 =	sadd.s32 $0x80, s5;
	(pc) =	sbr.rel @p0 .LBB2_33-.Ltmp15, $3  }
0x1a9: {  	[tilespmem:s5+$0x0] =	vst v9  }
0x1aa: {  	v9 =	vld.idx.msk [tilespmem:v10+s20+$0x0], $0xffff;
	_ =	sdelay $0x1  }
0x1ab: {  	v10 =	vor.u32 s11, v8;
	s11 =	sadd.s32 $0x1, s11  }
0x1ac: {  	_ =	sdelay $0x1  }
0x1ad: {  	s5 =	sadd.s32 $0x80, s5  }
0x1ae: {  	s4 =	sadd.s32 $0x1, s4;
	s22 =	sadd.s32 $0x2000, s22;
	[tilespmem:s5+$0x0] =	vst v9  }
0x1af: {  	s26 =	sadd.s32 $0x2000, s26;
	s28 =	sadd.s32 $0x2000, s28;
	p0 =	sne.s32 s4, $0x5;
	v8 =	vld.idx.msk [tilespmem:v10+s20+$0x0], $0xffff  }
.Ltmp16:
0x1b0: {  	s29 =	sadd.s32 $0x2000, s29;
	s30 =	sadd.s32 $0x2000, s30;
	(pc) =	sbr.rel @p0 .LBB2_2-.Ltmp16, $4  }
0x1b1: {  	s31 =	sadd.s32 $0x2000, s31;
	s0 =	sadd.s32 $0x2000, s0;
	s1 =	sadd.s32 $0x2000, s1  }
0x1b2: {  	s14 =	sadd.s32 $0x2000, s14;
	s23 =	sadd.s32 $0x2000, s23;
	s2 =	sadd.s32 $0x2000, s2  }
0x1b3: {  	s6 =	sadd.s32 $0x2000, s6;
	s7 =	sadd.s32 $0x2000, s7;
	s5 =	sadd.s32 $0x80, s5  }
0x1b4: {  	s8 =	sadd.s32 $0x2000, s8;
	s9 =	sadd.s32 $0x2000, s9;
	s10 =	sadd.s32 $0x2000, s10;
	[tilespmem:s5+$0x0] =	vst v8  }
0x1b5: {  	s0 =	rddreg [dreg:$0x5];
	s1 =	simm.s32 $0x400;
	s2 =	simm.s32 $0x1C00  }
0x1b6: {  	s26 =	simm.s32 $0x0;
	s28 =	simm.s32 $0xBC00;
	s14 =	simm.s32 $0xBC30  }
0x1b7: {  	s23 =	simm.s32 $0xBC40;
	s6 =	simm.s32 $0xBC60;
	s7 =	simm.s32 $0xBC70  }
0x1b8: {  	s8 =	simm.s32 $0xCC00;
	s9 =	simm.s32 $0xCC10;
	s10 =	simm.s32 $0xCC20  }
0x1b9: {  	s11 =	simm.s32 $0xCC30;
	s4 =	simm.s32 $0xCC40;
	s5 =	simm.s32 $0xCC50  }
0x1ba: {  	s29 =	simm.s32 $0xCC60;
	s30 =	simm.s32 $0xCC70;
	s31 =	simm.s32 $0x0  }
0x1bb: {  	[hbm4b:s0+s1] =	stream.strided.scatter [tilespmem:s2], [sflag:$0x2], $0xA000, s13, s1, $0x38;
	[tilespmem:$0x1DD00] =	vst v63  }
0x1bc: {  	s0 =	simm.s32 $0xBC10;
	s1 =	simm.s32 $0xBC20;
	s2 =	simm.s32 $0xBC50  }
.LBB2_36:
0x1bd: {  	s12 =	sshll.u32 s31, $0x8  }
0x1be: {  	s15 =	sand.u32 $0x3FFFFF00, s12  }
0x1bf: {  	v8 =	vld [tilespmem:s15+$0x580];
	_ =	sdelay $0x4  }
0x1c0: {  	v8 =	vshrl.u32 v8, $0x2  }
0x1c1: {  	[tilespmem:$0x1DC80] =	vst v8  }
0x1c2: {  	v8 =	vld [tilespmem:s15+$0x590];
	_ =	sdelay $0x4  }
0x1c3: {  	v8 =	vshrl.u32 v8, $0x2  }
0x1c4: {  	[tilespmem:$0x1DC90] =	vst v8  }
0x1c5: {  	v8 =	vld [tilespmem:s15+$0x5A0];
	_ =	sdelay $0x4  }
0x1c6: {  	v8 =	vshrl.u32 v8, $0x2  }
0x1c7: {  	[tilespmem:$0x1DCA0] =	vst v8  }
0x1c8: {  	v8 =	vld [tilespmem:s15+$0x5B0];
	_ =	sdelay $0x4  }
0x1c9: {  	v8 =	vshrl.u32 v8, $0x2  }
0x1ca: {  	[tilespmem:$0x1DCB0] =	vst v8  }
0x1cb: {  	v8 =	vld [tilespmem:s15+$0x5C0];
	_ =	sdelay $0x4  }
0x1cc: {  	v8 =	vshrl.u32 v8, $0x2  }
0x1cd: {  	[tilespmem:$0x1DCC0] =	vst v8  }
0x1ce: {  	v8 =	vld [tilespmem:s15+$0x5D0];
	_ =	sdelay $0x4  }
0x1cf: {  	v8 =	vshrl.u32 v8, $0x2  }
0x1d0: {  	[tilespmem:$0x1DCD0] =	vst v8  }
0x1d1: {  	v8 =	vld [tilespmem:s15+$0x5E0];
	_ =	sdelay $0x4  }
0x1d2: {  	v8 =	vshrl.u32 v8, $0x2  }
0x1d3: {  	[tilespmem:$0x1DCE0] =	vst v8  }
0x1d4: {  	v8 =	vld [tilespmem:s15+$0x5F0];
	_ =	sdelay $0x4  }
0x1d5: {  	v8 =	vshrl.u32 v8, $0x2  }
0x1d6: {  	[tilespmem:$0x1DCF0] =	vst v8  }
0x1d7: {  	[tilespmem:s20], [sflag:$0x1] =	stream.indirect.gather [hbm4b:s3+s16], $0x80, s19, s16, $0xb8;
	[tilespmem:$0x1DD00] =	vst v63  }
0x1d8: {  	_ =	swait.ge [sflag:s21], $0x4000  }
0x1d9: {  	[sflag:s21] =	ssyncset.done $0x0  }
0x1da: {  	[sflag:s21] =	ssyncadd.s32 $0xFFFFC000  }
0x1db: {  	v8 =	vld [tilespmem:s15+$0x500];
	_ =	sdelay $0x4  }
0x1dc: {  	v8 =	vshll.u32 v8, $0x5  }
0x1dd: {  	v8 =	vand.u32 $0x60, v8  }
0x1de: {  	v8 =	vor.u32 v0, v8  }
0x1df: {  	v9 =	vor.u32 s26, v8;
	_ =	sdelay $0x4  }
0x1e0: {  	s22 =	simm.s32 $0x1;
	v9 =	vld.idx.msk [tilespmem:v9+s18+$0x0], $0xffff  }
0x1e1: {  	v10 =	vor.u32 s22, v8;
	_ =	sdelay $0x3  }
0x1e2: {  	[tilespmem:s28+$0x0] =	vst v9  }
0x1e3: {  	s22 =	simm.s32 $0x2;
	v9 =	vld.idx.msk [tilespmem:v10+s18+$0x0], $0xffff  }
0x1e4: {  	s12 =	simm.s32 $0x3;
	v10 =	vor.u32 s22, v8;
	s22 =	smov.u32 s28  }
.LBB2_37:
0x1e5: {  	p0 =	sne.s32 s12, $0x1F;
	_ =	sdelay $0x1  }
.Ltmp17:
0x1e6: {  	s22 =	sadd.s32 $0x80, s22;
	(pc) =	sbr.rel @p0 .LBB2_37-.Ltmp17, $3  }
0x1e7: {  	[tilespmem:s22+$0x0] =	vst v9  }
0x1e8: {  	v9 =	vld.idx.msk [tilespmem:v10+s18+$0x0], $0xffff;
	_ =	sdelay $0x1  }
0x1e9: {  	v10 =	vor.u32 s12, v8;
	s12 =	sadd.s32 $0x1, s12  }
0x1ea: {  	_ =	sdelay $0x1  }
0x1eb: {  	s12 =	sadd.s32 $0x80, s22  }
0x1ec: {  	[tilespmem:s12+$0x0] =	vst v9  }
0x1ed: {  	v8 =	vld.idx.msk [tilespmem:v10+s18+$0x0], $0xffff;
	_ =	sdelay $0x3  }
0x1ee: {  	s12 =	sadd.s32 $0x80, s12  }
0x1ef: {  	[tilespmem:s12+$0x0] =	vst v8  }
0x1f0: {  	v8 =	vld [tilespmem:s15+$0x510];
	_ =	sdelay $0x4  }
0x1f1: {  	v8 =	vshll.u32 v8, $0x5  }
0x1f2: {  	v8 =	vand.u32 $0x60, v8  }
0x1f3: {  	s22 =	simm.s32 $0x0;
	v8 =	vor.u32 v1, v8  }
0x1f4: {  	v9 =	vor.u32 s22, v8;
	_ =	sdelay $0x4  }
0x1f5: {  	s22 =	simm.s32 $0x1;
	v9 =	vld.idx.msk [tilespmem:v9+s18+$0x0], $0xffff  }
0x1f6: {  	v10 =	vor.u32 s22, v8;
	_ =	sdelay $0x3  }
0x1f7: {  	[tilespmem:s0+$0x0] =	vst v9  }
0x1f8: {  	s22 =	simm.s32 $0x2;
	v9 =	vld.idx.msk [tilespmem:v10+s18+$0x0], $0xffff  }
0x1f9: {  	s12 =	simm.s32 $0x3;
	v10 =	vor.u32 s22, v8;
	s22 =	smov.u32 s0  }
.LBB2_39:
0x1fa: {  	p0 =	sne.s32 s12, $0x1F;
	_ =	sdelay $0x1  }
.Ltmp18:
0x1fb: {  	s22 =	sadd.s32 $0x80, s22;
	(pc) =	sbr.rel @p0 .LBB2_39-.Ltmp18, $3  }
0x1fc: {  	[tilespmem:s22+$0x0] =	vst v9  }
0x1fd: {  	v9 =	vld.idx.msk [tilespmem:v10+s18+$0x0], $0xffff;
	_ =	sdelay $0x1  }
0x1fe: {  	v10 =	vor.u32 s12, v8;
	s12 =	sadd.s32 $0x1, s12  }
0x1ff: {  	_ =	sdelay $0x1  }
0x200: {  	s12 =	sadd.s32 $0x80, s22  }
0x201: {  	[tilespmem:s12+$0x0] =	vst v9  }
0x202: {  	v8 =	vld.idx.msk [tilespmem:v10+s18+$0x0], $0xffff;
	_ =	sdelay $0x3  }
0x203: {  	s12 =	sadd.s32 $0x80, s12  }
0x204: {  	[tilespmem:s12+$0x0] =	vst v8  }
0x205: {  	v8 =	vld [tilespmem:s15+$0x520];
	_ =	sdelay $0x4  }
0x206: {  	v8 =	vshll.u32 v8, $0x5  }
0x207: {  	v8 =	vand.u32 $0x60, v8  }
0x208: {  	s22 =	simm.s32 $0x0;
	v8 =	vor.u32 v2, v8  }
0x209: {  	v9 =	vor.u32 s22, v8;
	_ =	sdelay $0x4  }
0x20a: {  	s22 =	simm.s32 $0x1;
	v9 =	vld.idx.msk [tilespmem:v9+s18+$0x0], $0xffff  }
0x20b: {  	v10 =	vor.u32 s22, v8;
	_ =	sdelay $0x3  }
0x20c: {  	[tilespmem:s1+$0x0] =	vst v9  }
0x20d: {  	s22 =	simm.s32 $0x2;
	v9 =	vld.idx.msk [tilespmem:v10+s18+$0x0], $0xffff  }
0x20e: {  	s12 =	simm.s32 $0x3;
	v10 =	vor.u32 s22, v8;
	s22 =	smov.u32 s1  }
.LBB2_41:
0x20f: {  	p0 =	sne.s32 s12, $0x1F;
	_ =	sdelay $0x1  }
.Ltmp19:
0x210: {  	s22 =	sadd.s32 $0x80, s22;
	(pc) =	sbr.rel @p0 .LBB2_41-.Ltmp19, $3  }
0x211: {  	[tilespmem:s22+$0x0] =	vst v9  }
0x212: {  	v9 =	vld.idx.msk [tilespmem:v10+s18+$0x0], $0xffff;
	_ =	sdelay $0x1  }
0x213: {  	v10 =	vor.u32 s12, v8;
	s12 =	sadd.s32 $0x1, s12  }
0x214: {  	_ =	sdelay $0x1  }
0x215: {  	s12 =	sadd.s32 $0x80, s22  }
0x216: {  	[tilespmem:s12+$0x0] =	vst v9  }
0x217: {  	v8 =	vld.idx.msk [tilespmem:v10+s18+$0x0], $0xffff;
	_ =	sdelay $0x3  }
0x218: {  	s12 =	sadd.s32 $0x80, s12  }
0x219: {  	[tilespmem:s12+$0x0] =	vst v8  }
0x21a: {  	v8 =	vld [tilespmem:s15+$0x530];
	_ =	sdelay $0x4  }
0x21b: {  	v8 =	vshll.u32 v8, $0x5  }
0x21c: {  	v8 =	vand.u32 $0x60, v8  }
0x21d: {  	s22 =	simm.s32 $0x0;
	v8 =	vor.u32 v3, v8  }
0x21e: {  	v9 =	vor.u32 s22, v8;
	_ =	sdelay $0x4  }
0x21f: {  	s22 =	simm.s32 $0x1;
	v9 =	vld.idx.msk [tilespmem:v9+s18+$0x0], $0xffff  }
0x220: {  	v10 =	vor.u32 s22, v8;
	_ =	sdelay $0x3  }
0x221: {  	[tilespmem:s14+$0x0] =	vst v9  }
0x222: {  	s22 =	simm.s32 $0x2;
	v9 =	vld.idx.msk [tilespmem:v10+s18+$0x0], $0xffff  }
0x223: {  	s12 =	simm.s32 $0x3;
	v10 =	vor.u32 s22, v8;
	s22 =	smov.u32 s14  }
.LBB2_43:
0x224: {  	p0 =	sne.s32 s12, $0x1F;
	_ =	sdelay $0x1  }
.Ltmp20:
0x225: {  	s22 =	sadd.s32 $0x80, s22;
	(pc) =	sbr.rel @p0 .LBB2_43-.Ltmp20, $3  }
0x226: {  	[tilespmem:s22+$0x0] =	vst v9  }
0x227: {  	v9 =	vld.idx.msk [tilespmem:v10+s18+$0x0], $0xffff;
	_ =	sdelay $0x1  }
0x228: {  	v10 =	vor.u32 s12, v8;
	s12 =	sadd.s32 $0x1, s12  }
0x229: {  	_ =	sdelay $0x1  }
0x22a: {  	s12 =	sadd.s32 $0x80, s22  }
0x22b: {  	[tilespmem:s12+$0x0] =	vst v9  }
0x22c: {  	v8 =	vld.idx.msk [tilespmem:v10+s18+$0x0], $0xffff;
	_ =	sdelay $0x3  }
0x22d: {  	s12 =	sadd.s32 $0x80, s12  }
0x22e: {  	[tilespmem:s12+$0x0] =	vst v8  }
0x22f: {  	v8 =	vld [tilespmem:s15+$0x540];
	_ =	sdelay $0x4  }
0x230: {  	v8 =	vshll.u32 v8, $0x5  }
0x231: {  	v8 =	vand.u32 $0x60, v8  }
0x232: {  	s22 =	simm.s32 $0x0;
	v8 =	vor.u32 v4, v8  }
0x233: {  	v9 =	vor.u32 s22, v8;
	_ =	sdelay $0x4  }
0x234: {  	s22 =	simm.s32 $0x1;
	v9 =	vld.idx.msk [tilespmem:v9+s18+$0x0], $0xffff  }
0x235: {  	v10 =	vor.u32 s22, v8;
	_ =	sdelay $0x3  }
0x236: {  	[tilespmem:s23+$0x0] =	vst v9  }
0x237: {  	s22 =	simm.s32 $0x2;
	v9 =	vld.idx.msk [tilespmem:v10+s18+$0x0], $0xffff  }
0x238: {  	s12 =	simm.s32 $0x3;
	v10 =	vor.u32 s22, v8;
	s22 =	smov.u32 s23  }
.LBB2_45:
0x239: {  	p0 =	sne.s32 s12, $0x1F;
	_ =	sdelay $0x1  }
.Ltmp21:
0x23a: {  	s22 =	sadd.s32 $0x80, s22;
	(pc) =	sbr.rel @p0 .LBB2_45-.Ltmp21, $3  }
0x23b: {  	[tilespmem:s22+$0x0] =	vst v9  }
0x23c: {  	v9 =	vld.idx.msk [tilespmem:v10+s18+$0x0], $0xffff;
	_ =	sdelay $0x1  }
0x23d: {  	v10 =	vor.u32 s12, v8;
	s12 =	sadd.s32 $0x1, s12  }
0x23e: {  	_ =	sdelay $0x1  }
0x23f: {  	s12 =	sadd.s32 $0x80, s22  }
0x240: {  	[tilespmem:s12+$0x0] =	vst v9  }
0x241: {  	v8 =	vld.idx.msk [tilespmem:v10+s18+$0x0], $0xffff;
	_ =	sdelay $0x3  }
0x242: {  	s12 =	sadd.s32 $0x80, s12  }
0x243: {  	[tilespmem:s12+$0x0] =	vst v8  }
0x244: {  	v8 =	vld [tilespmem:s15+$0x550];
	_ =	sdelay $0x4  }
0x245: {  	v8 =	vshll.u32 v8, $0x5  }
0x246: {  	v8 =	vand.u32 $0x60, v8  }
0x247: {  	s22 =	simm.s32 $0x0;
	v8 =	vor.u32 v5, v8  }
0x248: {  	v9 =	vor.u32 s22, v8;
	_ =	sdelay $0x4  }
0x249: {  	s22 =	simm.s32 $0x1;
	v9 =	vld.idx.msk [tilespmem:v9+s18+$0x0], $0xffff  }
0x24a: {  	v10 =	vor.u32 s22, v8;
	_ =	sdelay $0x3  }
0x24b: {  	[tilespmem:s2+$0x0] =	vst v9  }
0x24c: {  	s22 =	simm.s32 $0x2;
	v9 =	vld.idx.msk [tilespmem:v10+s18+$0x0], $0xffff  }
0x24d: {  	s12 =	simm.s32 $0x3;
	v10 =	vor.u32 s22, v8;
	s22 =	smov.u32 s2  }
.LBB2_47:
0x24e: {  	p0 =	sne.s32 s12, $0x1F;
	_ =	sdelay $0x1  }
.Ltmp22:
0x24f: {  	s22 =	sadd.s32 $0x80, s22;
	(pc) =	sbr.rel @p0 .LBB2_47-.Ltmp22, $3  }
0x250: {  	[tilespmem:s22+$0x0] =	vst v9  }
0x251: {  	v9 =	vld.idx.msk [tilespmem:v10+s18+$0x0], $0xffff;
	_ =	sdelay $0x1  }
0x252: {  	v10 =	vor.u32 s12, v8;
	s12 =	sadd.s32 $0x1, s12  }
0x253: {  	_ =	sdelay $0x1  }
0x254: {  	s12 =	sadd.s32 $0x80, s22  }
0x255: {  	[tilespmem:s12+$0x0] =	vst v9  }
0x256: {  	v8 =	vld.idx.msk [tilespmem:v10+s18+$0x0], $0xffff;
	_ =	sdelay $0x3  }
0x257: {  	s12 =	sadd.s32 $0x80, s12  }
0x258: {  	[tilespmem:s12+$0x0] =	vst v8  }
0x259: {  	v8 =	vld [tilespmem:s15+$0x560];
	_ =	sdelay $0x4  }
0x25a: {  	v8 =	vshll.u32 v8, $0x5  }
0x25b: {  	v8 =	vand.u32 $0x60, v8  }
0x25c: {  	s22 =	simm.s32 $0x0;
	v8 =	vor.u32 v6, v8  }
0x25d: {  	v9 =	vor.u32 s22, v8;
	_ =	sdelay $0x4  }
0x25e: {  	s22 =	simm.s32 $0x1;
	v9 =	vld.idx.msk [tilespmem:v9+s18+$0x0], $0xffff  }
0x25f: {  	v10 =	vor.u32 s22, v8;
	_ =	sdelay $0x3  }
0x260: {  	[tilespmem:s6+$0x0] =	vst v9  }
0x261: {  	s22 =	simm.s32 $0x2;
	v9 =	vld.idx.msk [tilespmem:v10+s18+$0x0], $0xffff  }
0x262: {  	s12 =	simm.s32 $0x3;
	v10 =	vor.u32 s22, v8;
	s22 =	smov.u32 s6  }
.LBB2_49:
0x263: {  	p0 =	sne.s32 s12, $0x1F;
	_ =	sdelay $0x1  }
.Ltmp23:
0x264: {  	s22 =	sadd.s32 $0x80, s22;
	(pc) =	sbr.rel @p0 .LBB2_49-.Ltmp23, $3  }
0x265: {  	[tilespmem:s22+$0x0] =	vst v9  }
0x266: {  	v9 =	vld.idx.msk [tilespmem:v10+s18+$0x0], $0xffff;
	_ =	sdelay $0x1  }
0x267: {  	v10 =	vor.u32 s12, v8;
	s12 =	sadd.s32 $0x1, s12  }
0x268: {  	_ =	sdelay $0x1  }
0x269: {  	s12 =	sadd.s32 $0x80, s22  }
0x26a: {  	[tilespmem:s12+$0x0] =	vst v9  }
0x26b: {  	v8 =	vld.idx.msk [tilespmem:v10+s18+$0x0], $0xffff;
	_ =	sdelay $0x3  }
0x26c: {  	s12 =	sadd.s32 $0x80, s12  }
0x26d: {  	[tilespmem:s12+$0x0] =	vst v8  }
0x26e: {  	v8 =	vld [tilespmem:s15+$0x570];
	_ =	sdelay $0x4  }
0x26f: {  	v8 =	vshll.u32 v8, $0x5  }
0x270: {  	v8 =	vand.u32 $0x60, v8  }
0x271: {  	s22 =	simm.s32 $0x0;
	v8 =	vor.u32 v7, v8  }
0x272: {  	v9 =	vor.u32 s22, v8;
	_ =	sdelay $0x4  }
0x273: {  	s22 =	simm.s32 $0x1;
	v9 =	vld.idx.msk [tilespmem:v9+s18+$0x0], $0xffff  }
0x274: {  	v10 =	vor.u32 s22, v8;
	_ =	sdelay $0x3  }
0x275: {  	[tilespmem:s7+$0x0] =	vst v9  }
0x276: {  	s22 =	simm.s32 $0x2;
	v9 =	vld.idx.msk [tilespmem:v10+s18+$0x0], $0xffff  }
0x277: {  	s12 =	simm.s32 $0x3;
	v10 =	vor.u32 s22, v8;
	s22 =	smov.u32 s7  }
.LBB2_51:
0x278: {  	p0 =	sne.s32 s12, $0x1F;
	_ =	sdelay $0x1  }
.Ltmp24:
0x279: {  	s22 =	sadd.s32 $0x80, s22;
	(pc) =	sbr.rel @p0 .LBB2_51-.Ltmp24, $3  }
0x27a: {  	[tilespmem:s22+$0x0] =	vst v9  }
0x27b: {  	v9 =	vld.idx.msk [tilespmem:v10+s18+$0x0], $0xffff;
	_ =	sdelay $0x1  }
0x27c: {  	v10 =	vor.u32 s12, v8;
	s12 =	sadd.s32 $0x1, s12  }
0x27d: {  	_ =	sdelay $0x1  }
0x27e: {  	s12 =	sadd.s32 $0x80, s22  }
0x27f: {  	[tilespmem:s12+$0x0] =	vst v9  }
0x280: {  	v8 =	vld.idx.msk [tilespmem:v10+s18+$0x0], $0xffff;
	_ =	sdelay $0x3  }
0x281: {  	s12 =	sadd.s32 $0x80, s12  }
0x282: {  	[tilespmem:s12+$0x0] =	vst v8  }
0x283: {  	v8 =	vld [tilespmem:s15+$0x600];
	_ =	sdelay $0x4  }
0x284: {  	v8 =	vshrl.u32 v8, $0x2  }
0x285: {  	[tilespmem:$0x1DC00] =	vst v8  }
0x286: {  	v8 =	vld [tilespmem:s15+$0x610];
	_ =	sdelay $0x4  }
0x287: {  	v8 =	vshrl.u32 v8, $0x2  }
0x288: {  	[tilespmem:$0x1DC10] =	vst v8  }
0x289: {  	v8 =	vld [tilespmem:s15+$0x620];
	_ =	sdelay $0x4  }
0x28a: {  	v8 =	vshrl.u32 v8, $0x2  }
0x28b: {  	[tilespmem:$0x1DC20] =	vst v8  }
0x28c: {  	v8 =	vld [tilespmem:s15+$0x630];
	_ =	sdelay $0x4  }
0x28d: {  	v8 =	vshrl.u32 v8, $0x2  }
0x28e: {  	[tilespmem:$0x1DC30] =	vst v8  }
0x28f: {  	v8 =	vld [tilespmem:s15+$0x640];
	_ =	sdelay $0x4  }
0x290: {  	v8 =	vshrl.u32 v8, $0x2  }
0x291: {  	[tilespmem:$0x1DC40] =	vst v8  }
0x292: {  	v8 =	vld [tilespmem:s15+$0x650];
	_ =	sdelay $0x4  }
0x293: {  	v8 =	vshrl.u32 v8, $0x2  }
0x294: {  	[tilespmem:$0x1DC50] =	vst v8  }
0x295: {  	v8 =	vld [tilespmem:s15+$0x660];
	_ =	sdelay $0x4  }
0x296: {  	v8 =	vshrl.u32 v8, $0x2  }
0x297: {  	[tilespmem:$0x1DC60] =	vst v8  }
0x298: {  	v8 =	vld [tilespmem:s15+$0x670];
	_ =	sdelay $0x4  }
0x299: {  	v8 =	vshrl.u32 v8, $0x2  }
0x29a: {  	[tilespmem:$0x1DC70] =	vst v8  }
0x29b: {  	[tilespmem:s18], [sflag:$0x1] =	stream.indirect.gather [hbm4b:s3+s16], $0x80, s17, s16, $0xb8;
	[tilespmem:$0x1DD00] =	vst v63  }
0x29c: {  	_ =	swait.ge [sflag:s21], $0x4000  }
0x29d: {  	[sflag:s21] =	ssyncset.done $0x0  }
0x29e: {  	[sflag:s21] =	ssyncadd.s32 $0xFFFFC000  }
0x29f: {  	v8 =	vld [tilespmem:s15+$0x580];
	_ =	sdelay $0x4  }
0x2a0: {  	v8 =	vshll.u32 v8, $0x5  }
0x2a1: {  	v8 =	vand.u32 $0x60, v8  }
0x2a2: {  	s22 =	simm.s32 $0x0;
	v8 =	vor.u32 v0, v8  }
0x2a3: {  	v9 =	vor.u32 s22, v8;
	_ =	sdelay $0x4  }
0x2a4: {  	s22 =	simm.s32 $0x1;
	v9 =	vld.idx.msk [tilespmem:v9+s20+$0x0], $0xffff  }
0x2a5: {  	v10 =	vor.u32 s22, v8;
	_ =	sdelay $0x3  }
0x2a6: {  	[tilespmem:s8+$0x0] =	vst v9  }
0x2a7: {  	s22 =	simm.s32 $0x2;
	v9 =	vld.idx.msk [tilespmem:v10+s20+$0x0], $0xffff  }
0x2a8: {  	s12 =	simm.s32 $0x3;
	v10 =	vor.u32 s22, v8;
	s22 =	smov.u32 s8  }
.LBB2_53:
0x2a9: {  	p0 =	sne.s32 s12, $0x1F;
	_ =	sdelay $0x1  }
.Ltmp25:
0x2aa: {  	s22 =	sadd.s32 $0x80, s22;
	(pc) =	sbr.rel @p0 .LBB2_53-.Ltmp25, $3  }
0x2ab: {  	[tilespmem:s22+$0x0] =	vst v9  }
0x2ac: {  	v9 =	vld.idx.msk [tilespmem:v10+s20+$0x0], $0xffff;
	_ =	sdelay $0x1  }
0x2ad: {  	v10 =	vor.u32 s12, v8;
	s12 =	sadd.s32 $0x1, s12  }
0x2ae: {  	_ =	sdelay $0x1  }
0x2af: {  	s12 =	sadd.s32 $0x80, s22  }
0x2b0: {  	[tilespmem:s12+$0x0] =	vst v9  }
0x2b1: {  	v8 =	vld.idx.msk [tilespmem:v10+s20+$0x0], $0xffff;
	_ =	sdelay $0x3  }
0x2b2: {  	s12 =	sadd.s32 $0x80, s12  }
0x2b3: {  	[tilespmem:s12+$0x0] =	vst v8  }
0x2b4: {  	v8 =	vld [tilespmem:s15+$0x590];
	_ =	sdelay $0x4  }
0x2b5: {  	v8 =	vshll.u32 v8, $0x5  }
0x2b6: {  	v8 =	vand.u32 $0x60, v8  }
0x2b7: {  	s22 =	simm.s32 $0x0;
	v8 =	vor.u32 v1, v8  }
0x2b8: {  	v9 =	vor.u32 s22, v8;
	_ =	sdelay $0x4  }
0x2b9: {  	s22 =	simm.s32 $0x1;
	v9 =	vld.idx.msk [tilespmem:v9+s20+$0x0], $0xffff  }
0x2ba: {  	v10 =	vor.u32 s22, v8;
	_ =	sdelay $0x3  }
0x2bb: {  	[tilespmem:s9+$0x0] =	vst v9  }
0x2bc: {  	s22 =	simm.s32 $0x2;
	v9 =	vld.idx.msk [tilespmem:v10+s20+$0x0], $0xffff  }
0x2bd: {  	s12 =	simm.s32 $0x3;
	v10 =	vor.u32 s22, v8;
	s22 =	smov.u32 s9  }
.LBB2_55:
0x2be: {  	p0 =	sne.s32 s12, $0x1F;
	_ =	sdelay $0x1  }
.Ltmp26:
0x2bf: {  	s22 =	sadd.s32 $0x80, s22;
	(pc) =	sbr.rel @p0 .LBB2_55-.Ltmp26, $3  }
0x2c0: {  	[tilespmem:s22+$0x0] =	vst v9  }
0x2c1: {  	v9 =	vld.idx.msk [tilespmem:v10+s20+$0x0], $0xffff;
	_ =	sdelay $0x1  }
0x2c2: {  	v10 =	vor.u32 s12, v8;
	s12 =	sadd.s32 $0x1, s12  }
0x2c3: {  	_ =	sdelay $0x1  }
0x2c4: {  	s12 =	sadd.s32 $0x80, s22  }
0x2c5: {  	[tilespmem:s12+$0x0] =	vst v9  }
0x2c6: {  	v8 =	vld.idx.msk [tilespmem:v10+s20+$0x0], $0xffff;
	_ =	sdelay $0x3  }
0x2c7: {  	s12 =	sadd.s32 $0x80, s12  }
0x2c8: {  	[tilespmem:s12+$0x0] =	vst v8  }
0x2c9: {  	v8 =	vld [tilespmem:s15+$0x5A0];
	_ =	sdelay $0x4  }
0x2ca: {  	v8 =	vshll.u32 v8, $0x5  }
0x2cb: {  	v8 =	vand.u32 $0x60, v8  }
0x2cc: {  	s22 =	simm.s32 $0x0;
	v8 =	vor.u32 v2, v8  }
0x2cd: {  	v9 =	vor.u32 s22, v8;
	_ =	sdelay $0x4  }
0x2ce: {  	s22 =	simm.s32 $0x1;
	v9 =	vld.idx.msk [tilespmem:v9+s20+$0x0], $0xffff  }
0x2cf: {  	v10 =	vor.u32 s22, v8;
	_ =	sdelay $0x3  }
0x2d0: {  	[tilespmem:s10+$0x0] =	vst v9  }
0x2d1: {  	s22 =	simm.s32 $0x2;
	v9 =	vld.idx.msk [tilespmem:v10+s20+$0x0], $0xffff  }
0x2d2: {  	s12 =	simm.s32 $0x3;
	v10 =	vor.u32 s22, v8;
	s22 =	smov.u32 s10  }
.LBB2_57:
0x2d3: {  	p0 =	sne.s32 s12, $0x1F;
	_ =	sdelay $0x1  }
.Ltmp27:
0x2d4: {  	s22 =	sadd.s32 $0x80, s22;
	(pc) =	sbr.rel @p0 .LBB2_57-.Ltmp27, $3  }
0x2d5: {  	[tilespmem:s22+$0x0] =	vst v9  }
0x2d6: {  	v9 =	vld.idx.msk [tilespmem:v10+s20+$0x0], $0xffff;
	_ =	sdelay $0x1  }
0x2d7: {  	v10 =	vor.u32 s12, v8;
	s12 =	sadd.s32 $0x1, s12  }
0x2d8: {  	_ =	sdelay $0x1  }
0x2d9: {  	s12 =	sadd.s32 $0x80, s22  }
0x2da: {  	[tilespmem:s12+$0x0] =	vst v9  }
0x2db: {  	v8 =	vld.idx.msk [tilespmem:v10+s20+$0x0], $0xffff;
	_ =	sdelay $0x3  }
0x2dc: {  	s12 =	sadd.s32 $0x80, s12  }
0x2dd: {  	[tilespmem:s12+$0x0] =	vst v8  }
0x2de: {  	v8 =	vld [tilespmem:s15+$0x5B0];
	_ =	sdelay $0x4  }
0x2df: {  	v8 =	vshll.u32 v8, $0x5  }
0x2e0: {  	v8 =	vand.u32 $0x60, v8  }
0x2e1: {  	s22 =	simm.s32 $0x0;
	v8 =	vor.u32 v3, v8  }
0x2e2: {  	v9 =	vor.u32 s22, v8;
	_ =	sdelay $0x4  }
0x2e3: {  	s22 =	simm.s32 $0x1;
	v9 =	vld.idx.msk [tilespmem:v9+s20+$0x0], $0xffff  }
0x2e4: {  	v10 =	vor.u32 s22, v8;
	_ =	sdelay $0x3  }
0x2e5: {  	[tilespmem:s11+$0x0] =	vst v9  }
0x2e6: {  	s22 =	simm.s32 $0x2;
	v9 =	vld.idx.msk [tilespmem:v10+s20+$0x0], $0xffff  }
0x2e7: {  	s12 =	simm.s32 $0x3;
	v10 =	vor.u32 s22, v8;
	s22 =	smov.u32 s11  }
.LBB2_59:
0x2e8: {  	p0 =	sne.s32 s12, $0x1F;
	_ =	sdelay $0x1  }
.Ltmp28:
0x2e9: {  	s22 =	sadd.s32 $0x80, s22;
	(pc) =	sbr.rel @p0 .LBB2_59-.Ltmp28, $3  }
0x2ea: {  	[tilespmem:s22+$0x0] =	vst v9  }
0x2eb: {  	v9 =	vld.idx.msk [tilespmem:v10+s20+$0x0], $0xffff;
	_ =	sdelay $0x1  }
0x2ec: {  	v10 =	vor.u32 s12, v8;
	s12 =	sadd.s32 $0x1, s12  }
0x2ed: {  	_ =	sdelay $0x1  }
0x2ee: {  	s12 =	sadd.s32 $0x80, s22  }
0x2ef: {  	[tilespmem:s12+$0x0] =	vst v9  }
0x2f0: {  	v8 =	vld.idx.msk [tilespmem:v10+s20+$0x0], $0xffff;
	_ =	sdelay $0x3  }
0x2f1: {  	s12 =	sadd.s32 $0x80, s12  }
0x2f2: {  	[tilespmem:s12+$0x0] =	vst v8  }
0x2f3: {  	v8 =	vld [tilespmem:s15+$0x5C0];
	_ =	sdelay $0x4  }
0x2f4: {  	v8 =	vshll.u32 v8, $0x5  }
0x2f5: {  	v8 =	vand.u32 $0x60, v8  }
0x2f6: {  	s22 =	simm.s32 $0x0;
	v8 =	vor.u32 v4, v8  }
0x2f7: {  	v9 =	vor.u32 s22, v8;
	_ =	sdelay $0x4  }
0x2f8: {  	s22 =	simm.s32 $0x1;
	v9 =	vld.idx.msk [tilespmem:v9+s20+$0x0], $0xffff  }
0x2f9: {  	v10 =	vor.u32 s22, v8;
	_ =	sdelay $0x3  }
0x2fa: {  	[tilespmem:s4+$0x0] =	vst v9  }
0x2fb: {  	s22 =	simm.s32 $0x2;
	v9 =	vld.idx.msk [tilespmem:v10+s20+$0x0], $0xffff  }
0x2fc: {  	s12 =	simm.s32 $0x3;
	v10 =	vor.u32 s22, v8;
	s22 =	smov.u32 s4  }
.LBB2_61:
0x2fd: {  	p0 =	sne.s32 s12, $0x1F;
	_ =	sdelay $0x1  }
.Ltmp29:
0x2fe: {  	s22 =	sadd.s32 $0x80, s22;
	(pc) =	sbr.rel @p0 .LBB2_61-.Ltmp29, $3  }
0x2ff: {  	[tilespmem:s22+$0x0] =	vst v9  }
0x300: {  	v9 =	vld.idx.msk [tilespmem:v10+s20+$0x0], $0xffff;
	_ =	sdelay $0x1  }
0x301: {  	v10 =	vor.u32 s12, v8;
	s12 =	sadd.s32 $0x1, s12  }
0x302: {  	_ =	sdelay $0x1  }
0x303: {  	s12 =	sadd.s32 $0x80, s22  }
0x304: {  	[tilespmem:s12+$0x0] =	vst v9  }
0x305: {  	v8 =	vld.idx.msk [tilespmem:v10+s20+$0x0], $0xffff;
	_ =	sdelay $0x3  }
0x306: {  	s12 =	sadd.s32 $0x80, s12  }
0x307: {  	[tilespmem:s12+$0x0] =	vst v8  }
0x308: {  	v8 =	vld [tilespmem:s15+$0x5D0];
	_ =	sdelay $0x4  }
0x309: {  	v8 =	vshll.u32 v8, $0x5  }
0x30a: {  	v8 =	vand.u32 $0x60, v8  }
0x30b: {  	s22 =	simm.s32 $0x0;
	v8 =	vor.u32 v5, v8  }
0x30c: {  	v9 =	vor.u32 s22, v8;
	_ =	sdelay $0x4  }
0x30d: {  	s22 =	simm.s32 $0x1;
	v9 =	vld.idx.msk [tilespmem:v9+s20+$0x0], $0xffff  }
0x30e: {  	v10 =	vor.u32 s22, v8;
	_ =	sdelay $0x3  }
0x30f: {  	[tilespmem:s5+$0x0] =	vst v9  }
0x310: {  	s22 =	simm.s32 $0x2;
	v9 =	vld.idx.msk [tilespmem:v10+s20+$0x0], $0xffff  }
0x311: {  	s12 =	simm.s32 $0x3;
	v10 =	vor.u32 s22, v8;
	s22 =	smov.u32 s5  }
.LBB2_63:
0x312: {  	p0 =	sne.s32 s12, $0x1F;
	_ =	sdelay $0x1  }
.Ltmp30:
0x313: {  	s22 =	sadd.s32 $0x80, s22;
	(pc) =	sbr.rel @p0 .LBB2_63-.Ltmp30, $3  }
0x314: {  	[tilespmem:s22+$0x0] =	vst v9  }
0x315: {  	v9 =	vld.idx.msk [tilespmem:v10+s20+$0x0], $0xffff;
	_ =	sdelay $0x1  }
0x316: {  	v10 =	vor.u32 s12, v8;
	s12 =	sadd.s32 $0x1, s12  }
0x317: {  	_ =	sdelay $0x1  }
0x318: {  	s12 =	sadd.s32 $0x80, s22  }
0x319: {  	[tilespmem:s12+$0x0] =	vst v9  }
0x31a: {  	v8 =	vld.idx.msk [tilespmem:v10+s20+$0x0], $0xffff;
	_ =	sdelay $0x3  }
0x31b: {  	s12 =	sadd.s32 $0x80, s12  }
0x31c: {  	[tilespmem:s12+$0x0] =	vst v8  }
0x31d: {  	v8 =	vld [tilespmem:s15+$0x5E0];
	_ =	sdelay $0x4  }
0x31e: {  	v8 =	vshll.u32 v8, $0x5  }
0x31f: {  	v8 =	vand.u32 $0x60, v8  }
0x320: {  	s22 =	simm.s32 $0x0;
	v8 =	vor.u32 v6, v8  }
0x321: {  	v9 =	vor.u32 s22, v8;
	_ =	sdelay $0x4  }
0x322: {  	s22 =	simm.s32 $0x1;
	v9 =	vld.idx.msk [tilespmem:v9+s20+$0x0], $0xffff  }
0x323: {  	v10 =	vor.u32 s22, v8;
	_ =	sdelay $0x3  }
0x324: {  	[tilespmem:s29+$0x0] =	vst v9  }
0x325: {  	s22 =	simm.s32 $0x2;
	v9 =	vld.idx.msk [tilespmem:v10+s20+$0x0], $0xffff  }
0x326: {  	s12 =	simm.s32 $0x3;
	v10 =	vor.u32 s22, v8;
	s22 =	smov.u32 s29  }
.LBB2_65:
0x327: {  	p0 =	sne.s32 s12, $0x1F;
	_ =	sdelay $0x1  }
.Ltmp31:
0x328: {  	s22 =	sadd.s32 $0x80, s22;
	(pc) =	sbr.rel @p0 .LBB2_65-.Ltmp31, $3  }
0x329: {  	[tilespmem:s22+$0x0] =	vst v9  }
0x32a: {  	v9 =	vld.idx.msk [tilespmem:v10+s20+$0x0], $0xffff;
	_ =	sdelay $0x1  }
0x32b: {  	v10 =	vor.u32 s12, v8;
	s12 =	sadd.s32 $0x1, s12  }
0x32c: {  	_ =	sdelay $0x1  }
0x32d: {  	s12 =	sadd.s32 $0x80, s22  }
0x32e: {  	[tilespmem:s12+$0x0] =	vst v9  }
0x32f: {  	v8 =	vld.idx.msk [tilespmem:v10+s20+$0x0], $0xffff;
	_ =	sdelay $0x3  }
0x330: {  	s12 =	sadd.s32 $0x80, s12  }
0x331: {  	[tilespmem:s12+$0x0] =	vst v8  }
0x332: {  	v8 =	vld [tilespmem:s15+$0x5F0];
	_ =	sdelay $0x4  }
0x333: {  	v8 =	vshll.u32 v8, $0x5  }
0x334: {  	v8 =	vand.u32 $0x60, v8  }
0x335: {  	s22 =	simm.s32 $0x0;
	v8 =	vor.u32 v7, v8  }
0x336: {  	v9 =	vor.u32 s22, v8;
	_ =	sdelay $0x4  }
0x337: {  	s15 =	simm.s32 $0x1;
	v9 =	vld.idx.msk [tilespmem:v9+s20+$0x0], $0xffff  }
0x338: {  	v10 =	vor.u32 s15, v8;
	_ =	sdelay $0x3  }
0x339: {  	[tilespmem:s30+$0x0] =	vst v9  }
0x33a: {  	s22 =	simm.s32 $0x2;
	v9 =	vld.idx.msk [tilespmem:v10+s20+$0x0], $0xffff  }
0x33b: {  	s12 =	simm.s32 $0x3;
	s15 =	smov.u32 s30;
	v10 =	vor.u32 s22, v8  }
.LBB2_67:
0x33c: {  	p0 =	sne.s32 s12, $0x1F;
	_ =	sdelay $0x1  }
.Ltmp32:
0x33d: {  	s15 =	sadd.s32 $0x80, s15;
	(pc) =	sbr.rel @p0 .LBB2_67-.Ltmp32, $3  }
0x33e: {  	[tilespmem:s15+$0x0] =	vst v9  }
0x33f: {  	v9 =	vld.idx.msk [tilespmem:v10+s20+$0x0], $0xffff;
	_ =	sdelay $0x1  }
0x340: {  	v10 =	vor.u32 s12, v8;
	s12 =	sadd.s32 $0x1, s12  }
0x341: {  	_ =	sdelay $0x1  }
0x342: {  	s12 =	sadd.s32 $0x80, s15  }
0x343: {  	s31 =	sadd.s32 $0x1, s31;
	s28 =	sadd.s32 $0x2000, s28;
	[tilespmem:s12+$0x0] =	vst v9  }
0x344: {  	s0 =	sadd.s32 $0x2000, s0;
	s1 =	sadd.s32 $0x2000, s1;
	p0 =	sne.s32 s31, $0x5;
	v8 =	vld.idx.msk [tilespmem:v10+s20+$0x0], $0xffff  }
.Ltmp33:
0x345: {  	s14 =	sadd.s32 $0x2000, s14;
	s23 =	sadd.s32 $0x2000, s23;
	(pc) =	sbr.rel @p0 .LBB2_36-.Ltmp33, $4  }
0x346: {  	s2 =	sadd.s32 $0x2000, s2;
	s6 =	sadd.s32 $0x2000, s6;
	s7 =	sadd.s32 $0x2000, s7  }
0x347: {  	s8 =	sadd.s32 $0x2000, s8;
	s9 =	sadd.s32 $0x2000, s9;
	s10 =	sadd.s32 $0x2000, s10  }
0x348: {  	s11 =	sadd.s32 $0x2000, s11;
	s4 =	sadd.s32 $0x2000, s4;
	s12 =	sadd.s32 $0x80, s12  }
0x349: {  	s5 =	sadd.s32 $0x2000, s5;
	s29 =	sadd.s32 $0x2000, s29;
	s30 =	sadd.s32 $0x2000, s30;
	[tilespmem:s12+$0x0] =	vst v8  }
0x34a: {  	s0 =	rddreg [dreg:$0x7];
	s1 =	simm.s32 $0x400;
	s2 =	simm.s32 $0xBC00  }
0x34b: {  	s26 =	simm.s32 $0x0;
	s28 =	simm.s32 $0x1C00;
	s14 =	simm.s32 $0x1C30  }
0x34c: {  	s23 =	simm.s32 $0x1C40;
	s6 =	simm.s32 $0x1C60;
	s7 =	simm.s32 $0x1C70  }
0x34d: {  	s8 =	simm.s32 $0x2C00;
	s9 =	simm.s32 $0x2C10;
	s10 =	simm.s32 $0x2C20  }
0x34e: {  	s11 =	simm.s32 $0x2C30;
	s4 =	simm.s32 $0x2C40;
	s5 =	simm.s32 $0x2C50  }
0x34f: {  	[hbm4b:s0+s1] =	stream.strided.scatter [tilespmem:s2], [sflag:$0x2], $0xA000, s13, s1, $0x38;
	[tilespmem:$0x1DD00] =	vst v63  }
0x350: {  	s29 =	simm.s32 $0x2C60;
	s30 =	simm.s32 $0x2C70;
	_ =	swait.ge [sflag:s24], $0xA000  }
0x351: {  	s31 =	simm.s32 $0x0;
	s0 =	simm.s32 $0x1C10;
	[sflag:s24] =	ssyncset.done $0x0  }
0x352: {  	s1 =	simm.s32 $0x1C20;
	s2 =	simm.s32 $0x1C50;
	[sflag:s24] =	ssyncadd.s32 $0xFFFF6000  }
.LBB2_70:
0x353: {  	s12 =	sshll.u32 s31, $0x8  }
0x354: {  	s15 =	sand.u32 $0x3FFFFF00, s12  }
0x355: {  	v8 =	vld [tilespmem:s15+$0xA80];
	_ =	sdelay $0x4  }
0x356: {  	v8 =	vshrl.u32 v8, $0x2  }
0x357: {  	[tilespmem:$0x1DC80] =	vst v8  }
0x358: {  	v8 =	vld [tilespmem:s15+$0xA90];
	_ =	sdelay $0x4  }
0x359: {  	v8 =	vshrl.u32 v8, $0x2  }
0x35a: {  	[tilespmem:$0x1DC90] =	vst v8  }
0x35b: {  	v8 =	vld [tilespmem:s15+$0xAA0];
	_ =	sdelay $0x4  }
0x35c: {  	v8 =	vshrl.u32 v8, $0x2  }
0x35d: {  	[tilespmem:$0x1DCA0] =	vst v8  }
0x35e: {  	v8 =	vld [tilespmem:s15+$0xAB0];
	_ =	sdelay $0x4  }
0x35f: {  	v8 =	vshrl.u32 v8, $0x2  }
0x360: {  	[tilespmem:$0x1DCB0] =	vst v8  }
0x361: {  	v8 =	vld [tilespmem:s15+$0xAC0];
	_ =	sdelay $0x4  }
0x362: {  	v8 =	vshrl.u32 v8, $0x2  }
0x363: {  	[tilespmem:$0x1DCC0] =	vst v8  }
0x364: {  	v8 =	vld [tilespmem:s15+$0xAD0];
	_ =	sdelay $0x4  }
0x365: {  	v8 =	vshrl.u32 v8, $0x2  }
0x366: {  	[tilespmem:$0x1DCD0] =	vst v8  }
0x367: {  	v8 =	vld [tilespmem:s15+$0xAE0];
	_ =	sdelay $0x4  }
0x368: {  	v8 =	vshrl.u32 v8, $0x2  }
0x369: {  	[tilespmem:$0x1DCE0] =	vst v8  }
0x36a: {  	v8 =	vld [tilespmem:s15+$0xAF0];
	_ =	sdelay $0x4  }
0x36b: {  	v8 =	vshrl.u32 v8, $0x2  }
0x36c: {  	[tilespmem:$0x1DCF0] =	vst v8  }
0x36d: {  	[tilespmem:s20], [sflag:$0x1] =	stream.indirect.gather [hbm4b:s3+s16], $0x80, s19, s16, $0xb8;
	[tilespmem:$0x1DD00] =	vst v63  }
0x36e: {  	_ =	swait.ge [sflag:s21], $0x4000  }
0x36f: {  	[sflag:s21] =	ssyncset.done $0x0  }
0x370: {  	[sflag:s21] =	ssyncadd.s32 $0xFFFFC000  }
0x371: {  	v8 =	vld [tilespmem:s15+$0xA00];
	_ =	sdelay $0x4  }
0x372: {  	v8 =	vshll.u32 v8, $0x5  }
0x373: {  	v8 =	vand.u32 $0x60, v8  }
0x374: {  	v8 =	vor.u32 v0, v8  }
0x375: {  	v9 =	vor.u32 s26, v8;
	_ =	sdelay $0x4  }
0x376: {  	s22 =	simm.s32 $0x1;
	v9 =	vld.idx.msk [tilespmem:v9+s18+$0x0], $0xffff  }
0x377: {  	v10 =	vor.u32 s22, v8;
	_ =	sdelay $0x3  }
0x378: {  	[tilespmem:s28+$0x0] =	vst v9  }
0x379: {  	s22 =	simm.s32 $0x2;
	v9 =	vld.idx.msk [tilespmem:v10+s18+$0x0], $0xffff  }
0x37a: {  	s12 =	simm.s32 $0x3;
	v10 =	vor.u32 s22, v8;
	s22 =	smov.u32 s28  }
.LBB2_71:
0x37b: {  	p0 =	sne.s32 s12, $0x1F;
	_ =	sdelay $0x1  }
.Ltmp34:
0x37c: {  	s22 =	sadd.s32 $0x80, s22;
	(pc) =	sbr.rel @p0 .LBB2_71-.Ltmp34, $3  }
0x37d: {  	[tilespmem:s22+$0x0] =	vst v9  }
0x37e: {  	v9 =	vld.idx.msk [tilespmem:v10+s18+$0x0], $0xffff;
	_ =	sdelay $0x1  }
0x37f: {  	v10 =	vor.u32 s12, v8;
	s12 =	sadd.s32 $0x1, s12  }
0x380: {  	_ =	sdelay $0x1  }
0x381: {  	s12 =	sadd.s32 $0x80, s22  }
0x382: {  	[tilespmem:s12+$0x0] =	vst v9  }
0x383: {  	v8 =	vld.idx.msk [tilespmem:v10+s18+$0x0], $0xffff;
	_ =	sdelay $0x3  }
0x384: {  	s12 =	sadd.s32 $0x80, s12  }
0x385: {  	[tilespmem:s12+$0x0] =	vst v8  }
0x386: {  	v8 =	vld [tilespmem:s15+$0xA10];
	_ =	sdelay $0x4  }
0x387: {  	v8 =	vshll.u32 v8, $0x5  }
0x388: {  	v8 =	vand.u32 $0x60, v8  }
0x389: {  	s22 =	simm.s32 $0x0;
	v8 =	vor.u32 v1, v8  }
0x38a: {  	v9 =	vor.u32 s22, v8;
	_ =	sdelay $0x4  }
0x38b: {  	s22 =	simm.s32 $0x1;
	v9 =	vld.idx.msk [tilespmem:v9+s18+$0x0], $0xffff  }
0x38c: {  	v10 =	vor.u32 s22, v8;
	_ =	sdelay $0x3  }
0x38d: {  	[tilespmem:s0+$0x0] =	vst v9  }
0x38e: {  	s22 =	simm.s32 $0x2;
	v9 =	vld.idx.msk [tilespmem:v10+s18+$0x0], $0xffff  }
0x38f: {  	s12 =	simm.s32 $0x3;
	v10 =	vor.u32 s22, v8;
	s22 =	smov.u32 s0  }
.LBB2_73:
0x390: {  	p0 =	sne.s32 s12, $0x1F;
	_ =	sdelay $0x1  }
.Ltmp35:
0x391: {  	s22 =	sadd.s32 $0x80, s22;
	(pc) =	sbr.rel @p0 .LBB2_73-.Ltmp35, $3  }
0x392: {  	[tilespmem:s22+$0x0] =	vst v9  }
0x393: {  	v9 =	vld.idx.msk [tilespmem:v10+s18+$0x0], $0xffff;
	_ =	sdelay $0x1  }
0x394: {  	v10 =	vor.u32 s12, v8;
	s12 =	sadd.s32 $0x1, s12  }
0x395: {  	_ =	sdelay $0x1  }
0x396: {  	s12 =	sadd.s32 $0x80, s22  }
0x397: {  	[tilespmem:s12+$0x0] =	vst v9  }
0x398: {  	v8 =	vld.idx.msk [tilespmem:v10+s18+$0x0], $0xffff;
	_ =	sdelay $0x3  }
0x399: {  	s12 =	sadd.s32 $0x80, s12  }
0x39a: {  	[tilespmem:s12+$0x0] =	vst v8  }
0x39b: {  	v8 =	vld [tilespmem:s15+$0xA20];
	_ =	sdelay $0x4  }
0x39c: {  	v8 =	vshll.u32 v8, $0x5  }
0x39d: {  	v8 =	vand.u32 $0x60, v8  }
0x39e: {  	s22 =	simm.s32 $0x0;
	v8 =	vor.u32 v2, v8  }
0x39f: {  	v9 =	vor.u32 s22, v8;
	_ =	sdelay $0x4  }
0x3a0: {  	s22 =	simm.s32 $0x1;
	v9 =	vld.idx.msk [tilespmem:v9+s18+$0x0], $0xffff  }
0x3a1: {  	v10 =	vor.u32 s22, v8;
	_ =	sdelay $0x3  }
0x3a2: {  	[tilespmem:s1+$0x0] =	vst v9  }
0x3a3: {  	s22 =	simm.s32 $0x2;
	v9 =	vld.idx.msk [tilespmem:v10+s18+$0x0], $0xffff  }
0x3a4: {  	s12 =	simm.s32 $0x3;
	v10 =	vor.u32 s22, v8;
	s22 =	smov.u32 s1  }
.LBB2_75:
0x3a5: {  	p0 =	sne.s32 s12, $0x1F;
	_ =	sdelay $0x1  }
.Ltmp36:
0x3a6: {  	s22 =	sadd.s32 $0x80, s22;
	(pc) =	sbr.rel @p0 .LBB2_75-.Ltmp36, $3  }
0x3a7: {  	[tilespmem:s22+$0x0] =	vst v9  }
0x3a8: {  	v9 =	vld.idx.msk [tilespmem:v10+s18+$0x0], $0xffff;
	_ =	sdelay $0x1  }
0x3a9: {  	v10 =	vor.u32 s12, v8;
	s12 =	sadd.s32 $0x1, s12  }
0x3aa: {  	_ =	sdelay $0x1  }
0x3ab: {  	s12 =	sadd.s32 $0x80, s22  }
0x3ac: {  	[tilespmem:s12+$0x0] =	vst v9  }
0x3ad: {  	v8 =	vld.idx.msk [tilespmem:v10+s18+$0x0], $0xffff;
	_ =	sdelay $0x3  }
0x3ae: {  	s12 =	sadd.s32 $0x80, s12  }
0x3af: {  	[tilespmem:s12+$0x0] =	vst v8  }
0x3b0: {  	v8 =	vld [tilespmem:s15+$0xA30];
	_ =	sdelay $0x4  }
0x3b1: {  	v8 =	vshll.u32 v8, $0x5  }
0x3b2: {  	v8 =	vand.u32 $0x60, v8  }
0x3b3: {  	s22 =	simm.s32 $0x0;
	v8 =	vor.u32 v3, v8  }
0x3b4: {  	v9 =	vor.u32 s22, v8;
	_ =	sdelay $0x4  }
0x3b5: {  	s22 =	simm.s32 $0x1;
	v9 =	vld.idx.msk [tilespmem:v9+s18+$0x0], $0xffff  }
0x3b6: {  	v10 =	vor.u32 s22, v8;
	_ =	sdelay $0x3  }
0x3b7: {  	[tilespmem:s14+$0x0] =	vst v9  }
0x3b8: {  	s22 =	simm.s32 $0x2;
	v9 =	vld.idx.msk [tilespmem:v10+s18+$0x0], $0xffff  }
0x3b9: {  	s12 =	simm.s32 $0x3;
	v10 =	vor.u32 s22, v8;
	s22 =	smov.u32 s14  }
.LBB2_77:
0x3ba: {  	p0 =	sne.s32 s12, $0x1F;
	_ =	sdelay $0x1  }
.Ltmp37:
0x3bb: {  	s22 =	sadd.s32 $0x80, s22;
	(pc) =	sbr.rel @p0 .LBB2_77-.Ltmp37, $3  }
0x3bc: {  	[tilespmem:s22+$0x0] =	vst v9  }
0x3bd: {  	v9 =	vld.idx.msk [tilespmem:v10+s18+$0x0], $0xffff;
	_ =	sdelay $0x1  }
0x3be: {  	v10 =	vor.u32 s12, v8;
	s12 =	sadd.s32 $0x1, s12  }
0x3bf: {  	_ =	sdelay $0x1  }
0x3c0: {  	s12 =	sadd.s32 $0x80, s22  }
0x3c1: {  	[tilespmem:s12+$0x0] =	vst v9  }
0x3c2: {  	v8 =	vld.idx.msk [tilespmem:v10+s18+$0x0], $0xffff;
	_ =	sdelay $0x3  }
0x3c3: {  	s12 =	sadd.s32 $0x80, s12  }
0x3c4: {  	[tilespmem:s12+$0x0] =	vst v8  }
0x3c5: {  	v8 =	vld [tilespmem:s15+$0xA40];
	_ =	sdelay $0x4  }
0x3c6: {  	v8 =	vshll.u32 v8, $0x5  }
0x3c7: {  	v8 =	vand.u32 $0x60, v8  }
0x3c8: {  	s22 =	simm.s32 $0x0;
	v8 =	vor.u32 v4, v8  }
0x3c9: {  	v9 =	vor.u32 s22, v8;
	_ =	sdelay $0x4  }
0x3ca: {  	s22 =	simm.s32 $0x1;
	v9 =	vld.idx.msk [tilespmem:v9+s18+$0x0], $0xffff  }
0x3cb: {  	v10 =	vor.u32 s22, v8;
	_ =	sdelay $0x3  }
0x3cc: {  	[tilespmem:s23+$0x0] =	vst v9  }
0x3cd: {  	s22 =	simm.s32 $0x2;
	v9 =	vld.idx.msk [tilespmem:v10+s18+$0x0], $0xffff  }
0x3ce: {  	s12 =	simm.s32 $0x3;
	v10 =	vor.u32 s22, v8;
	s22 =	smov.u32 s23  }
.LBB2_79:
0x3cf: {  	p0 =	sne.s32 s12, $0x1F;
	_ =	sdelay $0x1  }
.Ltmp38:
0x3d0: {  	s22 =	sadd.s32 $0x80, s22;
	(pc) =	sbr.rel @p0 .LBB2_79-.Ltmp38, $3  }
0x3d1: {  	[tilespmem:s22+$0x0] =	vst v9  }
0x3d2: {  	v9 =	vld.idx.msk [tilespmem:v10+s18+$0x0], $0xffff;
	_ =	sdelay $0x1  }
0x3d3: {  	v10 =	vor.u32 s12, v8;
	s12 =	sadd.s32 $0x1, s12  }
0x3d4: {  	_ =	sdelay $0x1  }
0x3d5: {  	s12 =	sadd.s32 $0x80, s22  }
0x3d6: {  	[tilespmem:s12+$0x0] =	vst v9  }
0x3d7: {  	v8 =	vld.idx.msk [tilespmem:v10+s18+$0x0], $0xffff;
	_ =	sdelay $0x3  }
0x3d8: {  	s12 =	sadd.s32 $0x80, s12  }
0x3d9: {  	[tilespmem:s12+$0x0] =	vst v8  }
0x3da: {  	v8 =	vld [tilespmem:s15+$0xA50];
	_ =	sdelay $0x4  }
0x3db: {  	v8 =	vshll.u32 v8, $0x5  }
0x3dc: {  	v8 =	vand.u32 $0x60, v8  }
0x3dd: {  	s22 =	simm.s32 $0x0;
	v8 =	vor.u32 v5, v8  }
0x3de: {  	v9 =	vor.u32 s22, v8;
	_ =	sdelay $0x4  }
0x3df: {  	s22 =	simm.s32 $0x1;
	v9 =	vld.idx.msk [tilespmem:v9+s18+$0x0], $0xffff  }
0x3e0: {  	v10 =	vor.u32 s22, v8;
	_ =	sdelay $0x3  }
0x3e1: {  	[tilespmem:s2+$0x0] =	vst v9  }
0x3e2: {  	s22 =	simm.s32 $0x2;
	v9 =	vld.idx.msk [tilespmem:v10+s18+$0x0], $0xffff  }
0x3e3: {  	s12 =	simm.s32 $0x3;
	v10 =	vor.u32 s22, v8;
	s22 =	smov.u32 s2  }
.LBB2_81:
0x3e4: {  	p0 =	sne.s32 s12, $0x1F;
	_ =	sdelay $0x1  }
.Ltmp39:
0x3e5: {  	s22 =	sadd.s32 $0x80, s22;
	(pc) =	sbr.rel @p0 .LBB2_81-.Ltmp39, $3  }
0x3e6: {  	[tilespmem:s22+$0x0] =	vst v9  }
0x3e7: {  	v9 =	vld.idx.msk [tilespmem:v10+s18+$0x0], $0xffff;
	_ =	sdelay $0x1  }
0x3e8: {  	v10 =	vor.u32 s12, v8;
	s12 =	sadd.s32 $0x1, s12  }
0x3e9: {  	_ =	sdelay $0x1  }
0x3ea: {  	s12 =	sadd.s32 $0x80, s22  }
0x3eb: {  	[tilespmem:s12+$0x0] =	vst v9  }
0x3ec: {  	v8 =	vld.idx.msk [tilespmem:v10+s18+$0x0], $0xffff;
	_ =	sdelay $0x3  }
0x3ed: {  	s12 =	sadd.s32 $0x80, s12  }
0x3ee: {  	[tilespmem:s12+$0x0] =	vst v8  }
0x3ef: {  	v8 =	vld [tilespmem:s15+$0xA60];
	_ =	sdelay $0x4  }
0x3f0: {  	v8 =	vshll.u32 v8, $0x5  }
0x3f1: {  	v8 =	vand.u32 $0x60, v8  }
0x3f2: {  	s22 =	simm.s32 $0x0;
	v8 =	vor.u32 v6, v8  }
0x3f3: {  	v9 =	vor.u32 s22, v8;
	_ =	sdelay $0x4  }
0x3f4: {  	s22 =	simm.s32 $0x1;
	v9 =	vld.idx.msk [tilespmem:v9+s18+$0x0], $0xffff  }
0x3f5: {  	v10 =	vor.u32 s22, v8;
	_ =	sdelay $0x3  }
0x3f6: {  	[tilespmem:s6+$0x0] =	vst v9  }
0x3f7: {  	s22 =	simm.s32 $0x2;
	v9 =	vld.idx.msk [tilespmem:v10+s18+$0x0], $0xffff  }
0x3f8: {  	s12 =	simm.s32 $0x3;
	v10 =	vor.u32 s22, v8;
	s22 =	smov.u32 s6  }
.LBB2_83:
0x3f9: {  	p0 =	sne.s32 s12, $0x1F;
	_ =	sdelay $0x1  }
.Ltmp40:
0x3fa: {  	s22 =	sadd.s32 $0x80, s22;
	(pc) =	sbr.rel @p0 .LBB2_83-.Ltmp40, $3  }
0x3fb: {  	[tilespmem:s22+$0x0] =	vst v9  }
0x3fc: {  	v9 =	vld.idx.msk [tilespmem:v10+s18+$0x0], $0xffff;
	_ =	sdelay $0x1  }
0x3fd: {  	v10 =	vor.u32 s12, v8;
	s12 =	sadd.s32 $0x1, s12  }
0x3fe: {  	_ =	sdelay $0x1  }
0x3ff: {  	s12 =	sadd.s32 $0x80, s22  }
0x400: {  	[tilespmem:s12+$0x0] =	vst v9  }
0x401: {  	v8 =	vld.idx.msk [tilespmem:v10+s18+$0x0], $0xffff;
	_ =	sdelay $0x3  }
0x402: {  	s12 =	sadd.s32 $0x80, s12  }
0x403: {  	[tilespmem:s12+$0x0] =	vst v8  }
0x404: {  	v8 =	vld [tilespmem:s15+$0xA70];
	_ =	sdelay $0x4  }
0x405: {  	v8 =	vshll.u32 v8, $0x5  }
0x406: {  	v8 =	vand.u32 $0x60, v8  }
0x407: {  	s22 =	simm.s32 $0x0;
	v8 =	vor.u32 v7, v8  }
0x408: {  	v9 =	vor.u32 s22, v8;
	_ =	sdelay $0x4  }
0x409: {  	s22 =	simm.s32 $0x1;
	v9 =	vld.idx.msk [tilespmem:v9+s18+$0x0], $0xffff  }
0x40a: {  	v10 =	vor.u32 s22, v8;
	_ =	sdelay $0x3  }
0x40b: {  	[tilespmem:s7+$0x0] =	vst v9  }
0x40c: {  	s22 =	simm.s32 $0x2;
	v9 =	vld.idx.msk [tilespmem:v10+s18+$0x0], $0xffff  }
0x40d: {  	s12 =	simm.s32 $0x3;
	v10 =	vor.u32 s22, v8;
	s22 =	smov.u32 s7  }
.LBB2_85:
0x40e: {  	p0 =	sne.s32 s12, $0x1F;
	_ =	sdelay $0x1  }
.Ltmp41:
0x40f: {  	s22 =	sadd.s32 $0x80, s22;
	(pc) =	sbr.rel @p0 .LBB2_85-.Ltmp41, $3  }
0x410: {  	[tilespmem:s22+$0x0] =	vst v9  }
0x411: {  	v9 =	vld.idx.msk [tilespmem:v10+s18+$0x0], $0xffff;
	_ =	sdelay $0x1  }
0x412: {  	v10 =	vor.u32 s12, v8;
	s12 =	sadd.s32 $0x1, s12  }
0x413: {  	_ =	sdelay $0x1  }
0x414: {  	s12 =	sadd.s32 $0x80, s22  }
0x415: {  	[tilespmem:s12+$0x0] =	vst v9  }
0x416: {  	v8 =	vld.idx.msk [tilespmem:v10+s18+$0x0], $0xffff;
	_ =	sdelay $0x3  }
0x417: {  	s12 =	sadd.s32 $0x80, s12  }
0x418: {  	[tilespmem:s12+$0x0] =	vst v8  }
0x419: {  	v8 =	vld [tilespmem:s15+$0xB00];
	_ =	sdelay $0x4  }
0x41a: {  	v8 =	vshrl.u32 v8, $0x2  }
0x41b: {  	[tilespmem:$0x1DC00] =	vst v8  }
0x41c: {  	v8 =	vld [tilespmem:s15+$0xB10];
	_ =	sdelay $0x4  }
0x41d: {  	v8 =	vshrl.u32 v8, $0x2  }
0x41e: {  	[tilespmem:$0x1DC10] =	vst v8  }
0x41f: {  	v8 =	vld [tilespmem:s15+$0xB20];
	_ =	sdelay $0x4  }
0x420: {  	v8 =	vshrl.u32 v8, $0x2  }
0x421: {  	[tilespmem:$0x1DC20] =	vst v8  }
0x422: {  	v8 =	vld [tilespmem:s15+$0xB30];
	_ =	sdelay $0x4  }
0x423: {  	v8 =	vshrl.u32 v8, $0x2  }
0x424: {  	[tilespmem:$0x1DC30] =	vst v8  }
0x425: {  	v8 =	vld [tilespmem:s15+$0xB40];
	_ =	sdelay $0x4  }
0x426: {  	v8 =	vshrl.u32 v8, $0x2  }
0x427: {  	[tilespmem:$0x1DC40] =	vst v8  }
0x428: {  	v8 =	vld [tilespmem:s15+$0xB50];
	_ =	sdelay $0x4  }
0x429: {  	v8 =	vshrl.u32 v8, $0x2  }
0x42a: {  	[tilespmem:$0x1DC50] =	vst v8  }
0x42b: {  	v8 =	vld [tilespmem:s15+$0xB60];
	_ =	sdelay $0x4  }
0x42c: {  	v8 =	vshrl.u32 v8, $0x2  }
0x42d: {  	[tilespmem:$0x1DC60] =	vst v8  }
0x42e: {  	v8 =	vld [tilespmem:s15+$0xB70];
	_ =	sdelay $0x4  }
0x42f: {  	v8 =	vshrl.u32 v8, $0x2  }
0x430: {  	[tilespmem:$0x1DC70] =	vst v8  }
0x431: {  	[tilespmem:s18], [sflag:$0x1] =	stream.indirect.gather [hbm4b:s3+s16], $0x80, s17, s16, $0xb8;
	[tilespmem:$0x1DD00] =	vst v63  }
0x432: {  	_ =	swait.ge [sflag:s21], $0x4000  }
0x433: {  	[sflag:s21] =	ssyncset.done $0x0  }
0x434: {  	[sflag:s21] =	ssyncadd.s32 $0xFFFFC000  }
0x435: {  	v8 =	vld [tilespmem:s15+$0xA80];
	_ =	sdelay $0x4  }
0x436: {  	v8 =	vshll.u32 v8, $0x5  }
0x437: {  	v8 =	vand.u32 $0x60, v8  }
0x438: {  	s22 =	simm.s32 $0x0;
	v8 =	vor.u32 v0, v8  }
0x439: {  	v9 =	vor.u32 s22, v8;
	_ =	sdelay $0x4  }
0x43a: {  	s22 =	simm.s32 $0x1;
	v9 =	vld.idx.msk [tilespmem:v9+s20+$0x0], $0xffff  }
0x43b: {  	v10 =	vor.u32 s22, v8;
	_ =	sdelay $0x3  }
0x43c: {  	[tilespmem:s8+$0x0] =	vst v9  }
0x43d: {  	s22 =	simm.s32 $0x2;
	v9 =	vld.idx.msk [tilespmem:v10+s20+$0x0], $0xffff  }
0x43e: {  	s12 =	simm.s32 $0x3;
	v10 =	vor.u32 s22, v8;
	s22 =	smov.u32 s8  }
.LBB2_87:
0x43f: {  	p0 =	sne.s32 s12, $0x1F;
	_ =	sdelay $0x1  }
.Ltmp42:
0x440: {  	s22 =	sadd.s32 $0x80, s22;
	(pc) =	sbr.rel @p0 .LBB2_87-.Ltmp42, $3  }
0x441: {  	[tilespmem:s22+$0x0] =	vst v9  }
0x442: {  	v9 =	vld.idx.msk [tilespmem:v10+s20+$0x0], $0xffff;
	_ =	sdelay $0x1  }
0x443: {  	v10 =	vor.u32 s12, v8;
	s12 =	sadd.s32 $0x1, s12  }
0x444: {  	_ =	sdelay $0x1  }
0x445: {  	s12 =	sadd.s32 $0x80, s22  }
0x446: {  	[tilespmem:s12+$0x0] =	vst v9  }
0x447: {  	v8 =	vld.idx.msk [tilespmem:v10+s20+$0x0], $0xffff;
	_ =	sdelay $0x3  }
0x448: {  	s12 =	sadd.s32 $0x80, s12  }
0x449: {  	[tilespmem:s12+$0x0] =	vst v8  }
0x44a: {  	v8 =	vld [tilespmem:s15+$0xA90];
	_ =	sdelay $0x4  }
0x44b: {  	v8 =	vshll.u32 v8, $0x5  }
0x44c: {  	v8 =	vand.u32 $0x60, v8  }
0x44d: {  	s22 =	simm.s32 $0x0;
	v8 =	vor.u32 v1, v8  }
0x44e: {  	v9 =	vor.u32 s22, v8;
	_ =	sdelay $0x4  }
0x44f: {  	s22 =	simm.s32 $0x1;
	v9 =	vld.idx.msk [tilespmem:v9+s20+$0x0], $0xffff  }
0x450: {  	v10 =	vor.u32 s22, v8;
	_ =	sdelay $0x3  }
0x451: {  	[tilespmem:s9+$0x0] =	vst v9  }
0x452: {  	s22 =	simm.s32 $0x2;
	v9 =	vld.idx.msk [tilespmem:v10+s20+$0x0], $0xffff  }
0x453: {  	s12 =	simm.s32 $0x3;
	v10 =	vor.u32 s22, v8;
	s22 =	smov.u32 s9  }
.LBB2_89:
0x454: {  	p0 =	sne.s32 s12, $0x1F;
	_ =	sdelay $0x1  }
.Ltmp43:
0x455: {  	s22 =	sadd.s32 $0x80, s22;
	(pc) =	sbr.rel @p0 .LBB2_89-.Ltmp43, $3  }
0x456: {  	[tilespmem:s22+$0x0] =	vst v9  }
0x457: {  	v9 =	vld.idx.msk [tilespmem:v10+s20+$0x0], $0xffff;
	_ =	sdelay $0x1  }
0x458: {  	v10 =	vor.u32 s12, v8;
	s12 =	sadd.s32 $0x1, s12  }
0x459: {  	_ =	sdelay $0x1  }
0x45a: {  	s12 =	sadd.s32 $0x80, s22  }
0x45b: {  	[tilespmem:s12+$0x0] =	vst v9  }
0x45c: {  	v8 =	vld.idx.msk [tilespmem:v10+s20+$0x0], $0xffff;
	_ =	sdelay $0x3  }
0x45d: {  	s12 =	sadd.s32 $0x80, s12  }
0x45e: {  	[tilespmem:s12+$0x0] =	vst v8  }
0x45f: {  	v8 =	vld [tilespmem:s15+$0xAA0];
	_ =	sdelay $0x4  }
0x460: {  	v8 =	vshll.u32 v8, $0x5  }
0x461: {  	v8 =	vand.u32 $0x60, v8  }
0x462: {  	s22 =	simm.s32 $0x0;
	v8 =	vor.u32 v2, v8  }
0x463: {  	v9 =	vor.u32 s22, v8;
	_ =	sdelay $0x4  }
0x464: {  	s22 =	simm.s32 $0x1;
	v9 =	vld.idx.msk [tilespmem:v9+s20+$0x0], $0xffff  }
0x465: {  	v10 =	vor.u32 s22, v8;
	_ =	sdelay $0x3  }
0x466: {  	[tilespmem:s10+$0x0] =	vst v9  }
0x467: {  	s22 =	simm.s32 $0x2;
	v9 =	vld.idx.msk [tilespmem:v10+s20+$0x0], $0xffff  }
0x468: {  	s12 =	simm.s32 $0x3;
	v10 =	vor.u32 s22, v8;
	s22 =	smov.u32 s10  }
.LBB2_91:
0x469: {  	p0 =	sne.s32 s12, $0x1F;
	_ =	sdelay $0x1  }
.Ltmp44:
0x46a: {  	s22 =	sadd.s32 $0x80, s22;
	(pc) =	sbr.rel @p0 .LBB2_91-.Ltmp44, $3  }
0x46b: {  	[tilespmem:s22+$0x0] =	vst v9  }
0x46c: {  	v9 =	vld.idx.msk [tilespmem:v10+s20+$0x0], $0xffff;
	_ =	sdelay $0x1  }
0x46d: {  	v10 =	vor.u32 s12, v8;
	s12 =	sadd.s32 $0x1, s12  }
0x46e: {  	_ =	sdelay $0x1  }
0x46f: {  	s12 =	sadd.s32 $0x80, s22  }
0x470: {  	[tilespmem:s12+$0x0] =	vst v9  }
0x471: {  	v8 =	vld.idx.msk [tilespmem:v10+s20+$0x0], $0xffff;
	_ =	sdelay $0x3  }
0x472: {  	s12 =	sadd.s32 $0x80, s12  }
0x473: {  	[tilespmem:s12+$0x0] =	vst v8  }
0x474: {  	v8 =	vld [tilespmem:s15+$0xAB0];
	_ =	sdelay $0x4  }
0x475: {  	v8 =	vshll.u32 v8, $0x5  }
0x476: {  	v8 =	vand.u32 $0x60, v8  }
0x477: {  	s22 =	simm.s32 $0x0;
	v8 =	vor.u32 v3, v8  }
0x478: {  	v9 =	vor.u32 s22, v8;
	_ =	sdelay $0x4  }
0x479: {  	s22 =	simm.s32 $0x1;
	v9 =	vld.idx.msk [tilespmem:v9+s20+$0x0], $0xffff  }
0x47a: {  	v10 =	vor.u32 s22, v8;
	_ =	sdelay $0x3  }
0x47b: {  	[tilespmem:s11+$0x0] =	vst v9  }
0x47c: {  	s22 =	simm.s32 $0x2;
	v9 =	vld.idx.msk [tilespmem:v10+s20+$0x0], $0xffff  }
0x47d: {  	s12 =	simm.s32 $0x3;
	v10 =	vor.u32 s22, v8;
	s22 =	smov.u32 s11  }
.LBB2_93:
0x47e: {  	p0 =	sne.s32 s12, $0x1F;
	_ =	sdelay $0x1  }
.Ltmp45:
0x47f: {  	s22 =	sadd.s32 $0x80, s22;
	(pc) =	sbr.rel @p0 .LBB2_93-.Ltmp45, $3  }
0x480: {  	[tilespmem:s22+$0x0] =	vst v9  }
0x481: {  	v9 =	vld.idx.msk [tilespmem:v10+s20+$0x0], $0xffff;
	_ =	sdelay $0x1  }
0x482: {  	v10 =	vor.u32 s12, v8;
	s12 =	sadd.s32 $0x1, s12  }
0x483: {  	_ =	sdelay $0x1  }
0x484: {  	s12 =	sadd.s32 $0x80, s22  }
0x485: {  	[tilespmem:s12+$0x0] =	vst v9  }
0x486: {  	v8 =	vld.idx.msk [tilespmem:v10+s20+$0x0], $0xffff;
	_ =	sdelay $0x3  }
0x487: {  	s12 =	sadd.s32 $0x80, s12  }
0x488: {  	[tilespmem:s12+$0x0] =	vst v8  }
0x489: {  	v8 =	vld [tilespmem:s15+$0xAC0];
	_ =	sdelay $0x4  }
0x48a: {  	v8 =	vshll.u32 v8, $0x5  }
0x48b: {  	v8 =	vand.u32 $0x60, v8  }
0x48c: {  	s22 =	simm.s32 $0x0;
	v8 =	vor.u32 v4, v8  }
0x48d: {  	v9 =	vor.u32 s22, v8;
	_ =	sdelay $0x4  }
0x48e: {  	s22 =	simm.s32 $0x1;
	v9 =	vld.idx.msk [tilespmem:v9+s20+$0x0], $0xffff  }
0x48f: {  	v10 =	vor.u32 s22, v8;
	_ =	sdelay $0x3  }
0x490: {  	[tilespmem:s4+$0x0] =	vst v9  }
0x491: {  	s22 =	simm.s32 $0x2;
	v9 =	vld.idx.msk [tilespmem:v10+s20+$0x0], $0xffff  }
0x492: {  	s12 =	simm.s32 $0x3;
	v10 =	vor.u32 s22, v8;
	s22 =	smov.u32 s4  }
.LBB2_95:
0x493: {  	p0 =	sne.s32 s12, $0x1F;
	_ =	sdelay $0x1  }
.Ltmp46:
0x494: {  	s22 =	sadd.s32 $0x80, s22;
	(pc) =	sbr.rel @p0 .LBB2_95-.Ltmp46, $3  }
0x495: {  	[tilespmem:s22+$0x0] =	vst v9  }
0x496: {  	v9 =	vld.idx.msk [tilespmem:v10+s20+$0x0], $0xffff;
	_ =	sdelay $0x1  }
0x497: {  	v10 =	vor.u32 s12, v8;
	s12 =	sadd.s32 $0x1, s12  }
0x498: {  	_ =	sdelay $0x1  }
0x499: {  	s12 =	sadd.s32 $0x80, s22  }
0x49a: {  	[tilespmem:s12+$0x0] =	vst v9  }
0x49b: {  	v8 =	vld.idx.msk [tilespmem:v10+s20+$0x0], $0xffff;
	_ =	sdelay $0x3  }
0x49c: {  	s12 =	sadd.s32 $0x80, s12  }
0x49d: {  	[tilespmem:s12+$0x0] =	vst v8  }
0x49e: {  	v8 =	vld [tilespmem:s15+$0xAD0];
	_ =	sdelay $0x4  }
0x49f: {  	v8 =	vshll.u32 v8, $0x5  }
0x4a0: {  	v8 =	vand.u32 $0x60, v8  }
0x4a1: {  	s22 =	simm.s32 $0x0;
	v8 =	vor.u32 v5, v8  }
0x4a2: {  	v9 =	vor.u32 s22, v8;
	_ =	sdelay $0x4  }
0x4a3: {  	s22 =	simm.s32 $0x1;
	v9 =	vld.idx.msk [tilespmem:v9+s20+$0x0], $0xffff  }
0x4a4: {  	v10 =	vor.u32 s22, v8;
	_ =	sdelay $0x3  }
0x4a5: {  	[tilespmem:s5+$0x0] =	vst v9  }
0x4a6: {  	s22 =	simm.s32 $0x2;
	v9 =	vld.idx.msk [tilespmem:v10+s20+$0x0], $0xffff  }
0x4a7: {  	s12 =	simm.s32 $0x3;
	v10 =	vor.u32 s22, v8;
	s22 =	smov.u32 s5  }
.LBB2_97:
0x4a8: {  	p0 =	sne.s32 s12, $0x1F;
	_ =	sdelay $0x1  }
.Ltmp47:
0x4a9: {  	s22 =	sadd.s32 $0x80, s22;
	(pc) =	sbr.rel @p0 .LBB2_97-.Ltmp47, $3  }
0x4aa: {  	[tilespmem:s22+$0x0] =	vst v9  }
0x4ab: {  	v9 =	vld.idx.msk [tilespmem:v10+s20+$0x0], $0xffff;
	_ =	sdelay $0x1  }
0x4ac: {  	v10 =	vor.u32 s12, v8;
	s12 =	sadd.s32 $0x1, s12  }
0x4ad: {  	_ =	sdelay $0x1  }
0x4ae: {  	s12 =	sadd.s32 $0x80, s22  }
0x4af: {  	[tilespmem:s12+$0x0] =	vst v9  }
0x4b0: {  	v8 =	vld.idx.msk [tilespmem:v10+s20+$0x0], $0xffff;
	_ =	sdelay $0x3  }
0x4b1: {  	s12 =	sadd.s32 $0x80, s12  }
0x4b2: {  	[tilespmem:s12+$0x0] =	vst v8  }
0x4b3: {  	v8 =	vld [tilespmem:s15+$0xAE0];
	_ =	sdelay $0x4  }
0x4b4: {  	v8 =	vshll.u32 v8, $0x5  }
0x4b5: {  	v8 =	vand.u32 $0x60, v8  }
0x4b6: {  	s22 =	simm.s32 $0x0;
	v8 =	vor.u32 v6, v8  }
0x4b7: {  	v9 =	vor.u32 s22, v8;
	_ =	sdelay $0x4  }
0x4b8: {  	s22 =	simm.s32 $0x1;
	v9 =	vld.idx.msk [tilespmem:v9+s20+$0x0], $0xffff  }
0x4b9: {  	v10 =	vor.u32 s22, v8;
	_ =	sdelay $0x3  }
0x4ba: {  	[tilespmem:s29+$0x0] =	vst v9  }
0x4bb: {  	s22 =	simm.s32 $0x2;
	v9 =	vld.idx.msk [tilespmem:v10+s20+$0x0], $0xffff  }
0x4bc: {  	s12 =	simm.s32 $0x3;
	v10 =	vor.u32 s22, v8;
	s22 =	smov.u32 s29  }
.LBB2_99:
0x4bd: {  	p0 =	sne.s32 s12, $0x1F;
	_ =	sdelay $0x1  }
.Ltmp48:
0x4be: {  	s22 =	sadd.s32 $0x80, s22;
	(pc) =	sbr.rel @p0 .LBB2_99-.Ltmp48, $3  }
0x4bf: {  	[tilespmem:s22+$0x0] =	vst v9  }
0x4c0: {  	v9 =	vld.idx.msk [tilespmem:v10+s20+$0x0], $0xffff;
	_ =	sdelay $0x1  }
0x4c1: {  	v10 =	vor.u32 s12, v8;
	s12 =	sadd.s32 $0x1, s12  }
0x4c2: {  	_ =	sdelay $0x1  }
0x4c3: {  	s12 =	sadd.s32 $0x80, s22  }
0x4c4: {  	[tilespmem:s12+$0x0] =	vst v9  }
0x4c5: {  	v8 =	vld.idx.msk [tilespmem:v10+s20+$0x0], $0xffff;
	_ =	sdelay $0x3  }
0x4c6: {  	s12 =	sadd.s32 $0x80, s12  }
0x4c7: {  	[tilespmem:s12+$0x0] =	vst v8  }
0x4c8: {  	v8 =	vld [tilespmem:s15+$0xAF0];
	_ =	sdelay $0x4  }
0x4c9: {  	v8 =	vshll.u32 v8, $0x5  }
0x4ca: {  	v8 =	vand.u32 $0x60, v8  }
0x4cb: {  	s22 =	simm.s32 $0x0;
	v8 =	vor.u32 v7, v8  }
0x4cc: {  	v9 =	vor.u32 s22, v8;
	_ =	sdelay $0x4  }
0x4cd: {  	s15 =	simm.s32 $0x1;
	v9 =	vld.idx.msk [tilespmem:v9+s20+$0x0], $0xffff  }
0x4ce: {  	v10 =	vor.u32 s15, v8;
	_ =	sdelay $0x3  }
0x4cf: {  	[tilespmem:s30+$0x0] =	vst v9  }
0x4d0: {  	s22 =	simm.s32 $0x2;
	v9 =	vld.idx.msk [tilespmem:v10+s20+$0x0], $0xffff  }
0x4d1: {  	s12 =	simm.s32 $0x3;
	s15 =	smov.u32 s30;
	v10 =	vor.u32 s22, v8  }
.LBB2_101:
0x4d2: {  	p0 =	sne.s32 s12, $0x1F;
	_ =	sdelay $0x1  }
.Ltmp49:
0x4d3: {  	s15 =	sadd.s32 $0x80, s15;
	(pc) =	sbr.rel @p0 .LBB2_101-.Ltmp49, $3  }
0x4d4: {  	[tilespmem:s15+$0x0] =	vst v9  }
0x4d5: {  	v9 =	vld.idx.msk [tilespmem:v10+s20+$0x0], $0xffff;
	_ =	sdelay $0x1  }
0x4d6: {  	v10 =	vor.u32 s12, v8;
	s12 =	sadd.s32 $0x1, s12  }
0x4d7: {  	_ =	sdelay $0x1  }
0x4d8: {  	s12 =	sadd.s32 $0x80, s15  }
0x4d9: {  	s31 =	sadd.s32 $0x1, s31;
	s28 =	sadd.s32 $0x2000, s28;
	[tilespmem:s12+$0x0] =	vst v9  }
0x4da: {  	s0 =	sadd.s32 $0x2000, s0;
	s1 =	sadd.s32 $0x2000, s1;
	p0 =	sne.s32 s31, $0x5;
	v8 =	vld.idx.msk [tilespmem:v10+s20+$0x0], $0xffff  }
.Ltmp50:
0x4db: {  	s14 =	sadd.s32 $0x2000, s14;
	s23 =	sadd.s32 $0x2000, s23;
	(pc) =	sbr.rel @p0 .LBB2_70-.Ltmp50, $4  }
0x4dc: {  	s2 =	sadd.s32 $0x2000, s2;
	s6 =	sadd.s32 $0x2000, s6;
	s7 =	sadd.s32 $0x2000, s7  }
0x4dd: {  	s8 =	sadd.s32 $0x2000, s8;
	s9 =	sadd.s32 $0x2000, s9;
	s10 =	sadd.s32 $0x2000, s10  }
0x4de: {  	s11 =	sadd.s32 $0x2000, s11;
	s4 =	sadd.s32 $0x2000, s4;
	s12 =	sadd.s32 $0x80, s12  }
0x4df: {  	s5 =	sadd.s32 $0x2000, s5;
	s29 =	sadd.s32 $0x2000, s29;
	s30 =	sadd.s32 $0x2000, s30;
	[tilespmem:s12+$0x0] =	vst v8  }
0x4e0: {  	s0 =	rddreg [dreg:$0x8];
	s1 =	simm.s32 $0x400;
	s2 =	simm.s32 $0x1C00  }
0x4e1: {  	s26 =	simm.s32 $0x0;
	s28 =	simm.s32 $0xBC00;
	s29 =	simm.s32 $0xBC10  }
0x4e2: {  	s14 =	simm.s32 $0xBC40;
	s23 =	simm.s32 $0xBC50;
	s6 =	simm.s32 $0xBC70  }
0x4e3: {  	s7 =	simm.s32 $0xCC00;
	s8 =	simm.s32 $0xCC10;
	s9 =	simm.s32 $0xCC20  }
0x4e4: {  	s10 =	simm.s32 $0xCC30;
	s11 =	simm.s32 $0xCC40;
	s4 =	simm.s32 $0xCC50  }
0x4e5: {  	[hbm4b:s0+s1] =	stream.strided.scatter [tilespmem:s2], [sflag:$0x2], $0xA000, s13, s1, $0x38;
	[tilespmem:$0x1DD00] =	vst v63  }
0x4e6: {  	s5 =	simm.s32 $0xCC60;
	s30 =	simm.s32 $0xCC70;
	_ =	swait.ge [sflag:s24], $0xA000  }
0x4e7: {  	s31 =	simm.s32 $0x0;
	s0 =	simm.s32 $0xBC20;
	[sflag:s24] =	ssyncset.done $0x0  }
0x4e8: {  	s1 =	simm.s32 $0xBC30;
	s2 =	simm.s32 $0xBC60;
	[sflag:s24] =	ssyncadd.s32 $0xFFFF6000  }
.LBB2_104:
0x4e9: {  	s12 =	sshll.u32 s31, $0xA  }
0x4ea: {  	s15 =	sshra.s32 s12, $0x2  }
0x4eb: {  	v8 =	vld [tilespmem:s15+$0xF80];
	_ =	sdelay $0x4  }
0x4ec: {  	v8 =	vshrl.u32 v8, $0x2  }
0x4ed: {  	[tilespmem:$0x1DC80] =	vst v8  }
0x4ee: {  	v8 =	vld [tilespmem:s15+$0xF90];
	_ =	sdelay $0x4  }
0x4ef: {  	v8 =	vshrl.u32 v8, $0x2  }
0x4f0: {  	[tilespmem:$0x1DC90] =	vst v8  }
0x4f1: {  	v8 =	vld [tilespmem:s15+$0xFA0];
	_ =	sdelay $0x4  }
0x4f2: {  	v8 =	vshrl.u32 v8, $0x2  }
0x4f3: {  	[tilespmem:$0x1DCA0] =	vst v8  }
0x4f4: {  	v8 =	vld [tilespmem:s15+$0xFB0];
	_ =	sdelay $0x4  }
0x4f5: {  	v8 =	vshrl.u32 v8, $0x2  }
0x4f6: {  	[tilespmem:$0x1DCB0] =	vst v8  }
0x4f7: {  	v8 =	vld [tilespmem:s15+$0xFC0];
	_ =	sdelay $0x4  }
0x4f8: {  	v8 =	vshrl.u32 v8, $0x2  }
0x4f9: {  	[tilespmem:$0x1DCC0] =	vst v8  }
0x4fa: {  	v8 =	vld [tilespmem:s15+$0xFD0];
	_ =	sdelay $0x4  }
0x4fb: {  	v8 =	vshrl.u32 v8, $0x2  }
0x4fc: {  	[tilespmem:$0x1DCD0] =	vst v8  }
0x4fd: {  	v8 =	vld [tilespmem:s15+$0xFE0];
	_ =	sdelay $0x4  }
0x4fe: {  	v8 =	vshrl.u32 v8, $0x2  }
0x4ff: {  	[tilespmem:$0x1DCE0] =	vst v8  }
0x500: {  	v8 =	vld [tilespmem:s15+$0xFF0];
	_ =	sdelay $0x4  }
0x501: {  	v8 =	vshrl.u32 v8, $0x2  }
0x502: {  	[tilespmem:$0x1DCF0] =	vst v8  }
0x503: {  	[tilespmem:s20], [sflag:$0x1] =	stream.indirect.gather [hbm4b:s3+s16], $0x80, s19, s16, $0xb8;
	[tilespmem:$0x1DD00] =	vst v63  }
0x504: {  	_ =	swait.ge [sflag:s21], $0x4000  }
0x505: {  	[sflag:s21] =	ssyncset.done $0x0  }
0x506: {  	[sflag:s21] =	ssyncadd.s32 $0xFFFFC000  }
0x507: {  	v8 =	vld [tilespmem:s15+$0xF00];
	_ =	sdelay $0x4  }
0x508: {  	v8 =	vshll.u32 v8, $0x5  }
0x509: {  	v8 =	vand.u32 $0x60, v8  }
0x50a: {  	v8 =	vor.u32 v0, v8  }
0x50b: {  	v9 =	vor.u32 s26, v8;
	_ =	sdelay $0x4  }
0x50c: {  	s22 =	simm.s32 $0x1;
	v9 =	vld.idx.msk [tilespmem:v9+s18+$0x0], $0xffff  }
0x50d: {  	v10 =	vor.u32 s22, v8;
	_ =	sdelay $0x3  }
0x50e: {  	[tilespmem:s28+$0x0] =	vst v9  }
0x50f: {  	s22 =	simm.s32 $0x2;
	v9 =	vld.idx.msk [tilespmem:v10+s18+$0x0], $0xffff  }
0x510: {  	s12 =	simm.s32 $0x3;
	v10 =	vor.u32 s22, v8;
	s22 =	smov.u32 s28  }
.LBB2_105:
0x511: {  	p0 =	sne.s32 s12, $0x1F;
	_ =	sdelay $0x1  }
.Ltmp51:
0x512: {  	s22 =	sadd.s32 $0x80, s22;
	(pc) =	sbr.rel @p0 .LBB2_105-.Ltmp51, $3  }
0x513: {  	[tilespmem:s22+$0x0] =	vst v9  }
0x514: {  	v9 =	vld.idx.msk [tilespmem:v10+s18+$0x0], $0xffff;
	_ =	sdelay $0x1  }
0x515: {  	v10 =	vor.u32 s12, v8;
	s12 =	sadd.s32 $0x1, s12  }
0x516: {  	_ =	sdelay $0x1  }
0x517: {  	s12 =	sadd.s32 $0x80, s22  }
0x518: {  	[tilespmem:s12+$0x0] =	vst v9  }
0x519: {  	v8 =	vld.idx.msk [tilespmem:v10+s18+$0x0], $0xffff;
	_ =	sdelay $0x3  }
0x51a: {  	s12 =	sadd.s32 $0x80, s12  }
0x51b: {  	[tilespmem:s12+$0x0] =	vst v8  }
0x51c: {  	v8 =	vld [tilespmem:s15+$0xF10];
	_ =	sdelay $0x4  }
0x51d: {  	v8 =	vshll.u32 v8, $0x5  }
0x51e: {  	v8 =	vand.u32 $0x60, v8  }
0x51f: {  	s22 =	simm.s32 $0x0;
	v8 =	vor.u32 v1, v8  }
0x520: {  	v9 =	vor.u32 s22, v8;
	_ =	sdelay $0x4  }
0x521: {  	s22 =	simm.s32 $0x1;
	v9 =	vld.idx.msk [tilespmem:v9+s18+$0x0], $0xffff  }
0x522: {  	v10 =	vor.u32 s22, v8;
	_ =	sdelay $0x3  }
0x523: {  	[tilespmem:s29+$0x0] =	vst v9  }
0x524: {  	s22 =	simm.s32 $0x2;
	v9 =	vld.idx.msk [tilespmem:v10+s18+$0x0], $0xffff  }
0x525: {  	s12 =	simm.s32 $0x3;
	v10 =	vor.u32 s22, v8;
	s22 =	smov.u32 s29  }
.LBB2_107:
0x526: {  	p0 =	sne.s32 s12, $0x1F;
	_ =	sdelay $0x1  }
.Ltmp52:
0x527: {  	s22 =	sadd.s32 $0x80, s22;
	(pc) =	sbr.rel @p0 .LBB2_107-.Ltmp52, $3  }
0x528: {  	[tilespmem:s22+$0x0] =	vst v9  }
0x529: {  	v9 =	vld.idx.msk [tilespmem:v10+s18+$0x0], $0xffff;
	_ =	sdelay $0x1  }
0x52a: {  	v10 =	vor.u32 s12, v8;
	s12 =	sadd.s32 $0x1, s12  }
0x52b: {  	_ =	sdelay $0x1  }
0x52c: {  	s12 =	sadd.s32 $0x80, s22  }
0x52d: {  	[tilespmem:s12+$0x0] =	vst v9  }
0x52e: {  	v8 =	vld.idx.msk [tilespmem:v10+s18+$0x0], $0xffff;
	_ =	sdelay $0x3  }
0x52f: {  	s12 =	sadd.s32 $0x80, s12  }
0x530: {  	[tilespmem:s12+$0x0] =	vst v8  }
0x531: {  	v8 =	vld [tilespmem:s15+$0xF20];
	_ =	sdelay $0x4  }
0x532: {  	v8 =	vshll.u32 v8, $0x5  }
0x533: {  	v8 =	vand.u32 $0x60, v8  }
0x534: {  	s22 =	simm.s32 $0x0;
	v8 =	vor.u32 v2, v8  }
0x535: {  	v9 =	vor.u32 s22, v8;
	_ =	sdelay $0x4  }
0x536: {  	s22 =	simm.s32 $0x1;
	v9 =	vld.idx.msk [tilespmem:v9+s18+$0x0], $0xffff  }
0x537: {  	v10 =	vor.u32 s22, v8;
	_ =	sdelay $0x3  }
0x538: {  	[tilespmem:s0+$0x0] =	vst v9  }
0x539: {  	s22 =	simm.s32 $0x2;
	v9 =	vld.idx.msk [tilespmem:v10+s18+$0x0], $0xffff  }
0x53a: {  	s12 =	simm.s32 $0x3;
	v10 =	vor.u32 s22, v8;
	s22 =	smov.u32 s0  }
.LBB2_109:
0x53b: {  	p0 =	sne.s32 s12, $0x1F;
	_ =	sdelay $0x1  }
.Ltmp53:
0x53c: {  	s22 =	sadd.s32 $0x80, s22;
	(pc) =	sbr.rel @p0 .LBB2_109-.Ltmp53, $3  }
0x53d: {  	[tilespmem:s22+$0x0] =	vst v9  }
0x53e: {  	v9 =	vld.idx.msk [tilespmem:v10+s18+$0x0], $0xffff;
	_ =	sdelay $0x1  }
0x53f: {  	v10 =	vor.u32 s12, v8;
	s12 =	sadd.s32 $0x1, s12  }
0x540: {  	_ =	sdelay $0x1  }
0x541: {  	s12 =	sadd.s32 $0x80, s22  }
0x542: {  	[tilespmem:s12+$0x0] =	vst v9  }
0x543: {  	v8 =	vld.idx.msk [tilespmem:v10+s18+$0x0], $0xffff;
	_ =	sdelay $0x3  }
0x544: {  	s12 =	sadd.s32 $0x80, s12  }
0x545: {  	[tilespmem:s12+$0x0] =	vst v8  }
0x546: {  	v8 =	vld [tilespmem:s15+$0xF30];
	_ =	sdelay $0x4  }
0x547: {  	v8 =	vshll.u32 v8, $0x5  }
0x548: {  	v8 =	vand.u32 $0x60, v8  }
0x549: {  	s22 =	simm.s32 $0x0;
	v8 =	vor.u32 v3, v8  }
0x54a: {  	v9 =	vor.u32 s22, v8;
	_ =	sdelay $0x4  }
0x54b: {  	s22 =	simm.s32 $0x1;
	v9 =	vld.idx.msk [tilespmem:v9+s18+$0x0], $0xffff  }
0x54c: {  	v10 =	vor.u32 s22, v8;
	_ =	sdelay $0x3  }
0x54d: {  	[tilespmem:s1+$0x0] =	vst v9  }
0x54e: {  	s22 =	simm.s32 $0x2;
	v9 =	vld.idx.msk [tilespmem:v10+s18+$0x0], $0xffff  }
0x54f: {  	s12 =	simm.s32 $0x3;
	v10 =	vor.u32 s22, v8;
	s22 =	smov.u32 s1  }
.LBB2_111:
0x550: {  	p0 =	sne.s32 s12, $0x1F;
	_ =	sdelay $0x1  }
.Ltmp54:
0x551: {  	s22 =	sadd.s32 $0x80, s22;
	(pc) =	sbr.rel @p0 .LBB2_111-.Ltmp54, $3  }
0x552: {  	[tilespmem:s22+$0x0] =	vst v9  }
0x553: {  	v9 =	vld.idx.msk [tilespmem:v10+s18+$0x0], $0xffff;
	_ =	sdelay $0x1  }
0x554: {  	v10 =	vor.u32 s12, v8;
	s12 =	sadd.s32 $0x1, s12  }
0x555: {  	_ =	sdelay $0x1  }
0x556: {  	s12 =	sadd.s32 $0x80, s22  }
0x557: {  	[tilespmem:s12+$0x0] =	vst v9  }
0x558: {  	v8 =	vld.idx.msk [tilespmem:v10+s18+$0x0], $0xffff;
	_ =	sdelay $0x3  }
0x559: {  	s12 =	sadd.s32 $0x80, s12  }
0x55a: {  	[tilespmem:s12+$0x0] =	vst v8  }
0x55b: {  	v8 =	vld [tilespmem:s15+$0xF40];
	_ =	sdelay $0x4  }
0x55c: {  	v8 =	vshll.u32 v8, $0x5  }
0x55d: {  	v8 =	vand.u32 $0x60, v8  }
0x55e: {  	s22 =	simm.s32 $0x0;
	v8 =	vor.u32 v4, v8  }
0x55f: {  	v9 =	vor.u32 s22, v8;
	_ =	sdelay $0x4  }
0x560: {  	s22 =	simm.s32 $0x1;
	v9 =	vld.idx.msk [tilespmem:v9+s18+$0x0], $0xffff  }
0x561: {  	v10 =	vor.u32 s22, v8;
	_ =	sdelay $0x3  }
0x562: {  	[tilespmem:s14+$0x0] =	vst v9  }
0x563: {  	s22 =	simm.s32 $0x2;
	v9 =	vld.idx.msk [tilespmem:v10+s18+$0x0], $0xffff  }
0x564: {  	s12 =	simm.s32 $0x3;
	v10 =	vor.u32 s22, v8;
	s22 =	smov.u32 s14  }
.LBB2_113:
0x565: {  	p0 =	sne.s32 s12, $0x1F;
	_ =	sdelay $0x1  }
.Ltmp55:
0x566: {  	s22 =	sadd.s32 $0x80, s22;
	(pc) =	sbr.rel @p0 .LBB2_113-.Ltmp55, $3  }
0x567: {  	[tilespmem:s22+$0x0] =	vst v9  }
0x568: {  	v9 =	vld.idx.msk [tilespmem:v10+s18+$0x0], $0xffff;
	_ =	sdelay $0x1  }
0x569: {  	v10 =	vor.u32 s12, v8;
	s12 =	sadd.s32 $0x1, s12  }
0x56a: {  	_ =	sdelay $0x1  }
0x56b: {  	s12 =	sadd.s32 $0x80, s22  }
0x56c: {  	[tilespmem:s12+$0x0] =	vst v9  }
0x56d: {  	v8 =	vld.idx.msk [tilespmem:v10+s18+$0x0], $0xffff;
	_ =	sdelay $0x3  }
0x56e: {  	s12 =	sadd.s32 $0x80, s12  }
0x56f: {  	[tilespmem:s12+$0x0] =	vst v8  }
0x570: {  	v8 =	vld [tilespmem:s15+$0xF50];
	_ =	sdelay $0x4  }
0x571: {  	v8 =	vshll.u32 v8, $0x5  }
0x572: {  	v8 =	vand.u32 $0x60, v8  }
0x573: {  	s22 =	simm.s32 $0x0;
	v8 =	vor.u32 v5, v8  }
0x574: {  	v9 =	vor.u32 s22, v8;
	_ =	sdelay $0x4  }
0x575: {  	s22 =	simm.s32 $0x1;
	v9 =	vld.idx.msk [tilespmem:v9+s18+$0x0], $0xffff  }
0x576: {  	v10 =	vor.u32 s22, v8;
	_ =	sdelay $0x3  }
0x577: {  	[tilespmem:s23+$0x0] =	vst v9  }
0x578: {  	s22 =	simm.s32 $0x2;
	v9 =	vld.idx.msk [tilespmem:v10+s18+$0x0], $0xffff  }
0x579: {  	s12 =	simm.s32 $0x3;
	v10 =	vor.u32 s22, v8;
	s22 =	smov.u32 s23  }
.LBB2_115:
0x57a: {  	p0 =	sne.s32 s12, $0x1F;
	_ =	sdelay $0x1  }
.Ltmp56:
0x57b: {  	s22 =	sadd.s32 $0x80, s22;
	(pc) =	sbr.rel @p0 .LBB2_115-.Ltmp56, $3  }
0x57c: {  	[tilespmem:s22+$0x0] =	vst v9  }
0x57d: {  	v9 =	vld.idx.msk [tilespmem:v10+s18+$0x0], $0xffff;
	_ =	sdelay $0x1  }
0x57e: {  	v10 =	vor.u32 s12, v8;
	s12 =	sadd.s32 $0x1, s12  }
0x57f: {  	_ =	sdelay $0x1  }
0x580: {  	s12 =	sadd.s32 $0x80, s22  }
0x581: {  	[tilespmem:s12+$0x0] =	vst v9  }
0x582: {  	v8 =	vld.idx.msk [tilespmem:v10+s18+$0x0], $0xffff;
	_ =	sdelay $0x3  }
0x583: {  	s12 =	sadd.s32 $0x80, s12  }
0x584: {  	[tilespmem:s12+$0x0] =	vst v8  }
0x585: {  	v8 =	vld [tilespmem:s15+$0xF60];
	_ =	sdelay $0x4  }
0x586: {  	v8 =	vshll.u32 v8, $0x5  }
0x587: {  	v8 =	vand.u32 $0x60, v8  }
0x588: {  	s22 =	simm.s32 $0x0;
	v8 =	vor.u32 v6, v8  }
0x589: {  	v9 =	vor.u32 s22, v8;
	_ =	sdelay $0x4  }
0x58a: {  	s22 =	simm.s32 $0x1;
	v9 =	vld.idx.msk [tilespmem:v9+s18+$0x0], $0xffff  }
0x58b: {  	v10 =	vor.u32 s22, v8;
	_ =	sdelay $0x3  }
0x58c: {  	[tilespmem:s2+$0x0] =	vst v9  }
0x58d: {  	s22 =	simm.s32 $0x2;
	v9 =	vld.idx.msk [tilespmem:v10+s18+$0x0], $0xffff  }
0x58e: {  	s12 =	simm.s32 $0x3;
	v10 =	vor.u32 s22, v8;
	s22 =	smov.u32 s2  }
.LBB2_117:
0x58f: {  	p0 =	sne.s32 s12, $0x1F;
	_ =	sdelay $0x1  }
.Ltmp57:
0x590: {  	s22 =	sadd.s32 $0x80, s22;
	(pc) =	sbr.rel @p0 .LBB2_117-.Ltmp57, $3  }
0x591: {  	[tilespmem:s22+$0x0] =	vst v9  }
0x592: {  	v9 =	vld.idx.msk [tilespmem:v10+s18+$0x0], $0xffff;
	_ =	sdelay $0x1  }
0x593: {  	v10 =	vor.u32 s12, v8;
	s12 =	sadd.s32 $0x1, s12  }
0x594: {  	_ =	sdelay $0x1  }
0x595: {  	s12 =	sadd.s32 $0x80, s22  }
0x596: {  	[tilespmem:s12+$0x0] =	vst v9  }
0x597: {  	v8 =	vld.idx.msk [tilespmem:v10+s18+$0x0], $0xffff;
	_ =	sdelay $0x3  }
0x598: {  	s12 =	sadd.s32 $0x80, s12  }
0x599: {  	[tilespmem:s12+$0x0] =	vst v8  }
0x59a: {  	v8 =	vld [tilespmem:s15+$0xF70];
	_ =	sdelay $0x4  }
0x59b: {  	v8 =	vshll.u32 v8, $0x5  }
0x59c: {  	v8 =	vand.u32 $0x60, v8  }
0x59d: {  	s22 =	simm.s32 $0x0;
	v8 =	vor.u32 v7, v8  }
0x59e: {  	v9 =	vor.u32 s22, v8;
	_ =	sdelay $0x4  }
0x59f: {  	s22 =	simm.s32 $0x1;
	v9 =	vld.idx.msk [tilespmem:v9+s18+$0x0], $0xffff  }
0x5a0: {  	v10 =	vor.u32 s22, v8;
	_ =	sdelay $0x3  }
0x5a1: {  	[tilespmem:s6+$0x0] =	vst v9  }
0x5a2: {  	s22 =	simm.s32 $0x2;
	v9 =	vld.idx.msk [tilespmem:v10+s18+$0x0], $0xffff  }
0x5a3: {  	s12 =	simm.s32 $0x3;
	v10 =	vor.u32 s22, v8;
	s22 =	smov.u32 s6  }
.LBB2_119:
0x5a4: {  	p0 =	sne.s32 s12, $0x1F;
	_ =	sdelay $0x1  }
.Ltmp58:
0x5a5: {  	s22 =	sadd.s32 $0x80, s22;
	(pc) =	sbr.rel @p0 .LBB2_119-.Ltmp58, $3  }
0x5a6: {  	[tilespmem:s22+$0x0] =	vst v9  }
0x5a7: {  	v9 =	vld.idx.msk [tilespmem:v10+s18+$0x0], $0xffff;
	_ =	sdelay $0x1  }
0x5a8: {  	v10 =	vor.u32 s12, v8;
	s12 =	sadd.s32 $0x1, s12  }
0x5a9: {  	_ =	sdelay $0x1  }
0x5aa: {  	s12 =	sadd.s32 $0x80, s22  }
0x5ab: {  	[tilespmem:s12+$0x0] =	vst v9  }
0x5ac: {  	v8 =	vld.idx.msk [tilespmem:v10+s18+$0x0], $0xffff;
	_ =	sdelay $0x3  }
0x5ad: {  	s12 =	sadd.s32 $0x80, s12  }
0x5ae: {  	s22 =	sor.u32 $0x1000, s15;
	[tilespmem:s12+$0x0] =	vst v8  }
0x5af: {  	v8 =	vld [tilespmem:s22+$0x0];
	_ =	sdelay $0x4  }
0x5b0: {  	v8 =	vshrl.u32 v8, $0x2  }
0x5b1: {  	[tilespmem:$0x1DC00] =	vst v8  }
0x5b2: {  	v8 =	vld [tilespmem:s22+$0x10];
	_ =	sdelay $0x4  }
0x5b3: {  	v8 =	vshrl.u32 v8, $0x2  }
0x5b4: {  	[tilespmem:$0x1DC10] =	vst v8  }
0x5b5: {  	v8 =	vld [tilespmem:s22+$0x20];
	_ =	sdelay $0x4  }
0x5b6: {  	v8 =	vshrl.u32 v8, $0x2  }
0x5b7: {  	[tilespmem:$0x1DC20] =	vst v8  }
0x5b8: {  	v8 =	vld [tilespmem:s22+$0x30];
	_ =	sdelay $0x4  }
0x5b9: {  	v8 =	vshrl.u32 v8, $0x2  }
0x5ba: {  	[tilespmem:$0x1DC30] =	vst v8  }
0x5bb: {  	v8 =	vld [tilespmem:s22+$0x40];
	_ =	sdelay $0x4  }
0x5bc: {  	v8 =	vshrl.u32 v8, $0x2  }
0x5bd: {  	[tilespmem:$0x1DC40] =	vst v8  }
0x5be: {  	v8 =	vld [tilespmem:s22+$0x50];
	_ =	sdelay $0x4  }
0x5bf: {  	v8 =	vshrl.u32 v8, $0x2  }
0x5c0: {  	[tilespmem:$0x1DC50] =	vst v8  }
0x5c1: {  	v8 =	vld [tilespmem:s22+$0x60];
	_ =	sdelay $0x4  }
0x5c2: {  	v8 =	vshrl.u32 v8, $0x2  }
0x5c3: {  	[tilespmem:$0x1DC60] =	vst v8  }
0x5c4: {  	v8 =	vld [tilespmem:s22+$0x70];
	_ =	sdelay $0x4  }
0x5c5: {  	v8 =	vshrl.u32 v8, $0x2  }
0x5c6: {  	[tilespmem:$0x1DC70] =	vst v8  }
0x5c7: {  	[tilespmem:s18], [sflag:$0x1] =	stream.indirect.gather [hbm4b:s3+s16], $0x80, s17, s16, $0xb8;
	[tilespmem:$0x1DD00] =	vst v63  }
0x5c8: {  	_ =	swait.ge [sflag:s21], $0x4000  }
0x5c9: {  	[sflag:s21] =	ssyncset.done $0x0  }
0x5ca: {  	[sflag:s21] =	ssyncadd.s32 $0xFFFFC000  }
0x5cb: {  	v8 =	vld [tilespmem:s15+$0xF80];
	_ =	sdelay $0x4  }
0x5cc: {  	v8 =	vshll.u32 v8, $0x5  }
0x5cd: {  	v8 =	vand.u32 $0x60, v8  }
0x5ce: {  	s22 =	simm.s32 $0x0;
	v8 =	vor.u32 v0, v8  }
0x5cf: {  	v9 =	vor.u32 s22, v8;
	_ =	sdelay $0x4  }
0x5d0: {  	s22 =	simm.s32 $0x1;
	v9 =	vld.idx.msk [tilespmem:v9+s20+$0x0], $0xffff  }
0x5d1: {  	v10 =	vor.u32 s22, v8;
	_ =	sdelay $0x3  }
0x5d2: {  	[tilespmem:s7+$0x0] =	vst v9  }
0x5d3: {  	s22 =	simm.s32 $0x2;
	v9 =	vld.idx.msk [tilespmem:v10+s20+$0x0], $0xffff  }
0x5d4: {  	s12 =	simm.s32 $0x3;
	v10 =	vor.u32 s22, v8;
	s22 =	smov.u32 s7  }
.LBB2_121:
0x5d5: {  	p0 =	sne.s32 s12, $0x1F;
	_ =	sdelay $0x1  }
.Ltmp59:
0x5d6: {  	s22 =	sadd.s32 $0x80, s22;
	(pc) =	sbr.rel @p0 .LBB2_121-.Ltmp59, $3  }
0x5d7: {  	[tilespmem:s22+$0x0] =	vst v9  }
0x5d8: {  	v9 =	vld.idx.msk [tilespmem:v10+s20+$0x0], $0xffff;
	_ =	sdelay $0x1  }
0x5d9: {  	v10 =	vor.u32 s12, v8;
	s12 =	sadd.s32 $0x1, s12  }
0x5da: {  	_ =	sdelay $0x1  }
0x5db: {  	s12 =	sadd.s32 $0x80, s22  }
0x5dc: {  	[tilespmem:s12+$0x0] =	vst v9  }
0x5dd: {  	v8 =	vld.idx.msk [tilespmem:v10+s20+$0x0], $0xffff;
	_ =	sdelay $0x3  }
0x5de: {  	s12 =	sadd.s32 $0x80, s12  }
0x5df: {  	[tilespmem:s12+$0x0] =	vst v8  }
0x5e0: {  	v8 =	vld [tilespmem:s15+$0xF90];
	_ =	sdelay $0x4  }
0x5e1: {  	v8 =	vshll.u32 v8, $0x5  }
0x5e2: {  	v8 =	vand.u32 $0x60, v8  }
0x5e3: {  	s22 =	simm.s32 $0x0;
	v8 =	vor.u32 v1, v8  }
0x5e4: {  	v9 =	vor.u32 s22, v8;
	_ =	sdelay $0x4  }
0x5e5: {  	s22 =	simm.s32 $0x1;
	v9 =	vld.idx.msk [tilespmem:v9+s20+$0x0], $0xffff  }
0x5e6: {  	v10 =	vor.u32 s22, v8;
	_ =	sdelay $0x3  }
0x5e7: {  	[tilespmem:s8+$0x0] =	vst v9  }
0x5e8: {  	s22 =	simm.s32 $0x2;
	v9 =	vld.idx.msk [tilespmem:v10+s20+$0x0], $0xffff  }
0x5e9: {  	s12 =	simm.s32 $0x3;
	v10 =	vor.u32 s22, v8;
	s22 =	smov.u32 s8  }
.LBB2_123:
0x5ea: {  	p0 =	sne.s32 s12, $0x1F;
	_ =	sdelay $0x1  }
.Ltmp60:
0x5eb: {  	s22 =	sadd.s32 $0x80, s22;
	(pc) =	sbr.rel @p0 .LBB2_123-.Ltmp60, $3  }
0x5ec: {  	[tilespmem:s22+$0x0] =	vst v9  }
0x5ed: {  	v9 =	vld.idx.msk [tilespmem:v10+s20+$0x0], $0xffff;
	_ =	sdelay $0x1  }
0x5ee: {  	v10 =	vor.u32 s12, v8;
	s12 =	sadd.s32 $0x1, s12  }
0x5ef: {  	_ =	sdelay $0x1  }
0x5f0: {  	s12 =	sadd.s32 $0x80, s22  }
0x5f1: {  	[tilespmem:s12+$0x0] =	vst v9  }
0x5f2: {  	v8 =	vld.idx.msk [tilespmem:v10+s20+$0x0], $0xffff;
	_ =	sdelay $0x3  }
0x5f3: {  	s12 =	sadd.s32 $0x80, s12  }
0x5f4: {  	[tilespmem:s12+$0x0] =	vst v8  }
0x5f5: {  	v8 =	vld [tilespmem:s15+$0xFA0];
	_ =	sdelay $0x4  }
0x5f6: {  	v8 =	vshll.u32 v8, $0x5  }
0x5f7: {  	v8 =	vand.u32 $0x60, v8  }
0x5f8: {  	s22 =	simm.s32 $0x0;
	v8 =	vor.u32 v2, v8  }
0x5f9: {  	v9 =	vor.u32 s22, v8;
	_ =	sdelay $0x4  }
0x5fa: {  	s22 =	simm.s32 $0x1;
	v9 =	vld.idx.msk [tilespmem:v9+s20+$0x0], $0xffff  }
0x5fb: {  	v10 =	vor.u32 s22, v8;
	_ =	sdelay $0x3  }
0x5fc: {  	[tilespmem:s9+$0x0] =	vst v9  }
0x5fd: {  	s22 =	simm.s32 $0x2;
	v9 =	vld.idx.msk [tilespmem:v10+s20+$0x0], $0xffff  }
0x5fe: {  	s12 =	simm.s32 $0x3;
	v10 =	vor.u32 s22, v8;
	s22 =	smov.u32 s9  }
.LBB2_125:
0x5ff: {  	p0 =	sne.s32 s12, $0x1F;
	_ =	sdelay $0x1  }
.Ltmp61:
0x600: {  	s22 =	sadd.s32 $0x80, s22;
	(pc) =	sbr.rel @p0 .LBB2_125-.Ltmp61, $3  }
0x601: {  	[tilespmem:s22+$0x0] =	vst v9  }
0x602: {  	v9 =	vld.idx.msk [tilespmem:v10+s20+$0x0], $0xffff;
	_ =	sdelay $0x1  }
0x603: {  	v10 =	vor.u32 s12, v8;
	s12 =	sadd.s32 $0x1, s12  }
0x604: {  	_ =	sdelay $0x1  }
0x605: {  	s12 =	sadd.s32 $0x80, s22  }
0x606: {  	[tilespmem:s12+$0x0] =	vst v9  }
0x607: {  	v8 =	vld.idx.msk [tilespmem:v10+s20+$0x0], $0xffff;
	_ =	sdelay $0x3  }
0x608: {  	s12 =	sadd.s32 $0x80, s12  }
0x609: {  	[tilespmem:s12+$0x0] =	vst v8  }
0x60a: {  	v8 =	vld [tilespmem:s15+$0xFB0];
	_ =	sdelay $0x4  }
0x60b: {  	v8 =	vshll.u32 v8, $0x5  }
0x60c: {  	v8 =	vand.u32 $0x60, v8  }
0x60d: {  	s22 =	simm.s32 $0x0;
	v8 =	vor.u32 v3, v8  }
0x60e: {  	v9 =	vor.u32 s22, v8;
	_ =	sdelay $0x4  }
0x60f: {  	s22 =	simm.s32 $0x1;
	v9 =	vld.idx.msk [tilespmem:v9+s20+$0x0], $0xffff  }
0x610: {  	v10 =	vor.u32 s22, v8;
	_ =	sdelay $0x3  }
0x611: {  	[tilespmem:s10+$0x0] =	vst v9  }
0x612: {  	s22 =	simm.s32 $0x2;
	v9 =	vld.idx.msk [tilespmem:v10+s20+$0x0], $0xffff  }
0x613: {  	s12 =	simm.s32 $0x3;
	v10 =	vor.u32 s22, v8;
	s22 =	smov.u32 s10  }
.LBB2_127:
0x614: {  	p0 =	sne.s32 s12, $0x1F;
	_ =	sdelay $0x1  }
.Ltmp62:
0x615: {  	s22 =	sadd.s32 $0x80, s22;
	(pc) =	sbr.rel @p0 .LBB2_127-.Ltmp62, $3  }
0x616: {  	[tilespmem:s22+$0x0] =	vst v9  }
0x617: {  	v9 =	vld.idx.msk [tilespmem:v10+s20+$0x0], $0xffff;
	_ =	sdelay $0x1  }
0x618: {  	v10 =	vor.u32 s12, v8;
	s12 =	sadd.s32 $0x1, s12  }
0x619: {  	_ =	sdelay $0x1  }
0x61a: {  	s12 =	sadd.s32 $0x80, s22  }
0x61b: {  	[tilespmem:s12+$0x0] =	vst v9  }
0x61c: {  	v8 =	vld.idx.msk [tilespmem:v10+s20+$0x0], $0xffff;
	_ =	sdelay $0x3  }
0x61d: {  	s12 =	sadd.s32 $0x80, s12  }
0x61e: {  	[tilespmem:s12+$0x0] =	vst v8  }
0x61f: {  	v8 =	vld [tilespmem:s15+$0xFC0];
	_ =	sdelay $0x4  }
0x620: {  	v8 =	vshll.u32 v8, $0x5  }
0x621: {  	v8 =	vand.u32 $0x60, v8  }
0x622: {  	s22 =	simm.s32 $0x0;
	v8 =	vor.u32 v4, v8  }
0x623: {  	v9 =	vor.u32 s22, v8;
	_ =	sdelay $0x4  }
0x624: {  	s22 =	simm.s32 $0x1;
	v9 =	vld.idx.msk [tilespmem:v9+s20+$0x0], $0xffff  }
0x625: {  	v10 =	vor.u32 s22, v8;
	_ =	sdelay $0x3  }
0x626: {  	[tilespmem:s11+$0x0] =	vst v9  }
0x627: {  	s22 =	simm.s32 $0x2;
	v9 =	vld.idx.msk [tilespmem:v10+s20+$0x0], $0xffff  }
0x628: {  	s12 =	simm.s32 $0x3;
	v10 =	vor.u32 s22, v8;
	s22 =	smov.u32 s11  }
.LBB2_129:
0x629: {  	p0 =	sne.s32 s12, $0x1F;
	_ =	sdelay $0x1  }
.Ltmp63:
0x62a: {  	s22 =	sadd.s32 $0x80, s22;
	(pc) =	sbr.rel @p0 .LBB2_129-.Ltmp63, $3  }
0x62b: {  	[tilespmem:s22+$0x0] =	vst v9  }
0x62c: {  	v9 =	vld.idx.msk [tilespmem:v10+s20+$0x0], $0xffff;
	_ =	sdelay $0x1  }
0x62d: {  	v10 =	vor.u32 s12, v8;
	s12 =	sadd.s32 $0x1, s12  }
0x62e: {  	_ =	sdelay $0x1  }
0x62f: {  	s12 =	sadd.s32 $0x80, s22  }
0x630: {  	[tilespmem:s12+$0x0] =	vst v9  }
0x631: {  	v8 =	vld.idx.msk [tilespmem:v10+s20+$0x0], $0xffff;
	_ =	sdelay $0x3  }
0x632: {  	s12 =	sadd.s32 $0x80, s12  }
0x633: {  	[tilespmem:s12+$0x0] =	vst v8  }
0x634: {  	v8 =	vld [tilespmem:s15+$0xFD0];
	_ =	sdelay $0x4  }
0x635: {  	v8 =	vshll.u32 v8, $0x5  }
0x636: {  	v8 =	vand.u32 $0x60, v8  }
0x637: {  	s22 =	simm.s32 $0x0;
	v8 =	vor.u32 v5, v8  }
0x638: {  	v9 =	vor.u32 s22, v8;
	_ =	sdelay $0x4  }
0x639: {  	s22 =	simm.s32 $0x1;
	v9 =	vld.idx.msk [tilespmem:v9+s20+$0x0], $0xffff  }
0x63a: {  	v10 =	vor.u32 s22, v8;
	_ =	sdelay $0x3  }
0x63b: {  	[tilespmem:s4+$0x0] =	vst v9  }
0x63c: {  	s22 =	simm.s32 $0x2;
	v9 =	vld.idx.msk [tilespmem:v10+s20+$0x0], $0xffff  }
0x63d: {  	s12 =	simm.s32 $0x3;
	v10 =	vor.u32 s22, v8;
	s22 =	smov.u32 s4  }
.LBB2_131:
0x63e: {  	p0 =	sne.s32 s12, $0x1F;
	_ =	sdelay $0x1  }
.Ltmp64:
0x63f: {  	s22 =	sadd.s32 $0x80, s22;
	(pc) =	sbr.rel @p0 .LBB2_131-.Ltmp64, $3  }
0x640: {  	[tilespmem:s22+$0x0] =	vst v9  }
0x641: {  	v9 =	vld.idx.msk [tilespmem:v10+s20+$0x0], $0xffff;
	_ =	sdelay $0x1  }
0x642: {  	v10 =	vor.u32 s12, v8;
	s12 =	sadd.s32 $0x1, s12  }
0x643: {  	_ =	sdelay $0x1  }
0x644: {  	s12 =	sadd.s32 $0x80, s22  }
0x645: {  	[tilespmem:s12+$0x0] =	vst v9  }
0x646: {  	v8 =	vld.idx.msk [tilespmem:v10+s20+$0x0], $0xffff;
	_ =	sdelay $0x3  }
0x647: {  	s12 =	sadd.s32 $0x80, s12  }
0x648: {  	[tilespmem:s12+$0x0] =	vst v8  }
0x649: {  	v8 =	vld [tilespmem:s15+$0xFE0];
	_ =	sdelay $0x4  }
0x64a: {  	v8 =	vshll.u32 v8, $0x5  }
0x64b: {  	v8 =	vand.u32 $0x60, v8  }
0x64c: {  	s22 =	simm.s32 $0x0;
	v8 =	vor.u32 v6, v8  }
0x64d: {  	v9 =	vor.u32 s22, v8;
	_ =	sdelay $0x4  }
0x64e: {  	s22 =	simm.s32 $0x1;
	v9 =	vld.idx.msk [tilespmem:v9+s20+$0x0], $0xffff  }
0x64f: {  	v10 =	vor.u32 s22, v8;
	_ =	sdelay $0x3  }
0x650: {  	[tilespmem:s5+$0x0] =	vst v9  }
0x651: {  	s22 =	simm.s32 $0x2;
	v9 =	vld.idx.msk [tilespmem:v10+s20+$0x0], $0xffff  }
0x652: {  	s12 =	simm.s32 $0x3;
	v10 =	vor.u32 s22, v8;
	s22 =	smov.u32 s5  }
.LBB2_133:
0x653: {  	p0 =	sne.s32 s12, $0x1F;
	_ =	sdelay $0x1  }
.Ltmp65:
0x654: {  	s22 =	sadd.s32 $0x80, s22;
	(pc) =	sbr.rel @p0 .LBB2_133-.Ltmp65, $3  }
0x655: {  	[tilespmem:s22+$0x0] =	vst v9  }
0x656: {  	v9 =	vld.idx.msk [tilespmem:v10+s20+$0x0], $0xffff;
	_ =	sdelay $0x1  }
0x657: {  	v10 =	vor.u32 s12, v8;
	s12 =	sadd.s32 $0x1, s12  }
0x658: {  	_ =	sdelay $0x1  }
0x659: {  	s12 =	sadd.s32 $0x80, s22  }
0x65a: {  	[tilespmem:s12+$0x0] =	vst v9  }
0x65b: {  	v8 =	vld.idx.msk [tilespmem:v10+s20+$0x0], $0xffff;
	_ =	sdelay $0x3  }
0x65c: {  	s12 =	sadd.s32 $0x80, s12  }
0x65d: {  	[tilespmem:s12+$0x0] =	vst v8  }
0x65e: {  	v8 =	vld [tilespmem:s15+$0xFF0];
	_ =	sdelay $0x4  }
0x65f: {  	v8 =	vshll.u32 v8, $0x5  }
0x660: {  	v8 =	vand.u32 $0x60, v8  }
0x661: {  	s22 =	simm.s32 $0x0;
	v8 =	vor.u32 v7, v8  }
0x662: {  	v9 =	vor.u32 s22, v8;
	_ =	sdelay $0x4  }
0x663: {  	s15 =	simm.s32 $0x1;
	v9 =	vld.idx.msk [tilespmem:v9+s20+$0x0], $0xffff  }
0x664: {  	v10 =	vor.u32 s15, v8;
	_ =	sdelay $0x3  }
0x665: {  	[tilespmem:s30+$0x0] =	vst v9  }
0x666: {  	s22 =	simm.s32 $0x2;
	v9 =	vld.idx.msk [tilespmem:v10+s20+$0x0], $0xffff  }
0x667: {  	s12 =	simm.s32 $0x3;
	s15 =	smov.u32 s30;
	v10 =	vor.u32 s22, v8  }
.LBB2_135:
0x668: {  	p0 =	sne.s32 s12, $0x1F;
	_ =	sdelay $0x1  }
.Ltmp66:
0x669: {  	s15 =	sadd.s32 $0x80, s15;
	(pc) =	sbr.rel @p0 .LBB2_135-.Ltmp66, $3  }
0x66a: {  	[tilespmem:s15+$0x0] =	vst v9  }
0x66b: {  	v9 =	vld.idx.msk [tilespmem:v10+s20+$0x0], $0xffff;
	_ =	sdelay $0x1  }
0x66c: {  	v10 =	vor.u32 s12, v8;
	s12 =	sadd.s32 $0x1, s12  }
0x66d: {  	_ =	sdelay $0x1  }
0x66e: {  	s12 =	sadd.s32 $0x80, s15  }
0x66f: {  	s31 =	sadd.s32 $0x1, s31;
	s28 =	sadd.s32 $0x2000, s28;
	[tilespmem:s12+$0x0] =	vst v9  }
0x670: {  	s29 =	sadd.s32 $0x2000, s29;
	s0 =	sadd.s32 $0x2000, s0;
	p0 =	sne.s32 s31, $0x5;
	v8 =	vld.idx.msk [tilespmem:v10+s20+$0x0], $0xffff  }
.Ltmp67:
0x671: {  	s1 =	sadd.s32 $0x2000, s1;
	s14 =	sadd.s32 $0x2000, s14;
	(pc) =	sbr.rel @p0 .LBB2_104-.Ltmp67, $4  }
0x672: {  	s23 =	sadd.s32 $0x2000, s23;
	s2 =	sadd.s32 $0x2000, s2;
	s6 =	sadd.s32 $0x2000, s6  }
0x673: {  	s7 =	sadd.s32 $0x2000, s7;
	s8 =	sadd.s32 $0x2000, s8;
	s9 =	sadd.s32 $0x2000, s9  }
0x674: {  	s10 =	sadd.s32 $0x2000, s10;
	s11 =	sadd.s32 $0x2000, s11;
	s12 =	sadd.s32 $0x80, s12  }
0x675: {  	s4 =	sadd.s32 $0x2000, s4;
	s5 =	sadd.s32 $0x2000, s5;
	s30 =	sadd.s32 $0x2000, s30;
	[tilespmem:s12+$0x0] =	vst v8  }
0x676: {  	s0 =	rddreg [dreg:$0x9];
	s1 =	simm.s32 $0x400;
	s2 =	simm.s32 $0xBC00  }
0x677: {  	s26 =	simm.s32 $0x0;
	s28 =	simm.s32 $0x1C00;
	s29 =	simm.s32 $0x1C10  }
0x678: {  	s30 =	simm.s32 $0x1C20;
	s31 =	simm.s32 $0x1C30;
	s14 =	simm.s32 $0x1C60  }
0x679: {  	s23 =	simm.s32 $0x1C70;
	s6 =	simm.s32 $0x2C10;
	s7 =	simm.s32 $0x2C20  }
0x67a: {  	s8 =	simm.s32 $0x2C30;
	s9 =	simm.s32 $0x2C40;
	s10 =	simm.s32 $0x2C50  }
0x67b: {  	[hbm4b:s0+s1] =	stream.strided.scatter [tilespmem:s2], [sflag:$0x2], $0xA000, s13, s1, $0x38;
	[tilespmem:$0x1DD00] =	vst v63  }
0x67c: {  	s11 =	simm.s32 $0x2C60;
	s4 =	simm.s32 $0x2C70;
	_ =	swait.ge [sflag:s24], $0xA000  }
0x67d: {  	s5 =	simm.s32 $0x0;
	s0 =	simm.s32 $0x1C40;
	[sflag:s24] =	ssyncset.done $0x0  }
0x67e: {  	s1 =	simm.s32 $0x1C50;
	s2 =	simm.s32 $0x2C00;
	[sflag:s24] =	ssyncadd.s32 $0xFFFF6000  }
.LBB2_138:
0x67f: {  	s12 =	sshll.u32 s5, $0x8  }
0x680: {  	s15 =	sand.u32 $0x3FFFFF00, s12  }
0x681: {  	v8 =	vld [tilespmem:s15+$0x1480];
	_ =	sdelay $0x4  }
0x682: {  	v8 =	vshrl.u32 v8, $0x2  }
0x683: {  	[tilespmem:$0x1DC80] =	vst v8  }
0x684: {  	v8 =	vld [tilespmem:s15+$0x1490];
	_ =	sdelay $0x4  }
0x685: {  	v8 =	vshrl.u32 v8, $0x2  }
0x686: {  	[tilespmem:$0x1DC90] =	vst v8  }
0x687: {  	v8 =	vld [tilespmem:s15+$0x14A0];
	_ =	sdelay $0x4  }
0x688: {  	v8 =	vshrl.u32 v8, $0x2  }
0x689: {  	[tilespmem:$0x1DCA0] =	vst v8  }
0x68a: {  	v8 =	vld [tilespmem:s15+$0x14B0];
	_ =	sdelay $0x4  }
0x68b: {  	v8 =	vshrl.u32 v8, $0x2  }
0x68c: {  	[tilespmem:$0x1DCB0] =	vst v8  }
0x68d: {  	v8 =	vld [tilespmem:s15+$0x14C0];
	_ =	sdelay $0x4  }
0x68e: {  	v8 =	vshrl.u32 v8, $0x2  }
0x68f: {  	[tilespmem:$0x1DCC0] =	vst v8  }
0x690: {  	v8 =	vld [tilespmem:s15+$0x14D0];
	_ =	sdelay $0x4  }
0x691: {  	v8 =	vshrl.u32 v8, $0x2  }
0x692: {  	[tilespmem:$0x1DCD0] =	vst v8  }
0x693: {  	v8 =	vld [tilespmem:s15+$0x14E0];
	_ =	sdelay $0x4  }
0x694: {  	v8 =	vshrl.u32 v8, $0x2  }
0x695: {  	[tilespmem:$0x1DCE0] =	vst v8  }
0x696: {  	v8 =	vld [tilespmem:s15+$0x14F0];
	_ =	sdelay $0x4  }
0x697: {  	v8 =	vshrl.u32 v8, $0x2  }
0x698: {  	[tilespmem:$0x1DCF0] =	vst v8  }
0x699: {  	[tilespmem:s20], [sflag:$0x1] =	stream.indirect.gather [hbm4b:s3+s16], $0x80, s19, s16, $0xb8;
	[tilespmem:$0x1DD00] =	vst v63  }
0x69a: {  	_ =	swait.ge [sflag:s21], $0x4000  }
0x69b: {  	[sflag:s21] =	ssyncset.done $0x0  }
0x69c: {  	[sflag:s21] =	ssyncadd.s32 $0xFFFFC000  }
0x69d: {  	v8 =	vld [tilespmem:s15+$0x1400];
	_ =	sdelay $0x4  }
0x69e: {  	v8 =	vshll.u32 v8, $0x5  }
0x69f: {  	v8 =	vand.u32 $0x60, v8  }
0x6a0: {  	v8 =	vor.u32 v0, v8  }
0x6a1: {  	v9 =	vor.u32 s26, v8;
	_ =	sdelay $0x4  }
0x6a2: {  	s13 =	simm.s32 $0x1;
	v9 =	vld.idx.msk [tilespmem:v9+s18+$0x0], $0xffff  }
0x6a3: {  	v10 =	vor.u32 s13, v8;
	_ =	sdelay $0x3  }
0x6a4: {  	[tilespmem:s28+$0x0] =	vst v9  }
0x6a5: {  	s22 =	simm.s32 $0x2;
	v9 =	vld.idx.msk [tilespmem:v10+s18+$0x0], $0xffff  }
0x6a6: {  	s12 =	simm.s32 $0x3;
	v10 =	vor.u32 s22, v8;
	s22 =	smov.u32 s28  }
.LBB2_139:
0x6a7: {  	p0 =	sne.s32 s12, $0x1F;
	_ =	sdelay $0x1  }
.Ltmp68:
0x6a8: {  	s22 =	sadd.s32 $0x80, s22;
	(pc) =	sbr.rel @p0 .LBB2_139-.Ltmp68, $3  }
0x6a9: {  	[tilespmem:s22+$0x0] =	vst v9  }
0x6aa: {  	v9 =	vld.idx.msk [tilespmem:v10+s18+$0x0], $0xffff;
	_ =	sdelay $0x1  }
0x6ab: {  	v10 =	vor.u32 s12, v8;
	s12 =	sadd.s32 $0x1, s12  }
0x6ac: {  	_ =	sdelay $0x1  }
0x6ad: {  	s12 =	sadd.s32 $0x80, s22  }
0x6ae: {  	[tilespmem:s12+$0x0] =	vst v9  }
0x6af: {  	v8 =	vld.idx.msk [tilespmem:v10+s18+$0x0], $0xffff;
	_ =	sdelay $0x3  }
0x6b0: {  	s12 =	sadd.s32 $0x80, s12  }
0x6b1: {  	[tilespmem:s12+$0x0] =	vst v8  }
0x6b2: {  	v8 =	vld [tilespmem:s15+$0x1410];
	_ =	sdelay $0x4  }
0x6b3: {  	v8 =	vshll.u32 v8, $0x5  }
0x6b4: {  	v8 =	vand.u32 $0x60, v8  }
0x6b5: {  	s22 =	simm.s32 $0x0;
	v8 =	vor.u32 v1, v8  }
0x6b6: {  	v9 =	vor.u32 s22, v8;
	_ =	sdelay $0x4  }
0x6b7: {  	s13 =	simm.s32 $0x1;
	v9 =	vld.idx.msk [tilespmem:v9+s18+$0x0], $0xffff  }
0x6b8: {  	v10 =	vor.u32 s13, v8;
	_ =	sdelay $0x3  }
0x6b9: {  	[tilespmem:s29+$0x0] =	vst v9  }
0x6ba: {  	s22 =	simm.s32 $0x2;
	v9 =	vld.idx.msk [tilespmem:v10+s18+$0x0], $0xffff  }
0x6bb: {  	s12 =	simm.s32 $0x3;
	v10 =	vor.u32 s22, v8;
	s22 =	smov.u32 s29  }
.LBB2_141:
0x6bc: {  	p0 =	sne.s32 s12, $0x1F;
	_ =	sdelay $0x1  }
.Ltmp69:
0x6bd: {  	s22 =	sadd.s32 $0x80, s22;
	(pc) =	sbr.rel @p0 .LBB2_141-.Ltmp69, $3  }
0x6be: {  	[tilespmem:s22+$0x0] =	vst v9  }
0x6bf: {  	v9 =	vld.idx.msk [tilespmem:v10+s18+$0x0], $0xffff;
	_ =	sdelay $0x1  }
0x6c0: {  	v10 =	vor.u32 s12, v8;
	s12 =	sadd.s32 $0x1, s12  }
0x6c1: {  	_ =	sdelay $0x1  }
0x6c2: {  	s12 =	sadd.s32 $0x80, s22  }
0x6c3: {  	[tilespmem:s12+$0x0] =	vst v9  }
0x6c4: {  	v8 =	vld.idx.msk [tilespmem:v10+s18+$0x0], $0xffff;
	_ =	sdelay $0x3  }
0x6c5: {  	s12 =	sadd.s32 $0x80, s12  }
0x6c6: {  	[tilespmem:s12+$0x0] =	vst v8  }
0x6c7: {  	v8 =	vld [tilespmem:s15+$0x1420];
	_ =	sdelay $0x4  }
0x6c8: {  	v8 =	vshll.u32 v8, $0x5  }
0x6c9: {  	v8 =	vand.u32 $0x60, v8  }
0x6ca: {  	s22 =	simm.s32 $0x0;
	v8 =	vor.u32 v2, v8  }
0x6cb: {  	v9 =	vor.u32 s22, v8;
	_ =	sdelay $0x4  }
0x6cc: {  	s13 =	simm.s32 $0x1;
	v9 =	vld.idx.msk [tilespmem:v9+s18+$0x0], $0xffff  }
0x6cd: {  	v10 =	vor.u32 s13, v8;
	_ =	sdelay $0x3  }
0x6ce: {  	[tilespmem:s30+$0x0] =	vst v9  }
0x6cf: {  	s22 =	simm.s32 $0x2;
	v9 =	vld.idx.msk [tilespmem:v10+s18+$0x0], $0xffff  }
0x6d0: {  	s12 =	simm.s32 $0x3;
	v10 =	vor.u32 s22, v8;
	s22 =	smov.u32 s30  }
.LBB2_143:
0x6d1: {  	p0 =	sne.s32 s12, $0x1F;
	_ =	sdelay $0x1  }
.Ltmp70:
0x6d2: {  	s22 =	sadd.s32 $0x80, s22;
	(pc) =	sbr.rel @p0 .LBB2_143-.Ltmp70, $3  }
0x6d3: {  	[tilespmem:s22+$0x0] =	vst v9  }
0x6d4: {  	v9 =	vld.idx.msk [tilespmem:v10+s18+$0x0], $0xffff;
	_ =	sdelay $0x1  }
0x6d5: {  	v10 =	vor.u32 s12, v8;
	s12 =	sadd.s32 $0x1, s12  }
0x6d6: {  	_ =	sdelay $0x1  }
0x6d7: {  	s12 =	sadd.s32 $0x80, s22  }
0x6d8: {  	[tilespmem:s12+$0x0] =	vst v9  }
0x6d9: {  	v8 =	vld.idx.msk [tilespmem:v10+s18+$0x0], $0xffff;
	_ =	sdelay $0x3  }
0x6da: {  	s12 =	sadd.s32 $0x80, s12  }
0x6db: {  	[tilespmem:s12+$0x0] =	vst v8  }
0x6dc: {  	v8 =	vld [tilespmem:s15+$0x1430];
	_ =	sdelay $0x4  }
0x6dd: {  	v8 =	vshll.u32 v8, $0x5  }
0x6de: {  	v8 =	vand.u32 $0x60, v8  }
0x6df: {  	s22 =	simm.s32 $0x0;
	v8 =	vor.u32 v3, v8  }
0x6e0: {  	v9 =	vor.u32 s22, v8;
	_ =	sdelay $0x4  }
0x6e1: {  	s13 =	simm.s32 $0x1;
	v9 =	vld.idx.msk [tilespmem:v9+s18+$0x0], $0xffff  }
0x6e2: {  	v10 =	vor.u32 s13, v8;
	_ =	sdelay $0x3  }
0x6e3: {  	[tilespmem:s31+$0x0] =	vst v9  }
0x6e4: {  	s22 =	simm.s32 $0x2;
	v9 =	vld.idx.msk [tilespmem:v10+s18+$0x0], $0xffff  }
0x6e5: {  	s12 =	simm.s32 $0x3;
	v10 =	vor.u32 s22, v8;
	s22 =	smov.u32 s31  }
.LBB2_145:
0x6e6: {  	p0 =	sne.s32 s12, $0x1F;
	_ =	sdelay $0x1  }
.Ltmp71:
0x6e7: {  	s22 =	sadd.s32 $0x80, s22;
	(pc) =	sbr.rel @p0 .LBB2_145-.Ltmp71, $3  }
0x6e8: {  	[tilespmem:s22+$0x0] =	vst v9  }
0x6e9: {  	v9 =	vld.idx.msk [tilespmem:v10+s18+$0x0], $0xffff;
	_ =	sdelay $0x1  }
0x6ea: {  	v10 =	vor.u32 s12, v8;
	s12 =	sadd.s32 $0x1, s12  }
0x6eb: {  	_ =	sdelay $0x1  }
0x6ec: {  	s12 =	sadd.s32 $0x80, s22  }
0x6ed: {  	[tilespmem:s12+$0x0] =	vst v9  }
0x6ee: {  	v8 =	vld.idx.msk [tilespmem:v10+s18+$0x0], $0xffff;
	_ =	sdelay $0x3  }
0x6ef: {  	s12 =	sadd.s32 $0x80, s12  }
0x6f0: {  	[tilespmem:s12+$0x0] =	vst v8  }
0x6f1: {  	v8 =	vld [tilespmem:s15+$0x1440];
	_ =	sdelay $0x4  }
0x6f2: {  	v8 =	vshll.u32 v8, $0x5  }
0x6f3: {  	v8 =	vand.u32 $0x60, v8  }
0x6f4: {  	s22 =	simm.s32 $0x0;
	v8 =	vor.u32 v4, v8  }
0x6f5: {  	v9 =	vor.u32 s22, v8;
	_ =	sdelay $0x4  }
0x6f6: {  	s13 =	simm.s32 $0x1;
	v9 =	vld.idx.msk [tilespmem:v9+s18+$0x0], $0xffff  }
0x6f7: {  	v10 =	vor.u32 s13, v8;
	_ =	sdelay $0x3  }
0x6f8: {  	[tilespmem:s0+$0x0] =	vst v9  }
0x6f9: {  	s22 =	simm.s32 $0x2;
	v9 =	vld.idx.msk [tilespmem:v10+s18+$0x0], $0xffff  }
0x6fa: {  	s12 =	simm.s32 $0x3;
	v10 =	vor.u32 s22, v8;
	s22 =	smov.u32 s0  }
.LBB2_147:
0x6fb: {  	p0 =	sne.s32 s12, $0x1F;
	_ =	sdelay $0x1  }
.Ltmp72:
0x6fc: {  	s22 =	sadd.s32 $0x80, s22;
	(pc) =	sbr.rel @p0 .LBB2_147-.Ltmp72, $3  }
0x6fd: {  	[tilespmem:s22+$0x0] =	vst v9  }
0x6fe: {  	v9 =	vld.idx.msk [tilespmem:v10+s18+$0x0], $0xffff;
	_ =	sdelay $0x1  }
0x6ff: {  	v10 =	vor.u32 s12, v8;
	s12 =	sadd.s32 $0x1, s12  }
0x700: {  	_ =	sdelay $0x1  }
0x701: {  	s12 =	sadd.s32 $0x80, s22  }
0x702: {  	[tilespmem:s12+$0x0] =	vst v9  }
0x703: {  	v8 =	vld.idx.msk [tilespmem:v10+s18+$0x0], $0xffff;
	_ =	sdelay $0x3  }
0x704: {  	s12 =	sadd.s32 $0x80, s12  }
0x705: {  	[tilespmem:s12+$0x0] =	vst v8  }
0x706: {  	v8 =	vld [tilespmem:s15+$0x1450];
	_ =	sdelay $0x4  }
0x707: {  	v8 =	vshll.u32 v8, $0x5  }
0x708: {  	v8 =	vand.u32 $0x60, v8  }
0x709: {  	s22 =	simm.s32 $0x0;
	v8 =	vor.u32 v5, v8  }
0x70a: {  	v9 =	vor.u32 s22, v8;
	_ =	sdelay $0x4  }
0x70b: {  	s13 =	simm.s32 $0x1;
	v9 =	vld.idx.msk [tilespmem:v9+s18+$0x0], $0xffff  }
0x70c: {  	v10 =	vor.u32 s13, v8;
	_ =	sdelay $0x3  }
0x70d: {  	[tilespmem:s1+$0x0] =	vst v9  }
0x70e: {  	s22 =	simm.s32 $0x2;
	v9 =	vld.idx.msk [tilespmem:v10+s18+$0x0], $0xffff  }
0x70f: {  	s12 =	simm.s32 $0x3;
	v10 =	vor.u32 s22, v8;
	s22 =	smov.u32 s1  }
.LBB2_149:
0x710: {  	p0 =	sne.s32 s12, $0x1F;
	_ =	sdelay $0x1  }
.Ltmp73:
0x711: {  	s22 =	sadd.s32 $0x80, s22;
	(pc) =	sbr.rel @p0 .LBB2_149-.Ltmp73, $3  }
0x712: {  	[tilespmem:s22+$0x0] =	vst v9  }
0x713: {  	v9 =	vld.idx.msk [tilespmem:v10+s18+$0x0], $0xffff;
	_ =	sdelay $0x1  }
0x714: {  	v10 =	vor.u32 s12, v8;
	s12 =	sadd.s32 $0x1, s12  }
0x715: {  	_ =	sdelay $0x1  }
0x716: {  	s12 =	sadd.s32 $0x80, s22  }
0x717: {  	[tilespmem:s12+$0x0] =	vst v9  }
0x718: {  	v8 =	vld.idx.msk [tilespmem:v10+s18+$0x0], $0xffff;
	_ =	sdelay $0x3  }
0x719: {  	s12 =	sadd.s32 $0x80, s12  }
0x71a: {  	[tilespmem:s12+$0x0] =	vst v8  }
0x71b: {  	v8 =	vld [tilespmem:s15+$0x1460];
	_ =	sdelay $0x4  }
0x71c: {  	v8 =	vshll.u32 v8, $0x5  }
0x71d: {  	v8 =	vand.u32 $0x60, v8  }
0x71e: {  	s22 =	simm.s32 $0x0;
	v8 =	vor.u32 v6, v8  }
0x71f: {  	v9 =	vor.u32 s22, v8;
	_ =	sdelay $0x4  }
0x720: {  	s13 =	simm.s32 $0x1;
	v9 =	vld.idx.msk [tilespmem:v9+s18+$0x0], $0xffff  }
0x721: {  	v10 =	vor.u32 s13, v8;
	_ =	sdelay $0x3  }
0x722: {  	[tilespmem:s14+$0x0] =	vst v9  }
0x723: {  	s22 =	simm.s32 $0x2;
	v9 =	vld.idx.msk [tilespmem:v10+s18+$0x0], $0xffff  }
0x724: {  	s12 =	simm.s32 $0x3;
	v10 =	vor.u32 s22, v8;
	s22 =	smov.u32 s14  }
.LBB2_151:
0x725: {  	p0 =	sne.s32 s12, $0x1F;
	_ =	sdelay $0x1  }
.Ltmp74:
0x726: {  	s22 =	sadd.s32 $0x80, s22;
	(pc) =	sbr.rel @p0 .LBB2_151-.Ltmp74, $3  }
0x727: {  	[tilespmem:s22+$0x0] =	vst v9  }
0x728: {  	v9 =	vld.idx.msk [tilespmem:v10+s18+$0x0], $0xffff;
	_ =	sdelay $0x1  }
0x729: {  	v10 =	vor.u32 s12, v8;
	s12 =	sadd.s32 $0x1, s12  }
0x72a: {  	_ =	sdelay $0x1  }
0x72b: {  	s12 =	sadd.s32 $0x80, s22  }
0x72c: {  	[tilespmem:s12+$0x0] =	vst v9  }
0x72d: {  	v8 =	vld.idx.msk [tilespmem:v10+s18+$0x0], $0xffff;
	_ =	sdelay $0x3  }
0x72e: {  	s12 =	sadd.s32 $0x80, s12  }
0x72f: {  	[tilespmem:s12+$0x0] =	vst v8  }
0x730: {  	v8 =	vld [tilespmem:s15+$0x1470];
	_ =	sdelay $0x4  }
0x731: {  	v8 =	vshll.u32 v8, $0x5  }
0x732: {  	v8 =	vand.u32 $0x60, v8  }
0x733: {  	s22 =	simm.s32 $0x0;
	v8 =	vor.u32 v7, v8  }
0x734: {  	v9 =	vor.u32 s22, v8;
	_ =	sdelay $0x4  }
0x735: {  	s13 =	simm.s32 $0x1;
	v9 =	vld.idx.msk [tilespmem:v9+s18+$0x0], $0xffff  }
0x736: {  	v10 =	vor.u32 s13, v8;
	_ =	sdelay $0x3  }
0x737: {  	[tilespmem:s23+$0x0] =	vst v9  }
0x738: {  	s22 =	simm.s32 $0x2;
	v9 =	vld.idx.msk [tilespmem:v10+s18+$0x0], $0xffff  }
0x739: {  	s12 =	simm.s32 $0x3;
	v10 =	vor.u32 s22, v8;
	s22 =	smov.u32 s23  }
.LBB2_153:
0x73a: {  	p0 =	sne.s32 s12, $0x1F;
	_ =	sdelay $0x1  }
.Ltmp75:
0x73b: {  	s22 =	sadd.s32 $0x80, s22;
	(pc) =	sbr.rel @p0 .LBB2_153-.Ltmp75, $3  }
0x73c: {  	[tilespmem:s22+$0x0] =	vst v9  }
0x73d: {  	v9 =	vld.idx.msk [tilespmem:v10+s18+$0x0], $0xffff;
	_ =	sdelay $0x1  }
0x73e: {  	v10 =	vor.u32 s12, v8;
	s12 =	sadd.s32 $0x1, s12  }
0x73f: {  	_ =	sdelay $0x1  }
0x740: {  	s12 =	sadd.s32 $0x80, s22  }
0x741: {  	[tilespmem:s12+$0x0] =	vst v9  }
0x742: {  	v8 =	vld.idx.msk [tilespmem:v10+s18+$0x0], $0xffff;
	_ =	sdelay $0x3  }
0x743: {  	s12 =	sadd.s32 $0x80, s12  }
0x744: {  	p0 =	seq.s32 s5, $0x4;
	[tilespmem:s12+$0x0] =	vst v8  }
0x745: {  	v8 =	vld @!p0 [tilespmem:s15+$0x1500];
	_ =	sdelay $0x4  }
0x746: {  	v8 =	vshrl.u32 @!p0 v8, $0x2  }
0x747: {  	[tilespmem:$0x1DC00] =	vst @!p0 v8  }
0x748: {  	v8 =	vld @!p0 [tilespmem:s15+$0x1510];
	_ =	sdelay $0x4  }
0x749: {  	v8 =	vshrl.u32 @!p0 v8, $0x2  }
0x74a: {  	[tilespmem:$0x1DC10] =	vst @!p0 v8  }
0x74b: {  	v8 =	vld @!p0 [tilespmem:s15+$0x1520];
	_ =	sdelay $0x4  }
0x74c: {  	v8 =	vshrl.u32 @!p0 v8, $0x2  }
0x74d: {  	[tilespmem:$0x1DC20] =	vst @!p0 v8  }
0x74e: {  	v8 =	vld @!p0 [tilespmem:s15+$0x1530];
	_ =	sdelay $0x4  }
0x74f: {  	v8 =	vshrl.u32 @!p0 v8, $0x2  }
0x750: {  	[tilespmem:$0x1DC30] =	vst @!p0 v8  }
0x751: {  	v8 =	vld @!p0 [tilespmem:s15+$0x1540];
	_ =	sdelay $0x4  }
0x752: {  	v8 =	vshrl.u32 @!p0 v8, $0x2  }
0x753: {  	[tilespmem:$0x1DC40] =	vst @!p0 v8  }
0x754: {  	v8 =	vld @!p0 [tilespmem:s15+$0x1550];
	_ =	sdelay $0x4  }
0x755: {  	v8 =	vshrl.u32 @!p0 v8, $0x2  }
0x756: {  	[tilespmem:$0x1DC50] =	vst @!p0 v8  }
0x757: {  	v8 =	vld @!p0 [tilespmem:s15+$0x1560];
	_ =	sdelay $0x4  }
0x758: {  	v8 =	vshrl.u32 @!p0 v8, $0x2  }
0x759: {  	[tilespmem:$0x1DC60] =	vst @!p0 v8  }
0x75a: {  	v8 =	vld @!p0 [tilespmem:s15+$0x1570];
	_ =	sdelay $0x4  }
0x75b: {  	v8 =	vshrl.u32 @!p0 v8, $0x2  }
0x75c: {  	s22 =	simm.s32 @!p0 $0x1DC00;
	s13 =	simm.s32 @!p0 $0x15C00;
	s12 =	simm.s32 @!p0 $0x80;
	[tilespmem:$0x1DC70] =	vst @!p0 v8  }
0x75d: {  	[tilespmem:s13], [sflag:$0x1] =	stream.indirect.gather @!p0 [hbm4b:s3+s12], $0x80, s22, s12, $0xb8;
	[tilespmem:$0x1DD00] =	vst v63  }
0x75e: {  	_ =	swait.ge [sflag:s21], $0x4000  }
0x75f: {  	[sflag:s21] =	ssyncset.done $0x0  }
0x760: {  	[sflag:s21] =	ssyncadd.s32 $0xFFFFC000  }
0x761: {  	v8 =	vld [tilespmem:s15+$0x1480];
	_ =	sdelay $0x4  }
0x762: {  	v8 =	vshll.u32 v8, $0x5  }
0x763: {  	v8 =	vand.u32 $0x60, v8  }
0x764: {  	s22 =	simm.s32 $0x0;
	v8 =	vor.u32 v0, v8  }
0x765: {  	v9 =	vor.u32 s22, v8;
	_ =	sdelay $0x4  }
0x766: {  	s13 =	simm.s32 $0x1;
	v9 =	vld.idx.msk [tilespmem:v9+s20+$0x0], $0xffff  }
0x767: {  	v10 =	vor.u32 s13, v8;
	_ =	sdelay $0x3  }
0x768: {  	[tilespmem:s2+$0x0] =	vst v9  }
0x769: {  	s22 =	simm.s32 $0x2;
	v9 =	vld.idx.msk [tilespmem:v10+s20+$0x0], $0xffff  }
0x76a: {  	s12 =	simm.s32 $0x3;
	v10 =	vor.u32 s22, v8;
	s22 =	smov.u32 s2  }
.LBB2_155:
0x76b: {  	p0 =	sne.s32 s12, $0x1F;
	_ =	sdelay $0x1  }
.Ltmp76:
0x76c: {  	s22 =	sadd.s32 $0x80, s22;
	(pc) =	sbr.rel @p0 .LBB2_155-.Ltmp76, $3  }
0x76d: {  	[tilespmem:s22+$0x0] =	vst v9  }
0x76e: {  	v9 =	vld.idx.msk [tilespmem:v10+s20+$0x0], $0xffff;
	_ =	sdelay $0x1  }
0x76f: {  	v10 =	vor.u32 s12, v8;
	s12 =	sadd.s32 $0x1, s12  }
0x770: {  	_ =	sdelay $0x1  }
0x771: {  	s12 =	sadd.s32 $0x80, s22  }
0x772: {  	[tilespmem:s12+$0x0] =	vst v9  }
0x773: {  	v8 =	vld.idx.msk [tilespmem:v10+s20+$0x0], $0xffff;
	_ =	sdelay $0x3  }
0x774: {  	s12 =	sadd.s32 $0x80, s12  }
0x775: {  	[tilespmem:s12+$0x0] =	vst v8  }
0x776: {  	v8 =	vld [tilespmem:s15+$0x1490];
	_ =	sdelay $0x4  }
0x777: {  	v8 =	vshll.u32 v8, $0x5  }
0x778: {  	v8 =	vand.u32 $0x60, v8  }
0x779: {  	s22 =	simm.s32 $0x0;
	v8 =	vor.u32 v1, v8  }
0x77a: {  	v9 =	vor.u32 s22, v8;
	_ =	sdelay $0x4  }
0x77b: {  	s13 =	simm.s32 $0x1;
	v9 =	vld.idx.msk [tilespmem:v9+s20+$0x0], $0xffff  }
0x77c: {  	v10 =	vor.u32 s13, v8;
	_ =	sdelay $0x3  }
0x77d: {  	[tilespmem:s6+$0x0] =	vst v9  }
0x77e: {  	s22 =	simm.s32 $0x2;
	v9 =	vld.idx.msk [tilespmem:v10+s20+$0x0], $0xffff  }
0x77f: {  	s12 =	simm.s32 $0x3;
	v10 =	vor.u32 s22, v8;
	s22 =	smov.u32 s6  }
.LBB2_157:
0x780: {  	p0 =	sne.s32 s12, $0x1F;
	_ =	sdelay $0x1  }
.Ltmp77:
0x781: {  	s22 =	sadd.s32 $0x80, s22;
	(pc) =	sbr.rel @p0 .LBB2_157-.Ltmp77, $3  }
0x782: {  	[tilespmem:s22+$0x0] =	vst v9  }
0x783: {  	v9 =	vld.idx.msk [tilespmem:v10+s20+$0x0], $0xffff;
	_ =	sdelay $0x1  }
0x784: {  	v10 =	vor.u32 s12, v8;
	s12 =	sadd.s32 $0x1, s12  }
0x785: {  	_ =	sdelay $0x1  }
0x786: {  	s12 =	sadd.s32 $0x80, s22  }
0x787: {  	[tilespmem:s12+$0x0] =	vst v9  }
0x788: {  	v8 =	vld.idx.msk [tilespmem:v10+s20+$0x0], $0xffff;
	_ =	sdelay $0x3  }
0x789: {  	s12 =	sadd.s32 $0x80, s12  }
0x78a: {  	[tilespmem:s12+$0x0] =	vst v8  }
0x78b: {  	v8 =	vld [tilespmem:s15+$0x14A0];
	_ =	sdelay $0x4  }
0x78c: {  	v8 =	vshll.u32 v8, $0x5  }
0x78d: {  	v8 =	vand.u32 $0x60, v8  }
0x78e: {  	s22 =	simm.s32 $0x0;
	v8 =	vor.u32 v2, v8  }
0x78f: {  	v9 =	vor.u32 s22, v8;
	_ =	sdelay $0x4  }
0x790: {  	s13 =	simm.s32 $0x1;
	v9 =	vld.idx.msk [tilespmem:v9+s20+$0x0], $0xffff  }
0x791: {  	v10 =	vor.u32 s13, v8;
	_ =	sdelay $0x3  }
0x792: {  	[tilespmem:s7+$0x0] =	vst v9  }
0x793: {  	s22 =	simm.s32 $0x2;
	v9 =	vld.idx.msk [tilespmem:v10+s20+$0x0], $0xffff  }
0x794: {  	s12 =	simm.s32 $0x3;
	v10 =	vor.u32 s22, v8;
	s22 =	smov.u32 s7  }
.LBB2_159:
0x795: {  	p0 =	sne.s32 s12, $0x1F;
	_ =	sdelay $0x1  }
.Ltmp78:
0x796: {  	s22 =	sadd.s32 $0x80, s22;
	(pc) =	sbr.rel @p0 .LBB2_159-.Ltmp78, $3  }
0x797: {  	[tilespmem:s22+$0x0] =	vst v9  }
0x798: {  	v9 =	vld.idx.msk [tilespmem:v10+s20+$0x0], $0xffff;
	_ =	sdelay $0x1  }
0x799: {  	v10 =	vor.u32 s12, v8;
	s12 =	sadd.s32 $0x1, s12  }
0x79a: {  	_ =	sdelay $0x1  }
0x79b: {  	s12 =	sadd.s32 $0x80, s22  }
0x79c: {  	[tilespmem:s12+$0x0] =	vst v9  }
0x79d: {  	v8 =	vld.idx.msk [tilespmem:v10+s20+$0x0], $0xffff;
	_ =	sdelay $0x3  }
0x79e: {  	s12 =	sadd.s32 $0x80, s12  }
0x79f: {  	[tilespmem:s12+$0x0] =	vst v8  }
0x7a0: {  	v8 =	vld [tilespmem:s15+$0x14B0];
	_ =	sdelay $0x4  }
0x7a1: {  	v8 =	vshll.u32 v8, $0x5  }
0x7a2: {  	v8 =	vand.u32 $0x60, v8  }
0x7a3: {  	s22 =	simm.s32 $0x0;
	v8 =	vor.u32 v3, v8  }
0x7a4: {  	v9 =	vor.u32 s22, v8;
	_ =	sdelay $0x4  }
0x7a5: {  	s13 =	simm.s32 $0x1;
	v9 =	vld.idx.msk [tilespmem:v9+s20+$0x0], $0xffff  }
0x7a6: {  	v10 =	vor.u32 s13, v8;
	_ =	sdelay $0x3  }
0x7a7: {  	[tilespmem:s8+$0x0] =	vst v9  }
0x7a8: {  	s22 =	simm.s32 $0x2;
	v9 =	vld.idx.msk [tilespmem:v10+s20+$0x0], $0xffff  }
0x7a9: {  	s12 =	simm.s32 $0x3;
	v10 =	vor.u32 s22, v8;
	s22 =	smov.u32 s8  }
.LBB2_161:
0x7aa: {  	p0 =	sne.s32 s12, $0x1F;
	_ =	sdelay $0x1  }
.Ltmp79:
0x7ab: {  	s22 =	sadd.s32 $0x80, s22;
	(pc) =	sbr.rel @p0 .LBB2_161-.Ltmp79, $3  }
0x7ac: {  	[tilespmem:s22+$0x0] =	vst v9  }
0x7ad: {  	v9 =	vld.idx.msk [tilespmem:v10+s20+$0x0], $0xffff;
	_ =	sdelay $0x1  }
0x7ae: {  	v10 =	vor.u32 s12, v8;
	s12 =	sadd.s32 $0x1, s12  }
0x7af: {  	_ =	sdelay $0x1  }
0x7b0: {  	s12 =	sadd.s32 $0x80, s22  }
0x7b1: {  	[tilespmem:s12+$0x0] =	vst v9  }
0x7b2: {  	v8 =	vld.idx.msk [tilespmem:v10+s20+$0x0], $0xffff;
	_ =	sdelay $0x3  }
0x7b3: {  	s12 =	sadd.s32 $0x80, s12  }
0x7b4: {  	[tilespmem:s12+$0x0] =	vst v8  }
0x7b5: {  	v8 =	vld [tilespmem:s15+$0x14C0];
	_ =	sdelay $0x4  }
0x7b6: {  	v8 =	vshll.u32 v8, $0x5  }
0x7b7: {  	v8 =	vand.u32 $0x60, v8  }
0x7b8: {  	s22 =	simm.s32 $0x0;
	v8 =	vor.u32 v4, v8  }
0x7b9: {  	v9 =	vor.u32 s22, v8;
	_ =	sdelay $0x4  }
0x7ba: {  	s13 =	simm.s32 $0x1;
	v9 =	vld.idx.msk [tilespmem:v9+s20+$0x0], $0xffff  }
0x7bb: {  	v10 =	vor.u32 s13, v8;
	_ =	sdelay $0x3  }
0x7bc: {  	[tilespmem:s9+$0x0] =	vst v9  }
0x7bd: {  	s22 =	simm.s32 $0x2;
	v9 =	vld.idx.msk [tilespmem:v10+s20+$0x0], $0xffff  }
0x7be: {  	s12 =	simm.s32 $0x3;
	v10 =	vor.u32 s22, v8;
	s22 =	smov.u32 s9  }
.LBB2_163:
0x7bf: {  	p0 =	sne.s32 s12, $0x1F;
	_ =	sdelay $0x1  }
.Ltmp80:
0x7c0: {  	s22 =	sadd.s32 $0x80, s22;
	(pc) =	sbr.rel @p0 .LBB2_163-.Ltmp80, $3  }
0x7c1: {  	[tilespmem:s22+$0x0] =	vst v9  }
0x7c2: {  	v9 =	vld.idx.msk [tilespmem:v10+s20+$0x0], $0xffff;
	_ =	sdelay $0x1  }
0x7c3: {  	v10 =	vor.u32 s12, v8;
	s12 =	sadd.s32 $0x1, s12  }
0x7c4: {  	_ =	sdelay $0x1  }
0x7c5: {  	s12 =	sadd.s32 $0x80, s22  }
0x7c6: {  	[tilespmem:s12+$0x0] =	vst v9  }
0x7c7: {  	v8 =	vld.idx.msk [tilespmem:v10+s20+$0x0], $0xffff;
	_ =	sdelay $0x3  }
0x7c8: {  	s12 =	sadd.s32 $0x80, s12  }
0x7c9: {  	[tilespmem:s12+$0x0] =	vst v8  }
0x7ca: {  	v8 =	vld [tilespmem:s15+$0x14D0];
	_ =	sdelay $0x4  }
0x7cb: {  	v8 =	vshll.u32 v8, $0x5  }
0x7cc: {  	v8 =	vand.u32 $0x60, v8  }
0x7cd: {  	s22 =	simm.s32 $0x0;
	v8 =	vor.u32 v5, v8  }
0x7ce: {  	v9 =	vor.u32 s22, v8;
	_ =	sdelay $0x4  }
0x7cf: {  	s13 =	simm.s32 $0x1;
	v9 =	vld.idx.msk [tilespmem:v9+s20+$0x0], $0xffff  }
0x7d0: {  	v10 =	vor.u32 s13, v8;
	_ =	sdelay $0x3  }
0x7d1: {  	[tilespmem:s10+$0x0] =	vst v9  }
0x7d2: {  	s22 =	simm.s32 $0x2;
	v9 =	vld.idx.msk [tilespmem:v10+s20+$0x0], $0xffff  }
0x7d3: {  	s12 =	simm.s32 $0x3;
	v10 =	vor.u32 s22, v8;
	s22 =	smov.u32 s10  }
.LBB2_165:
0x7d4: {  	p0 =	sne.s32 s12, $0x1F;
	_ =	sdelay $0x1  }
.Ltmp81:
0x7d5: {  	s22 =	sadd.s32 $0x80, s22;
	(pc) =	sbr.rel @p0 .LBB2_165-.Ltmp81, $3  }
0x7d6: {  	[tilespmem:s22+$0x0] =	vst v9  }
0x7d7: {  	v9 =	vld.idx.msk [tilespmem:v10+s20+$0x0], $0xffff;
	_ =	sdelay $0x1  }
0x7d8: {  	v10 =	vor.u32 s12, v8;
	s12 =	sadd.s32 $0x1, s12  }
0x7d9: {  	_ =	sdelay $0x1  }
0x7da: {  	s12 =	sadd.s32 $0x80, s22  }
0x7db: {  	[tilespmem:s12+$0x0] =	vst v9  }
0x7dc: {  	v8 =	vld.idx.msk [tilespmem:v10+s20+$0x0], $0xffff;
	_ =	sdelay $0x3  }
0x7dd: {  	s12 =	sadd.s32 $0x80, s12  }
0x7de: {  	[tilespmem:s12+$0x0] =	vst v8  }
0x7df: {  	v8 =	vld [tilespmem:s15+$0x14E0];
	_ =	sdelay $0x4  }
0x7e0: {  	v8 =	vshll.u32 v8, $0x5  }
0x7e1: {  	v8 =	vand.u32 $0x60, v8  }
0x7e2: {  	s22 =	simm.s32 $0x0;
	v8 =	vor.u32 v6, v8  }
0x7e3: {  	v9 =	vor.u32 s22, v8;
	_ =	sdelay $0x4  }
0x7e4: {  	s13 =	simm.s32 $0x1;
	v9 =	vld.idx.msk [tilespmem:v9+s20+$0x0], $0xffff  }
0x7e5: {  	v10 =	vor.u32 s13, v8;
	_ =	sdelay $0x3  }
0x7e6: {  	[tilespmem:s11+$0x0] =	vst v9  }
0x7e7: {  	s22 =	simm.s32 $0x2;
	v9 =	vld.idx.msk [tilespmem:v10+s20+$0x0], $0xffff  }
0x7e8: {  	s12 =	simm.s32 $0x3;
	v10 =	vor.u32 s22, v8;
	s22 =	smov.u32 s11  }
.LBB2_167:
0x7e9: {  	p0 =	sne.s32 s12, $0x1F;
	_ =	sdelay $0x1  }
.Ltmp82:
0x7ea: {  	s22 =	sadd.s32 $0x80, s22;
	(pc) =	sbr.rel @p0 .LBB2_167-.Ltmp82, $3  }
0x7eb: {  	[tilespmem:s22+$0x0] =	vst v9  }
0x7ec: {  	v9 =	vld.idx.msk [tilespmem:v10+s20+$0x0], $0xffff;
	_ =	sdelay $0x1  }
0x7ed: {  	v10 =	vor.u32 s12, v8;
	s12 =	sadd.s32 $0x1, s12  }
0x7ee: {  	_ =	sdelay $0x1  }
0x7ef: {  	s12 =	sadd.s32 $0x80, s22  }
0x7f0: {  	[tilespmem:s12+$0x0] =	vst v9  }
0x7f1: {  	v8 =	vld.idx.msk [tilespmem:v10+s20+$0x0], $0xffff;
	_ =	sdelay $0x3  }
0x7f2: {  	s12 =	sadd.s32 $0x80, s12  }
0x7f3: {  	[tilespmem:s12+$0x0] =	vst v8  }
0x7f4: {  	v8 =	vld [tilespmem:s15+$0x14F0];
	_ =	sdelay $0x4  }
0x7f5: {  	v8 =	vshll.u32 v8, $0x5  }
0x7f6: {  	v8 =	vand.u32 $0x60, v8  }
0x7f7: {  	s13 =	simm.s32 $0x0;
	v8 =	vor.u32 v7, v8  }
0x7f8: {  	v9 =	vor.u32 s13, v8;
	_ =	sdelay $0x4  }
0x7f9: {  	s15 =	simm.s32 $0x1;
	v9 =	vld.idx.msk [tilespmem:v9+s20+$0x0], $0xffff  }
0x7fa: {  	v10 =	vor.u32 s15, v8;
	_ =	sdelay $0x3  }
0x7fb: {  	[tilespmem:s4+$0x0] =	vst v9  }
0x7fc: {  	s22 =	simm.s32 $0x2;
	v9 =	vld.idx.msk [tilespmem:v10+s20+$0x0], $0xffff  }
0x7fd: {  	s12 =	simm.s32 $0x3;
	s15 =	smov.u32 s4;
	v10 =	vor.u32 s22, v8  }
.LBB2_169:
0x7fe: {  	p0 =	sne.s32 s12, $0x1F;
	_ =	sdelay $0x1  }
.Ltmp83:
0x7ff: {  	s15 =	sadd.s32 $0x80, s15;
	(pc) =	sbr.rel @p0 .LBB2_169-.Ltmp83, $3  }
0x800: {  	[tilespmem:s15+$0x0] =	vst v9  }
0x801: {  	v9 =	vld.idx.msk [tilespmem:v10+s20+$0x0], $0xffff;
	_ =	sdelay $0x1  }
0x802: {  	v10 =	vor.u32 s12, v8;
	s12 =	sadd.s32 $0x1, s12  }
0x803: {  	_ =	sdelay $0x1  }
0x804: {  	s12 =	sadd.s32 $0x80, s15  }
0x805: {  	s5 =	sadd.s32 $0x1, s5;
	s28 =	sadd.s32 $0x2000, s28;
	[tilespmem:s12+$0x0] =	vst v9  }
0x806: {  	s29 =	sadd.s32 $0x2000, s29;
	s30 =	sadd.s32 $0x2000, s30;
	p0 =	sne.s32 s5, $0x5;
	v8 =	vld.idx.msk [tilespmem:v10+s20+$0x0], $0xffff  }
.Ltmp84:
0x807: {  	s31 =	sadd.s32 $0x2000, s31;
	s0 =	sadd.s32 $0x2000, s0;
	(pc) =	sbr.rel @p0 .LBB2_138-.Ltmp84, $4  }
0x808: {  	s1 =	sadd.s32 $0x2000, s1;
	s14 =	sadd.s32 $0x2000, s14;
	s23 =	sadd.s32 $0x2000, s23  }
0x809: {  	s2 =	sadd.s32 $0x2000, s2;
	s6 =	sadd.s32 $0x2000, s6;
	s7 =	sadd.s32 $0x2000, s7  }
0x80a: {  	s8 =	sadd.s32 $0x2000, s8;
	s9 =	sadd.s32 $0x2000, s9;
	s12 =	sadd.s32 $0x80, s12  }
0x80b: {  	s10 =	sadd.s32 $0x2000, s10;
	s11 =	sadd.s32 $0x2000, s11;
	s4 =	sadd.s32 $0x2000, s4;
	[tilespmem:s12+$0x0] =	vst v8  }
0x80c: {  	s0 =	rddreg [dreg:$0xa]  }
0x80d: {  	s2 =	simm.s32 $0x400;
	s4 =	simm.s32 $0x8000;
	s1 =	simm.s32 $0x1C00  }
0x80e: {  	[hbm4b:s0+s2] =	stream.strided.scatter [tilespmem:s1], [sflag:$0x2], $0xA000, s4, s2, $0x38;
	[tilespmem:$0x1DD00] =	vst v63  }
0x80f: {  	_ =	swait.ge [sflag:s24], $0xA000  }
0x810: {  	[sflag:s24] =	ssyncset.done $0x0  }
0x811: {  	[sflag:s24] =	ssyncadd.s32 $0xFFFF6000  }
0x812: {  	_ =	swait.ge [sflag:s24], $0xA000  }
0x813: {  	s25 =	sadd.s32 $0x1, s25;
	s31 =	rddreg [dreg:$0xb]  }
0x814: {  	p0 =	sne.s32 s25, s31  }
.Ltmp85:
0x815: {  	_ = 	snop;
	(pc) =	sbr.rel @p0 .LBB2_1-.Ltmp85, $3  }
0x816: {  	_ =	sdelay $0x1  }
0x817: {  	[sflag:s24] =	ssyncset.done $0x0  }
0x818: {  	[sflag:s24] =	ssyncadd.s32 $0xFFFF6000  }
0x819: {  	_ =	sfence.sel $0x180000  }
0x81a: {  	[bflag:$0x0] =	sbarrier.arrive $0xFFFF  }
0x81b: {  	_ =	strace $0x90000047  }
0x81c: {  	s0 =	stileid.u32;
	[bflag:$0x2] =	sbarrier.arrive $0xFFFF  }
0x81d: {  	p0 =	sne.s32 s0, $0x0;
	s0 =	rddreg [dreg:$0x3]  }
0x81e: {  	s0 =	sadd.s32 @!p0 $0x100000, s0  }
0x81f: {  	[sflag:s0] =	ssyncadd.tile.s32 @!p0 $0x1;
	_ =	shalt  }
.Lfunc_end2:
_tile_overlayer_lowered:
.L_overlay_start_2:
0x820: {  	(tag) =	ssettag $0x2  }
0x821: {  	s0 =	rddreg [dreg:$0x0];
	s2 =	stileid.u32  }
0x822: {  	s1 =	rddreg [dreg:$0x1];
	p0 =	sne.s32 s2, $0x0  }
0x823: {  	s3 =	rddreg [dreg:$0x2];
	[bflag:$0x3] =	sbarrier.arrive $0xFFFF;
	s2 =	simm.s32 @!p0 $0x1C03  }
0x824: {  	[timem:s3], [sflag:s2] =	dma.local @!p0 [hbm:s0], s1  }
0x825: {  	s0 =	simm.s32 @!p0 $0x3  }
0x826: {  	_ =	swait.ge @!p0 [sflag:s0], s1  }
0x827: {  	s1 =	ssub.s32 @!p0 $0x0, s1;
	[sflag:s0] =	ssyncset.done @!p0 $0x0  }
0x828: {  	[sflag:s0] =	ssyncadd.s32 @!p0 s1  }
0x829: {  	[bflag:$0x3] =	sbarrier.arrive $0xFFFF  }
0x82a: {  	_ =	shalt  }

</sc_bundles>
